<compile_context>
chip_gen: v7x
topology: tpu7x:2x2x1
jax: 0.10.2.dev20260603
libtpu: 0.0.44.dev20260713+nightly
codegen_flags: <defaults>
</compile_context>

<pallas_src>
import functools

import jax
import jax.numpy as jnp
import numpy as np
from jax import lax
from jax.experimental import pallas as pl
from jax.experimental.pallas import tpu as pltpu
from jax.experimental.pallas import tpu_sc as plsc

OUT_HW = 7
SR = 2
S = OUT_HW * SR
SCALE = 0.25
NB, C, H, W = 2, 256, 100, 100
R = 1000
BINS = OUT_HW * OUT_HW
K = 16
J = R * BINS
NW = 32
RPAD = 1024
RPW = RPAD // NW
CB = OUT_HW
CPW = RPW * OUT_HW
NPAIR = CPW // 2
JPAD = RPAD * BINS
CG = C // 32
TR = 8


def _selection_mats():
    my = np.zeros((2 * S, BINS * K), np.float32)
    mx = np.zeros((2 * S, BINS * K), np.float32)
    for p in range(OUT_HW):
        for q in range(OUT_HW):
            for i in range(SR):
                for jj in range(SR):
                    for cy in range(2):
                        for cx in range(2):
                            col = (p * OUT_HW + q) * K + (i * SR + jj) * 4 + cy * 2 + cx
                            my[cy * S + (SR * p + i), col] = 1.0
                            mx[cx * S + (SR * q + jj), col] = 1.0
    return my, mx


_MY, _MX = _selection_mats()


def _coef_body(rois_ref, my_ref, mx_ref, w_ref, idx_ref):
    r = rois_ref[:]
    b = r[:, 0:1]
    x1 = r[:, 1:2] * SCALE
    y1 = r[:, 2:3] * SCALE
    x2 = r[:, 3:4] * SCALE
    y2 = r[:, 4:5] * SCALE
    bin_w = jnp.maximum(x2 - x1, 1.0) / OUT_HW
    bin_h = jnp.maximum(y2 - y1, 1.0) / OUT_HW
    s = lax.broadcasted_iota(jnp.int32, (1, S), 1).astype(jnp.float32)
    p_ = jnp.floor(s * 0.5)
    off = p_ + ((s - 2.0 * p_) + 0.5) * 0.5
    gx = x1 + off * bin_w
    gy = y1 + off * bin_h

    def axis(coord, size):
        v = ((coord >= -1.0) & (coord <= float(size))).astype(jnp.float32)
        c = jnp.clip(coord, 0.0, float(size - 1))
        lo = jnp.minimum(jnp.floor(c), float(size - 2))
        f = c - lo
        return (jnp.concatenate([(1.0 - f) * v, f * v], axis=1),
                jnp.concatenate([lo, lo + 1.0], axis=1))

    wyc, iyc = axis(gy, H)
    wxc, ixc = axis(gx, W)
    my = my_ref[:]
    mx = mx_ref[:]
    wy_sel = jnp.dot(wyc, my, preferred_element_type=jnp.float32)
    wx_sel = jnp.dot(wxc, mx, preferred_element_type=jnp.float32)
    iy_sel = jnp.dot(iyc, my, preferred_element_type=jnp.float32)
    ix_sel = jnp.dot(ixc, mx, preferred_element_type=jnp.float32)
    w_ref[:] = 0.25 * wy_sel * wx_sel
    idx_ref[:] = (b * float(H * W) + iy_sel * float(W) + ix_sel).astype(jnp.int32)


def _coefs(rois, my, mx):
    return pl.pallas_call(
        _coef_body,
        out_shape=[jax.ShapeDtypeStruct((RPAD, BINS * K), jnp.float32),
                   jax.ShapeDtypeStruct((RPAD, BINS * K), jnp.int32)],
    )(rois, my, mx)


def _sc_gather(table, idxs, ws):
    mesh = plsc.VectorSubcoreMesh(core_axis_name="c", subcore_axis_name="s")

    @functools.partial(
        pl.kernel,
        out_type=jax.ShapeDtypeStruct((JPAD * C,), jnp.float32),
        mesh=mesh,
        compiler_params=pltpu.CompilerParams(needs_layout_passes=False),
        scratch_types=[
            pltpu.VMEM((CPW * CB * K,), jnp.int32),
            pltpu.VMEM((RPW, BINS * K), jnp.float32),
            pltpu.VMEM((CB * K, C // 2), jnp.int32),
            pltpu.VMEM((CB * K, C // 2), jnp.int32),
            pltpu.VMEM((CB * C,), jnp.float32),
            pltpu.VMEM((CB * C,), jnp.float32),
            pltpu.SemaphoreType.DMA,
            pltpu.SemaphoreType.DMA,
            pltpu.SemaphoreType.DMA,
            pltpu.SemaphoreType.DMA,
        ],
    )
    def k(table_hbm, idx_hbm, w_hbm, out_hbm, idx_v, w_v,
          rows0, rows1, out0, out1, sg0, sg1, sw0, sw1):
        wid = lax.axis_index("s") * 2 + lax.axis_index("c")
        tile0 = wid * RPW * BINS
        pltpu.sync_copy(idx_hbm.at[pl.ds(wid * CPW * CB * K, CPW * CB * K)],
                        idx_v)
        pltpu.sync_copy(w_hbm.at[pl.ds(wid * RPW, RPW)], w_v)
        pltpu.async_copy(table_hbm.at[idx_v.at[pl.ds(0, CB * K)]], rows0, sg0)

        def start_gather(g, rows_v, sg):
            pltpu.async_copy(
                table_hbm.at[idx_v.at[pl.ds(g * (CB * K), CB * K)]],
                rows_v, sg)

        def compute(g, rows_v, out_v, sw):
            rr = g // OUT_HW
            wbase = (g % OUT_HW) * (CB * K)

            def bin_body(bb, c2):
                base = bb * K
                acc = [jnp.zeros((16,), jnp.float32) for _ in range(2 * CG)]
                for kk in range(K):
                    wspl = plsc.load_gather(
                        w_v, [jnp.full((16,), rr, jnp.int32),
                              jnp.full((16,), wbase + base + kk, jnp.int32)])
                    for cc in range(CG):
                        ev, od = plsc.unpack(
                            plsc.bitcast(rows_v[base + kk, pl.ds(cc * 16, 16)],
                                         jnp.bfloat16),
                            format=plsc.PackFormat.INTERLEAVED)
                        acc[2 * cc] = acc[2 * cc] + wspl * ev
                        acc[2 * cc + 1] = acc[2 * cc + 1] + wspl * od
                obase = bb * C
                for cc in range(CG):
                    out_v[pl.ds(obase + cc * 16, 16)] = acc[2 * cc]
                    out_v[pl.ds(obase + C // 2 + cc * 16, 16)] = acc[2 * cc + 1]
                return c2

            lax.fori_loop(0, CB, bin_body, 0)
            bin0 = tile0 + g * CB
            pltpu.async_copy(out_v, out_hbm.at[pl.ds(bin0 * C, CB * C)], sw)

        def pair_body(t, carry):
            g0 = t * 2
            start_gather(g0 + 1, rows1, sg1)
            pltpu.make_async_copy(table_hbm.at[idx_v.at[pl.ds(0, CB * K)]],
                                  rows0, sg0).wait()

            @pl.when(t > 0)
            def _():
                pltpu.make_async_copy(out0, out_hbm.at[pl.ds(0, CB * C)],
                                      sw0).wait()

            compute(g0, rows0, out0, sw0)

            @pl.when(t < NPAIR - 1)
            def _():
                start_gather(g0 + 2, rows0, sg0)

            pltpu.make_async_copy(table_hbm.at[idx_v.at[pl.ds(0, CB * K)]],
                                  rows1, sg1).wait()

            @pl.when(t > 0)
            def _():
                pltpu.make_async_copy(out1, out_hbm.at[pl.ds(0, CB * C)],
                                      sw1).wait()

            compute(g0 + 1, rows1, out1, sw1)
            return carry

        lax.fori_loop(0, NPAIR, pair_body, 0)
        pltpu.make_async_copy(out0, out_hbm.at[pl.ds(0, CB * C)], sw0).wait()
        pltpu.make_async_copy(out1, out_hbm.at[pl.ds(0, CB * C)], sw1).wait()

    return k(table, idxs, ws)


def _xpose_body(in_ref, out_ref):
    x = in_ref[:].reshape(TR, BINS, C)
    out_ref[:] = jnp.transpose(x, (0, 2, 1))


def _xpose(rows):
    return pl.pallas_call(
        _xpose_body,
        grid=(R // TR,),
        in_specs=[pl.BlockSpec((TR * BINS, C), lambda i: (i, 0))],
        out_specs=pl.BlockSpec((TR, C, BINS), lambda i: (i, 0, 0)),
        out_shape=jax.ShapeDtypeStruct((R, C, BINS), jnp.float32),
    )(rows)


def kernel(_input, rois):
    f = jnp.transpose(_input, (0, 2, 3, 1)).reshape(NB * H * W, C)
    f_bf = f.astype(jnp.bfloat16)
    lo = lax.bitcast_convert_type(f_bf[:, :C // 2], jnp.uint16).astype(jnp.uint32)
    hi = lax.bitcast_convert_type(f_bf[:, C // 2:], jnp.uint16).astype(jnp.uint32)
    f = lax.bitcast_convert_type(lo | (hi << 16), jnp.int32)
    rois_p = jnp.pad(rois, ((0, RPAD - R), (0, 0)))
    w2, idx2 = _coefs(rois_p, jnp.asarray(_MY), jnp.asarray(_MX))
    out_rows = _sc_gather(f, idx2.reshape(RPAD * BINS * K), w2)
    out = _xpose(out_rows.reshape(JPAD, C))
    return out.reshape(R, C, OUT_HW, OUT_HW)

# --- scband reference (transcript-rebuilt; emitter-appended) ---
"""Pipeline reference for scband-roialign-27462020890714 (READ-ONLY COPY).

The authoritative reference and input builder live on the scoring server;
editing this copy changes nothing except your own understanding.
"""

import jax, jax.numpy as jnp
import numpy as np

OUTPUT_SIZE = 7
SPATIAL_SCALE = 0.25
SAMPLING_RATIO = 2
N, C, H, W = 2, 256, 100, 100
R = 1000


def setup_inputs(seed: int = 0) -> dict:
    key = jax.random.key(seed)
    k1, k2, k3, k4, k5 = jax.random.split(key, 5)
    features = jax.random.normal(k1, (N, C, H, W), dtype=jnp.float32)
    img = H / SPATIAL_SCALE  # 400.0 image-space extent
    cx = jax.random.uniform(k2, (R,), dtype=jnp.float32) * img
    cy = jax.random.uniform(k3, (R,), dtype=jnp.float32) * img
    bw = jax.random.uniform(k4, (R,), dtype=jnp.float32) * 120.0 + 16.0
    bh = jax.random.uniform(k5, (R,), dtype=jnp.float32) * 120.0 + 16.0
    x1 = jnp.clip(cx - bw / 2, 0.0, img - 1.0)
    x2 = jnp.clip(cx + bw / 2, 1.0, img)
    y1 = jnp.clip(cy - bh / 2, 0.0, img - 1.0)
    y2 = jnp.clip(cy + bh / 2, 1.0, img)
    b = (jnp.arange(R) % N).astype(jnp.float32)
    rois = jnp.stack([b, x1, y1, x2, y2], axis=1)
    return {"_input": features, "rois": rois}


def _roi_align(features, rois, spatial_scale, pooled, sr):
    Nn, Cc, Hh, Ww = features.shape
    Rr = rois.shape[0]
    b = rois[:, 0].astype(jnp.int32)
    x1 = rois[:, 1] * spatial_scale
    y1 = rois[:, 2] * spatial_scale
    x2 = rois[:, 3] * spatial_scale
    y2 = rois[:, 4] * spatial_scale
    roi_w = jnp.maximum(x2 - x1, 1.0)
    roi_h = jnp.maximum(y2 - y1, 1.0)
    bin_w = roi_w / pooled
    bin_h = roi_h / pooled
    S = pooled * sr
    p = (jnp.arange(S) // sr).astype(jnp.float32)
    i = (jnp.arange(S) % sr).astype(jnp.float32)
    off = p + (i + 0.5) / sr  # [S]
    gx = x1[:, None] + off[None, :] * bin_w[:, None]  # [R, S]
    gy = y1[:, None] + off[None, :] * bin_h[:, None]  # [R, S]

    def interp_axis(coord, size):
        valid = (coord >= -1.0) & (coord <= float(size))
        c = jnp.clip(coord, 0.0, float(size - 1))
        lo_f = jnp.floor(c)
        lo = lo_f.astype(jnp.int32)
        hi = jnp.clip(lo + 1, 0, size - 1)
        frac = c - lo_f
        return lo, hi, frac, valid

    yl, yh, ly, vy = interp_axis(gy, Hh)
    xl, xh, lx, vx = interp_axis(gx, Ww)
    hy = 1.0 - ly
    hx = 1.0 - lx
    bb = b[:, None, None]
    f = jnp.transpose(features, (0, 2, 3, 1))  # [N, H, W, C]

    def g(yi, xi):
        yi = jnp.broadcast_to(yi, (Rr, S, S))
        xi = jnp.broadcast_to(xi, (Rr, S, S))
        return f[bb, yi, xi]  # [R, S, S, C]

    YL, YH = yl[:, :, None], yh[:, :, None]
    LY, HY = ly[:, :, None], hy[:, :, None]
    XL, XH = xl[:, None, :], xh[:, None, :]
    LX, HX = lx[:, None, :], hx[:, None, :]
    val = ((HY * HX)[..., None] * g(YL, XL)
           + (HY * LX)[..., None] * g(YL, XH)
           + (LY * HX)[..., None] * g(YH, XL)
           + (LY * LX)[..., None] * g(YH, XH))
    mask = (vy[:, :, None] & vx[:, None, :])[..., None]
    val = jnp.where(mask, val, 0.0)
    val = val.reshape(Rr, pooled, sr, pooled, sr, Cc).mean(axis=(2, 4))
    return jnp.transpose(val, (0, 3, 1, 2))  # [R, C, pooled, pooled]


def reference(_input, rois):
    return _roi_align(_input, rois, SPATIAL_SCALE, OUTPUT_SIZE, SAMPLING_RATIO)

if __name__ == "__main__":
    import jax
    _d = setup_inputs()
    print(jax.jit(kernel)(*tuple(_d.values())))

</pallas_src>

<mosaic_0001>
#map = affine_map<(d0, d1) -> (0, 0)>
#map1 = affine_map<(d0, d1) -> (0)>
module attributes {stable_mosaic.version = 14 : i64} {
  func.func @k(%arg0: i32, %arg1: i32, %arg2: memref<20000x128xi32, #tpu.memory_space<hbm>>, %arg3: memref<802816xi32, #tpu.memory_space<hbm>>, %arg4: memref<1024x784xf32, #tpu.memory_space<hbm>>, %arg5: memref<12845056xf32, #tpu.memory_space<hbm>>, %arg6: memref<25088xi32, #tpu.memory_space<vmem>>, %arg7: memref<32x784xf32, #tpu.memory_space<vmem>>, %arg8: memref<112x128xi32, #tpu.memory_space<vmem>>, %arg9: memref<112x128xi32, #tpu.memory_space<vmem>>, %arg10: memref<1792xf32, #tpu.memory_space<vmem>>, %arg11: memref<1792xf32, #tpu.memory_space<vmem>>, %arg12: memref<!tpu.dma_semaphore, #tpu.memory_space<semaphore_mem>>, %arg13: memref<!tpu.dma_semaphore, #tpu.memory_space<semaphore_mem>>, %arg14: memref<!tpu.dma_semaphore, #tpu.memory_space<semaphore_mem>>, %arg15: memref<!tpu.dma_semaphore, #tpu.memory_space<semaphore_mem>>) attributes {dimension_semantics = [#tpu.dimension_semantics<core_parallel>, #tpu.dimension_semantics<subcore_parallel>], iteration_bounds = array<i64: 2, 16>, scalar_prefetch = 0 : i64, scratch_operands = 10 : i64, tpu.core_type = #tpu.core_type<sc_vector_subcore>, window_params = [{transform_indices = #map}, {transform_indices = #map1}, {transform_indices = #map}, {transform_indices = #map1}]} {
    %mul3A = arith.constant 2 : i32
    %mul3A_0 = arith.muli %arg1, %mul3A : i32
    %add3A = arith.addi %mul3A_0, %arg0 : i32
    %mul3A_1 = arith.constant 32 : i32
    %mul3A_2 = arith.muli %add3A, %mul3A_1 : i32
    %mul3A_3 = arith.constant 49 : i32
    %mul3A_4 = arith.muli %mul3A_2, %mul3A_3 : i32
    %mul3A_5 = arith.constant 224 : i32
    %mul3A_6 = arith.muli %add3A, %mul3A_5 : i32
    %mul3A_7 = arith.constant 7 : i32
    %mul3A_8 = arith.muli %mul3A_6, %mul3A_7 : i32
    %mul3A_9 = arith.constant 16 : i32
    %mul3A_10 = arith.muli %mul3A_8, %mul3A_9 : i32
    "tpu.region"() ({
      %run_scoped3A = tpu.sem_alloc : memref<!tpu.dma_semaphore, #tpu.memory_space<semaphore_mem>>
      %dma_start3A_29 = tpu.memref_slice %arg3[%mul3A_10] : memref<802816xi32, #tpu.memory_space<hbm>> -> memref<25088xi32, #tpu.memory_space<hbm>>
      %dma_start3A_30 = tpu.memref_slice %arg3[%mul3A_10] : memref<802816xi32, #tpu.memory_space<hbm>> -> memref<25088xi32, #tpu.memory_space<hbm>>
      tpu.enqueue_dma source(%dma_start3A_30 : memref<25088xi32, #tpu.memory_space<hbm>>) target(%arg6 : memref<25088xi32, #tpu.memory_space<vmem>>) target_semaphore(%run_scoped3A : memref<!tpu.dma_semaphore, #tpu.memory_space<semaphore_mem>>)
      %dma_wait3A_31 = tpu.memref_slice %arg3[%mul3A_10] : memref<802816xi32, #tpu.memory_space<hbm>> -> memref<25088xi32, #tpu.memory_space<hbm>>
      %dma_wait3A_32 = tpu.memref_slice %arg3[%mul3A_10] : memref<802816xi32, #tpu.memory_space<hbm>> -> memref<25088xi32, #tpu.memory_space<hbm>>
      tpu.wait_dma2 semaphore(%run_scoped3A : memref<!tpu.dma_semaphore, #tpu.memory_space<semaphore_mem>>) src(%dma_wait3A_32 : memref<25088xi32, #tpu.memory_space<hbm>>) dst(%arg6 : memref<25088xi32, #tpu.memory_space<vmem>>)
      tpu.yield
    }) : () -> ()
    %mul3A_11 = arith.constant 32 : i32
    %mul3A_12 = arith.muli %add3A, %mul3A_11 : i32
    "tpu.region"() ({
      %run_scoped3A = tpu.sem_alloc : memref<!tpu.dma_semaphore, #tpu.memory_space<semaphore_mem>>
      %dma_start3A_29 = arith.constant 0 : i32
      %dma_start3A_30 = tpu.memref_slice %arg4[%mul3A_12, %dma_start3A_29] : memref<1024x784xf32, #tpu.memory_space<hbm>> -> memref<32x784xf32, #tpu.memory_space<hbm>>
      %dma_start3A_31 = arith.constant 0 : i32
      %dma_start3A_32 = tpu.memref_slice %arg4[%mul3A_12, %dma_start3A_31] : memref<1024x784xf32, #tpu.memory_space<hbm>> -> memref<32x784xf32, #tpu.memory_space<hbm>>
      tpu.enqueue_dma source(%dma_start3A_32 : memref<32x784xf32, #tpu.memory_space<hbm>>) target(%arg7 : memref<32x784xf32, #tpu.memory_space<vmem>>) target_semaphore(%run_scoped3A : memref<!tpu.dma_semaphore, #tpu.memory_space<semaphore_mem>>)
      %dma_wait3A_33 = arith.constant 0 : i32
      %dma_wait3A_34 = tpu.memref_slice %arg4[%mul3A_12, %dma_wait3A_33] : memref<1024x784xf32, #tpu.memory_space<hbm>> -> memref<32x784xf32, #tpu.memory_space<hbm>>
      %dma_wait3A_35 = arith.constant 0 : i32
      %dma_wait3A_36 = tpu.memref_slice %arg4[%mul3A_12, %dma_wait3A_35] : memref<1024x784xf32, #tpu.memory_space<hbm>> -> memref<32x784xf32, #tpu.memory_space<hbm>>
      tpu.wait_dma2 semaphore(%run_scoped3A : memref<!tpu.dma_semaphore, #tpu.memory_space<semaphore_mem>>) src(%dma_wait3A_36 : memref<32x784xf32, #tpu.memory_space<hbm>>) dst(%arg7 : memref<32x784xf32, #tpu.memory_space<vmem>>)
      tpu.yield
    }) : () -> ()
    %dma_start3A = arith.constant 0 : i32
    %dma_start3A_13 = tpu.memref_slice %arg6[%dma_start3A] : memref<25088xi32, #tpu.memory_space<vmem>> -> memref<112xi32, #tpu.memory_space<vmem>>
    %dma_start3A_14 = arith.constant 0 : i32
    %dma_start3A_15 = arith.constant 0 : i32
    %dma_start3A_16 = tpu.memref_slice %arg2[%dma_start3A_14, %dma_start3A_15] : memref<20000x128xi32, #tpu.memory_space<hbm>> -> memref<20000x128xi32, #tpu.memory_space<hbm>>
    tpu.enqueue_indirect_dma source(%dma_start3A_16 : memref<20000x128xi32, #tpu.memory_space<hbm>>) target(%arg8 : memref<112x128xi32, #tpu.memory_space<vmem>>) offsets(%dma_start3A_13 : memref<112xi32, #tpu.memory_space<vmem>>) semaphore(%arg12 : memref<!tpu.dma_semaphore, #tpu.memory_space<semaphore_mem>>)
    %scan3A = arith.constant 0 : i32
    %scan3A_17 = arith.constant 0 : i32
    %scan3A_18 = arith.constant 112 : i32
    %scan3A_19 = arith.addi %scan3A_17, %scan3A_18 : i32
    %scan3A_20 = arith.constant 1 : i32
    scf.for %scan3A_29 = %scan3A_17 to %scan3A_19 step %scan3A_20  : i32 {
      %mul3A_30 = arith.constant 2 : i32
      %mul3A_31 = arith.muli %scan3A_29, %mul3A_30 : i32
      %add3A_32 = arith.constant 1 : i32
      %add3A_33 = arith.addi %mul3A_31, %add3A_32 : i32
      %mul3A_34 = arith.constant 112 : i32
      %mul3A_35 = arith.muli %add3A_33, %mul3A_34 : i32
      %dma_start3A_36 = tpu.memref_slice %arg6[%mul3A_35] : memref<25088xi32, #tpu.memory_space<vmem>> -> memref<112xi32, #tpu.memory_space<vmem>>
      %dma_start3A_37 = arith.constant 0 : i32
      %dma_start3A_38 = arith.constant 0 : i32
      %dma_start3A_39 = tpu.memref_slice %arg2[%dma_start3A_37, %dma_start3A_38] : memref<20000x128xi32, #tpu.memory_space<hbm>> -> memref<20000x128xi32, #tpu.memory_space<hbm>>
      tpu.enqueue_indirect_dma source(%dma_start3A_39 : memref<20000x128xi32, #tpu.memory_space<hbm>>) target(%arg9 : memref<112x128xi32, #tpu.memory_space<vmem>>) offsets(%dma_start3A_36 : memref<112xi32, #tpu.memory_space<vmem>>) semaphore(%arg13 : memref<!tpu.dma_semaphore, #tpu.memory_space<semaphore_mem>>)
      %dma_wait3A_40 = arith.constant 0 : i32
      %dma_wait3A_41 = tpu.memref_slice %arg6[%dma_wait3A_40] : memref<25088xi32, #tpu.memory_space<vmem>> -> memref<112xi32, #tpu.memory_space<vmem>>
      %dma_wait3A_42 = arith.constant 0 : i32
      %dma_wait3A_43 = arith.constant 0 : i32
      %dma_wait3A_44 = tpu.memref_slice %arg2[%dma_wait3A_42, %dma_wait3A_43] : memref<20000x128xi32, #tpu.memory_space<hbm>> -> memref<20000x128xi32, #tpu.memory_space<hbm>>
      tpu.wait_indirect_dma semaphore(%arg12 : memref<!tpu.dma_semaphore, #tpu.memory_space<semaphore_mem>>) src(%dma_wait3A_44 : memref<20000x128xi32, #tpu.memory_space<hbm>>) dst(%arg8 : memref<112x128xi32, #tpu.memory_space<vmem>>)
      %gt3A = arith.constant 0 : i32
      %gt3A_45 = arith.cmpi sgt, %scan3A_29, %gt3A : i32
      %convert_element_type3A = arith.extui %gt3A_45 : i1 to i32
      %cond3A = arith.constant 0 : i32
      %cond3A_46 = arith.cmpi ne, %convert_element_type3A, %cond3A : i32
      scf.if %cond3A_46 {
        %dma_wait3A_164 = arith.constant 0 : i32
        %dma_wait3A_165 = tpu.memref_slice %arg5[%dma_wait3A_164] : memref<12845056xf32, #tpu.memory_space<hbm>> -> memref<1792xf32, #tpu.memory_space<hbm>>
        %dma_wait3A_166 = arith.constant 0 : i32
        %dma_wait3A_167 = tpu.memref_slice %arg5[%dma_wait3A_166] : memref<12845056xf32, #tpu.memory_space<hbm>> -> memref<1792xf32, #tpu.memory_space<hbm>>
        tpu.wait_dma2 semaphore(%arg14 : memref<!tpu.dma_semaphore, #tpu.memory_space<semaphore_mem>>) src(%arg10 : memref<1792xf32, #tpu.memory_space<vmem>>) dst(%dma_wait3A_167 : memref<1792xf32, #tpu.memory_space<hbm>>)
      } else {
      }
      %jit3A = arith.constant 7 : i32
      %div3A = arith.divsi %mul3A_31, %jit3A : i32
      %sign3A = arith.constant 0 : i32
      %sign3A_47 = arith.cmpi sgt, %mul3A_31, %sign3A : i32
      %sign3A_48 = arith.extui %sign3A_47 : i1 to i32
      %sign3A_49 = arith.constant 0 : i32
      %sign3A_50 = arith.cmpi slt, %mul3A_31, %sign3A_49 : i32
      %sign3A_51 = arith.extui %sign3A_50 : i1 to i32
      %sign3A_52 = arith.subi %sign3A_48, %sign3A_51 : i32
      %sign3A_53 = arith.constant 0 : i32
      %sign3A_54 = arith.cmpi sgt, %jit3A, %sign3A_53 : i32
      %sign3A_55 = arith.extui %sign3A_54 : i1 to i32
      %sign3A_56 = arith.constant 0 : i32
      %sign3A_57 = arith.cmpi slt, %jit3A, %sign3A_56 : i32
      %sign3A_58 = arith.extui %sign3A_57 : i1 to i32
      %sign3A_59 = arith.subi %sign3A_55, %sign3A_58 : i32
      %ne3A = arith.cmpi ne, %sign3A_52, %sign3A_59 : i32
      %rem3A = arith.remsi %mul3A_31, %jit3A : i32
      %ne3A_60 = arith.constant 0 : i32
      %ne3A_61 = arith.cmpi ne, %rem3A, %ne3A_60 : i32
      %and3A = arith.andi %ne3A, %ne3A_61 : i1
      %sub3A = arith.constant 1 : i32
      %sub3A_62 = arith.subi %div3A, %sub3A : i32
      %select_n3A = arith.select %and3A, %sub3A_62, %div3A : i32
      %jit3A_63 = arith.constant 7 : i32
      %eq3A = arith.constant 0 : i32
      %eq3A_64 = arith.cmpi eq, %jit3A_63, %eq3A : i32
      %jit3A_65 = arith.constant 1 : i32
      %select_n3A_66 = arith.select %eq3A_64, %jit3A_65, %jit3A_63 : i32
      %rem3A_67 = arith.remsi %mul3A_31, %select_n3A_66 : i32
      %ne3A_68 = arith.constant 0 : i32
      %ne3A_69 = arith.cmpi ne, %rem3A_67, %ne3A_68 : i32
      %lt3A = arith.constant 0 : i32
      %lt3A_70 = arith.cmpi slt, %rem3A_67, %lt3A : i32
      %lt3A_71 = arith.constant 0 : i32
      %lt3A_72 = arith.cmpi slt, %select_n3A_66, %lt3A_71 : i32
      %ne3A_73 = arith.xori %lt3A_70, %lt3A_72 : i1
      %and3A_74 = arith.andi %ne3A_73, %ne3A_69 : i1
      %add3A_75 = arith.addi %rem3A_67, %select_n3A_66 : i32
      %select_n3A_76 = arith.select %and3A_74, %add3A_75, %rem3A_67 : i32
      %mul3A_77 = arith.constant 112 : i32
      %mul3A_78 = arith.muli %select_n3A_76, %mul3A_77 : i32
      %scan3A_79 = arith.constant 0 : i32
      %scan3A_80 = arith.constant 0 : i32
      %scan3A_81 = arith.constant 7 : i32
      %scan3A_82 = arith.addi %scan3A_80, %scan3A_81 : i32
      %scan3A_83 = arith.constant 1 : i32
      scf.for %scan3A_164 = %scan3A_80 to %scan3A_82 step %scan3A_83  : i32 {
        %mul3A_165 = arith.constant 16 : i32
        %mul3A_166 = arith.muli %scan3A_164, %mul3A_165 : i32
        %broadcast_in_dim3A = arith.constant 0.000000e+00 : f32
        %broadcast_in_dim3A_167 = vector.broadcast %broadcast_in_dim3A : f32 to vector<16xf32>
        %broadcast_in_dim3A_168 = arith.constant 0.000000e+00 : f32
        %broadcast_in_dim3A_169 = vector.broadcast %broadcast_in_dim3A_168 : f32 to vector<16xf32>
        %broadcast_in_dim3A_170 = arith.constant 0.000000e+00 : f32
        %broadcast_in_dim3A_171 = vector.broadcast %broadcast_in_dim3A_170 : f32 to vector<16xf32>
        %broadcast_in_dim3A_172 = arith.constant 0.000000e+00 : f32
        %broadcast_in_dim3A_173 = vector.broadcast %broadcast_in_dim3A_172 : f32 to vector<16xf32>
        %broadcast_in_dim3A_174 = arith.constant 0.000000e+00 : f32
        %broadcast_in_dim3A_175 = vector.broadcast %broadcast_in_dim3A_174 : f32 to vector<16xf32>
        %broadcast_in_dim3A_176 = arith.constant 0.000000e+00 : f32
        %broadcast_in_dim3A_177 = vector.broadcast %broadcast_in_dim3A_176 : f32 to vector<16xf32>
        %broadcast_in_dim3A_178 = arith.constant 0.000000e+00 : f32
        %broadcast_in_dim3A_179 = vector.broadcast %broadcast_in_dim3A_178 : f32 to vector<16xf32>
        %broadcast_in_dim3A_180 = arith.constant 0.000000e+00 : f32
        %broadcast_in_dim3A_181 = vector.broadcast %broadcast_in_dim3A_180 : f32 to vector<16xf32>
        %broadcast_in_dim3A_182 = arith.constant 0.000000e+00 : f32
        %broadcast_in_dim3A_183 = vector.broadcast %broadcast_in_dim3A_182 : f32 to vector<16xf32>
        %broadcast_in_dim3A_184 = arith.constant 0.000000e+00 : f32
        %broadcast_in_dim3A_185 = vector.broadcast %broadcast_in_dim3A_184 : f32 to vector<16xf32>
        %broadcast_in_dim3A_186 = arith.constant 0.000000e+00 : f32
        %broadcast_in_dim3A_187 = vector.broadcast %broadcast_in_dim3A_186 : f32 to vector<16xf32>
        %broadcast_in_dim3A_188 = arith.constant 0.000000e+00 : f32
        %broadcast_in_dim3A_189 = vector.broadcast %broadcast_in_dim3A_188 : f32 to vector<16xf32>
        %broadcast_in_dim3A_190 = arith.constant 0.000000e+00 : f32
        %broadcast_in_dim3A_191 = vector.broadcast %broadcast_in_dim3A_190 : f32 to vector<16xf32>
        %broadcast_in_dim3A_192 = arith.constant 0.000000e+00 : f32
        %broadcast_in_dim3A_193 = vector.broadcast %broadcast_in_dim3A_192 : f32 to vector<16xf32>
        %broadcast_in_dim3A_194 = arith.constant 0.000000e+00 : f32
        %broadcast_in_dim3A_195 = vector.broadcast %broadcast_in_dim3A_194 : f32 to vector<16xf32>
        %broadcast_in_dim3A_196 = arith.constant 0.000000e+00 : f32
        %broadcast_in_dim3A_197 = vector.broadcast %broadcast_in_dim3A_196 : f32 to vector<16xf32>
        %broadcast_in_dim3A_198 = vector.broadcast %select_n3A : i32 to vector<16xi32>
        %add3A_199 = arith.addi %mul3A_78, %mul3A_166 : i32
        %add3A_200 = arith.constant 0 : i32
        %add3A_201 = arith.addi %add3A_199, %add3A_200 : i32
        %broadcast_in_dim3A_202 = vector.broadcast %add3A_201 : i32 to vector<16xi32>
        %gather3A = tpu.vector_load_idx %arg7[%broadcast_in_dim3A_198, %broadcast_in_dim3A_202] : memref<32x784xf32, #tpu.memory_space<vmem>>[vector<16xi32>, vector<16xi32>], vector<16xf32>,
        %add3A_203 = arith.constant 0 : i32
        %add3A_204 = arith.addi %mul3A_166, %add3A_203 : i32
        %get3A = arith.index_cast %add3A_204 : i32 to index
        %get3A_205 = arith.constant 0 : index
        %get3A_206 = tpu.vector_load %arg8[%get3A, %get3A_205] {strides = array<i32>} : memref<112x128xi32, #tpu.memory_space<vmem>>, vector<16xi32>,
        %bitcast3A = vector.bitcast %get3A_206 : vector<16xi32> to vector<32xbf16>
        %unpack3A = tpu.unpack_subelements %bitcast3A, 0 {pack_format = #tpu.pack_format<interleaved>} : vector<32xbf16> -> vector<16xf32>
        %unpack3A_207 = tpu.unpack_subelements %bitcast3A, 1 {pack_format = #tpu.pack_format<interleaved>} : vector<32xbf16> -> vector<16xf32>
        %mul3A_208 = arith.mulf %gather3A, %unpack3A : vector<16xf32>
        %add3A_209 = arith.addf %broadcast_in_dim3A_167, %mul3A_208 : vector<16xf32>
        %mul3A_210 = arith.mulf %gather3A, %unpack3A_207 : vector<16xf32>
        %add3A_211 = arith.addf %broadcast_in_dim3A_169, %mul3A_210 : vector<16xf32>
        %add3A_212 = arith.constant 0 : i32
        %add3A_213 = arith.addi %mul3A_166, %add3A_212 : i32
        %get3A_214 = arith.index_cast %add3A_213 : i32 to index
        %get3A_215 = arith.constant 16 : index
        %get3A_216 = tpu.vector_load %arg8[%get3A_214, %get3A_215] {strides = array<i32>} : memref<112x128xi32, #tpu.memory_space<vmem>>, vector<16xi32>,
        %bitcast3A_217 = vector.bitcast %get3A_216 : vector<16xi32> to vector<32xbf16>
        %unpack3A_218 = tpu.unpack_subelements %bitcast3A_217, 0 {pack_format = #tpu.pack_format<interleaved>} : vector<32xbf16> -> vector<16xf32>
        %unpack3A_219 = tpu.unpack_subelements %bitcast3A_217, 1 {pack_format = #tpu.pack_format<interleaved>} : vector<32xbf16> -> vector<16xf32>
        %mul3A_220 = arith.mulf %gather3A, %unpack3A_218 : vector<16xf32>
        %add3A_221 = arith.addf %broadcast_in_dim3A_171, %mul3A_220 : vector<16xf32>
        %mul3A_222 = arith.mulf %gather3A, %unpack3A_219 : vector<16xf32>
        %add3A_223 = arith.addf %broadcast_in_dim3A_173, %mul3A_222 : vector<16xf32>
        %add3A_224 = arith.constant 0 : i32
        %add3A_225 = arith.addi %mul3A_166, %add3A_224 : i32
        %get3A_226 = arith.index_cast %add3A_225 : i32 to index
        %get3A_227 = arith.constant 32 : index
        %get3A_228 = tpu.vector_load %arg8[%get3A_226, %get3A_227] {strides = array<i32>} : memref<112x128xi32, #tpu.memory_space<vmem>>, vector<16xi32>,
        %bitcast3A_229 = vector.bitcast %get3A_228 : vector<16xi32> to vector<32xbf16>
        %unpack3A_230 = tpu.unpack_subelements %bitcast3A_229, 0 {pack_format = #tpu.pack_format<interleaved>} : vector<32xbf16> -> vector<16xf32>
        %unpack3A_231 = tpu.unpack_subelements %bitcast3A_229, 1 {pack_format = #tpu.pack_format<interleaved>} : vector<32xbf16> -> vector<16xf32>
        %mul3A_232 = arith.mulf %gather3A, %unpack3A_230 : vector<16xf32>
        %add3A_233 = arith.addf %broadcast_in_dim3A_175, %mul3A_232 : vector<16xf32>
        %mul3A_234 = arith.mulf %gather3A, %unpack3A_231 : vector<16xf32>
        %add3A_235 = arith.addf %broadcast_in_dim3A_177, %mul3A_234 : vector<16xf32>
        %add3A_236 = arith.constant 0 : i32
        %add3A_237 = arith.addi %mul3A_166, %add3A_236 : i32
        %get3A_238 = arith.index_cast %add3A_237 : i32 to index
        %get3A_239 = arith.constant 48 : index
        %get3A_240 = tpu.vector_load %arg8[%get3A_238, %get3A_239] {strides = array<i32>} : memref<112x128xi32, #tpu.memory_space<vmem>>, vector<16xi32>,
        %bitcast3A_241 = vector.bitcast %get3A_240 : vector<16xi32> to vector<32xbf16>
        %unpack3A_242 = tpu.unpack_subelements %bitcast3A_241, 0 {pack_format = #tpu.pack_format<interleaved>} : vector<32xbf16> -> vector<16xf32>
        %unpack3A_243 = tpu.unpack_subelements %bitcast3A_241, 1 {pack_format = #tpu.pack_format<interleaved>} : vector<32xbf16> -> vector<16xf32>
        %mul3A_244 = arith.mulf %gather3A, %unpack3A_242 : vector<16xf32>
        %add3A_245 = arith.addf %broadcast_in_dim3A_179, %mul3A_244 : vector<16xf32>
        %mul3A_246 = arith.mulf %gather3A, %unpack3A_243 : vector<16xf32>
        %add3A_247 = arith.addf %broadcast_in_dim3A_181, %mul3A_246 : vector<16xf32>
        %add3A_248 = arith.constant 0 : i32
        %add3A_249 = arith.addi %mul3A_166, %add3A_248 : i32
        %get3A_250 = arith.index_cast %add3A_249 : i32 to index
        %get3A_251 = arith.constant 64 : index
        %get3A_252 = tpu.vector_load %arg8[%get3A_250, %get3A_251] {strides = array<i32>} : memref<112x128xi32, #tpu.memory_space<vmem>>, vector<16xi32>,
        %bitcast3A_253 = vector.bitcast %get3A_252 : vector<16xi32> to vector<32xbf16>
        %unpack3A_254 = tpu.unpack_subelements %bitcast3A_253, 0 {pack_format = #tpu.pack_format<interleaved>} : vector<32xbf16> -> vector<16xf32>
        %unpack3A_255 = tpu.unpack_subelements %bitcast3A_253, 1 {pack_format = #tpu.pack_format<interleaved>} : vector<32xbf16> -> vector<16xf32>
        %mul3A_256 = arith.mulf %gather3A, %unpack3A_254 : vector<16xf32>
        %add3A_257 = arith.addf %broadcast_in_dim3A_183, %mul3A_256 : vector<16xf32>
        %mul3A_258 = arith.mulf %gather3A, %unpack3A_255 : vector<16xf32>
        %add3A_259 = arith.addf %broadcast_in_dim3A_185, %mul3A_258 : vector<16xf32>
        %add3A_260 = arith.constant 0 : i32
        %add3A_261 = arith.addi %mul3A_166, %add3A_260 : i32
        %get3A_262 = arith.index_cast %add3A_261 : i32 to index
        %get3A_263 = arith.constant 80 : index
        %get3A_264 = tpu.vector_load %arg8[%get3A_262, %get3A_263] {strides = array<i32>} : memref<112x128xi32, #tpu.memory_space<vmem>>, vector<16xi32>,
        %bitcast3A_265 = vector.bitcast %get3A_264 : vector<16xi32> to vector<32xbf16>
        %unpack3A_266 = tpu.unpack_subelements %bitcast3A_265, 0 {pack_format = #tpu.pack_format<interleaved>} : vector<32xbf16> -> vector<16xf32>
        %unpack3A_267 = tpu.unpack_subelements %bitcast3A_265, 1 {pack_format = #tpu.pack_format<interleaved>} : vector<32xbf16> -> vector<16xf32>
        %mul3A_268 = arith.mulf %gather3A, %unpack3A_266 : vector<16xf32>
        %add3A_269 = arith.addf %broadcast_in_dim3A_187, %mul3A_268 : vector<16xf32>
        %mul3A_270 = arith.mulf %gather3A, %unpack3A_267 : vector<16xf32>
        %add3A_271 = arith.addf %broadcast_in_dim3A_189, %mul3A_270 : vector<16xf32>
        %add3A_272 = arith.constant 0 : i32
        %add3A_273 = arith.addi %mul3A_166, %add3A_272 : i32
        %get3A_274 = arith.index_cast %add3A_273 : i32 to index
        %get3A_275 = arith.constant 96 : index
        %get3A_276 = tpu.vector_load %arg8[%get3A_274, %get3A_275] {strides = array<i32>} : memref<112x128xi32, #tpu.memory_space<vmem>>, vector<16xi32>,
        %bitcast3A_277 = vector.bitcast %get3A_276 : vector<16xi32> to vector<32xbf16>
        %unpack3A_278 = tpu.unpack_subelements %bitcast3A_277, 0 {pack_format = #tpu.pack_format<interleaved>} : vector<32xbf16> -> vector<16xf32>
        %unpack3A_279 = tpu.unpack_subelements %bitcast3A_277, 1 {pack_format = #tpu.pack_format<interleaved>} : vector<32xbf16> -> vector<16xf32>
        %mul3A_280 = arith.mulf %gather3A, %unpack3A_278 : vector<16xf32>
        %add3A_281 = arith.addf %broadcast_in_dim3A_191, %mul3A_280 : vector<16xf32>
        %mul3A_282 = arith.mulf %gather3A, %unpack3A_279 : vector<16xf32>
        %add3A_283 = arith.addf %broadcast_in_dim3A_193, %mul3A_282 : vector<16xf32>
        %add3A_284 = arith.constant 0 : i32
        %add3A_285 = arith.addi %mul3A_166, %add3A_284 : i32
        %get3A_286 = arith.index_cast %add3A_285 : i32 to index
        %get3A_287 = arith.constant 112 : index
        %get3A_288 = tpu.vector_load %arg8[%get3A_286, %get3A_287] {strides = array<i32>} : memref<112x128xi32, #tpu.memory_space<vmem>>, vector<16xi32>,
        %bitcast3A_289 = vector.bitcast %get3A_288 : vector<16xi32> to vector<32xbf16>
        %unpack3A_290 = tpu.unpack_subelements %bitcast3A_289, 0 {pack_format = #tpu.pack_format<interleaved>} : vector<32xbf16> -> vector<16xf32>
        %unpack3A_291 = tpu.unpack_subelements %bitcast3A_289, 1 {pack_format = #tpu.pack_format<interleaved>} : vector<32xbf16> -> vector<16xf32>
        %mul3A_292 = arith.mulf %gather3A, %unpack3A_290 : vector<16xf32>
        %add3A_293 = arith.addf %broadcast_in_dim3A_195, %mul3A_292 : vector<16xf32>
        %mul3A_294 = arith.mulf %gather3A, %unpack3A_291 : vector<16xf32>
        %add3A_295 = arith.addf %broadcast_in_dim3A_197, %mul3A_294 : vector<16xf32>
        %broadcast_in_dim3A_296 = vector.broadcast %select_n3A : i32 to vector<16xi32>
        %add3A_297 = arith.addi %mul3A_78, %mul3A_166 : i32
        %add3A_298 = arith.constant 1 : i32
        %add3A_299 = arith.addi %add3A_297, %add3A_298 : i32
        %broadcast_in_dim3A_300 = vector.broadcast %add3A_299 : i32 to vector<16xi32>
        %gather3A_301 = tpu.vector_load_idx %arg7[%broadcast_in_dim3A_296, %broadcast_in_dim3A_300] : memref<32x784xf32, #tpu.memory_space<vmem>>[vector<16xi32>, vector<16xi32>], vector<16xf32>,
        %add3A_302 = arith.constant 1 : i32
        %add3A_303 = arith.addi %mul3A_166, %add3A_302 : i32
        %get3A_304 = arith.index_cast %add3A_303 : i32 to index
        %get3A_305 = arith.constant 0 : index
        %get3A_306 = tpu.vector_load %arg8[%get3A_304, %get3A_305] {strides = array<i32>} : memref<112x128xi32, #tpu.memory_space<vmem>>, vector<16xi32>,
        %bitcast3A_307 = vector.bitcast %get3A_306 : vector<16xi32> to vector<32xbf16>
        %unpack3A_308 = tpu.unpack_subelements %bitcast3A_307, 0 {pack_format = #tpu.pack_format<interleaved>} : vector<32xbf16> -> vector<16xf32>
        %unpack3A_309 = tpu.unpack_subelements %bitcast3A_307, 1 {pack_format = #tpu.pack_format<interleaved>} : vector<32xbf16> -> vector<16xf32>
        %mul3A_310 = arith.mulf %gather3A_301, %unpack3A_308 : vector<16xf32>
        %add3A_311 = arith.addf %add3A_209, %mul3A_310 : vector<16xf32>
        %mul3A_312 = arith.mulf %gather3A_301, %unpack3A_309 : vector<16xf32>
        %add3A_313 = arith.addf %add3A_211, %mul3A_312 : vector<16xf32>
        %add3A_314 = arith.constant 1 : i32
        %add3A_315 = arith.addi %mul3A_166, %add3A_314 : i32
        %get3A_316 = arith.index_cast %add3A_315 : i32 to index
        %get3A_317 = arith.constant 16 : index
        %get3A_318 = tpu.vector_load %arg8[%get3A_316, %get3A_317] {strides = array<i32>} : memref<112x128xi32, #tpu.memory_space<vmem>>, vector<16xi32>,
        %bitcast3A_319 = vector.bitcast %get3A_318 : vector<16xi32> to vector<32xbf16>
        %unpack3A_320 = tpu.unpack_subelements %bitcast3A_319, 0 {pack_format = #tpu.pack_format<interleaved>} : vector<32xbf16> -> vector<16xf32>
        %unpack3A_321 = tpu.unpack_subelements %bitcast3A_319, 1 {pack_format = #tpu.pack_format<interleaved>} : vector<32xbf16> -> vector<16xf32>
        %mul3A_322 = arith.mulf %gather3A_301, %unpack3A_320 : vector<16xf32>
        %add3A_323 = arith.addf %add3A_221, %mul3A_322 : vector<16xf32>
        %mul3A_324 = arith.mulf %gather3A_301, %unpack3A_321 : vector<16xf32>
        %add3A_325 = arith.addf %add3A_223, %mul3A_324 : vector<16xf32>
        %add3A_326 = arith.constant 1 : i32
        %add3A_327 = arith.addi %mul3A_166, %add3A_326 : i32
        %get3A_328 = arith.index_cast %add3A_327 : i32 to index
        %get3A_329 = arith.constant 32 : index
        %get3A_330 = tpu.vector_load %arg8[%get3A_328, %get3A_329] {strides = array<i32>} : memref<112x128xi32, #tpu.memory_space<vmem>>, vector<16xi32>,
        %bitcast3A_331 = vector.bitcast %get3A_330 : vector<16xi32> to vector<32xbf16>
        %unpack3A_332 = tpu.unpack_subelements %bitcast3A_331, 0 {pack_format = #tpu.pack_format<interleaved>} : vector<32xbf16> -> vector<16xf32>
        %unpack3A_333 = tpu.unpack_subelements %bitcast3A_331, 1 {pack_format = #tpu.pack_format<interleaved>} : vector<32xbf16> -> vector<16xf32>
        %mul3A_334 = arith.mulf %gather3A_301, %unpack3A_332 : vector<16xf32>
        %add3A_335 = arith.addf %add3A_233, %mul3A_334 : vector<16xf32>
        %mul3A_336 = arith.mulf %gather3A_301, %unpack3A_333 : vector<16xf32>
        %add3A_337 = arith.addf %add3A_235, %mul3A_336 : vector<16xf32>
        %add3A_338 = arith.constant 1 : i32
        %add3A_339 = arith.addi %mul3A_166, %add3A_338 : i32
        %get3A_340 = arith.index_cast %add3A_339 : i32 to index
        %get3A_341 = arith.constant 48 : index
        %get3A_342 = tpu.vector_load %arg8[%get3A_340, %get3A_341] {strides = array<i32>} : memref<112x128xi32, #tpu.memory_space<vmem>>, vector<16xi32>,
        %bitcast3A_343 = vector.bitcast %get3A_342 : vector<16xi32> to vector<32xbf16>
        %unpack3A_344 = tpu.unpack_subelements %bitcast3A_343, 0 {pack_format = #tpu.pack_format<interleaved>} : vector<32xbf16> -> vector<16xf32>
        %unpack3A_345 = tpu.unpack_subelements %bitcast3A_343, 1 {pack_format = #tpu.pack_format<interleaved>} : vector<32xbf16> -> vector<16xf32>
        %mul3A_346 = arith.mulf %gather3A_301, %unpack3A_344 : vector<16xf32>
        %add3A_347 = arith.addf %add3A_245, %mul3A_346 : vector<16xf32>
        %mul3A_348 = arith.mulf %gather3A_301, %unpack3A_345 : vector<16xf32>
        %add3A_349 = arith.addf %add3A_247, %mul3A_348 : vector<16xf32>
        %add3A_350 = arith.constant 1 : i32
        %add3A_351 = arith.addi %mul3A_166, %add3A_350 : i32
        %get3A_352 = arith.index_cast %add3A_351 : i32 to index
        %get3A_353 = arith.constant 64 : index
        %get3A_354 = tpu.vector_load %arg8[%get3A_352, %get3A_353] {strides = array<i32>} : memref<112x128xi32, #tpu.memory_space<vmem>>, vector<16xi32>,
        %bitcast3A_355 = vector.bitcast %get3A_354 : vector<16xi32> to vector<32xbf16>
        %unpack3A_356 = tpu.unpack_subelements %bitcast3A_355, 0 {pack_format = #tpu.pack_format<interleaved>} : vector<32xbf16> -> vector<16xf32>
        %unpack3A_357 = tpu.unpack_subelements %bitcast3A_355, 1 {pack_format = #tpu.pack_format<interleaved>} : vector<32xbf16> -> vector<16xf32>
        %mul3A_358 = arith.mulf %gather3A_301, %unpack3A_356 : vector<16xf32>
        %add3A_359 = arith.addf %add3A_257, %mul3A_358 : vector<16xf32>
        %mul3A_360 = arith.mulf %gather3A_301, %unpack3A_357 : vector<16xf32>
        %add3A_361 = arith.addf %add3A_259, %mul3A_360 : vector<16xf32>
        %add3A_362 = arith.constant 1 : i32
        %add3A_363 = arith.addi %mul3A_166, %add3A_362 : i32
        %get3A_364 = arith.index_cast %add3A_363 : i32 to index
        %get3A_365 = arith.constant 80 : index
        %get3A_366 = tpu.vector_load %arg8[%get3A_364, %get3A_365] {strides = array<i32>} : memref<112x128xi32, #tpu.memory_space<vmem>>, vector<16xi32>,
        %bitcast3A_367 = vector.bitcast %get3A_366 : vector<16xi32> to vector<32xbf16>
        %unpack3A_368 = tpu.unpack_subelements %bitcast3A_367, 0 {pack_format = #tpu.pack_format<interleaved>} : vector<32xbf16> -> vector<16xf32>
        %unpack3A_369 = tpu.unpack_subelements %bitcast3A_367, 1 {pack_format = #tpu.pack_format<interleaved>} : vector<32xbf16> -> vector<16xf32>
        %mul3A_370 = arith.mulf %gather3A_301, %unpack3A_368 : vector<16xf32>
        %add3A_371 = arith.addf %add3A_269, %mul3A_370 : vector<16xf32>
        %mul3A_372 = arith.mulf %gather3A_301, %unpack3A_369 : vector<16xf32>
        %add3A_373 = arith.addf %add3A_271, %mul3A_372 : vector<16xf32>
        %add3A_374 = arith.constant 1 : i32
        %add3A_375 = arith.addi %mul3A_166, %add3A_374 : i32
        %get3A_376 = arith.index_cast %add3A_375 : i32 to index
        %get3A_377 = arith.constant 96 : index
        %get3A_378 = tpu.vector_load %arg8[%get3A_376, %get3A_377] {strides = array<i32>} : memref<112x128xi32, #tpu.memory_space<vmem>>, vector<16xi32>,
        %bitcast3A_379 = vector.bitcast %get3A_378 : vector<16xi32> to vector<32xbf16>
        %unpack3A_380 = tpu.unpack_subelements %bitcast3A_379, 0 {pack_format = #tpu.pack_format<interleaved>} : vector<32xbf16> -> vector<16xf32>
        %unpack3A_381 = tpu.unpack_subelements %bitcast3A_379, 1 {pack_format = #tpu.pack_format<interleaved>} : vector<32xbf16> -> vector<16xf32>
        %mul3A_382 = arith.mulf %gather3A_301, %unpack3A_380 : vector<16xf32>
        %add3A_383 = arith.addf %add3A_281, %mul3A_382 : vector<16xf32>
        %mul3A_384 = arith.mulf %gather3A_301, %unpack3A_381 : vector<16xf32>
        %add3A_385 = arith.addf %add3A_283, %mul3A_384 : vector<16xf32>
        %add3A_386 = arith.constant 1 : i32
        %add3A_387 = arith.addi %mul3A_166, %add3A_386 : i32
        %get3A_388 = arith.index_cast %add3A_387 : i32 to index
        %get3A_389 = arith.constant 112 : index
        %get3A_390 = tpu.vector_load %arg8[%get3A_388, %get3A_389] {strides = array<i32>} : memref<112x128xi32, #tpu.memory_space<vmem>>, vector<16xi32>,
        %bitcast3A_391 = vector.bitcast %get3A_390 : vector<16xi32> to vector<32xbf16>
        %unpack3A_392 = tpu.unpack_subelements %bitcast3A_391, 0 {pack_format = #tpu.pack_format<interleaved>} : vector<32xbf16> -> vector<16xf32>
        %unpack3A_393 = tpu.unpack_subelements %bitcast3A_391, 1 {pack_format = #tpu.pack_format<interleaved>} : vector<32xbf16> -> vector<16xf32>
        %mul3A_394 = arith.mulf %gather3A_301, %unpack3A_392 : vector<16xf32>
        %add3A_395 = arith.addf %add3A_293, %mul3A_394 : vector<16xf32>
        %mul3A_396 = arith.mulf %gather3A_301, %unpack3A_393 : vector<16xf32>
        %add3A_397 = arith.addf %add3A_295, %mul3A_396 : vector<16xf32>
        %broadcast_in_dim3A_398 = vector.broadcast %select_n3A : i32 to vector<16xi32>
        %add3A_399 = arith.addi %mul3A_78, %mul3A_166 : i32
        %add3A_400 = arith.constant 2 : i32
        %add3A_401 = arith.addi %add3A_399, %add3A_400 : i32
        %broadcast_in_dim3A_402 = vector.broadcast %add3A_401 : i32 to vector<16xi32>
        %gather3A_403 = tpu.vector_load_idx %arg7[%broadcast_in_dim3A_398, %broadcast_in_dim3A_402] : memref<32x784xf32, #tpu.memory_space<vmem>>[vector<16xi32>, vector<16xi32>], vector<16xf32>,
        %add3A_404 = arith.constant 2 : i32
        %add3A_405 = arith.addi %mul3A_166, %add3A_404 : i32
        %get3A_406 = arith.index_cast %add3A_405 : i32 to index
        %get3A_407 = arith.constant 0 : index
        %get3A_408 = tpu.vector_load %arg8[%get3A_406, %get3A_407] {strides = array<i32>} : memref<112x128xi32, #tpu.memory_space<vmem>>, vector<16xi32>,
        %bitcast3A_409 = vector.bitcast %get3A_408 : vector<16xi32> to vector<32xbf16>
        %unpack3A_410 = tpu.unpack_subelements %bitcast3A_409, 0 {pack_format = #tpu.pack_format<interleaved>} : vector<32xbf16> -> vector<16xf32>
        %unpack3A_411 = tpu.unpack_subelements %bitcast3A_409, 1 {pack_format = #tpu.pack_format<interleaved>} : vector<32xbf16> -> vector<16xf32>
        %mul3A_412 = arith.mulf %gather3A_403, %unpack3A_410 : vector<16xf32>
        %add3A_413 = arith.addf %add3A_311, %mul3A_412 : vector<16xf32>
        %mul3A_414 = arith.mulf %gather3A_403, %unpack3A_411 : vector<16xf32>
        %add3A_415 = arith.addf %add3A_313, %mul3A_414 : vector<16xf32>
        %add3A_416 = arith.constant 2 : i32
        %add3A_417 = arith.addi %mul3A_166, %add3A_416 : i32
        %get3A_418 = arith.index_cast %add3A_417 : i32 to index
        %get3A_419 = arith.constant 16 : index
        %get3A_420 = tpu.vector_load %arg8[%get3A_418, %get3A_419] {strides = array<i32>} : memref<112x128xi32, #tpu.memory_space<vmem>>, vector<16xi32>,
        %bitcast3A_421 = vector.bitcast %get3A_420 : vector<16xi32> to vector<32xbf16>
        %unpack3A_422 = tpu.unpack_subelements %bitcast3A_421, 0 {pack_format = #tpu.pack_format<interleaved>} : vector<32xbf16> -> vector<16xf32>
        %unpack3A_423 = tpu.unpack_subelements %bitcast3A_421, 1 {pack_format = #tpu.pack_format<interleaved>} : vector<32xbf16> -> vector<16xf32>
        %mul3A_424 = arith.mulf %gather3A_403, %unpack3A_422 : vector<16xf32>
        %add3A_425 = arith.addf %add3A_323, %mul3A_424 : vector<16xf32>
        %mul3A_426 = arith.mulf %gather3A_403, %unpack3A_423 : vector<16xf32>
        %add3A_427 = arith.addf %add3A_325, %mul3A_426 : vector<16xf32>
        %add3A_428 = arith.constant 2 : i32
        %add3A_429 = arith.addi %mul3A_166, %add3A_428 : i32
        %get3A_430 = arith.index_cast %add3A_429 : i32 to index
        %get3A_431 = arith.constant 32 : index
        %get3A_432 = tpu.vector_load %arg8[%get3A_430, %get3A_431] {strides = array<i32>} : memref<112x128xi32, #tpu.memory_space<vmem>>, vector<16xi32>,
        %bitcast3A_433 = vector.bitcast %get3A_432 : vector<16xi32> to vector<32xbf16>
        %unpack3A_434 = tpu.unpack_subelements %bitcast3A_433, 0 {pack_format = #tpu.pack_format<interleaved>} : vector<32xbf16> -> vector<16xf32>
        %unpack3A_435 = tpu.unpack_subelements %bitcast3A_433, 1 {pack_format = #tpu.pack_format<interleaved>} : vector<32xbf16> -> vector<16xf32>
        %mul3A_436 = arith.mulf %gather3A_403, %unpack3A_434 : vector<16xf32>
        %add3A_437 = arith.addf %add3A_335, %mul3A_436 : vector<16xf32>
        %mul3A_438 = arith.mulf %gather3A_403, %unpack3A_435 : vector<16xf32>
        %add3A_439 = arith.addf %add3A_337, %mul3A_438 : vector<16xf32>
        %add3A_440 = arith.constant 2 : i32
        %add3A_441 = arith.addi %mul3A_166, %add3A_440 : i32
        %get3A_442 = arith.index_cast %add3A_441 : i32 to index
        %get3A_443 = arith.constant 48 : index
        %get3A_444 = tpu.vector_load %arg8[%get3A_442, %get3A_443] {strides = array<i32>} : memref<112x128xi32, #tpu.memory_space<vmem>>, vector<16xi32>,
        %bitcast3A_445 = vector.bitcast %get3A_444 : vector<16xi32> to vector<32xbf16>
        %unpack3A_446 = tpu.unpack_subelements %bitcast3A_445, 0 {pack_format = #tpu.pack_format<interleaved>} : vector<32xbf16> -> vector<16xf32>
        %unpack3A_447 = tpu.unpack_subelements %bitcast3A_445, 1 {pack_format = #tpu.pack_format<interleaved>} : vector<32xbf16> -> vector<16xf32>
        %mul3A_448 = arith.mulf %gather3A_403, %unpack3A_446 : vector<16xf32>
        %add3A_449 = arith.addf %add3A_347, %mul3A_448 : vector<16xf32>
        %mul3A_450 = arith.mulf %gather3A_403, %unpack3A_447 : vector<16xf32>
        %add3A_451 = arith.addf %add3A_349, %mul3A_450 : vector<16xf32>
        %add3A_452 = arith.constant 2 : i32
        %add3A_453 = arith.addi %mul3A_166, %add3A_452 : i32
        %get3A_454 = arith.index_cast %add3A_453 : i32 to index
        %get3A_455 = arith.constant 64 : index
        %get3A_456 = tpu.vector_load %arg8[%get3A_454, %get3A_455] {strides = array<i32>} : memref<112x128xi32, #tpu.memory_space<vmem>>, vector<16xi32>,
        %bitcast3A_457 = vector.bitcast %get3A_456 : vector<16xi32> to vector<32xbf16>
        %unpack3A_458 = tpu.unpack_subelements %bitcast3A_457, 0 {pack_format = #tpu.pack_format<interleaved>} : vector<32xbf16> -> vector<16xf32>
        %unpack3A_459 = tpu.unpack_subelements %bitcast3A_457, 1 {pack_format = #tpu.pack_format<interleaved>} : vector<32xbf16> -> vector<16xf32>
        %mul3A_460 = arith.mulf %gather3A_403, %unpack3A_458 : vector<16xf32>
        %add3A_461 = arith.addf %add3A_359, %mul3A_460 : vector<16xf32>
        %mul3A_462 = arith.mulf %gather3A_403, %unpack3A_459 : vector<16xf32>
        %add3A_463 = arith.addf %add3A_361, %mul3A_462 : vector<16xf32>
        %add3A_464 = arith.constant 2 : i32
        %add3A_465 = arith.addi %mul3A_166, %add3A_464 : i32
        %get3A_466 = arith.index_cast %add3A_465 : i32 to index
        %get3A_467 = arith.constant 80 : index
        %get3A_468 = tpu.vector_load %arg8[%get3A_466, %get3A_467] {strides = array<i32>} : memref<112x128xi32, #tpu.memory_space<vmem>>, vector<16xi32>,
        %bitcast3A_469 = vector.bitcast %get3A_468 : vector<16xi32> to vector<32xbf16>
        %unpack3A_470 = tpu.unpack_subelements %bitcast3A_469, 0 {pack_format = #tpu.pack_format<interleaved>} : vector<32xbf16> -> vector<16xf32>
        %unpack3A_471 = tpu.unpack_subelements %bitcast3A_469, 1 {pack_format = #tpu.pack_format<interleaved>} : vector<32xbf16> -> vector<16xf32>
        %mul3A_472 = arith.mulf %gather3A_403, %unpack3A_470 : vector<16xf32>
        %add3A_473 = arith.addf %add3A_371, %mul3A_472 : vector<16xf32>
        %mul3A_474 = arith.mulf %gather3A_403, %unpack3A_471 : vector<16xf32>
        %add3A_475 = arith.addf %add3A_373, %mul3A_474 : vector<16xf32>
        %add3A_476 = arith.constant 2 : i32
        %add3A_477 = arith.addi %mul3A_166, %add3A_476 : i32
        %get3A_478 = arith.index_cast %add3A_477 : i32 to index
        %get3A_479 = arith.constant 96 : index
        %get3A_480 = tpu.vector_load %arg8[%get3A_478, %get3A_479] {strides = array<i32>} : memref<112x128xi32, #tpu.memory_space<vmem>>, vector<16xi32>,
        %bitcast3A_481 = vector.bitcast %get3A_480 : vector<16xi32> to vector<32xbf16>
        %unpack3A_482 = tpu.unpack_subelements %bitcast3A_481, 0 {pack_format = #tpu.pack_format<interleaved>} : vector<32xbf16> -> vector<16xf32>
        %unpack3A_483 = tpu.unpack_subelements %bitcast3A_481, 1 {pack_format = #tpu.pack_format<interleaved>} : vector<32xbf16> -> vector<16xf32>
        %mul3A_484 = arith.mulf %gather3A_403, %unpack3A_482 : vector<16xf32>
        %add3A_485 = arith.addf %add3A_383, %mul3A_484 : vector<16xf32>
        %mul3A_486 = arith.mulf %gather3A_403, %unpack3A_483 : vector<16xf32>
        %add3A_487 = arith.addf %add3A_385, %mul3A_486 : vector<16xf32>
        %add3A_488 = arith.constant 2 : i32
        %add3A_489 = arith.addi %mul3A_166, %add3A_488 : i32
        %get3A_490 = arith.index_cast %add3A_489 : i32 to index
        %get3A_491 = arith.constant 112 : index
        %get3A_492 = tpu.vector_load %arg8[%get3A_490, %get3A_491] {strides = array<i32>} : memref<112x128xi32, #tpu.memory_space<vmem>>, vector<16xi32>,
        %bitcast3A_493 = vector.bitcast %get3A_492 : vector<16xi32> to vector<32xbf16>
        %unpack3A_494 = tpu.unpack_subelements %bitcast3A_493, 0 {pack_format = #tpu.pack_format<interleaved>} : vector<32xbf16> -> vector<16xf32>
        %unpack3A_495 = tpu.unpack_subelements %bitcast3A_493, 1 {pack_format = #tpu.pack_format<interleaved>} : vector<32xbf16> -> vector<16xf32>
        %mul3A_496 = arith.mulf %gather3A_403, %unpack3A_494 : vector<16xf32>
        %add3A_497 = arith.addf %add3A_395, %mul3A_496 : vector<16xf32>
        %mul3A_498 = arith.mulf %gather3A_403, %unpack3A_495 : vector<16xf32>
        %add3A_499 = arith.addf %add3A_397, %mul3A_498 : vector<16xf32>
        %broadcast_in_dim3A_500 = vector.broadcast %select_n3A : i32 to vector<16xi32>
        %add3A_501 = arith.addi %mul3A_78, %mul3A_166 : i32
        %add3A_502 = arith.constant 3 : i32
        %add3A_503 = arith.addi %add3A_501, %add3A_502 : i32
        %broadcast_in_dim3A_504 = vector.broadcast %add3A_503 : i32 to vector<16xi32>
        %gather3A_505 = tpu.vector_load_idx %arg7[%broadcast_in_dim3A_500, %broadcast_in_dim3A_504] : memref<32x784xf32, #tpu.memory_space<vmem>>[vector<16xi32>, vector<16xi32>], vector<16xf32>,
        %add3A_506 = arith.constant 3 : i32
        %add3A_507 = arith.addi %mul3A_166, %add3A_506 : i32
        %get3A_508 = arith.index_cast %add3A_507 : i32 to index
        %get3A_509 = arith.constant 0 : index
        %get3A_510 = tpu.vector_load %arg8[%get3A_508, %get3A_509] {strides = array<i32>} : memref<112x128xi32, #tpu.memory_space<vmem>>, vector<16xi32>,
        %bitcast3A_511 = vector.bitcast %get3A_510 : vector<16xi32> to vector<32xbf16>
        %unpack3A_512 = tpu.unpack_subelements %bitcast3A_511, 0 {pack_format = #tpu.pack_format<interleaved>} : vector<32xbf16> -> vector<16xf32>
        %unpack3A_513 = tpu.unpack_subelements %bitcast3A_511, 1 {pack_format = #tpu.pack_format<interleaved>} : vector<32xbf16> -> vector<16xf32>
        %mul3A_514 = arith.mulf %gather3A_505, %unpack3A_512 : vector<16xf32>
        %add3A_515 = arith.addf %add3A_413, %mul3A_514 : vector<16xf32>
        %mul3A_516 = arith.mulf %gather3A_505, %unpack3A_513 : vector<16xf32>
        %add3A_517 = arith.addf %add3A_415, %mul3A_516 : vector<16xf32>
        %add3A_518 = arith.constant 3 : i32
        %add3A_519 = arith.addi %mul3A_166, %add3A_518 : i32
        %get3A_520 = arith.index_cast %add3A_519 : i32 to index
        %get3A_521 = arith.constant 16 : index
        %get3A_522 = tpu.vector_load %arg8[%get3A_520, %get3A_521] {strides = array<i32>} : memref<112x128xi32, #tpu.memory_space<vmem>>, vector<16xi32>,
        %bitcast3A_523 = vector.bitcast %get3A_522 : vector<16xi32> to vector<32xbf16>
        %unpack3A_524 = tpu.unpack_subelements %bitcast3A_523, 0 {pack_format = #tpu.pack_format<interleaved>} : vector<32xbf16> -> vector<16xf32>
        %unpack3A_525 = tpu.unpack_subelements %bitcast3A_523, 1 {pack_format = #tpu.pack_format<interleaved>} : vector<32xbf16> -> vector<16xf32>
        %mul3A_526 = arith.mulf %gather3A_505, %unpack3A_524 : vector<16xf32>
        %add3A_527 = arith.addf %add3A_425, %mul3A_526 : vector<16xf32>
        %mul3A_528 = arith.mulf %gather3A_505, %unpack3A_525 : vector<16xf32>
        %add3A_529 = arith.addf %add3A_427, %mul3A_528 : vector<16xf32>
        %add3A_530 = arith.constant 3 : i32
        %add3A_531 = arith.addi %mul3A_166, %add3A_530 : i32
        %get3A_532 = arith.index_cast %add3A_531 : i32 to index
        %get3A_533 = arith.constant 32 : index
        %get3A_534 = tpu.vector_load %arg8[%get3A_532, %get3A_533] {strides = array<i32>} : memref<112x128xi32, #tpu.memory_space<vmem>>, vector<16xi32>,
        %bitcast3A_535 = vector.bitcast %get3A_534 : vector<16xi32> to vector<32xbf16>
        %unpack3A_536 = tpu.unpack_subelements %bitcast3A_535, 0 {pack_format = #tpu.pack_format<interleaved>} : vector<32xbf16> -> vector<16xf32>
        %unpack3A_537 = tpu.unpack_subelements %bitcast3A_535, 1 {pack_format = #tpu.pack_format<interleaved>} : vector<32xbf16> -> vector<16xf32>
        %mul3A_538 = arith.mulf %gather3A_505, %unpack3A_536 : vector<16xf32>
        %add3A_539 = arith.addf %add3A_437, %mul3A_538 : vector<16xf32>
        %mul3A_540 = arith.mulf %gather3A_505, %unpack3A_537 : vector<16xf32>
        %add3A_541 = arith.addf %add3A_439, %mul3A_540 : vector<16xf32>
        %add3A_542 = arith.constant 3 : i32
        %add3A_543 = arith.addi %mul3A_166, %add3A_542 : i32
        %get3A_544 = arith.index_cast %add3A_543 : i32 to index
        %get3A_545 = arith.constant 48 : index
        %get3A_546 = tpu.vector_load %arg8[%get3A_544, %get3A_545] {strides = array<i32>} : memref<112x128xi32, #tpu.memory_space<vmem>>, vector<16xi32>,
        %bitcast3A_547 = vector.bitcast %get3A_546 : vector<16xi32> to vector<32xbf16>
        %unpack3A_548 = tpu.unpack_subelements %bitcast3A_547, 0 {pack_format = #tpu.pack_format<interleaved>} : vector<32xbf16> -> vector<16xf32>
        %unpack3A_549 = tpu.unpack_subelements %bitcast3A_547, 1 {pack_format = #tpu.pack_format<interleaved>} : vector<32xbf16> -> vector<16xf32>
        %mul3A_550 = arith.mulf %gather3A_505, %unpack3A_548 : vector<16xf32>
        %add3A_551 = arith.addf %add3A_449, %mul3A_550 : vector<16xf32>
        %mul3A_552 = arith.mulf %gather3A_505, %unpack3A_549 : vector<16xf32>
        %add3A_553 = arith.addf %add3A_451, %mul3A_552 : vector<16xf32>
        %add3A_554 = arith.constant 3 : i32
        %add3A_555 = arith.addi %mul3A_166, %add3A_554 : i32
        %get3A_556 = arith.index_cast %add3A_555 : i32 to index
        %get3A_557 = arith.constant 64 : index
        %get3A_558 = tpu.vector_load %arg8[%get3A_556, %get3A_557] {strides = array<i32>} : memref<112x128xi32, #tpu.memory_space<vmem>>, vector<16xi32>,
        %bitcast3A_559 = vector.bitcast %get3A_558 : vector<16xi32> to vector<32xbf16>
        %unpack3A_560 = tpu.unpack_subelements %bitcast3A_559, 0 {pack_format = #tpu.pack_format<interleaved>} : vector<32xbf16> -> vector<16xf32>
        %unpack3A_561 = tpu.unpack_subelements %bitcast3A_559, 1 {pack_format = #tpu.pack_format<interleaved>} : vector<32xbf16> -> vector<16xf32>
        %mul3A_562 = arith.mulf %gather3A_505, %unpack3A_560 : vector<16xf32>
        %add3A_563 = arith.addf %add3A_461, %mul3A_562 : vector<16xf32>
        %mul3A_564 = arith.mulf %gather3A_505, %unpack3A_561 : vector<16xf32>
        %add3A_565 = arith.addf %add3A_463, %mul3A_564 : vector<16xf32>
        %add3A_566 = arith.constant 3 : i32
        %add3A_567 = arith.addi %mul3A_166, %add3A_566 : i32
        %get3A_568 = arith.index_cast %add3A_567 : i32 to index
        %get3A_569 = arith.constant 80 : index
        %get3A_570 = tpu.vector_load %arg8[%get3A_568, %get3A_569] {strides = array<i32>} : memref<112x128xi32, #tpu.memory_space<vmem>>, vector<16xi32>,
        %bitcast3A_571 = vector.bitcast %get3A_570 : vector<16xi32> to vector<32xbf16>
        %unpack3A_572 = tpu.unpack_subelements %bitcast3A_571, 0 {pack_format = #tpu.pack_format<interleaved>} : vector<32xbf16> -> vector<16xf32>
        %unpack3A_573 = tpu.unpack_subelements %bitcast3A_571, 1 {pack_format = #tpu.pack_format<interleaved>} : vector<32xbf16> -> vector<16xf32>
        %mul3A_574 = arith.mulf %gather3A_505, %unpack3A_572 : vector<16xf32>
        %add3A_575 = arith.addf %add3A_473, %mul3A_574 : vector<16xf32>
        %mul3A_576 = arith.mulf %gather3A_505, %unpack3A_573 : vector<16xf32>
        %add3A_577 = arith.addf %add3A_475, %mul3A_576 : vector<16xf32>
        %add3A_578 = arith.constant 3 : i32
        %add3A_579 = arith.addi %mul3A_166, %add3A_578 : i32
        %get3A_580 = arith.index_cast %add3A_579 : i32 to index
        %get3A_581 = arith.constant 96 : index
        %get3A_582 = tpu.vector_load %arg8[%get3A_580, %get3A_581] {strides = array<i32>} : memref<112x128xi32, #tpu.memory_space<vmem>>, vector<16xi32>,
        %bitcast3A_583 = vector.bitcast %get3A_582 : vector<16xi32> to vector<32xbf16>
        %unpack3A_584 = tpu.unpack_subelements %bitcast3A_583, 0 {pack_format = #tpu.pack_format<interleaved>} : vector<32xbf16> -> vector<16xf32>
        %unpack3A_585 = tpu.unpack_subelements %bitcast3A_583, 1 {pack_format = #tpu.pack_format<interleaved>} : vector<32xbf16> -> vector<16xf32>
        %mul3A_586 = arith.mulf %gather3A_505, %unpack3A_584 : vector<16xf32>
        %add3A_587 = arith.addf %add3A_485, %mul3A_586 : vector<16xf32>
        %mul3A_588 = arith.mulf %gather3A_505, %unpack3A_585 : vector<16xf32>
        %add3A_589 = arith.addf %add3A_487, %mul3A_588 : vector<16xf32>
        %add3A_590 = arith.constant 3 : i32
        %add3A_591 = arith.addi %mul3A_166, %add3A_590 : i32
        %get3A_592 = arith.index_cast %add3A_591 : i32 to index
        %get3A_593 = arith.constant 112 : index
        %get3A_594 = tpu.vector_load %arg8[%get3A_592, %get3A_593] {strides = array<i32>} : memref<112x128xi32, #tpu.memory_space<vmem>>, vector<16xi32>,
        %bitcast3A_595 = vector.bitcast %get3A_594 : vector<16xi32> to vector<32xbf16>
        %unpack3A_596 = tpu.unpack_subelements %bitcast3A_595, 0 {pack_format = #tpu.pack_format<interleaved>} : vector<32xbf16> -> vector<16xf32>
        %unpack3A_597 = tpu.unpack_subelements %bitcast3A_595, 1 {pack_format = #tpu.pack_format<interleaved>} : vector<32xbf16> -> vector<16xf32>
        %mul3A_598 = arith.mulf %gather3A_505, %unpack3A_596 : vector<16xf32>
        %add3A_599 = arith.addf %add3A_497, %mul3A_598 : vector<16xf32>
        %mul3A_600 = arith.mulf %gather3A_505, %unpack3A_597 : vector<16xf32>
        %add3A_601 = arith.addf %add3A_499, %mul3A_600 : vector<16xf32>
        %broadcast_in_dim3A_602 = vector.broadcast %select_n3A : i32 to vector<16xi32>
        %add3A_603 = arith.addi %mul3A_78, %mul3A_166 : i32
        %add3A_604 = arith.constant 4 : i32
        %add3A_605 = arith.addi %add3A_603, %add3A_604 : i32
        %broadcast_in_dim3A_606 = vector.broadcast %add3A_605 : i32 to vector<16xi32>
        %gather3A_607 = tpu.vector_load_idx %arg7[%broadcast_in_dim3A_602, %broadcast_in_dim3A_606] : memref<32x784xf32, #tpu.memory_space<vmem>>[vector<16xi32>, vector<16xi32>], vector<16xf32>,
        %add3A_608 = arith.constant 4 : i32
        %add3A_609 = arith.addi %mul3A_166, %add3A_608 : i32
        %get3A_610 = arith.index_cast %add3A_609 : i32 to index
        %get3A_611 = arith.constant 0 : index
        %get3A_612 = tpu.vector_load %arg8[%get3A_610, %get3A_611] {strides = array<i32>} : memref<112x128xi32, #tpu.memory_space<vmem>>, vector<16xi32>,
        %bitcast3A_613 = vector.bitcast %get3A_612 : vector<16xi32> to vector<32xbf16>
        %unpack3A_614 = tpu.unpack_subelements %bitcast3A_613, 0 {pack_format = #tpu.pack_format<interleaved>} : vector<32xbf16> -> vector<16xf32>
        %unpack3A_615 = tpu.unpack_subelements %bitcast3A_613, 1 {pack_format = #tpu.pack_format<interleaved>} : vector<32xbf16> -> vector<16xf32>
        %mul3A_616 = arith.mulf %gather3A_607, %unpack3A_614 : vector<16xf32>
        %add3A_617 = arith.addf %add3A_515, %mul3A_616 : vector<16xf32>
        %mul3A_618 = arith.mulf %gather3A_607, %unpack3A_615 : vector<16xf32>
        %add3A_619 = arith.addf %add3A_517, %mul3A_618 : vector<16xf32>
        %add3A_620 = arith.constant 4 : i32
        %add3A_621 = arith.addi %mul3A_166, %add3A_620 : i32
        %get3A_622 = arith.index_cast %add3A_621 : i32 to index
        %get3A_623 = arith.constant 16 : index
        %get3A_624 = tpu.vector_load %arg8[%get3A_622, %get3A_623] {strides = array<i32>} : memref<112x128xi32, #tpu.memory_space<vmem>>, vector<16xi32>,
        %bitcast3A_625 = vector.bitcast %get3A_624 : vector<16xi32> to vector<32xbf16>
        %unpack3A_626 = tpu.unpack_subelements %bitcast3A_625, 0 {pack_format = #tpu.pack_format<interleaved>} : vector<32xbf16> -> vector<16xf32>
        %unpack3A_627 = tpu.unpack_subelements %bitcast3A_625, 1 {pack_format = #tpu.pack_format<interleaved>} : vector<32xbf16> -> vector<16xf32>
        %mul3A_628 = arith.mulf %gather3A_607, %unpack3A_626 : vector<16xf32>
        %add3A_629 = arith.addf %add3A_527, %mul3A_628 : vector<16xf32>
        %mul3A_630 = arith.mulf %gather3A_607, %unpack3A_627 : vector<16xf32>
        %add3A_631 = arith.addf %add3A_529, %mul3A_630 : vector<16xf32>
        %add3A_632 = arith.constant 4 : i32
        %add3A_633 = arith.addi %mul3A_166, %add3A_632 : i32
        %get3A_634 = arith.index_cast %add3A_633 : i32 to index
        %get3A_635 = arith.constant 32 : index
        %get3A_636 = tpu.vector_load %arg8[%get3A_634, %get3A_635] {strides = array<i32>} : memref<112x128xi32, #tpu.memory_space<vmem>>, vector<16xi32>,
        %bitcast3A_637 = vector.bitcast %get3A_636 : vector<16xi32> to vector<32xbf16>
        %unpack3A_638 = tpu.unpack_subelements %bitcast3A_637, 0 {pack_format = #tpu.pack_format<interleaved>} : vector<32xbf16> -> vector<16xf32>
        %unpack3A_639 = tpu.unpack_subelements %bitcast3A_637, 1 {pack_format = #tpu.pack_format<interleaved>} : vector<32xbf16> -> vector<16xf32>
        %mul3A_640 = arith.mulf %gather3A_607, %unpack3A_638 : vector<16xf32>
        %add3A_641 = arith.addf %add3A_539, %mul3A_640 : vector<16xf32>
        %mul3A_642 = arith.mulf %gather3A_607, %unpack3A_639 : vector<16xf32>
        %add3A_643 = arith.addf %add3A_541, %mul3A_642 : vector<16xf32>
        %add3A_644 = arith.constant 4 : i32
        %add3A_645 = arith.addi %mul3A_166, %add3A_644 : i32
        %get3A_646 = arith.index_cast %add3A_645 : i32 to index
        %get3A_647 = arith.constant 48 : index
        %get3A_648 = tpu.vector_load %arg8[%get3A_646, %get3A_647] {strides = array<i32>} : memref<112x128xi32, #tpu.memory_space<vmem>>, vector<16xi32>,
        %bitcast3A_649 = vector.bitcast %get3A_648 : vector<16xi32> to vector<32xbf16>
        %unpack3A_650 = tpu.unpack_subelements %bitcast3A_649, 0 {pack_format = #tpu.pack_format<interleaved>} : vector<32xbf16> -> vector<16xf32>
        %unpack3A_651 = tpu.unpack_subelements %bitcast3A_649, 1 {pack_format = #tpu.pack_format<interleaved>} : vector<32xbf16> -> vector<16xf32>
        %mul3A_652 = arith.mulf %gather3A_607, %unpack3A_650 : vector<16xf32>
        %add3A_653 = arith.addf %add3A_551, %mul3A_652 : vector<16xf32>
        %mul3A_654 = arith.mulf %gather3A_607, %unpack3A_651 : vector<16xf32>
        %add3A_655 = arith.addf %add3A_553, %mul3A_654 : vector<16xf32>
        %add3A_656 = arith.constant 4 : i32
        %add3A_657 = arith.addi %mul3A_166, %add3A_656 : i32
        %get3A_658 = arith.index_cast %add3A_657 : i32 to index
        %get3A_659 = arith.constant 64 : index
        %get3A_660 = tpu.vector_load %arg8[%get3A_658, %get3A_659] {strides = array<i32>} : memref<112x128xi32, #tpu.memory_space<vmem>>, vector<16xi32>,
        %bitcast3A_661 = vector.bitcast %get3A_660 : vector<16xi32> to vector<32xbf16>
        %unpack3A_662 = tpu.unpack_subelements %bitcast3A_661, 0 {pack_format = #tpu.pack_format<interleaved>} : vector<32xbf16> -> vector<16xf32>
        %unpack3A_663 = tpu.unpack_subelements %bitcast3A_661, 1 {pack_format = #tpu.pack_format<interleaved>} : vector<32xbf16> -> vector<16xf32>
        %mul3A_664 = arith.mulf %gather3A_607, %unpack3A_662 : vector<16xf32>
        %add3A_665 = arith.addf %add3A_563, %mul3A_664 : vector<16xf32>
        %mul3A_666 = arith.mulf %gather3A_607, %unpack3A_663 : vector<16xf32>
        %add3A_667 = arith.addf %add3A_565, %mul3A_666 : vector<16xf32>
        %add3A_668 = arith.constant 4 : i32
        %add3A_669 = arith.addi %mul3A_166, %add3A_668 : i32
        %get3A_670 = arith.index_cast %add3A_669 : i32 to index
        %get3A_671 = arith.constant 80 : index
        %get3A_672 = tpu.vector_load %arg8[%get3A_670, %get3A_671] {strides = array<i32>} : memref<112x128xi32, #tpu.memory_space<vmem>>, vector<16xi32>,
        %bitcast3A_673 = vector.bitcast %get3A_672 : vector<16xi32> to vector<32xbf16>
        %unpack3A_674 = tpu.unpack_subelements %bitcast3A_673, 0 {pack_format = #tpu.pack_format<interleaved>} : vector<32xbf16> -> vector<16xf32>
        %unpack3A_675 = tpu.unpack_subelements %bitcast3A_673, 1 {pack_format = #tpu.pack_format<interleaved>} : vector<32xbf16> -> vector<16xf32>
        %mul3A_676 = arith.mulf %gather3A_607, %unpack3A_674 : vector<16xf32>
        %add3A_677 = arith.addf %add3A_575, %mul3A_676 : vector<16xf32>
        %mul3A_678 = arith.mulf %gather3A_607, %unpack3A_675 : vector<16xf32>
        %add3A_679 = arith.addf %add3A_577, %mul3A_678 : vector<16xf32>
        %add3A_680 = arith.constant 4 : i32
        %add3A_681 = arith.addi %mul3A_166, %add3A_680 : i32
        %get3A_682 = arith.index_cast %add3A_681 : i32 to index
        %get3A_683 = arith.constant 96 : index
        %get3A_684 = tpu.vector_load %arg8[%get3A_682, %get3A_683] {strides = array<i32>} : memref<112x128xi32, #tpu.memory_space<vmem>>, vector<16xi32>,
        %bitcast3A_685 = vector.bitcast %get3A_684 : vector<16xi32> to vector<32xbf16>
        %unpack3A_686 = tpu.unpack_subelements %bitcast3A_685, 0 {pack_format = #tpu.pack_format<interleaved>} : vector<32xbf16> -> vector<16xf32>
        %unpack3A_687 = tpu.unpack_subelements %bitcast3A_685, 1 {pack_format = #tpu.pack_format<interleaved>} : vector<32xbf16> -> vector<16xf32>
        %mul3A_688 = arith.mulf %gather3A_607, %unpack3A_686 : vector<16xf32>
        %add3A_689 = arith.addf %add3A_587, %mul3A_688 : vector<16xf32>
        %mul3A_690 = arith.mulf %gather3A_607, %unpack3A_687 : vector<16xf32>
        %add3A_691 = arith.addf %add3A_589, %mul3A_690 : vector<16xf32>
        %add3A_692 = arith.constant 4 : i32
        %add3A_693 = arith.addi %mul3A_166, %add3A_692 : i32
        %get3A_694 = arith.index_cast %add3A_693 : i32 to index
        %get3A_695 = arith.constant 112 : index
        %get3A_696 = tpu.vector_load %arg8[%get3A_694, %get3A_695] {strides = array<i32>} : memref<112x128xi32, #tpu.memory_space<vmem>>, vector<16xi32>,
        %bitcast3A_697 = vector.bitcast %get3A_696 : vector<16xi32> to vector<32xbf16>
        %unpack3A_698 = tpu.unpack_subelements %bitcast3A_697, 0 {pack_format = #tpu.pack_format<interleaved>} : vector<32xbf16> -> vector<16xf32>
        %unpack3A_699 = tpu.unpack_subelements %bitcast3A_697, 1 {pack_format = #tpu.pack_format<interleaved>} : vector<32xbf16> -> vector<16xf32>
        %mul3A_700 = arith.mulf %gather3A_607, %unpack3A_698 : vector<16xf32>
        %add3A_701 = arith.addf %add3A_599, %mul3A_700 : vector<16xf32>
        %mul3A_702 = arith.mulf %gather3A_607, %unpack3A_699 : vector<16xf32>
        %add3A_703 = arith.addf %add3A_601, %mul3A_702 : vector<16xf32>
        %broadcast_in_dim3A_704 = vector.broadcast %select_n3A : i32 to vector<16xi32>
        %add3A_705 = arith.addi %mul3A_78, %mul3A_166 : i32
        %add3A_706 = arith.constant 5 : i32
        %add3A_707 = arith.addi %add3A_705, %add3A_706 : i32
        %broadcast_in_dim3A_708 = vector.broadcast %add3A_707 : i32 to vector<16xi32>
        %gather3A_709 = tpu.vector_load_idx %arg7[%broadcast_in_dim3A_704, %broadcast_in_dim3A_708] : memref<32x784xf32, #tpu.memory_space<vmem>>[vector<16xi32>, vector<16xi32>], vector<16xf32>,
        %add3A_710 = arith.constant 5 : i32
        %add3A_711 = arith.addi %mul3A_166, %add3A_710 : i32
        %get3A_712 = arith.index_cast %add3A_711 : i32 to index
        %get3A_713 = arith.constant 0 : index
        %get3A_714 = tpu.vector_load %arg8[%get3A_712, %get3A_713] {strides = array<i32>} : memref<112x128xi32, #tpu.memory_space<vmem>>, vector<16xi32>,
        %bitcast3A_715 = vector.bitcast %get3A_714 : vector<16xi32> to vector<32xbf16>
        %unpack3A_716 = tpu.unpack_subelements %bitcast3A_715, 0 {pack_format = #tpu.pack_format<interleaved>} : vector<32xbf16> -> vector<16xf32>
        %unpack3A_717 = tpu.unpack_subelements %bitcast3A_715, 1 {pack_format = #tpu.pack_format<interleaved>} : vector<32xbf16> -> vector<16xf32>
        %mul3A_718 = arith.mulf %gather3A_709, %unpack3A_716 : vector<16xf32>
        %add3A_719 = arith.addf %add3A_617, %mul3A_718 : vector<16xf32>
        %mul3A_720 = arith.mulf %gather3A_709, %unpack3A_717 : vector<16xf32>
        %add3A_721 = arith.addf %add3A_619, %mul3A_720 : vector<16xf32>
        %add3A_722 = arith.constant 5 : i32
        %add3A_723 = arith.addi %mul3A_166, %add3A_722 : i32
        %get3A_724 = arith.index_cast %add3A_723 : i32 to index
        %get3A_725 = arith.constant 16 : index
        %get3A_726 = tpu.vector_load %arg8[%get3A_724, %get3A_725] {strides = array<i32>} : memref<112x128xi32, #tpu.memory_space<vmem>>, vector<16xi32>,
        %bitcast3A_727 = vector.bitcast %get3A_726 : vector<16xi32> to vector<32xbf16>
        %unpack3A_728 = tpu.unpack_subelements %bitcast3A_727, 0 {pack_format = #tpu.pack_format<interleaved>} : vector<32xbf16> -> vector<16xf32>
        %unpack3A_729 = tpu.unpack_subelements %bitcast3A_727, 1 {pack_format = #tpu.pack_format<interleaved>} : vector<32xbf16> -> vector<16xf32>
        %mul3A_730 = arith.mulf %gather3A_709, %unpack3A_728 : vector<16xf32>
        %add3A_731 = arith.addf %add3A_629, %mul3A_730 : vector<16xf32>
        %mul3A_732 = arith.mulf %gather3A_709, %unpack3A_729 : vector<16xf32>
        %add3A_733 = arith.addf %add3A_631, %mul3A_732 : vector<16xf32>
        %add3A_734 = arith.constant 5 : i32
        %add3A_735 = arith.addi %mul3A_166, %add3A_734 : i32
        %get3A_736 = arith.index_cast %add3A_735 : i32 to index
        %get3A_737 = arith.constant 32 : index
        %get3A_738 = tpu.vector_load %arg8[%get3A_736, %get3A_737] {strides = array<i32>} : memref<112x128xi32, #tpu.memory_space<vmem>>, vector<16xi32>,
        %bitcast3A_739 = vector.bitcast %get3A_738 : vector<16xi32> to vector<32xbf16>
        %unpack3A_740 = tpu.unpack_subelements %bitcast3A_739, 0 {pack_format = #tpu.pack_format<interleaved>} : vector<32xbf16> -> vector<16xf32>
        %unpack3A_741 = tpu.unpack_subelements %bitcast3A_739, 1 {pack_format = #tpu.pack_format<interleaved>} : vector<32xbf16> -> vector<16xf32>
        %mul3A_742 = arith.mulf %gather3A_709, %unpack3A_740 : vector<16xf32>
        %add3A_743 = arith.addf %add3A_641, %mul3A_742 : vector<16xf32>
        %mul3A_744 = arith.mulf %gather3A_709, %unpack3A_741 : vector<16xf32>
        %add3A_745 = arith.addf %add3A_643, %mul3A_744 : vector<16xf32>
        %add3A_746 = arith.constant 5 : i32
        %add3A_747 = arith.addi %mul3A_166, %add3A_746 : i32
        %get3A_748 = arith.index_cast %add3A_747 : i32 to index
        %get3A_749 = arith.constant 48 : index
        %get3A_750 = tpu.vector_load %arg8[%get3A_748, %get3A_749] {strides = array<i32>} : memref<112x128xi32, #tpu.memory_space<vmem>>, vector<16xi32>,
        %bitcast3A_751 = vector.bitcast %get3A_750 : vector<16xi32> to vector<32xbf16>
        %unpack3A_752 = tpu.unpack_subelements %bitcast3A_751, 0 {pack_format = #tpu.pack_format<interleaved>} : vector<32xbf16> -> vector<16xf32>
        %unpack3A_753 = tpu.unpack_subelements %bitcast3A_751, 1 {pack_format = #tpu.pack_format<interleaved>} : vector<32xbf16> -> vector<16xf32>
        %mul3A_754 = arith.mulf %gather3A_709, %unpack3A_752 : vector<16xf32>
        %add3A_755 = arith.addf %add3A_653, %mul3A_754 : vector<16xf32>
        %mul3A_756 = arith.mulf %gather3A_709, %unpack3A_753 : vector<16xf32>
        %add3A_757 = arith.addf %add3A_655, %mul3A_756 : vector<16xf32>
        %add3A_758 = arith.constant 5 : i32
        %add3A_759 = arith.addi %mul3A_166, %add3A_758 : i32
        %get3A_760 = arith.index_cast %add3A_759 : i32 to index
        %get3A_761 = arith.constant 64 : index
        %get3A_762 = tpu.vector_load %arg8[%get3A_760, %get3A_761] {strides = array<i32>} : memref<112x128xi32, #tpu.memory_space<vmem>>, vector<16xi32>,
        %bitcast3A_763 = vector.bitcast %get3A_762 : vector<16xi32> to vector<32xbf16>
        %unpack3A_764 = tpu.unpack_subelements %bitcast3A_763, 0 {pack_format = #tpu.pack_format<interleaved>} : vector<32xbf16> -> vector<16xf32>
        %unpack3A_765 = tpu.unpack_subelements %bitcast3A_763, 1 {pack_format = #tpu.pack_format<interleaved>} : vector<32xbf16> -> vector<16xf32>
        %mul3A_766 = arith.mulf %gather3A_709, %unpack3A_764 : vector<16xf32>
        %add3A_767 = arith.addf %add3A_665, %mul3A_766 : vector<16xf32>
        %mul3A_768 = arith.mulf %gather3A_709, %unpack3A_765 : vector<16xf32>
        %add3A_769 = arith.addf %add3A_667, %mul3A_768 : vector<16xf32>
        %add3A_770 = arith.constant 5 : i32
        %add3A_771 = arith.addi %mul3A_166, %add3A_770 : i32
        %get3A_772 = arith.index_cast %add3A_771 : i32 to index
        %get3A_773 = arith.constant 80 : index
        %get3A_774 = tpu.vector_load %arg8[%get3A_772, %get3A_773] {strides = array<i32>} : memref<112x128xi32, #tpu.memory_space<vmem>>, vector<16xi32>,
        %bitcast3A_775 = vector.bitcast %get3A_774 : vector<16xi32> to vector<32xbf16>
        %unpack3A_776 = tpu.unpack_subelements %bitcast3A_775, 0 {pack_format = #tpu.pack_format<interleaved>} : vector<32xbf16> -> vector<16xf32>
        %unpack3A_777 = tpu.unpack_subelements %bitcast3A_775, 1 {pack_format = #tpu.pack_format<interleaved>} : vector<32xbf16> -> vector<16xf32>
        %mul3A_778 = arith.mulf %gather3A_709, %unpack3A_776 : vector<16xf32>
        %add3A_779 = arith.addf %add3A_677, %mul3A_778 : vector<16xf32>
        %mul3A_780 = arith.mulf %gather3A_709, %unpack3A_777 : vector<16xf32>
        %add3A_781 = arith.addf %add3A_679, %mul3A_780 : vector<16xf32>
        %add3A_782 = arith.constant 5 : i32
        %add3A_783 = arith.addi %mul3A_166, %add3A_782 : i32
        %get3A_784 = arith.index_cast %add3A_783 : i32 to index
        %get3A_785 = arith.constant 96 : index
        %get3A_786 = tpu.vector_load %arg8[%get3A_784, %get3A_785] {strides = array<i32>} : memref<112x128xi32, #tpu.memory_space<vmem>>, vector<16xi32>,
        %bitcast3A_787 = vector.bitcast %get3A_786 : vector<16xi32> to vector<32xbf16>
        %unpack3A_788 = tpu.unpack_subelements %bitcast3A_787, 0 {pack_format = #tpu.pack_format<interleaved>} : vector<32xbf16> -> vector<16xf32>
        %unpack3A_789 = tpu.unpack_subelements %bitcast3A_787, 1 {pack_format = #tpu.pack_format<interleaved>} : vector<32xbf16> -> vector<16xf32>
        %mul3A_790 = arith.mulf %gather3A_709, %unpack3A_788 : vector<16xf32>
        %add3A_791 = arith.addf %add3A_689, %mul3A_790 : vector<16xf32>
        %mul3A_792 = arith.mulf %gather3A_709, %unpack3A_789 : vector<16xf32>
        %add3A_793 = arith.addf %add3A_691, %mul3A_792 : vector<16xf32>
        %add3A_794 = arith.constant 5 : i32
        %add3A_795 = arith.addi %mul3A_166, %add3A_794 : i32
        %get3A_796 = arith.index_cast %add3A_795 : i32 to index
        %get3A_797 = arith.constant 112 : index
        %get3A_798 = tpu.vector_load %arg8[%get3A_796, %get3A_797] {strides = array<i32>} : memref<112x128xi32, #tpu.memory_space<vmem>>, vector<16xi32>,
        %bitcast3A_799 = vector.bitcast %get3A_798 : vector<16xi32> to vector<32xbf16>
        %unpack3A_800 = tpu.unpack_subelements %bitcast3A_799, 0 {pack_format = #tpu.pack_format<interleaved>} : vector<32xbf16> -> vector<16xf32>
        %unpack3A_801 = tpu.unpack_subelements %bitcast3A_799, 1 {pack_format = #tpu.pack_format<interleaved>} : vector<32xbf16> -> vector<16xf32>
        %mul3A_802 = arith.mulf %gather3A_709, %unpack3A_800 : vector<16xf32>
        %add3A_803 = arith.addf %add3A_701, %mul3A_802 : vector<16xf32>
        %mul3A_804 = arith.mulf %gather3A_709, %unpack3A_801 : vector<16xf32>
        %add3A_805 = arith.addf %add3A_703, %mul3A_804 : vector<16xf32>
        %broadcast_in_dim3A_806 = vector.broadcast %select_n3A : i32 to vector<16xi32>
        %add3A_807 = arith.addi %mul3A_78, %mul3A_166 : i32
        %add3A_808 = arith.constant 6 : i32
        %add3A_809 = arith.addi %add3A_807, %add3A_808 : i32
        %broadcast_in_dim3A_810 = vector.broadcast %add3A_809 : i32 to vector<16xi32>
        %gather3A_811 = tpu.vector_load_idx %arg7[%broadcast_in_dim3A_806, %broadcast_in_dim3A_810] : memref<32x784xf32, #tpu.memory_space<vmem>>[vector<16xi32>, vector<16xi32>], vector<16xf32>,
        %add3A_812 = arith.constant 6 : i32
        %add3A_813 = arith.addi %mul3A_166, %add3A_812 : i32
        %get3A_814 = arith.index_cast %add3A_813 : i32 to index
        %get3A_815 = arith.constant 0 : index
        %get3A_816 = tpu.vector_load %arg8[%get3A_814, %get3A_815] {strides = array<i32>} : memref<112x128xi32, #tpu.memory_space<vmem>>, vector<16xi32>,
        %bitcast3A_817 = vector.bitcast %get3A_816 : vector<16xi32> to vector<32xbf16>
        %unpack3A_818 = tpu.unpack_subelements %bitcast3A_817, 0 {pack_format = #tpu.pack_format<interleaved>} : vector<32xbf16> -> vector<16xf32>
        %unpack3A_819 = tpu.unpack_subelements %bitcast3A_817, 1 {pack_format = #tpu.pack_format<interleaved>} : vector<32xbf16> -> vector<16xf32>
        %mul3A_820 = arith.mulf %gather3A_811, %unpack3A_818 : vector<16xf32>
        %add3A_821 = arith.addf %add3A_719, %mul3A_820 : vector<16xf32>
        %mul3A_822 = arith.mulf %gather3A_811, %unpack3A_819 : vector<16xf32>
        %add3A_823 = arith.addf %add3A_721, %mul3A_822 : vector<16xf32>
        %add3A_824 = arith.constant 6 : i32
        %add3A_825 = arith.addi %mul3A_166, %add3A_824 : i32
        %get3A_826 = arith.index_cast %add3A_825 : i32 to index
        %get3A_827 = arith.constant 16 : index
        %get3A_828 = tpu.vector_load %arg8[%get3A_826, %get3A_827] {strides = array<i32>} : memref<112x128xi32, #tpu.memory_space<vmem>>, vector<16xi32>,
        %bitcast3A_829 = vector.bitcast %get3A_828 : vector<16xi32> to vector<32xbf16>
        %unpack3A_830 = tpu.unpack_subelements %bitcast3A_829, 0 {pack_format = #tpu.pack_format<interleaved>} : vector<32xbf16> -> vector<16xf32>
        %unpack3A_831 = tpu.unpack_subelements %bitcast3A_829, 1 {pack_format = #tpu.pack_format<interleaved>} : vector<32xbf16> -> vector<16xf32>
        %mul3A_832 = arith.mulf %gather3A_811, %unpack3A_830 : vector<16xf32>
        %add3A_833 = arith.addf %add3A_731, %mul3A_832 : vector<16xf32>
        %mul3A_834 = arith.mulf %gather3A_811, %unpack3A_831 : vector<16xf32>
        %add3A_835 = arith.addf %add3A_733, %mul3A_834 : vector<16xf32>
        %add3A_836 = arith.constant 6 : i32
        %add3A_837 = arith.addi %mul3A_166, %add3A_836 : i32
        %get3A_838 = arith.index_cast %add3A_837 : i32 to index
        %get3A_839 = arith.constant 32 : index
        %get3A_840 = tpu.vector_load %arg8[%get3A_838, %get3A_839] {strides = array<i32>} : memref<112x128xi32, #tpu.memory_space<vmem>>, vector<16xi32>,
        %bitcast3A_841 = vector.bitcast %get3A_840 : vector<16xi32> to vector<32xbf16>
        %unpack3A_842 = tpu.unpack_subelements %bitcast3A_841, 0 {pack_format = #tpu.pack_format<interleaved>} : vector<32xbf16> -> vector<16xf32>
        %unpack3A_843 = tpu.unpack_subelements %bitcast3A_841, 1 {pack_format = #tpu.pack_format<interleaved>} : vector<32xbf16> -> vector<16xf32>
        %mul3A_844 = arith.mulf %gather3A_811, %unpack3A_842 : vector<16xf32>
        %add3A_845 = arith.addf %add3A_743, %mul3A_844 : vector<16xf32>
        %mul3A_846 = arith.mulf %gather3A_811, %unpack3A_843 : vector<16xf32>
        %add3A_847 = arith.addf %add3A_745, %mul3A_846 : vector<16xf32>
        %add3A_848 = arith.constant 6 : i32
        %add3A_849 = arith.addi %mul3A_166, %add3A_848 : i32
        %get3A_850 = arith.index_cast %add3A_849 : i32 to index
        %get3A_851 = arith.constant 48 : index
        %get3A_852 = tpu.vector_load %arg8[%get3A_850, %get3A_851] {strides = array<i32>} : memref<112x128xi32, #tpu.memory_space<vmem>>, vector<16xi32>,
        %bitcast3A_853 = vector.bitcast %get3A_852 : vector<16xi32> to vector<32xbf16>
        %unpack3A_854 = tpu.unpack_subelements %bitcast3A_853, 0 {pack_format = #tpu.pack_format<interleaved>} : vector<32xbf16> -> vector<16xf32>
        %unpack3A_855 = tpu.unpack_subelements %bitcast3A_853, 1 {pack_format = #tpu.pack_format<interleaved>} : vector<32xbf16> -> vector<16xf32>
        %mul3A_856 = arith.mulf %gather3A_811, %unpack3A_854 : vector<16xf32>
        %add3A_857 = arith.addf %add3A_755, %mul3A_856 : vector<16xf32>
        %mul3A_858 = arith.mulf %gather3A_811, %unpack3A_855 : vector<16xf32>
        %add3A_859 = arith.addf %add3A_757, %mul3A_858 : vector<16xf32>
        %add3A_860 = arith.constant 6 : i32
        %add3A_861 = arith.addi %mul3A_166, %add3A_860 : i32
        %get3A_862 = arith.index_cast %add3A_861 : i32 to index
        %get3A_863 = arith.constant 64 : index
        %get3A_864 = tpu.vector_load %arg8[%get3A_862, %get3A_863] {strides = array<i32>} : memref<112x128xi32, #tpu.memory_space<vmem>>, vector<16xi32>,
        %bitcast3A_865 = vector.bitcast %get3A_864 : vector<16xi32> to vector<32xbf16>
        %unpack3A_866 = tpu.unpack_subelements %bitcast3A_865, 0 {pack_format = #tpu.pack_format<interleaved>} : vector<32xbf16> -> vector<16xf32>
        %unpack3A_867 = tpu.unpack_subelements %bitcast3A_865, 1 {pack_format = #tpu.pack_format<interleaved>} : vector<32xbf16> -> vector<16xf32>
        %mul3A_868 = arith.mulf %gather3A_811, %unpack3A_866 : vector<16xf32>
        %add3A_869 = arith.addf %add3A_767, %mul3A_868 : vector<16xf32>
        %mul3A_870 = arith.mulf %gather3A_811, %unpack3A_867 : vector<16xf32>
        %add3A_871 = arith.addf %add3A_769, %mul3A_870 : vector<16xf32>
        %add3A_872 = arith.constant 6 : i32
        %add3A_873 = arith.addi %mul3A_166, %add3A_872 : i32
        %get3A_874 = arith.index_cast %add3A_873 : i32 to index
        %get3A_875 = arith.constant 80 : index
        %get3A_876 = tpu.vector_load %arg8[%get3A_874, %get3A_875] {strides = array<i32>} : memref<112x128xi32, #tpu.memory_space<vmem>>, vector<16xi32>,
        %bitcast3A_877 = vector.bitcast %get3A_876 : vector<16xi32> to vector<32xbf16>
        %unpack3A_878 = tpu.unpack_subelements %bitcast3A_877, 0 {pack_format = #tpu.pack_format<interleaved>} : vector<32xbf16> -> vector<16xf32>
        %unpack3A_879 = tpu.unpack_subelements %bitcast3A_877, 1 {pack_format = #tpu.pack_format<interleaved>} : vector<32xbf16> -> vector<16xf32>
        %mul3A_880 = arith.mulf %gather3A_811, %unpack3A_878 : vector<16xf32>
        %add3A_881 = arith.addf %add3A_779, %mul3A_880 : vector<16xf32>
        %mul3A_882 = arith.mulf %gather3A_811, %unpack3A_879 : vector<16xf32>
        %add3A_883 = arith.addf %add3A_781, %mul3A_882 : vector<16xf32>
        %add3A_884 = arith.constant 6 : i32
        %add3A_885 = arith.addi %mul3A_166, %add3A_884 : i32
        %get3A_886 = arith.index_cast %add3A_885 : i32 to index
        %get3A_887 = arith.constant 96 : index
        %get3A_888 = tpu.vector_load %arg8[%get3A_886, %get3A_887] {strides = array<i32>} : memref<112x128xi32, #tpu.memory_space<vmem>>, vector<16xi32>,
        %bitcast3A_889 = vector.bitcast %get3A_888 : vector<16xi32> to vector<32xbf16>
        %unpack3A_890 = tpu.unpack_subelements %bitcast3A_889, 0 {pack_format = #tpu.pack_format<interleaved>} : vector<32xbf16> -> vector<16xf32>
        %unpack3A_891 = tpu.unpack_subelements %bitcast3A_889, 1 {pack_format = #tpu.pack_format<interleaved>} : vector<32xbf16> -> vector<16xf32>
        %mul3A_892 = arith.mulf %gather3A_811, %unpack3A_890 : vector<16xf32>
        %add3A_893 = arith.addf %add3A_791, %mul3A_892 : vector<16xf32>
        %mul3A_894 = arith.mulf %gather3A_811, %unpack3A_891 : vector<16xf32>
        %add3A_895 = arith.addf %add3A_793, %mul3A_894 : vector<16xf32>
        %add3A_896 = arith.constant 6 : i32
        %add3A_897 = arith.addi %mul3A_166, %add3A_896 : i32
        %get3A_898 = arith.index_cast %add3A_897 : i32 to index
        %get3A_899 = arith.constant 112 : index
        %get3A_900 = tpu.vector_load %arg8[%get3A_898, %get3A_899] {strides = array<i32>} : memref<112x128xi32, #tpu.memory_space<vmem>>, vector<16xi32>,
        %bitcast3A_901 = vector.bitcast %get3A_900 : vector<16xi32> to vector<32xbf16>
        %unpack3A_902 = tpu.unpack_subelements %bitcast3A_901, 0 {pack_format = #tpu.pack_format<interleaved>} : vector<32xbf16> -> vector<16xf32>
        %unpack3A_903 = tpu.unpack_subelements %bitcast3A_901, 1 {pack_format = #tpu.pack_format<interleaved>} : vector<32xbf16> -> vector<16xf32>
        %mul3A_904 = arith.mulf %gather3A_811, %unpack3A_902 : vector<16xf32>
        %add3A_905 = arith.addf %add3A_803, %mul3A_904 : vector<16xf32>
        %mul3A_906 = arith.mulf %gather3A_811, %unpack3A_903 : vector<16xf32>
        %add3A_907 = arith.addf %add3A_805, %mul3A_906 : vector<16xf32>
        %broadcast_in_dim3A_908 = vector.broadcast %select_n3A : i32 to vector<16xi32>
        %add3A_909 = arith.addi %mul3A_78, %mul3A_166 : i32
        %add3A_910 = arith.constant 7 : i32
        %add3A_911 = arith.addi %add3A_909, %add3A_910 : i32
        %broadcast_in_dim3A_912 = vector.broadcast %add3A_911 : i32 to vector<16xi32>
        %gather3A_913 = tpu.vector_load_idx %arg7[%broadcast_in_dim3A_908, %broadcast_in_dim3A_912] : memref<32x784xf32, #tpu.memory_space<vmem>>[vector<16xi32>, vector<16xi32>], vector<16xf32>,
        %add3A_914 = arith.constant 7 : i32
        %add3A_915 = arith.addi %mul3A_166, %add3A_914 : i32
        %get3A_916 = arith.index_cast %add3A_915 : i32 to index
        %get3A_917 = arith.constant 0 : index
        %get3A_918 = tpu.vector_load %arg8[%get3A_916, %get3A_917] {strides = array<i32>} : memref<112x128xi32, #tpu.memory_space<vmem>>, vector<16xi32>,
        %bitcast3A_919 = vector.bitcast %get3A_918 : vector<16xi32> to vector<32xbf16>
        %unpack3A_920 = tpu.unpack_subelements %bitcast3A_919, 0 {pack_format = #tpu.pack_format<interleaved>} : vector<32xbf16> -> vector<16xf32>
        %unpack3A_921 = tpu.unpack_subelements %bitcast3A_919, 1 {pack_format = #tpu.pack_format<interleaved>} : vector<32xbf16> -> vector<16xf32>
        %mul3A_922 = arith.mulf %gather3A_913, %unpack3A_920 : vector<16xf32>
        %add3A_923 = arith.addf %add3A_821, %mul3A_922 : vector<16xf32>
        %mul3A_924 = arith.mulf %gather3A_913, %unpack3A_921 : vector<16xf32>
        %add3A_925 = arith.addf %add3A_823, %mul3A_924 : vector<16xf32>
        %add3A_926 = arith.constant 7 : i32
        %add3A_927 = arith.addi %mul3A_166, %add3A_926 : i32
        %get3A_928 = arith.index_cast %add3A_927 : i32 to index
        %get3A_929 = arith.constant 16 : index
        %get3A_930 = tpu.vector_load %arg8[%get3A_928, %get3A_929] {strides = array<i32>} : memref<112x128xi32, #tpu.memory_space<vmem>>, vector<16xi32>,
        %bitcast3A_931 = vector.bitcast %get3A_930 : vector<16xi32> to vector<32xbf16>
        %unpack3A_932 = tpu.unpack_subelements %bitcast3A_931, 0 {pack_format = #tpu.pack_format<interleaved>} : vector<32xbf16> -> vector<16xf32>
        %unpack3A_933 = tpu.unpack_subelements %bitcast3A_931, 1 {pack_format = #tpu.pack_format<interleaved>} : vector<32xbf16> -> vector<16xf32>
        %mul3A_934 = arith.mulf %gather3A_913, %unpack3A_932 : vector<16xf32>
        %add3A_935 = arith.addf %add3A_833, %mul3A_934 : vector<16xf32>
        %mul3A_936 = arith.mulf %gather3A_913, %unpack3A_933 : vector<16xf32>
        %add3A_937 = arith.addf %add3A_835, %mul3A_936 : vector<16xf32>
        %add3A_938 = arith.constant 7 : i32
        %add3A_939 = arith.addi %mul3A_166, %add3A_938 : i32
        %get3A_940 = arith.index_cast %add3A_939 : i32 to index
        %get3A_941 = arith.constant 32 : index
        %get3A_942 = tpu.vector_load %arg8[%get3A_940, %get3A_941] {strides = array<i32>} : memref<112x128xi32, #tpu.memory_space<vmem>>, vector<16xi32>,
        %bitcast3A_943 = vector.bitcast %get3A_942 : vector<16xi32> to vector<32xbf16>
        %unpack3A_944 = tpu.unpack_subelements %bitcast3A_943, 0 {pack_format = #tpu.pack_format<interleaved>} : vector<32xbf16> -> vector<16xf32>
        %unpack3A_945 = tpu.unpack_subelements %bitcast3A_943, 1 {pack_format = #tpu.pack_format<interleaved>} : vector<32xbf16> -> vector<16xf32>
        %mul3A_946 = arith.mulf %gather3A_913, %unpack3A_944 : vector<16xf32>
        %add3A_947 = arith.addf %add3A_845, %mul3A_946 : vector<16xf32>
        %mul3A_948 = arith.mulf %gather3A_913, %unpack3A_945 : vector<16xf32>
        %add3A_949 = arith.addf %add3A_847, %mul3A_948 : vector<16xf32>
        %add3A_950 = arith.constant 7 : i32
        %add3A_951 = arith.addi %mul3A_166, %add3A_950 : i32
        %get3A_952 = arith.index_cast %add3A_951 : i32 to index
        %get3A_953 = arith.constant 48 : index
        %get3A_954 = tpu.vector_load %arg8[%get3A_952, %get3A_953] {strides = array<i32>} : memref<112x128xi32, #tpu.memory_space<vmem>>, vector<16xi32>,
        %bitcast3A_955 = vector.bitcast %get3A_954 : vector<16xi32> to vector<32xbf16>
        %unpack3A_956 = tpu.unpack_subelements %bitcast3A_955, 0 {pack_format = #tpu.pack_format<interleaved>} : vector<32xbf16> -> vector<16xf32>
        %unpack3A_957 = tpu.unpack_subelements %bitcast3A_955, 1 {pack_format = #tpu.pack_format<interleaved>} : vector<32xbf16> -> vector<16xf32>
        %mul3A_958 = arith.mulf %gather3A_913, %unpack3A_956 : vector<16xf32>
        %add3A_959 = arith.addf %add3A_857, %mul3A_958 : vector<16xf32>
        %mul3A_960 = arith.mulf %gather3A_913, %unpack3A_957 : vector<16xf32>
        %add3A_961 = arith.addf %add3A_859, %mul3A_960 : vector<16xf32>
        %add3A_962 = arith.constant 7 : i32
        %add3A_963 = arith.addi %mul3A_166, %add3A_962 : i32
        %get3A_964 = arith.index_cast %add3A_963 : i32 to index
        %get3A_965 = arith.constant 64 : index
        %get3A_966 = tpu.vector_load %arg8[%get3A_964, %get3A_965] {strides = array<i32>} : memref<112x128xi32, #tpu.memory_space<vmem>>, vector<16xi32>,
        %bitcast3A_967 = vector.bitcast %get3A_966 : vector<16xi32> to vector<32xbf16>
        %unpack3A_968 = tpu.unpack_subelements %bitcast3A_967, 0 {pack_format = #tpu.pack_format<interleaved>} : vector<32xbf16> -> vector<16xf32>
        %unpack3A_969 = tpu.unpack_subelements %bitcast3A_967, 1 {pack_format = #tpu.pack_format<interleaved>} : vector<32xbf16> -> vector<16xf32>
        %mul3A_970 = arith.mulf %gather3A_913, %unpack3A_968 : vector<16xf32>
        %add3A_971 = arith.addf %add3A_869, %mul3A_970 : vector<16xf32>
        %mul3A_972 = arith.mulf %gather3A_913, %unpack3A_969 : vector<16xf32>
        %add3A_973 = arith.addf %add3A_871, %mul3A_972 : vector<16xf32>
        %add3A_974 = arith.constant 7 : i32
        %add3A_975 = arith.addi %mul3A_166, %add3A_974 : i32
        %get3A_976 = arith.index_cast %add3A_975 : i32 to index
        %get3A_977 = arith.constant 80 : index
        %get3A_978 = tpu.vector_load %arg8[%get3A_976, %get3A_977] {strides = array<i32>} : memref<112x128xi32, #tpu.memory_space<vmem>>, vector<16xi32>,
        %bitcast3A_979 = vector.bitcast %get3A_978 : vector<16xi32> to vector<32xbf16>
        %unpack3A_980 = tpu.unpack_subelements %bitcast3A_979, 0 {pack_format = #tpu.pack_format<interleaved>} : vector<32xbf16> -> vector<16xf32>
        %unpack3A_981 = tpu.unpack_subelements %bitcast3A_979, 1 {pack_format = #tpu.pack_format<interleaved>} : vector<32xbf16> -> vector<16xf32>
        %mul3A_982 = arith.mulf %gather3A_913, %unpack3A_980 : vector<16xf32>
        %add3A_983 = arith.addf %add3A_881, %mul3A_982 : vector<16xf32>
        %mul3A_984 = arith.mulf %gather3A_913, %unpack3A_981 : vector<16xf32>
        %add3A_985 = arith.addf %add3A_883, %mul3A_984 : vector<16xf32>
        %add3A_986 = arith.constant 7 : i32
        %add3A_987 = arith.addi %mul3A_166, %add3A_986 : i32
        %get3A_988 = arith.index_cast %add3A_987 : i32 to index
        %get3A_989 = arith.constant 96 : index
        %get3A_990 = tpu.vector_load %arg8[%get3A_988, %get3A_989] {strides = array<i32>} : memref<112x128xi32, #tpu.memory_space<vmem>>, vector<16xi32>,
        %bitcast3A_991 = vector.bitcast %get3A_990 : vector<16xi32> to vector<32xbf16>
        %unpack3A_992 = tpu.unpack_subelements %bitcast3A_991, 0 {pack_format = #tpu.pack_format<interleaved>} : vector<32xbf16> -> vector<16xf32>
        %unpack3A_993 = tpu.unpack_subelements %bitcast3A_991, 1 {pack_format = #tpu.pack_format<interleaved>} : vector<32xbf16> -> vector<16xf32>
        %mul3A_994 = arith.mulf %gather3A_913, %unpack3A_992 : vector<16xf32>
        %add3A_995 = arith.addf %add3A_893, %mul3A_994 : vector<16xf32>
        %mul3A_996 = arith.mulf %gather3A_913, %unpack3A_993 : vector<16xf32>
        %add3A_997 = arith.addf %add3A_895, %mul3A_996 : vector<16xf32>
        %add3A_998 = arith.constant 7 : i32
        %add3A_999 = arith.addi %mul3A_166, %add3A_998 : i32
        %get3A_1000 = arith.index_cast %add3A_999 : i32 to index
        %get3A_1001 = arith.constant 112 : index
        %get3A_1002 = tpu.vector_load %arg8[%get3A_1000, %get3A_1001] {strides = array<i32>} : memref<112x128xi32, #tpu.memory_space<vmem>>, vector<16xi32>,
        %bitcast3A_1003 = vector.bitcast %get3A_1002 : vector<16xi32> to vector<32xbf16>
        %unpack3A_1004 = tpu.unpack_subelements %bitcast3A_1003, 0 {pack_format = #tpu.pack_format<interleaved>} : vector<32xbf16> -> vector<16xf32>
        %unpack3A_1005 = tpu.unpack_subelements %bitcast3A_1003, 1 {pack_format = #tpu.pack_format<interleaved>} : vector<32xbf16> -> vector<16xf32>
        %mul3A_1006 = arith.mulf %gather3A_913, %unpack3A_1004 : vector<16xf32>
        %add3A_1007 = arith.addf %add3A_905, %mul3A_1006 : vector<16xf32>
        %mul3A_1008 = arith.mulf %gather3A_913, %unpack3A_1005 : vector<16xf32>
        %add3A_1009 = arith.addf %add3A_907, %mul3A_1008 : vector<16xf32>
        %broadcast_in_dim3A_1010 = vector.broadcast %select_n3A : i32 to vector<16xi32>
        %add3A_1011 = arith.addi %mul3A_78, %mul3A_166 : i32
        %add3A_1012 = arith.constant 8 : i32
        %add3A_1013 = arith.addi %add3A_1011, %add3A_1012 : i32
        %broadcast_in_dim3A_1014 = vector.broadcast %add3A_1013 : i32 to vector<16xi32>
        %gather3A_1015 = tpu.vector_load_idx %arg7[%broadcast_in_dim3A_1010, %broadcast_in_dim3A_1014] : memref<32x784xf32, #tpu.memory_space<vmem>>[vector<16xi32>, vector<16xi32>], vector<16xf32>,
        %add3A_1016 = arith.constant 8 : i32
        %add3A_1017 = arith.addi %mul3A_166, %add3A_1016 : i32
        %get3A_1018 = arith.index_cast %add3A_1017 : i32 to index
        %get3A_1019 = arith.constant 0 : index
        %get3A_1020 = tpu.vector_load %arg8[%get3A_1018, %get3A_1019] {strides = array<i32>} : memref<112x128xi32, #tpu.memory_space<vmem>>, vector<16xi32>,
        %bitcast3A_1021 = vector.bitcast %get3A_1020 : vector<16xi32> to vector<32xbf16>
        %unpack3A_1022 = tpu.unpack_subelements %bitcast3A_1021, 0 {pack_format = #tpu.pack_format<interleaved>} : vector<32xbf16> -> vector<16xf32>
        %unpack3A_1023 = tpu.unpack_subelements %bitcast3A_1021, 1 {pack_format = #tpu.pack_format<interleaved>} : vector<32xbf16> -> vector<16xf32>
        %mul3A_1024 = arith.mulf %gather3A_1015, %unpack3A_1022 : vector<16xf32>
        %add3A_1025 = arith.addf %add3A_923, %mul3A_1024 : vector<16xf32>
        %mul3A_1026 = arith.mulf %gather3A_1015, %unpack3A_1023 : vector<16xf32>
        %add3A_1027 = arith.addf %add3A_925, %mul3A_1026 : vector<16xf32>
        %add3A_1028 = arith.constant 8 : i32
        %add3A_1029 = arith.addi %mul3A_166, %add3A_1028 : i32
        %get3A_1030 = arith.index_cast %add3A_1029 : i32 to index
        %get3A_1031 = arith.constant 16 : index
        %get3A_1032 = tpu.vector_load %arg8[%get3A_1030, %get3A_1031] {strides = array<i32>} : memref<112x128xi32, #tpu.memory_space<vmem>>, vector<16xi32>,
        %bitcast3A_1033 = vector.bitcast %get3A_1032 : vector<16xi32> to vector<32xbf16>
        %unpack3A_1034 = tpu.unpack_subelements %bitcast3A_1033, 0 {pack_format = #tpu.pack_format<interleaved>} : vector<32xbf16> -> vector<16xf32>
        %unpack3A_1035 = tpu.unpack_subelements %bitcast3A_1033, 1 {pack_format = #tpu.pack_format<interleaved>} : vector<32xbf16> -> vector<16xf32>
        %mul3A_1036 = arith.mulf %gather3A_1015, %unpack3A_1034 : vector<16xf32>
        %add3A_1037 = arith.addf %add3A_935, %mul3A_1036 : vector<16xf32>
        %mul3A_1038 = arith.mulf %gather3A_1015, %unpack3A_1035 : vector<16xf32>
        %add3A_1039 = arith.addf %add3A_937, %mul3A_1038 : vector<16xf32>
        %add3A_1040 = arith.constant 8 : i32
        %add3A_1041 = arith.addi %mul3A_166, %add3A_1040 : i32
        %get3A_1042 = arith.index_cast %add3A_1041 : i32 to index
        %get3A_1043 = arith.constant 32 : index
        %get3A_1044 = tpu.vector_load %arg8[%get3A_1042, %get3A_1043] {strides = array<i32>} : memref<112x128xi32, #tpu.memory_space<vmem>>, vector<16xi32>,
        %bitcast3A_1045 = vector.bitcast %get3A_1044 : vector<16xi32> to vector<32xbf16>
        %unpack3A_1046 = tpu.unpack_subelements %bitcast3A_1045, 0 {pack_format = #tpu.pack_format<interleaved>} : vector<32xbf16> -> vector<16xf32>
        %unpack3A_1047 = tpu.unpack_subelements %bitcast3A_1045, 1 {pack_format = #tpu.pack_format<interleaved>} : vector<32xbf16> -> vector<16xf32>
        %mul3A_1048 = arith.mulf %gather3A_1015, %unpack3A_1046 : vector<16xf32>
        %add3A_1049 = arith.addf %add3A_947, %mul3A_1048 : vector<16xf32>
        %mul3A_1050 = arith.mulf %gather3A_1015, %unpack3A_1047 : vector<16xf32>
        %add3A_1051 = arith.addf %add3A_949, %mul3A_1050 : vector<16xf32>
        %add3A_1052 = arith.constant 8 : i32
        %add3A_1053 = arith.addi %mul3A_166, %add3A_1052 : i32
        %get3A_1054 = arith.index_cast %add3A_1053 : i32 to index
        %get3A_1055 = arith.constant 48 : index
        %get3A_1056 = tpu.vector_load %arg8[%get3A_1054, %get3A_1055] {strides = array<i32>} : memref<112x128xi32, #tpu.memory_space<vmem>>, vector<16xi32>,
        %bitcast3A_1057 = vector.bitcast %get3A_1056 : vector<16xi32> to vector<32xbf16>
        %unpack3A_1058 = tpu.unpack_subelements %bitcast3A_1057, 0 {pack_format = #tpu.pack_format<interleaved>} : vector<32xbf16> -> vector<16xf32>
        %unpack3A_1059 = tpu.unpack_subelements %bitcast3A_1057, 1 {pack_format = #tpu.pack_format<interleaved>} : vector<32xbf16> -> vector<16xf32>
        %mul3A_1060 = arith.mulf %gather3A_1015, %unpack3A_1058 : vector<16xf32>
        %add3A_1061 = arith.addf %add3A_959, %mul3A_1060 : vector<16xf32>
        %mul3A_1062 = arith.mulf %gather3A_1015, %unpack3A_1059 : vector<16xf32>
        %add3A_1063 = arith.addf %add3A_961, %mul3A_1062 : vector<16xf32>
        %add3A_1064 = arith.constant 8 : i32
        %add3A_1065 = arith.addi %mul3A_166, %add3A_1064 : i32
        %get3A_1066 = arith.index_cast %add3A_1065 : i32 to index
        %get3A_1067 = arith.constant 64 : index
        %get3A_1068 = tpu.vector_load %arg8[%get3A_1066, %get3A_1067] {strides = array<i32>} : memref<112x128xi32, #tpu.memory_space<vmem>>, vector<16xi32>,
        %bitcast3A_1069 = vector.bitcast %get3A_1068 : vector<16xi32> to vector<32xbf16>
        %unpack3A_1070 = tpu.unpack_subelements %bitcast3A_1069, 0 {pack_format = #tpu.pack_format<interleaved>} : vector<32xbf16> -> vector<16xf32>
        %unpack3A_1071 = tpu.unpack_subelements %bitcast3A_1069, 1 {pack_format = #tpu.pack_format<interleaved>} : vector<32xbf16> -> vector<16xf32>
        %mul3A_1072 = arith.mulf %gather3A_1015, %unpack3A_1070 : vector<16xf32>
        %add3A_1073 = arith.addf %add3A_971, %mul3A_1072 : vector<16xf32>
        %mul3A_1074 = arith.mulf %gather3A_1015, %unpack3A_1071 : vector<16xf32>
        %add3A_1075 = arith.addf %add3A_973, %mul3A_1074 : vector<16xf32>
        %add3A_1076 = arith.constant 8 : i32
        %add3A_1077 = arith.addi %mul3A_166, %add3A_1076 : i32
        %get3A_1078 = arith.index_cast %add3A_1077 : i32 to index
        %get3A_1079 = arith.constant 80 : index
        %get3A_1080 = tpu.vector_load %arg8[%get3A_1078, %get3A_1079] {strides = array<i32>} : memref<112x128xi32, #tpu.memory_space<vmem>>, vector<16xi32>,
        %bitcast3A_1081 = vector.bitcast %get3A_1080 : vector<16xi32> to vector<32xbf16>
        %unpack3A_1082 = tpu.unpack_subelements %bitcast3A_1081, 0 {pack_format = #tpu.pack_format<interleaved>} : vector<32xbf16> -> vector<16xf32>
        %unpack3A_1083 = tpu.unpack_subelements %bitcast3A_1081, 1 {pack_format = #tpu.pack_format<interleaved>} : vector<32xbf16> -> vector<16xf32>
        %mul3A_1084 = arith.mulf %gather3A_1015, %unpack3A_1082 : vector<16xf32>
        %add3A_1085 = arith.addf %add3A_983, %mul3A_1084 : vector<16xf32>
        %mul3A_1086 = arith.mulf %gather3A_1015, %unpack3A_1083 : vector<16xf32>
        %add3A_1087 = arith.addf %add3A_985, %mul3A_1086 : vector<16xf32>
        %add3A_1088 = arith.constant 8 : i32
        %add3A_1089 = arith.addi %mul3A_166, %add3A_1088 : i32
        %get3A_1090 = arith.index_cast %add3A_1089 : i32 to index
        %get3A_1091 = arith.constant 96 : index
        %get3A_1092 = tpu.vector_load %arg8[%get3A_1090, %get3A_1091] {strides = array<i32>} : memref<112x128xi32, #tpu.memory_space<vmem>>, vector<16xi32>,
        %bitcast3A_1093 = vector.bitcast %get3A_1092 : vector<16xi32> to vector<32xbf16>
        %unpack3A_1094 = tpu.unpack_subelements %bitcast3A_1093, 0 {pack_format = #tpu.pack_format<interleaved>} : vector<32xbf16> -> vector<16xf32>
        %unpack3A_1095 = tpu.unpack_subelements %bitcast3A_1093, 1 {pack_format = #tpu.pack_format<interleaved>} : vector<32xbf16> -> vector<16xf32>
        %mul3A_1096 = arith.mulf %gather3A_1015, %unpack3A_1094 : vector<16xf32>
        %add3A_1097 = arith.addf %add3A_995, %mul3A_1096 : vector<16xf32>
        %mul3A_1098 = arith.mulf %gather3A_1015, %unpack3A_1095 : vector<16xf32>
        %add3A_1099 = arith.addf %add3A_997, %mul3A_1098 : vector<16xf32>
        %add3A_1100 = arith.constant 8 : i32
        %add3A_1101 = arith.addi %mul3A_166, %add3A_1100 : i32
        %get3A_1102 = arith.index_cast %add3A_1101 : i32 to index
        %get3A_1103 = arith.constant 112 : index
        %get3A_1104 = tpu.vector_load %arg8[%get3A_1102, %get3A_1103] {strides = array<i32>} : memref<112x128xi32, #tpu.memory_space<vmem>>, vector<16xi32>,
        %bitcast3A_1105 = vector.bitcast %get3A_1104 : vector<16xi32> to vector<32xbf16>
        %unpack3A_1106 = tpu.unpack_subelements %bitcast3A_1105, 0 {pack_format = #tpu.pack_format<interleaved>} : vector<32xbf16> -> vector<16xf32>
        %unpack3A_1107 = tpu.unpack_subelements %bitcast3A_1105, 1 {pack_format = #tpu.pack_format<interleaved>} : vector<32xbf16> -> vector<16xf32>
        %mul3A_1108 = arith.mulf %gather3A_1015, %unpack3A_1106 : vector<16xf32>
        %add3A_1109 = arith.addf %add3A_1007, %mul3A_1108 : vector<16xf32>
        %mul3A_1110 = arith.mulf %gather3A_1015, %unpack3A_1107 : vector<16xf32>
        %add3A_1111 = arith.addf %add3A_1009, %mul3A_1110 : vector<16xf32>
        %broadcast_in_dim3A_1112 = vector.broadcast %select_n3A : i32 to vector<16xi32>
        %add3A_1113 = arith.addi %mul3A_78, %mul3A_166 : i32
        %add3A_1114 = arith.constant 9 : i32
        %add3A_1115 = arith.addi %add3A_1113, %add3A_1114 : i32
        %broadcast_in_dim3A_1116 = vector.broadcast %add3A_1115 : i32 to vector<16xi32>
        %gather3A_1117 = tpu.vector_load_idx %arg7[%broadcast_in_dim3A_1112, %broadcast_in_dim3A_1116] : memref<32x784xf32, #tpu.memory_space<vmem>>[vector<16xi32>, vector<16xi32>], vector<16xf32>,
        %add3A_1118 = arith.constant 9 : i32
        %add3A_1119 = arith.addi %mul3A_166, %add3A_1118 : i32
        %get3A_1120 = arith.index_cast %add3A_1119 : i32 to index
        %get3A_1121 = arith.constant 0 : index
        %get3A_1122 = tpu.vector_load %arg8[%get3A_1120, %get3A_1121] {strides = array<i32>} : memref<112x128xi32, #tpu.memory_space<vmem>>, vector<16xi32>,
        %bitcast3A_1123 = vector.bitcast %get3A_1122 : vector<16xi32> to vector<32xbf16>
        %unpack3A_1124 = tpu.unpack_subelements %bitcast3A_1123, 0 {pack_format = #tpu.pack_format<interleaved>} : vector<32xbf16> -> vector<16xf32>
        %unpack3A_1125 = tpu.unpack_subelements %bitcast3A_1123, 1 {pack_format = #tpu.pack_format<interleaved>} : vector<32xbf16> -> vector<16xf32>
        %mul3A_1126 = arith.mulf %gather3A_1117, %unpack3A_1124 : vector<16xf32>
        %add3A_1127 = arith.addf %add3A_1025, %mul3A_1126 : vector<16xf32>
        %mul3A_1128 = arith.mulf %gather3A_1117, %unpack3A_1125 : vector<16xf32>
        %add3A_1129 = arith.addf %add3A_1027, %mul3A_1128 : vector<16xf32>
        %add3A_1130 = arith.constant 9 : i32
        %add3A_1131 = arith.addi %mul3A_166, %add3A_1130 : i32
        %get3A_1132 = arith.index_cast %add3A_1131 : i32 to index
        %get3A_1133 = arith.constant 16 : index
        %get3A_1134 = tpu.vector_load %arg8[%get3A_1132, %get3A_1133] {strides = array<i32>} : memref<112x128xi32, #tpu.memory_space<vmem>>, vector<16xi32>,
        %bitcast3A_1135 = vector.bitcast %get3A_1134 : vector<16xi32> to vector<32xbf16>
        %unpack3A_1136 = tpu.unpack_subelements %bitcast3A_1135, 0 {pack_format = #tpu.pack_format<interleaved>} : vector<32xbf16> -> vector<16xf32>
        %unpack3A_1137 = tpu.unpack_subelements %bitcast3A_1135, 1 {pack_format = #tpu.pack_format<interleaved>} : vector<32xbf16> -> vector<16xf32>
        %mul3A_1138 = arith.mulf %gather3A_1117, %unpack3A_1136 : vector<16xf32>
        %add3A_1139 = arith.addf %add3A_1037, %mul3A_1138 : vector<16xf32>
        %mul3A_1140 = arith.mulf %gather3A_1117, %unpack3A_1137 : vector<16xf32>
        %add3A_1141 = arith.addf %add3A_1039, %mul3A_1140 : vector<16xf32>
        %add3A_1142 = arith.constant 9 : i32
        %add3A_1143 = arith.addi %mul3A_166, %add3A_1142 : i32
        %get3A_1144 = arith.index_cast %add3A_1143 : i32 to index
        %get3A_1145 = arith.constant 32 : index
        %get3A_1146 = tpu.vector_load %arg8[%get3A_1144, %get3A_1145] {strides = array<i32>} : memref<112x128xi32, #tpu.memory_space<vmem>>, vector<16xi32>,
        %bitcast3A_1147 = vector.bitcast %get3A_1146 : vector<16xi32> to vector<32xbf16>
        %unpack3A_1148 = tpu.unpack_subelements %bitcast3A_1147, 0 {pack_format = #tpu.pack_format<interleaved>} : vector<32xbf16> -> vector<16xf32>
        %unpack3A_1149 = tpu.unpack_subelements %bitcast3A_1147, 1 {pack_format = #tpu.pack_format<interleaved>} : vector<32xbf16> -> vector<16xf32>
        %mul3A_1150 = arith.mulf %gather3A_1117, %unpack3A_1148 : vector<16xf32>
        %add3A_1151 = arith.addf %add3A_1049, %mul3A_1150 : vector<16xf32>
        %mul3A_1152 = arith.mulf %gather3A_1117, %unpack3A_1149 : vector<16xf32>
        %add3A_1153 = arith.addf %add3A_1051, %mul3A_1152 : vector<16xf32>
        %add3A_1154 = arith.constant 9 : i32
        %add3A_1155 = arith.addi %mul3A_166, %add3A_1154 : i32
        %get3A_1156 = arith.index_cast %add3A_1155 : i32 to index
        %get3A_1157 = arith.constant 48 : index
        %get3A_1158 = tpu.vector_load %arg8[%get3A_1156, %get3A_1157] {strides = array<i32>} : memref<112x128xi32, #tpu.memory_space<vmem>>, vector<16xi32>,
        %bitcast3A_1159 = vector.bitcast %get3A_1158 : vector<16xi32> to vector<32xbf16>
        %unpack3A_1160 = tpu.unpack_subelements %bitcast3A_1159, 0 {pack_format = #tpu.pack_format<interleaved>} : vector<32xbf16> -> vector<16xf32>
        %unpack3A_1161 = tpu.unpack_subelements %bitcast3A_1159, 1 {pack_format = #tpu.pack_format<interleaved>} : vector<32xbf16> -> vector<16xf32>
        %mul3A_1162 = arith.mulf %gather3A_1117, %unpack3A_1160 : vector<16xf32>
        %add3A_1163 = arith.addf %add3A_1061, %mul3A_1162 : vector<16xf32>
        %mul3A_1164 = arith.mulf %gather3A_1117, %unpack3A_1161 : vector<16xf32>
        %add3A_1165 = arith.addf %add3A_1063, %mul3A_1164 : vector<16xf32>
        %add3A_1166 = arith.constant 9 : i32
        %add3A_1167 = arith.addi %mul3A_166, %add3A_1166 : i32
        %get3A_1168 = arith.index_cast %add3A_1167 : i32 to index
        %get3A_1169 = arith.constant 64 : index
        %get3A_1170 = tpu.vector_load %arg8[%get3A_1168, %get3A_1169] {strides = array<i32>} : memref<112x128xi32, #tpu.memory_space<vmem>>, vector<16xi32>,
        %bitcast3A_1171 = vector.bitcast %get3A_1170 : vector<16xi32> to vector<32xbf16>
        %unpack3A_1172 = tpu.unpack_subelements %bitcast3A_1171, 0 {pack_format = #tpu.pack_format<interleaved>} : vector<32xbf16> -> vector<16xf32>
        %unpack3A_1173 = tpu.unpack_subelements %bitcast3A_1171, 1 {pack_format = #tpu.pack_format<interleaved>} : vector<32xbf16> -> vector<16xf32>
        %mul3A_1174 = arith.mulf %gather3A_1117, %unpack3A_1172 : vector<16xf32>
        %add3A_1175 = arith.addf %add3A_1073, %mul3A_1174 : vector<16xf32>
        %mul3A_1176 = arith.mulf %gather3A_1117, %unpack3A_1173 : vector<16xf32>
        %add3A_1177 = arith.addf %add3A_1075, %mul3A_1176 : vector<16xf32>
        %add3A_1178 = arith.constant 9 : i32
        %add3A_1179 = arith.addi %mul3A_166, %add3A_1178 : i32
        %get3A_1180 = arith.index_cast %add3A_1179 : i32 to index
        %get3A_1181 = arith.constant 80 : index
        %get3A_1182 = tpu.vector_load %arg8[%get3A_1180, %get3A_1181] {strides = array<i32>} : memref<112x128xi32, #tpu.memory_space<vmem>>, vector<16xi32>,
        %bitcast3A_1183 = vector.bitcast %get3A_1182 : vector<16xi32> to vector<32xbf16>
        %unpack3A_1184 = tpu.unpack_subelements %bitcast3A_1183, 0 {pack_format = #tpu.pack_format<interleaved>} : vector<32xbf16> -> vector<16xf32>
        %unpack3A_1185 = tpu.unpack_subelements %bitcast3A_1183, 1 {pack_format = #tpu.pack_format<interleaved>} : vector<32xbf16> -> vector<16xf32>
        %mul3A_1186 = arith.mulf %gather3A_1117, %unpack3A_1184 : vector<16xf32>
        %add3A_1187 = arith.addf %add3A_1085, %mul3A_1186 : vector<16xf32>
        %mul3A_1188 = arith.mulf %gather3A_1117, %unpack3A_1185 : vector<16xf32>
        %add3A_1189 = arith.addf %add3A_1087, %mul3A_1188 : vector<16xf32>
        %add3A_1190 = arith.constant 9 : i32
        %add3A_1191 = arith.addi %mul3A_166, %add3A_1190 : i32
        %get3A_1192 = arith.index_cast %add3A_1191 : i32 to index
        %get3A_1193 = arith.constant 96 : index
        %get3A_1194 = tpu.vector_load %arg8[%get3A_1192, %get3A_1193] {strides = array<i32>} : memref<112x128xi32, #tpu.memory_space<vmem>>, vector<16xi32>,
        %bitcast3A_1195 = vector.bitcast %get3A_1194 : vector<16xi32> to vector<32xbf16>
        %unpack3A_1196 = tpu.unpack_subelements %bitcast3A_1195, 0 {pack_format = #tpu.pack_format<interleaved>} : vector<32xbf16> -> vector<16xf32>
        %unpack3A_1197 = tpu.unpack_subelements %bitcast3A_1195, 1 {pack_format = #tpu.pack_format<interleaved>} : vector<32xbf16> -> vector<16xf32>
        %mul3A_1198 = arith.mulf %gather3A_1117, %unpack3A_1196 : vector<16xf32>
        %add3A_1199 = arith.addf %add3A_1097, %mul3A_1198 : vector<16xf32>
        %mul3A_1200 = arith.mulf %gather3A_1117, %unpack3A_1197 : vector<16xf32>
        %add3A_1201 = arith.addf %add3A_1099, %mul3A_1200 : vector<16xf32>
        %add3A_1202 = arith.constant 9 : i32
        %add3A_1203 = arith.addi %mul3A_166, %add3A_1202 : i32
        %get3A_1204 = arith.index_cast %add3A_1203 : i32 to index
        %get3A_1205 = arith.constant 112 : index
        %get3A_1206 = tpu.vector_load %arg8[%get3A_1204, %get3A_1205] {strides = array<i32>} : memref<112x128xi32, #tpu.memory_space<vmem>>, vector<16xi32>,
        %bitcast3A_1207 = vector.bitcast %get3A_1206 : vector<16xi32> to vector<32xbf16>
        %unpack3A_1208 = tpu.unpack_subelements %bitcast3A_1207, 0 {pack_format = #tpu.pack_format<interleaved>} : vector<32xbf16> -> vector<16xf32>
        %unpack3A_1209 = tpu.unpack_subelements %bitcast3A_1207, 1 {pack_format = #tpu.pack_format<interleaved>} : vector<32xbf16> -> vector<16xf32>
        %mul3A_1210 = arith.mulf %gather3A_1117, %unpack3A_1208 : vector<16xf32>
        %add3A_1211 = arith.addf %add3A_1109, %mul3A_1210 : vector<16xf32>
        %mul3A_1212 = arith.mulf %gather3A_1117, %unpack3A_1209 : vector<16xf32>
        %add3A_1213 = arith.addf %add3A_1111, %mul3A_1212 : vector<16xf32>
        %broadcast_in_dim3A_1214 = vector.broadcast %select_n3A : i32 to vector<16xi32>
        %add3A_1215 = arith.addi %mul3A_78, %mul3A_166 : i32
        %add3A_1216 = arith.constant 10 : i32
        %add3A_1217 = arith.addi %add3A_1215, %add3A_1216 : i32
        %broadcast_in_dim3A_1218 = vector.broadcast %add3A_1217 : i32 to vector<16xi32>
        %gather3A_1219 = tpu.vector_load_idx %arg7[%broadcast_in_dim3A_1214, %broadcast_in_dim3A_1218] : memref<32x784xf32, #tpu.memory_space<vmem>>[vector<16xi32>, vector<16xi32>], vector<16xf32>,
        %add3A_1220 = arith.constant 10 : i32
        %add3A_1221 = arith.addi %mul3A_166, %add3A_1220 : i32
        %get3A_1222 = arith.index_cast %add3A_1221 : i32 to index
        %get3A_1223 = arith.constant 0 : index
        %get3A_1224 = tpu.vector_load %arg8[%get3A_1222, %get3A_1223] {strides = array<i32>} : memref<112x128xi32, #tpu.memory_space<vmem>>, vector<16xi32>,
        %bitcast3A_1225 = vector.bitcast %get3A_1224 : vector<16xi32> to vector<32xbf16>
        %unpack3A_1226 = tpu.unpack_subelements %bitcast3A_1225, 0 {pack_format = #tpu.pack_format<interleaved>} : vector<32xbf16> -> vector<16xf32>
        %unpack3A_1227 = tpu.unpack_subelements %bitcast3A_1225, 1 {pack_format = #tpu.pack_format<interleaved>} : vector<32xbf16> -> vector<16xf32>
        %mul3A_1228 = arith.mulf %gather3A_1219, %unpack3A_1226 : vector<16xf32>
        %add3A_1229 = arith.addf %add3A_1127, %mul3A_1228 : vector<16xf32>
        %mul3A_1230 = arith.mulf %gather3A_1219, %unpack3A_1227 : vector<16xf32>
        %add3A_1231 = arith.addf %add3A_1129, %mul3A_1230 : vector<16xf32>
        %add3A_1232 = arith.constant 10 : i32
        %add3A_1233 = arith.addi %mul3A_166, %add3A_1232 : i32
        %get3A_1234 = arith.index_cast %add3A_1233 : i32 to index
        %get3A_1235 = arith.constant 16 : index
        %get3A_1236 = tpu.vector_load %arg8[%get3A_1234, %get3A_1235] {strides = array<i32>} : memref<112x128xi32, #tpu.memory_space<vmem>>, vector<16xi32>,
        %bitcast3A_1237 = vector.bitcast %get3A_1236 : vector<16xi32> to vector<32xbf16>
        %unpack3A_1238 = tpu.unpack_subelements %bitcast3A_1237, 0 {pack_format = #tpu.pack_format<interleaved>} : vector<32xbf16> -> vector<16xf32>
        %unpack3A_1239 = tpu.unpack_subelements %bitcast3A_1237, 1 {pack_format = #tpu.pack_format<interleaved>} : vector<32xbf16> -> vector<16xf32>
        %mul3A_1240 = arith.mulf %gather3A_1219, %unpack3A_1238 : vector<16xf32>
        %add3A_1241 = arith.addf %add3A_1139, %mul3A_1240 : vector<16xf32>
        %mul3A_1242 = arith.mulf %gather3A_1219, %unpack3A_1239 : vector<16xf32>
        %add3A_1243 = arith.addf %add3A_1141, %mul3A_1242 : vector<16xf32>
        %add3A_1244 = arith.constant 10 : i32
        %add3A_1245 = arith.addi %mul3A_166, %add3A_1244 : i32
        %get3A_1246 = arith.index_cast %add3A_1245 : i32 to index
        %get3A_1247 = arith.constant 32 : index
        %get3A_1248 = tpu.vector_load %arg8[%get3A_1246, %get3A_1247] {strides = array<i32>} : memref<112x128xi32, #tpu.memory_space<vmem>>, vector<16xi32>,
        %bitcast3A_1249 = vector.bitcast %get3A_1248 : vector<16xi32> to vector<32xbf16>
        %unpack3A_1250 = tpu.unpack_subelements %bitcast3A_1249, 0 {pack_format = #tpu.pack_format<interleaved>} : vector<32xbf16> -> vector<16xf32>
        %unpack3A_1251 = tpu.unpack_subelements %bitcast3A_1249, 1 {pack_format = #tpu.pack_format<interleaved>} : vector<32xbf16> -> vector<16xf32>
        %mul3A_1252 = arith.mulf %gather3A_1219, %unpack3A_1250 : vector<16xf32>
        %add3A_1253 = arith.addf %add3A_1151, %mul3A_1252 : vector<16xf32>
        %mul3A_1254 = arith.mulf %gather3A_1219, %unpack3A_1251 : vector<16xf32>
        %add3A_1255 = arith.addf %add3A_1153, %mul3A_1254 : vector<16xf32>
        %add3A_1256 = arith.constant 10 : i32
        %add3A_1257 = arith.addi %mul3A_166, %add3A_1256 : i32
        %get3A_1258 = arith.index_cast %add3A_1257 : i32 to index
        %get3A_1259 = arith.constant 48 : index
        %get3A_1260 = tpu.vector_load %arg8[%get3A_1258, %get3A_1259] {strides = array<i32>} : memref<112x128xi32, #tpu.memory_space<vmem>>, vector<16xi32>,
        %bitcast3A_1261 = vector.bitcast %get3A_1260 : vector<16xi32> to vector<32xbf16>
        %unpack3A_1262 = tpu.unpack_subelements %bitcast3A_1261, 0 {pack_format = #tpu.pack_format<interleaved>} : vector<32xbf16> -> vector<16xf32>
        %unpack3A_1263 = tpu.unpack_subelements %bitcast3A_1261, 1 {pack_format = #tpu.pack_format<interleaved>} : vector<32xbf16> -> vector<16xf32>
        %mul3A_1264 = arith.mulf %gather3A_1219, %unpack3A_1262 : vector<16xf32>
        %add3A_1265 = arith.addf %add3A_1163, %mul3A_1264 : vector<16xf32>
        %mul3A_1266 = arith.mulf %gather3A_1219, %unpack3A_1263 : vector<16xf32>
        %add3A_1267 = arith.addf %add3A_1165, %mul3A_1266 : vector<16xf32>
        %add3A_1268 = arith.constant 10 : i32
        %add3A_1269 = arith.addi %mul3A_166, %add3A_1268 : i32
        %get3A_1270 = arith.index_cast %add3A_1269 : i32 to index
        %get3A_1271 = arith.constant 64 : index
        %get3A_1272 = tpu.vector_load %arg8[%get3A_1270, %get3A_1271] {strides = array<i32>} : memref<112x128xi32, #tpu.memory_space<vmem>>, vector<16xi32>,
        %bitcast3A_1273 = vector.bitcast %get3A_1272 : vector<16xi32> to vector<32xbf16>
        %unpack3A_1274 = tpu.unpack_subelements %bitcast3A_1273, 0 {pack_format = #tpu.pack_format<interleaved>} : vector<32xbf16> -> vector<16xf32>
        %unpack3A_1275 = tpu.unpack_subelements %bitcast3A_1273, 1 {pack_format = #tpu.pack_format<interleaved>} : vector<32xbf16> -> vector<16xf32>
        %mul3A_1276 = arith.mulf %gather3A_1219, %unpack3A_1274 : vector<16xf32>
        %add3A_1277 = arith.addf %add3A_1175, %mul3A_1276 : vector<16xf32>
        %mul3A_1278 = arith.mulf %gather3A_1219, %unpack3A_1275 : vector<16xf32>
        %add3A_1279 = arith.addf %add3A_1177, %mul3A_1278 : vector<16xf32>
        %add3A_1280 = arith.constant 10 : i32
        %add3A_1281 = arith.addi %mul3A_166, %add3A_1280 : i32
        %get3A_1282 = arith.index_cast %add3A_1281 : i32 to index
        %get3A_1283 = arith.constant 80 : index
        %get3A_1284 = tpu.vector_load %arg8[%get3A_1282, %get3A_1283] {strides = array<i32>} : memref<112x128xi32, #tpu.memory_space<vmem>>, vector<16xi32>,
        %bitcast3A_1285 = vector.bitcast %get3A_1284 : vector<16xi32> to vector<32xbf16>
        %unpack3A_1286 = tpu.unpack_subelements %bitcast3A_1285, 0 {pack_format = #tpu.pack_format<interleaved>} : vector<32xbf16> -> vector<16xf32>
        %unpack3A_1287 = tpu.unpack_subelements %bitcast3A_1285, 1 {pack_format = #tpu.pack_format<interleaved>} : vector<32xbf16> -> vector<16xf32>
        %mul3A_1288 = arith.mulf %gather3A_1219, %unpack3A_1286 : vector<16xf32>
        %add3A_1289 = arith.addf %add3A_1187, %mul3A_1288 : vector<16xf32>
        %mul3A_1290 = arith.mulf %gather3A_1219, %unpack3A_1287 : vector<16xf32>
        %add3A_1291 = arith.addf %add3A_1189, %mul3A_1290 : vector<16xf32>
        %add3A_1292 = arith.constant 10 : i32
        %add3A_1293 = arith.addi %mul3A_166, %add3A_1292 : i32
        %get3A_1294 = arith.index_cast %add3A_1293 : i32 to index
        %get3A_1295 = arith.constant 96 : index
        %get3A_1296 = tpu.vector_load %arg8[%get3A_1294, %get3A_1295] {strides = array<i32>} : memref<112x128xi32, #tpu.memory_space<vmem>>, vector<16xi32>,
        %bitcast3A_1297 = vector.bitcast %get3A_1296 : vector<16xi32> to vector<32xbf16>
        %unpack3A_1298 = tpu.unpack_subelements %bitcast3A_1297, 0 {pack_format = #tpu.pack_format<interleaved>} : vector<32xbf16> -> vector<16xf32>
        %unpack3A_1299 = tpu.unpack_subelements %bitcast3A_1297, 1 {pack_format = #tpu.pack_format<interleaved>} : vector<32xbf16> -> vector<16xf32>
        %mul3A_1300 = arith.mulf %gather3A_1219, %unpack3A_1298 : vector<16xf32>
        %add3A_1301 = arith.addf %add3A_1199, %mul3A_1300 : vector<16xf32>
        %mul3A_1302 = arith.mulf %gather3A_1219, %unpack3A_1299 : vector<16xf32>
        %add3A_1303 = arith.addf %add3A_1201, %mul3A_1302 : vector<16xf32>
        %add3A_1304 = arith.constant 10 : i32
        %add3A_1305 = arith.addi %mul3A_166, %add3A_1304 : i32
        %get3A_1306 = arith.index_cast %add3A_1305 : i32 to index
        %get3A_1307 = arith.constant 112 : index
        %get3A_1308 = tpu.vector_load %arg8[%get3A_1306, %get3A_1307] {strides = array<i32>} : memref<112x128xi32, #tpu.memory_space<vmem>>, vector<16xi32>,
        %bitcast3A_1309 = vector.bitcast %get3A_1308 : vector<16xi32> to vector<32xbf16>
        %unpack3A_1310 = tpu.unpack_subelements %bitcast3A_1309, 0 {pack_format = #tpu.pack_format<interleaved>} : vector<32xbf16> -> vector<16xf32>
        %unpack3A_1311 = tpu.unpack_subelements %bitcast3A_1309, 1 {pack_format = #tpu.pack_format<interleaved>} : vector<32xbf16> -> vector<16xf32>
        %mul3A_1312 = arith.mulf %gather3A_1219, %unpack3A_1310 : vector<16xf32>
        %add3A_1313 = arith.addf %add3A_1211, %mul3A_1312 : vector<16xf32>
        %mul3A_1314 = arith.mulf %gather3A_1219, %unpack3A_1311 : vector<16xf32>
        %add3A_1315 = arith.addf %add3A_1213, %mul3A_1314 : vector<16xf32>
        %broadcast_in_dim3A_1316 = vector.broadcast %select_n3A : i32 to vector<16xi32>
        %add3A_1317 = arith.addi %mul3A_78, %mul3A_166 : i32
        %add3A_1318 = arith.constant 11 : i32
        %add3A_1319 = arith.addi %add3A_1317, %add3A_1318 : i32
        %broadcast_in_dim3A_1320 = vector.broadcast %add3A_1319 : i32 to vector<16xi32>
        %gather3A_1321 = tpu.vector_load_idx %arg7[%broadcast_in_dim3A_1316, %broadcast_in_dim3A_1320] : memref<32x784xf32, #tpu.memory_space<vmem>>[vector<16xi32>, vector<16xi32>], vector<16xf32>,
        %add3A_1322 = arith.constant 11 : i32
        %add3A_1323 = arith.addi %mul3A_166, %add3A_1322 : i32
        %get3A_1324 = arith.index_cast %add3A_1323 : i32 to index
        %get3A_1325 = arith.constant 0 : index
        %get3A_1326 = tpu.vector_load %arg8[%get3A_1324, %get3A_1325] {strides = array<i32>} : memref<112x128xi32, #tpu.memory_space<vmem>>, vector<16xi32>,
        %bitcast3A_1327 = vector.bitcast %get3A_1326 : vector<16xi32> to vector<32xbf16>
        %unpack3A_1328 = tpu.unpack_subelements %bitcast3A_1327, 0 {pack_format = #tpu.pack_format<interleaved>} : vector<32xbf16> -> vector<16xf32>
        %unpack3A_1329 = tpu.unpack_subelements %bitcast3A_1327, 1 {pack_format = #tpu.pack_format<interleaved>} : vector<32xbf16> -> vector<16xf32>
        %mul3A_1330 = arith.mulf %gather3A_1321, %unpack3A_1328 : vector<16xf32>
        %add3A_1331 = arith.addf %add3A_1229, %mul3A_1330 : vector<16xf32>
        %mul3A_1332 = arith.mulf %gather3A_1321, %unpack3A_1329 : vector<16xf32>
        %add3A_1333 = arith.addf %add3A_1231, %mul3A_1332 : vector<16xf32>
        %add3A_1334 = arith.constant 11 : i32
        %add3A_1335 = arith.addi %mul3A_166, %add3A_1334 : i32
        %get3A_1336 = arith.index_cast %add3A_1335 : i32 to index
        %get3A_1337 = arith.constant 16 : index
        %get3A_1338 = tpu.vector_load %arg8[%get3A_1336, %get3A_1337] {strides = array<i32>} : memref<112x128xi32, #tpu.memory_space<vmem>>, vector<16xi32>,
        %bitcast3A_1339 = vector.bitcast %get3A_1338 : vector<16xi32> to vector<32xbf16>
        %unpack3A_1340 = tpu.unpack_subelements %bitcast3A_1339, 0 {pack_format = #tpu.pack_format<interleaved>} : vector<32xbf16> -> vector<16xf32>
        %unpack3A_1341 = tpu.unpack_subelements %bitcast3A_1339, 1 {pack_format = #tpu.pack_format<interleaved>} : vector<32xbf16> -> vector<16xf32>
        %mul3A_1342 = arith.mulf %gather3A_1321, %unpack3A_1340 : vector<16xf32>
        %add3A_1343 = arith.addf %add3A_1241, %mul3A_1342 : vector<16xf32>
        %mul3A_1344 = arith.mulf %gather3A_1321, %unpack3A_1341 : vector<16xf32>
        %add3A_1345 = arith.addf %add3A_1243, %mul3A_1344 : vector<16xf32>
        %add3A_1346 = arith.constant 11 : i32
        %add3A_1347 = arith.addi %mul3A_166, %add3A_1346 : i32
        %get3A_1348 = arith.index_cast %add3A_1347 : i32 to index
        %get3A_1349 = arith.constant 32 : index
        %get3A_1350 = tpu.vector_load %arg8[%get3A_1348, %get3A_1349] {strides = array<i32>} : memref<112x128xi32, #tpu.memory_space<vmem>>, vector<16xi32>,
        %bitcast3A_1351 = vector.bitcast %get3A_1350 : vector<16xi32> to vector<32xbf16>
        %unpack3A_1352 = tpu.unpack_subelements %bitcast3A_1351, 0 {pack_format = #tpu.pack_format<interleaved>} : vector<32xbf16> -> vector<16xf32>
        %unpack3A_1353 = tpu.unpack_subelements %bitcast3A_1351, 1 {pack_format = #tpu.pack_format<interleaved>} : vector<32xbf16> -> vector<16xf32>
        %mul3A_1354 = arith.mulf %gather3A_1321, %unpack3A_1352 : vector<16xf32>
        %add3A_1355 = arith.addf %add3A_1253, %mul3A_1354 : vector<16xf32>
        %mul3A_1356 = arith.mulf %gather3A_1321, %unpack3A_1353 : vector<16xf32>
        %add3A_1357 = arith.addf %add3A_1255, %mul3A_1356 : vector<16xf32>
        %add3A_1358 = arith.constant 11 : i32
        %add3A_1359 = arith.addi %mul3A_166, %add3A_1358 : i32
        %get3A_1360 = arith.index_cast %add3A_1359 : i32 to index
        %get3A_1361 = arith.constant 48 : index
        %get3A_1362 = tpu.vector_load %arg8[%get3A_1360, %get3A_1361] {strides = array<i32>} : memref<112x128xi32, #tpu.memory_space<vmem>>, vector<16xi32>,
        %bitcast3A_1363 = vector.bitcast %get3A_1362 : vector<16xi32> to vector<32xbf16>
        %unpack3A_1364 = tpu.unpack_subelements %bitcast3A_1363, 0 {pack_format = #tpu.pack_format<interleaved>} : vector<32xbf16> -> vector<16xf32>
        %unpack3A_1365 = tpu.unpack_subelements %bitcast3A_1363, 1 {pack_format = #tpu.pack_format<interleaved>} : vector<32xbf16> -> vector<16xf32>
        %mul3A_1366 = arith.mulf %gather3A_1321, %unpack3A_1364 : vector<16xf32>
        %add3A_1367 = arith.addf %add3A_1265, %mul3A_1366 : vector<16xf32>
        %mul3A_1368 = arith.mulf %gather3A_1321, %unpack3A_1365 : vector<16xf32>
        %add3A_1369 = arith.addf %add3A_1267, %mul3A_1368 : vector<16xf32>
        %add3A_1370 = arith.constant 11 : i32
        %add3A_1371 = arith.addi %mul3A_166, %add3A_1370 : i32
        %get3A_1372 = arith.index_cast %add3A_1371 : i32 to index
        %get3A_1373 = arith.constant 64 : index
        %get3A_1374 = tpu.vector_load %arg8[%get3A_1372, %get3A_1373] {strides = array<i32>} : memref<112x128xi32, #tpu.memory_space<vmem>>, vector<16xi32>,
        %bitcast3A_1375 = vector.bitcast %get3A_1374 : vector<16xi32> to vector<32xbf16>
        %unpack3A_1376 = tpu.unpack_subelements %bitcast3A_1375, 0 {pack_format = #tpu.pack_format<interleaved>} : vector<32xbf16> -> vector<16xf32>
        %unpack3A_1377 = tpu.unpack_subelements %bitcast3A_1375, 1 {pack_format = #tpu.pack_format<interleaved>} : vector<32xbf16> -> vector<16xf32>
        %mul3A_1378 = arith.mulf %gather3A_1321, %unpack3A_1376 : vector<16xf32>
        %add3A_1379 = arith.addf %add3A_1277, %mul3A_1378 : vector<16xf32>
        %mul3A_1380 = arith.mulf %gather3A_1321, %unpack3A_1377 : vector<16xf32>
        %add3A_1381 = arith.addf %add3A_1279, %mul3A_1380 : vector<16xf32>
        %add3A_1382 = arith.constant 11 : i32
        %add3A_1383 = arith.addi %mul3A_166, %add3A_1382 : i32
        %get3A_1384 = arith.index_cast %add3A_1383 : i32 to index
        %get3A_1385 = arith.constant 80 : index
        %get3A_1386 = tpu.vector_load %arg8[%get3A_1384, %get3A_1385] {strides = array<i32>} : memref<112x128xi32, #tpu.memory_space<vmem>>, vector<16xi32>,
        %bitcast3A_1387 = vector.bitcast %get3A_1386 : vector<16xi32> to vector<32xbf16>
        %unpack3A_1388 = tpu.unpack_subelements %bitcast3A_1387, 0 {pack_format = #tpu.pack_format<interleaved>} : vector<32xbf16> -> vector<16xf32>
        %unpack3A_1389 = tpu.unpack_subelements %bitcast3A_1387, 1 {pack_format = #tpu.pack_format<interleaved>} : vector<32xbf16> -> vector<16xf32>
        %mul3A_1390 = arith.mulf %gather3A_1321, %unpack3A_1388 : vector<16xf32>
        %add3A_1391 = arith.addf %add3A_1289, %mul3A_1390 : vector<16xf32>
        %mul3A_1392 = arith.mulf %gather3A_1321, %unpack3A_1389 : vector<16xf32>
        %add3A_1393 = arith.addf %add3A_1291, %mul3A_1392 : vector<16xf32>
        %add3A_1394 = arith.constant 11 : i32
        %add3A_1395 = arith.addi %mul3A_166, %add3A_1394 : i32
        %get3A_1396 = arith.index_cast %add3A_1395 : i32 to index
        %get3A_1397 = arith.constant 96 : index
        %get3A_1398 = tpu.vector_load %arg8[%get3A_1396, %get3A_1397] {strides = array<i32>} : memref<112x128xi32, #tpu.memory_space<vmem>>, vector<16xi32>,
        %bitcast3A_1399 = vector.bitcast %get3A_1398 : vector<16xi32> to vector<32xbf16>
        %unpack3A_1400 = tpu.unpack_subelements %bitcast3A_1399, 0 {pack_format = #tpu.pack_format<interleaved>} : vector<32xbf16> -> vector<16xf32>
        %unpack3A_1401 = tpu.unpack_subelements %bitcast3A_1399, 1 {pack_format = #tpu.pack_format<interleaved>} : vector<32xbf16> -> vector<16xf32>
        %mul3A_1402 = arith.mulf %gather3A_1321, %unpack3A_1400 : vector<16xf32>
        %add3A_1403 = arith.addf %add3A_1301, %mul3A_1402 : vector<16xf32>
        %mul3A_1404 = arith.mulf %gather3A_1321, %unpack3A_1401 : vector<16xf32>
        %add3A_1405 = arith.addf %add3A_1303, %mul3A_1404 : vector<16xf32>
        %add3A_1406 = arith.constant 11 : i32
        %add3A_1407 = arith.addi %mul3A_166, %add3A_1406 : i32
        %get3A_1408 = arith.index_cast %add3A_1407 : i32 to index
        %get3A_1409 = arith.constant 112 : index
        %get3A_1410 = tpu.vector_load %arg8[%get3A_1408, %get3A_1409] {strides = array<i32>} : memref<112x128xi32, #tpu.memory_space<vmem>>, vector<16xi32>,
        %bitcast3A_1411 = vector.bitcast %get3A_1410 : vector<16xi32> to vector<32xbf16>
        %unpack3A_1412 = tpu.unpack_subelements %bitcast3A_1411, 0 {pack_format = #tpu.pack_format<interleaved>} : vector<32xbf16> -> vector<16xf32>
        %unpack3A_1413 = tpu.unpack_subelements %bitcast3A_1411, 1 {pack_format = #tpu.pack_format<interleaved>} : vector<32xbf16> -> vector<16xf32>
        %mul3A_1414 = arith.mulf %gather3A_1321, %unpack3A_1412 : vector<16xf32>
        %add3A_1415 = arith.addf %add3A_1313, %mul3A_1414 : vector<16xf32>
        %mul3A_1416 = arith.mulf %gather3A_1321, %unpack3A_1413 : vector<16xf32>
        %add3A_1417 = arith.addf %add3A_1315, %mul3A_1416 : vector<16xf32>
        %broadcast_in_dim3A_1418 = vector.broadcast %select_n3A : i32 to vector<16xi32>
        %add3A_1419 = arith.addi %mul3A_78, %mul3A_166 : i32
        %add3A_1420 = arith.constant 12 : i32
        %add3A_1421 = arith.addi %add3A_1419, %add3A_1420 : i32
        %broadcast_in_dim3A_1422 = vector.broadcast %add3A_1421 : i32 to vector<16xi32>
        %gather3A_1423 = tpu.vector_load_idx %arg7[%broadcast_in_dim3A_1418, %broadcast_in_dim3A_1422] : memref<32x784xf32, #tpu.memory_space<vmem>>[vector<16xi32>, vector<16xi32>], vector<16xf32>,
        %add3A_1424 = arith.constant 12 : i32
        %add3A_1425 = arith.addi %mul3A_166, %add3A_1424 : i32
        %get3A_1426 = arith.index_cast %add3A_1425 : i32 to index
        %get3A_1427 = arith.constant 0 : index
        %get3A_1428 = tpu.vector_load %arg8[%get3A_1426, %get3A_1427] {strides = array<i32>} : memref<112x128xi32, #tpu.memory_space<vmem>>, vector<16xi32>,
        %bitcast3A_1429 = vector.bitcast %get3A_1428 : vector<16xi32> to vector<32xbf16>
        %unpack3A_1430 = tpu.unpack_subelements %bitcast3A_1429, 0 {pack_format = #tpu.pack_format<interleaved>} : vector<32xbf16> -> vector<16xf32>
        %unpack3A_1431 = tpu.unpack_subelements %bitcast3A_1429, 1 {pack_format = #tpu.pack_format<interleaved>} : vector<32xbf16> -> vector<16xf32>
        %mul3A_1432 = arith.mulf %gather3A_1423, %unpack3A_1430 : vector<16xf32>
        %add3A_1433 = arith.addf %add3A_1331, %mul3A_1432 : vector<16xf32>
        %mul3A_1434 = arith.mulf %gather3A_1423, %unpack3A_1431 : vector<16xf32>
        %add3A_1435 = arith.addf %add3A_1333, %mul3A_1434 : vector<16xf32>
        %add3A_1436 = arith.constant 12 : i32
        %add3A_1437 = arith.addi %mul3A_166, %add3A_1436 : i32
        %get3A_1438 = arith.index_cast %add3A_1437 : i32 to index
        %get3A_1439 = arith.constant 16 : index
        %get3A_1440 = tpu.vector_load %arg8[%get3A_1438, %get3A_1439] {strides = array<i32>} : memref<112x128xi32, #tpu.memory_space<vmem>>, vector<16xi32>,
        %bitcast3A_1441 = vector.bitcast %get3A_1440 : vector<16xi32> to vector<32xbf16>
        %unpack3A_1442 = tpu.unpack_subelements %bitcast3A_1441, 0 {pack_format = #tpu.pack_format<interleaved>} : vector<32xbf16> -> vector<16xf32>
        %unpack3A_1443 = tpu.unpack_subelements %bitcast3A_1441, 1 {pack_format = #tpu.pack_format<interleaved>} : vector<32xbf16> -> vector<16xf32>
        %mul3A_1444 = arith.mulf %gather3A_1423, %unpack3A_1442 : vector<16xf32>
        %add3A_1445 = arith.addf %add3A_1343, %mul3A_1444 : vector<16xf32>
        %mul3A_1446 = arith.mulf %gather3A_1423, %unpack3A_1443 : vector<16xf32>
        %add3A_1447 = arith.addf %add3A_1345, %mul3A_1446 : vector<16xf32>
        %add3A_1448 = arith.constant 12 : i32
        %add3A_1449 = arith.addi %mul3A_166, %add3A_1448 : i32
        %get3A_1450 = arith.index_cast %add3A_1449 : i32 to index
        %get3A_1451 = arith.constant 32 : index
        %get3A_1452 = tpu.vector_load %arg8[%get3A_1450, %get3A_1451] {strides = array<i32>} : memref<112x128xi32, #tpu.memory_space<vmem>>, vector<16xi32>,
        %bitcast3A_1453 = vector.bitcast %get3A_1452 : vector<16xi32> to vector<32xbf16>
        %unpack3A_1454 = tpu.unpack_subelements %bitcast3A_1453, 0 {pack_format = #tpu.pack_format<interleaved>} : vector<32xbf16> -> vector<16xf32>
        %unpack3A_1455 = tpu.unpack_subelements %bitcast3A_1453, 1 {pack_format = #tpu.pack_format<interleaved>} : vector<32xbf16> -> vector<16xf32>
        %mul3A_1456 = arith.mulf %gather3A_1423, %unpack3A_1454 : vector<16xf32>
        %add3A_1457 = arith.addf %add3A_1355, %mul3A_1456 : vector<16xf32>
        %mul3A_1458 = arith.mulf %gather3A_1423, %unpack3A_1455 : vector<16xf32>
        %add3A_1459 = arith.addf %add3A_1357, %mul3A_1458 : vector<16xf32>
        %add3A_1460 = arith.constant 12 : i32
        %add3A_1461 = arith.addi %mul3A_166, %add3A_1460 : i32
        %get3A_1462 = arith.index_cast %add3A_1461 : i32 to index
        %get3A_1463 = arith.constant 48 : index
        %get3A_1464 = tpu.vector_load %arg8[%get3A_1462, %get3A_1463] {strides = array<i32>} : memref<112x128xi32, #tpu.memory_space<vmem>>, vector<16xi32>,
        %bitcast3A_1465 = vector.bitcast %get3A_1464 : vector<16xi32> to vector<32xbf16>
        %unpack3A_1466 = tpu.unpack_subelements %bitcast3A_1465, 0 {pack_format = #tpu.pack_format<interleaved>} : vector<32xbf16> -> vector<16xf32>
        %unpack3A_1467 = tpu.unpack_subelements %bitcast3A_1465, 1 {pack_format = #tpu.pack_format<interleaved>} : vector<32xbf16> -> vector<16xf32>
        %mul3A_1468 = arith.mulf %gather3A_1423, %unpack3A_1466 : vector<16xf32>
        %add3A_1469 = arith.addf %add3A_1367, %mul3A_1468 : vector<16xf32>
        %mul3A_1470 = arith.mulf %gather3A_1423, %unpack3A_1467 : vector<16xf32>
        %add3A_1471 = arith.addf %add3A_1369, %mul3A_1470 : vector<16xf32>
        %add3A_1472 = arith.constant 12 : i32
        %add3A_1473 = arith.addi %mul3A_166, %add3A_1472 : i32
        %get3A_1474 = arith.index_cast %add3A_1473 : i32 to index
        %get3A_1475 = arith.constant 64 : index
        %get3A_1476 = tpu.vector_load %arg8[%get3A_1474, %get3A_1475] {strides = array<i32>} : memref<112x128xi32, #tpu.memory_space<vmem>>, vector<16xi32>,
        %bitcast3A_1477 = vector.bitcast %get3A_1476 : vector<16xi32> to vector<32xbf16>
        %unpack3A_1478 = tpu.unpack_subelements %bitcast3A_1477, 0 {pack_format = #tpu.pack_format<interleaved>} : vector<32xbf16> -> vector<16xf32>
        %unpack3A_1479 = tpu.unpack_subelements %bitcast3A_1477, 1 {pack_format = #tpu.pack_format<interleaved>} : vector<32xbf16> -> vector<16xf32>
        %mul3A_1480 = arith.mulf %gather3A_1423, %unpack3A_1478 : vector<16xf32>
        %add3A_1481 = arith.addf %add3A_1379, %mul3A_1480 : vector<16xf32>
        %mul3A_1482 = arith.mulf %gather3A_1423, %unpack3A_1479 : vector<16xf32>
        %add3A_1483 = arith.addf %add3A_1381, %mul3A_1482 : vector<16xf32>
        %add3A_1484 = arith.constant 12 : i32
        %add3A_1485 = arith.addi %mul3A_166, %add3A_1484 : i32
        %get3A_1486 = arith.index_cast %add3A_1485 : i32 to index
        %get3A_1487 = arith.constant 80 : index
        %get3A_1488 = tpu.vector_load %arg8[%get3A_1486, %get3A_1487] {strides = array<i32>} : memref<112x128xi32, #tpu.memory_space<vmem>>, vector<16xi32>,
        %bitcast3A_1489 = vector.bitcast %get3A_1488 : vector<16xi32> to vector<32xbf16>
        %unpack3A_1490 = tpu.unpack_subelements %bitcast3A_1489, 0 {pack_format = #tpu.pack_format<interleaved>} : vector<32xbf16> -> vector<16xf32>
        %unpack3A_1491 = tpu.unpack_subelements %bitcast3A_1489, 1 {pack_format = #tpu.pack_format<interleaved>} : vector<32xbf16> -> vector<16xf32>
        %mul3A_1492 = arith.mulf %gather3A_1423, %unpack3A_1490 : vector<16xf32>
        %add3A_1493 = arith.addf %add3A_1391, %mul3A_1492 : vector<16xf32>
        %mul3A_1494 = arith.mulf %gather3A_1423, %unpack3A_1491 : vector<16xf32>
        %add3A_1495 = arith.addf %add3A_1393, %mul3A_1494 : vector<16xf32>
        %add3A_1496 = arith.constant 12 : i32
        %add3A_1497 = arith.addi %mul3A_166, %add3A_1496 : i32
        %get3A_1498 = arith.index_cast %add3A_1497 : i32 to index
        %get3A_1499 = arith.constant 96 : index
        %get3A_1500 = tpu.vector_load %arg8[%get3A_1498, %get3A_1499] {strides = array<i32>} : memref<112x128xi32, #tpu.memory_space<vmem>>, vector<16xi32>,
        %bitcast3A_1501 = vector.bitcast %get3A_1500 : vector<16xi32> to vector<32xbf16>
        %unpack3A_1502 = tpu.unpack_subelements %bitcast3A_1501, 0 {pack_format = #tpu.pack_format<interleaved>} : vector<32xbf16> -> vector<16xf32>
        %unpack3A_1503 = tpu.unpack_subelements %bitcast3A_1501, 1 {pack_format = #tpu.pack_format<interleaved>} : vector<32xbf16> -> vector<16xf32>
        %mul3A_1504 = arith.mulf %gather3A_1423, %unpack3A_1502 : vector<16xf32>
        %add3A_1505 = arith.addf %add3A_1403, %mul3A_1504 : vector<16xf32>
        %mul3A_1506 = arith.mulf %gather3A_1423, %unpack3A_1503 : vector<16xf32>
        %add3A_1507 = arith.addf %add3A_1405, %mul3A_1506 : vector<16xf32>
        %add3A_1508 = arith.constant 12 : i32
        %add3A_1509 = arith.addi %mul3A_166, %add3A_1508 : i32
        %get3A_1510 = arith.index_cast %add3A_1509 : i32 to index
        %get3A_1511 = arith.constant 112 : index
        %get3A_1512 = tpu.vector_load %arg8[%get3A_1510, %get3A_1511] {strides = array<i32>} : memref<112x128xi32, #tpu.memory_space<vmem>>, vector<16xi32>,
        %bitcast3A_1513 = vector.bitcast %get3A_1512 : vector<16xi32> to vector<32xbf16>
        %unpack3A_1514 = tpu.unpack_subelements %bitcast3A_1513, 0 {pack_format = #tpu.pack_format<interleaved>} : vector<32xbf16> -> vector<16xf32>
        %unpack3A_1515 = tpu.unpack_subelements %bitcast3A_1513, 1 {pack_format = #tpu.pack_format<interleaved>} : vector<32xbf16> -> vector<16xf32>
        %mul3A_1516 = arith.mulf %gather3A_1423, %unpack3A_1514 : vector<16xf32>
        %add3A_1517 = arith.addf %add3A_1415, %mul3A_1516 : vector<16xf32>
        %mul3A_1518 = arith.mulf %gather3A_1423, %unpack3A_1515 : vector<16xf32>
        %add3A_1519 = arith.addf %add3A_1417, %mul3A_1518 : vector<16xf32>
        %broadcast_in_dim3A_1520 = vector.broadcast %select_n3A : i32 to vector<16xi32>
        %add3A_1521 = arith.addi %mul3A_78, %mul3A_166 : i32
        %add3A_1522 = arith.constant 13 : i32
        %add3A_1523 = arith.addi %add3A_1521, %add3A_1522 : i32
        %broadcast_in_dim3A_1524 = vector.broadcast %add3A_1523 : i32 to vector<16xi32>
        %gather3A_1525 = tpu.vector_load_idx %arg7[%broadcast_in_dim3A_1520, %broadcast_in_dim3A_1524] : memref<32x784xf32, #tpu.memory_space<vmem>>[vector<16xi32>, vector<16xi32>], vector<16xf32>,
        %add3A_1526 = arith.constant 13 : i32
        %add3A_1527 = arith.addi %mul3A_166, %add3A_1526 : i32
        %get3A_1528 = arith.index_cast %add3A_1527 : i32 to index
        %get3A_1529 = arith.constant 0 : index
        %get3A_1530 = tpu.vector_load %arg8[%get3A_1528, %get3A_1529] {strides = array<i32>} : memref<112x128xi32, #tpu.memory_space<vmem>>, vector<16xi32>,
        %bitcast3A_1531 = vector.bitcast %get3A_1530 : vector<16xi32> to vector<32xbf16>
        %unpack3A_1532 = tpu.unpack_subelements %bitcast3A_1531, 0 {pack_format = #tpu.pack_format<interleaved>} : vector<32xbf16> -> vector<16xf32>
        %unpack3A_1533 = tpu.unpack_subelements %bitcast3A_1531, 1 {pack_format = #tpu.pack_format<interleaved>} : vector<32xbf16> -> vector<16xf32>
        %mul3A_1534 = arith.mulf %gather3A_1525, %unpack3A_1532 : vector<16xf32>
        %add3A_1535 = arith.addf %add3A_1433, %mul3A_1534 : vector<16xf32>
        %mul3A_1536 = arith.mulf %gather3A_1525, %unpack3A_1533 : vector<16xf32>
        %add3A_1537 = arith.addf %add3A_1435, %mul3A_1536 : vector<16xf32>
        %add3A_1538 = arith.constant 13 : i32
        %add3A_1539 = arith.addi %mul3A_166, %add3A_1538 : i32
        %get3A_1540 = arith.index_cast %add3A_1539 : i32 to index
        %get3A_1541 = arith.constant 16 : index
        %get3A_1542 = tpu.vector_load %arg8[%get3A_1540, %get3A_1541] {strides = array<i32>} : memref<112x128xi32, #tpu.memory_space<vmem>>, vector<16xi32>,
        %bitcast3A_1543 = vector.bitcast %get3A_1542 : vector<16xi32> to vector<32xbf16>
        %unpack3A_1544 = tpu.unpack_subelements %bitcast3A_1543, 0 {pack_format = #tpu.pack_format<interleaved>} : vector<32xbf16> -> vector<16xf32>
        %unpack3A_1545 = tpu.unpack_subelements %bitcast3A_1543, 1 {pack_format = #tpu.pack_format<interleaved>} : vector<32xbf16> -> vector<16xf32>
        %mul3A_1546 = arith.mulf %gather3A_1525, %unpack3A_1544 : vector<16xf32>
        %add3A_1547 = arith.addf %add3A_1445, %mul3A_1546 : vector<16xf32>
        %mul3A_1548 = arith.mulf %gather3A_1525, %unpack3A_1545 : vector<16xf32>
        %add3A_1549 = arith.addf %add3A_1447, %mul3A_1548 : vector<16xf32>
        %add3A_1550 = arith.constant 13 : i32
        %add3A_1551 = arith.addi %mul3A_166, %add3A_1550 : i32
        %get3A_1552 = arith.index_cast %add3A_1551 : i32 to index
        %get3A_1553 = arith.constant 32 : index
        %get3A_1554 = tpu.vector_load %arg8[%get3A_1552, %get3A_1553] {strides = array<i32>} : memref<112x128xi32, #tpu.memory_space<vmem>>, vector<16xi32>,
        %bitcast3A_1555 = vector.bitcast %get3A_1554 : vector<16xi32> to vector<32xbf16>
        %unpack3A_1556 = tpu.unpack_subelements %bitcast3A_1555, 0 {pack_format = #tpu.pack_format<interleaved>} : vector<32xbf16> -> vector<16xf32>
        %unpack3A_1557 = tpu.unpack_subelements %bitcast3A_1555, 1 {pack_format = #tpu.pack_format<interleaved>} : vector<32xbf16> -> vector<16xf32>
        %mul3A_1558 = arith.mulf %gather3A_1525, %unpack3A_1556 : vector<16xf32>
        %add3A_1559 = arith.addf %add3A_1457, %mul3A_1558 : vector<16xf32>
        %mul3A_1560 = arith.mulf %gather3A_1525, %unpack3A_1557 : vector<16xf32>
        %add3A_1561 = arith.addf %add3A_1459, %mul3A_1560 : vector<16xf32>
        %add3A_1562 = arith.constant 13 : i32
        %add3A_1563 = arith.addi %mul3A_166, %add3A_1562 : i32
        %get3A_1564 = arith.index_cast %add3A_1563 : i32 to index
        %get3A_1565 = arith.constant 48 : index
        %get3A_1566 = tpu.vector_load %arg8[%get3A_1564, %get3A_1565] {strides = array<i32>} : memref<112x128xi32, #tpu.memory_space<vmem>>, vector<16xi32>,
        %bitcast3A_1567 = vector.bitcast %get3A_1566 : vector<16xi32> to vector<32xbf16>
        %unpack3A_1568 = tpu.unpack_subelements %bitcast3A_1567, 0 {pack_format = #tpu.pack_format<interleaved>} : vector<32xbf16> -> vector<16xf32>
        %unpack3A_1569 = tpu.unpack_subelements %bitcast3A_1567, 1 {pack_format = #tpu.pack_format<interleaved>} : vector<32xbf16> -> vector<16xf32>
        %mul3A_1570 = arith.mulf %gather3A_1525, %unpack3A_1568 : vector<16xf32>
        %add3A_1571 = arith.addf %add3A_1469, %mul3A_1570 : vector<16xf32>
        %mul3A_1572 = arith.mulf %gather3A_1525, %unpack3A_1569 : vector<16xf32>
        %add3A_1573 = arith.addf %add3A_1471, %mul3A_1572 : vector<16xf32>
        %add3A_1574 = arith.constant 13 : i32
        %add3A_1575 = arith.addi %mul3A_166, %add3A_1574 : i32
        %get3A_1576 = arith.index_cast %add3A_1575 : i32 to index
        %get3A_1577 = arith.constant 64 : index
        %get3A_1578 = tpu.vector_load %arg8[%get3A_1576, %get3A_1577] {strides = array<i32>} : memref<112x128xi32, #tpu.memory_space<vmem>>, vector<16xi32>,
        %bitcast3A_1579 = vector.bitcast %get3A_1578 : vector<16xi32> to vector<32xbf16>
        %unpack3A_1580 = tpu.unpack_subelements %bitcast3A_1579, 0 {pack_format = #tpu.pack_format<interleaved>} : vector<32xbf16> -> vector<16xf32>
        %unpack3A_1581 = tpu.unpack_subelements %bitcast3A_1579, 1 {pack_format = #tpu.pack_format<interleaved>} : vector<32xbf16> -> vector<16xf32>
        %mul3A_1582 = arith.mulf %gather3A_1525, %unpack3A_1580 : vector<16xf32>
        %add3A_1583 = arith.addf %add3A_1481, %mul3A_1582 : vector<16xf32>
        %mul3A_1584 = arith.mulf %gather3A_1525, %unpack3A_1581 : vector<16xf32>
        %add3A_1585 = arith.addf %add3A_1483, %mul3A_1584 : vector<16xf32>
        %add3A_1586 = arith.constant 13 : i32
        %add3A_1587 = arith.addi %mul3A_166, %add3A_1586 : i32
        %get3A_1588 = arith.index_cast %add3A_1587 : i32 to index
        %get3A_1589 = arith.constant 80 : index
        %get3A_1590 = tpu.vector_load %arg8[%get3A_1588, %get3A_1589] {strides = array<i32>} : memref<112x128xi32, #tpu.memory_space<vmem>>, vector<16xi32>,
        %bitcast3A_1591 = vector.bitcast %get3A_1590 : vector<16xi32> to vector<32xbf16>
        %unpack3A_1592 = tpu.unpack_subelements %bitcast3A_1591, 0 {pack_format = #tpu.pack_format<interleaved>} : vector<32xbf16> -> vector<16xf32>
        %unpack3A_1593 = tpu.unpack_subelements %bitcast3A_1591, 1 {pack_format = #tpu.pack_format<interleaved>} : vector<32xbf16> -> vector<16xf32>
        %mul3A_1594 = arith.mulf %gather3A_1525, %unpack3A_1592 : vector<16xf32>
        %add3A_1595 = arith.addf %add3A_1493, %mul3A_1594 : vector<16xf32>
        %mul3A_1596 = arith.mulf %gather3A_1525, %unpack3A_1593 : vector<16xf32>
        %add3A_1597 = arith.addf %add3A_1495, %mul3A_1596 : vector<16xf32>
        %add3A_1598 = arith.constant 13 : i32
        %add3A_1599 = arith.addi %mul3A_166, %add3A_1598 : i32
        %get3A_1600 = arith.index_cast %add3A_1599 : i32 to index
        %get3A_1601 = arith.constant 96 : index
        %get3A_1602 = tpu.vector_load %arg8[%get3A_1600, %get3A_1601] {strides = array<i32>} : memref<112x128xi32, #tpu.memory_space<vmem>>, vector<16xi32>,
        %bitcast3A_1603 = vector.bitcast %get3A_1602 : vector<16xi32> to vector<32xbf16>
        %unpack3A_1604 = tpu.unpack_subelements %bitcast3A_1603, 0 {pack_format = #tpu.pack_format<interleaved>} : vector<32xbf16> -> vector<16xf32>
        %unpack3A_1605 = tpu.unpack_subelements %bitcast3A_1603, 1 {pack_format = #tpu.pack_format<interleaved>} : vector<32xbf16> -> vector<16xf32>
        %mul3A_1606 = arith.mulf %gather3A_1525, %unpack3A_1604 : vector<16xf32>
        %add3A_1607 = arith.addf %add3A_1505, %mul3A_1606 : vector<16xf32>
        %mul3A_1608 = arith.mulf %gather3A_1525, %unpack3A_1605 : vector<16xf32>
        %add3A_1609 = arith.addf %add3A_1507, %mul3A_1608 : vector<16xf32>
        %add3A_1610 = arith.constant 13 : i32
        %add3A_1611 = arith.addi %mul3A_166, %add3A_1610 : i32
        %get3A_1612 = arith.index_cast %add3A_1611 : i32 to index
        %get3A_1613 = arith.constant 112 : index
        %get3A_1614 = tpu.vector_load %arg8[%get3A_1612, %get3A_1613] {strides = array<i32>} : memref<112x128xi32, #tpu.memory_space<vmem>>, vector<16xi32>,
        %bitcast3A_1615 = vector.bitcast %get3A_1614 : vector<16xi32> to vector<32xbf16>
        %unpack3A_1616 = tpu.unpack_subelements %bitcast3A_1615, 0 {pack_format = #tpu.pack_format<interleaved>} : vector<32xbf16> -> vector<16xf32>
        %unpack3A_1617 = tpu.unpack_subelements %bitcast3A_1615, 1 {pack_format = #tpu.pack_format<interleaved>} : vector<32xbf16> -> vector<16xf32>
        %mul3A_1618 = arith.mulf %gather3A_1525, %unpack3A_1616 : vector<16xf32>
        %add3A_1619 = arith.addf %add3A_1517, %mul3A_1618 : vector<16xf32>
        %mul3A_1620 = arith.mulf %gather3A_1525, %unpack3A_1617 : vector<16xf32>
        %add3A_1621 = arith.addf %add3A_1519, %mul3A_1620 : vector<16xf32>
        %broadcast_in_dim3A_1622 = vector.broadcast %select_n3A : i32 to vector<16xi32>
        %add3A_1623 = arith.addi %mul3A_78, %mul3A_166 : i32
        %add3A_1624 = arith.constant 14 : i32
        %add3A_1625 = arith.addi %add3A_1623, %add3A_1624 : i32
        %broadcast_in_dim3A_1626 = vector.broadcast %add3A_1625 : i32 to vector<16xi32>
        %gather3A_1627 = tpu.vector_load_idx %arg7[%broadcast_in_dim3A_1622, %broadcast_in_dim3A_1626] : memref<32x784xf32, #tpu.memory_space<vmem>>[vector<16xi32>, vector<16xi32>], vector<16xf32>,
        %add3A_1628 = arith.constant 14 : i32
        %add3A_1629 = arith.addi %mul3A_166, %add3A_1628 : i32
        %get3A_1630 = arith.index_cast %add3A_1629 : i32 to index
        %get3A_1631 = arith.constant 0 : index
        %get3A_1632 = tpu.vector_load %arg8[%get3A_1630, %get3A_1631] {strides = array<i32>} : memref<112x128xi32, #tpu.memory_space<vmem>>, vector<16xi32>,
        %bitcast3A_1633 = vector.bitcast %get3A_1632 : vector<16xi32> to vector<32xbf16>
        %unpack3A_1634 = tpu.unpack_subelements %bitcast3A_1633, 0 {pack_format = #tpu.pack_format<interleaved>} : vector<32xbf16> -> vector<16xf32>
        %unpack3A_1635 = tpu.unpack_subelements %bitcast3A_1633, 1 {pack_format = #tpu.pack_format<interleaved>} : vector<32xbf16> -> vector<16xf32>
        %mul3A_1636 = arith.mulf %gather3A_1627, %unpack3A_1634 : vector<16xf32>
        %add3A_1637 = arith.addf %add3A_1535, %mul3A_1636 : vector<16xf32>
        %mul3A_1638 = arith.mulf %gather3A_1627, %unpack3A_1635 : vector<16xf32>
        %add3A_1639 = arith.addf %add3A_1537, %mul3A_1638 : vector<16xf32>
        %add3A_1640 = arith.constant 14 : i32
        %add3A_1641 = arith.addi %mul3A_166, %add3A_1640 : i32
        %get3A_1642 = arith.index_cast %add3A_1641 : i32 to index
        %get3A_1643 = arith.constant 16 : index
        %get3A_1644 = tpu.vector_load %arg8[%get3A_1642, %get3A_1643] {strides = array<i32>} : memref<112x128xi32, #tpu.memory_space<vmem>>, vector<16xi32>,
        %bitcast3A_1645 = vector.bitcast %get3A_1644 : vector<16xi32> to vector<32xbf16>
        %unpack3A_1646 = tpu.unpack_subelements %bitcast3A_1645, 0 {pack_format = #tpu.pack_format<interleaved>} : vector<32xbf16> -> vector<16xf32>
        %unpack3A_1647 = tpu.unpack_subelements %bitcast3A_1645, 1 {pack_format = #tpu.pack_format<interleaved>} : vector<32xbf16> -> vector<16xf32>
        %mul3A_1648 = arith.mulf %gather3A_1627, %unpack3A_1646 : vector<16xf32>
        %add3A_1649 = arith.addf %add3A_1547, %mul3A_1648 : vector<16xf32>
        %mul3A_1650 = arith.mulf %gather3A_1627, %unpack3A_1647 : vector<16xf32>
        %add3A_1651 = arith.addf %add3A_1549, %mul3A_1650 : vector<16xf32>
        %add3A_1652 = arith.constant 14 : i32
        %add3A_1653 = arith.addi %mul3A_166, %add3A_1652 : i32
        %get3A_1654 = arith.index_cast %add3A_1653 : i32 to index
        %get3A_1655 = arith.constant 32 : index
        %get3A_1656 = tpu.vector_load %arg8[%get3A_1654, %get3A_1655] {strides = array<i32>} : memref<112x128xi32, #tpu.memory_space<vmem>>, vector<16xi32>,
        %bitcast3A_1657 = vector.bitcast %get3A_1656 : vector<16xi32> to vector<32xbf16>
        %unpack3A_1658 = tpu.unpack_subelements %bitcast3A_1657, 0 {pack_format = #tpu.pack_format<interleaved>} : vector<32xbf16> -> vector<16xf32>
        %unpack3A_1659 = tpu.unpack_subelements %bitcast3A_1657, 1 {pack_format = #tpu.pack_format<interleaved>} : vector<32xbf16> -> vector<16xf32>
        %mul3A_1660 = arith.mulf %gather3A_1627, %unpack3A_1658 : vector<16xf32>
        %add3A_1661 = arith.addf %add3A_1559, %mul3A_1660 : vector<16xf32>
        %mul3A_1662 = arith.mulf %gather3A_1627, %unpack3A_1659 : vector<16xf32>
        %add3A_1663 = arith.addf %add3A_1561, %mul3A_1662 : vector<16xf32>
        %add3A_1664 = arith.constant 14 : i32
        %add3A_1665 = arith.addi %mul3A_166, %add3A_1664 : i32
        %get3A_1666 = arith.index_cast %add3A_1665 : i32 to index
        %get3A_1667 = arith.constant 48 : index
        %get3A_1668 = tpu.vector_load %arg8[%get3A_1666, %get3A_1667] {strides = array<i32>} : memref<112x128xi32, #tpu.memory_space<vmem>>, vector<16xi32>,
        %bitcast3A_1669 = vector.bitcast %get3A_1668 : vector<16xi32> to vector<32xbf16>
        %unpack3A_1670 = tpu.unpack_subelements %bitcast3A_1669, 0 {pack_format = #tpu.pack_format<interleaved>} : vector<32xbf16> -> vector<16xf32>
        %unpack3A_1671 = tpu.unpack_subelements %bitcast3A_1669, 1 {pack_format = #tpu.pack_format<interleaved>} : vector<32xbf16> -> vector<16xf32>
        %mul3A_1672 = arith.mulf %gather3A_1627, %unpack3A_1670 : vector<16xf32>
        %add3A_1673 = arith.addf %add3A_1571, %mul3A_1672 : vector<16xf32>
        %mul3A_1674 = arith.mulf %gather3A_1627, %unpack3A_1671 : vector<16xf32>
        %add3A_1675 = arith.addf %add3A_1573, %mul3A_1674 : vector<16xf32>
        %add3A_1676 = arith.constant 14 : i32
        %add3A_1677 = arith.addi %mul3A_166, %add3A_1676 : i32
        %get3A_1678 = arith.index_cast %add3A_1677 : i32 to index
        %get3A_1679 = arith.constant 64 : index
        %get3A_1680 = tpu.vector_load %arg8[%get3A_1678, %get3A_1679] {strides = array<i32>} : memref<112x128xi32, #tpu.memory_space<vmem>>, vector<16xi32>,
        %bitcast3A_1681 = vector.bitcast %get3A_1680 : vector<16xi32> to vector<32xbf16>
        %unpack3A_1682 = tpu.unpack_subelements %bitcast3A_1681, 0 {pack_format = #tpu.pack_format<interleaved>} : vector<32xbf16> -> vector<16xf32>
        %unpack3A_1683 = tpu.unpack_subelements %bitcast3A_1681, 1 {pack_format = #tpu.pack_format<interleaved>} : vector<32xbf16> -> vector<16xf32>
        %mul3A_1684 = arith.mulf %gather3A_1627, %unpack3A_1682 : vector<16xf32>
        %add3A_1685 = arith.addf %add3A_1583, %mul3A_1684 : vector<16xf32>
        %mul3A_1686 = arith.mulf %gather3A_1627, %unpack3A_1683 : vector<16xf32>
        %add3A_1687 = arith.addf %add3A_1585, %mul3A_1686 : vector<16xf32>
        %add3A_1688 = arith.constant 14 : i32
        %add3A_1689 = arith.addi %mul3A_166, %add3A_1688 : i32
        %get3A_1690 = arith.index_cast %add3A_1689 : i32 to index
        %get3A_1691 = arith.constant 80 : index
        %get3A_1692 = tpu.vector_load %arg8[%get3A_1690, %get3A_1691] {strides = array<i32>} : memref<112x128xi32, #tpu.memory_space<vmem>>, vector<16xi32>,
        %bitcast3A_1693 = vector.bitcast %get3A_1692 : vector<16xi32> to vector<32xbf16>
        %unpack3A_1694 = tpu.unpack_subelements %bitcast3A_1693, 0 {pack_format = #tpu.pack_format<interleaved>} : vector<32xbf16> -> vector<16xf32>
        %unpack3A_1695 = tpu.unpack_subelements %bitcast3A_1693, 1 {pack_format = #tpu.pack_format<interleaved>} : vector<32xbf16> -> vector<16xf32>
        %mul3A_1696 = arith.mulf %gather3A_1627, %unpack3A_1694 : vector<16xf32>
        %add3A_1697 = arith.addf %add3A_1595, %mul3A_1696 : vector<16xf32>
        %mul3A_1698 = arith.mulf %gather3A_1627, %unpack3A_1695 : vector<16xf32>
        %add3A_1699 = arith.addf %add3A_1597, %mul3A_1698 : vector<16xf32>
        %add3A_1700 = arith.constant 14 : i32
        %add3A_1701 = arith.addi %mul3A_166, %add3A_1700 : i32
        %get3A_1702 = arith.index_cast %add3A_1701 : i32 to index
        %get3A_1703 = arith.constant 96 : index
        %get3A_1704 = tpu.vector_load %arg8[%get3A_1702, %get3A_1703] {strides = array<i32>} : memref<112x128xi32, #tpu.memory_space<vmem>>, vector<16xi32>,
        %bitcast3A_1705 = vector.bitcast %get3A_1704 : vector<16xi32> to vector<32xbf16>
        %unpack3A_1706 = tpu.unpack_subelements %bitcast3A_1705, 0 {pack_format = #tpu.pack_format<interleaved>} : vector<32xbf16> -> vector<16xf32>
        %unpack3A_1707 = tpu.unpack_subelements %bitcast3A_1705, 1 {pack_format = #tpu.pack_format<interleaved>} : vector<32xbf16> -> vector<16xf32>
        %mul3A_1708 = arith.mulf %gather3A_1627, %unpack3A_1706 : vector<16xf32>
        %add3A_1709 = arith.addf %add3A_1607, %mul3A_1708 : vector<16xf32>
        %mul3A_1710 = arith.mulf %gather3A_1627, %unpack3A_1707 : vector<16xf32>
        %add3A_1711 = arith.addf %add3A_1609, %mul3A_1710 : vector<16xf32>
        %add3A_1712 = arith.constant 14 : i32
        %add3A_1713 = arith.addi %mul3A_166, %add3A_1712 : i32
        %get3A_1714 = arith.index_cast %add3A_1713 : i32 to index
        %get3A_1715 = arith.constant 112 : index
        %get3A_1716 = tpu.vector_load %arg8[%get3A_1714, %get3A_1715] {strides = array<i32>} : memref<112x128xi32, #tpu.memory_space<vmem>>, vector<16xi32>,
        %bitcast3A_1717 = vector.bitcast %get3A_1716 : vector<16xi32> to vector<32xbf16>
        %unpack3A_1718 = tpu.unpack_subelements %bitcast3A_1717, 0 {pack_format = #tpu.pack_format<interleaved>} : vector<32xbf16> -> vector<16xf32>
        %unpack3A_1719 = tpu.unpack_subelements %bitcast3A_1717, 1 {pack_format = #tpu.pack_format<interleaved>} : vector<32xbf16> -> vector<16xf32>
        %mul3A_1720 = arith.mulf %gather3A_1627, %unpack3A_1718 : vector<16xf32>
        %add3A_1721 = arith.addf %add3A_1619, %mul3A_1720 : vector<16xf32>
        %mul3A_1722 = arith.mulf %gather3A_1627, %unpack3A_1719 : vector<16xf32>
        %add3A_1723 = arith.addf %add3A_1621, %mul3A_1722 : vector<16xf32>
        %broadcast_in_dim3A_1724 = vector.broadcast %select_n3A : i32 to vector<16xi32>
        %add3A_1725 = arith.addi %mul3A_78, %mul3A_166 : i32
        %add3A_1726 = arith.constant 15 : i32
        %add3A_1727 = arith.addi %add3A_1725, %add3A_1726 : i32
        %broadcast_in_dim3A_1728 = vector.broadcast %add3A_1727 : i32 to vector<16xi32>
        %gather3A_1729 = tpu.vector_load_idx %arg7[%broadcast_in_dim3A_1724, %broadcast_in_dim3A_1728] : memref<32x784xf32, #tpu.memory_space<vmem>>[vector<16xi32>, vector<16xi32>], vector<16xf32>,
        %add3A_1730 = arith.constant 15 : i32
        %add3A_1731 = arith.addi %mul3A_166, %add3A_1730 : i32
        %get3A_1732 = arith.index_cast %add3A_1731 : i32 to index
        %get3A_1733 = arith.constant 0 : index
        %get3A_1734 = tpu.vector_load %arg8[%get3A_1732, %get3A_1733] {strides = array<i32>} : memref<112x128xi32, #tpu.memory_space<vmem>>, vector<16xi32>,
        %bitcast3A_1735 = vector.bitcast %get3A_1734 : vector<16xi32> to vector<32xbf16>
        %unpack3A_1736 = tpu.unpack_subelements %bitcast3A_1735, 0 {pack_format = #tpu.pack_format<interleaved>} : vector<32xbf16> -> vector<16xf32>
        %unpack3A_1737 = tpu.unpack_subelements %bitcast3A_1735, 1 {pack_format = #tpu.pack_format<interleaved>} : vector<32xbf16> -> vector<16xf32>
        %mul3A_1738 = arith.mulf %gather3A_1729, %unpack3A_1736 : vector<16xf32>
        %add3A_1739 = arith.addf %add3A_1637, %mul3A_1738 : vector<16xf32>
        %mul3A_1740 = arith.mulf %gather3A_1729, %unpack3A_1737 : vector<16xf32>
        %add3A_1741 = arith.addf %add3A_1639, %mul3A_1740 : vector<16xf32>
        %add3A_1742 = arith.constant 15 : i32
        %add3A_1743 = arith.addi %mul3A_166, %add3A_1742 : i32
        %get3A_1744 = arith.index_cast %add3A_1743 : i32 to index
        %get3A_1745 = arith.constant 16 : index
        %get3A_1746 = tpu.vector_load %arg8[%get3A_1744, %get3A_1745] {strides = array<i32>} : memref<112x128xi32, #tpu.memory_space<vmem>>, vector<16xi32>,
        %bitcast3A_1747 = vector.bitcast %get3A_1746 : vector<16xi32> to vector<32xbf16>
        %unpack3A_1748 = tpu.unpack_subelements %bitcast3A_1747, 0 {pack_format = #tpu.pack_format<interleaved>} : vector<32xbf16> -> vector<16xf32>
        %unpack3A_1749 = tpu.unpack_subelements %bitcast3A_1747, 1 {pack_format = #tpu.pack_format<interleaved>} : vector<32xbf16> -> vector<16xf32>
        %mul3A_1750 = arith.mulf %gather3A_1729, %unpack3A_1748 : vector<16xf32>
        %add3A_1751 = arith.addf %add3A_1649, %mul3A_1750 : vector<16xf32>
        %mul3A_1752 = arith.mulf %gather3A_1729, %unpack3A_1749 : vector<16xf32>
        %add3A_1753 = arith.addf %add3A_1651, %mul3A_1752 : vector<16xf32>
        %add3A_1754 = arith.constant 15 : i32
        %add3A_1755 = arith.addi %mul3A_166, %add3A_1754 : i32
        %get3A_1756 = arith.index_cast %add3A_1755 : i32 to index
        %get3A_1757 = arith.constant 32 : index
        %get3A_1758 = tpu.vector_load %arg8[%get3A_1756, %get3A_1757] {strides = array<i32>} : memref<112x128xi32, #tpu.memory_space<vmem>>, vector<16xi32>,
        %bitcast3A_1759 = vector.bitcast %get3A_1758 : vector<16xi32> to vector<32xbf16>
        %unpack3A_1760 = tpu.unpack_subelements %bitcast3A_1759, 0 {pack_format = #tpu.pack_format<interleaved>} : vector<32xbf16> -> vector<16xf32>
        %unpack3A_1761 = tpu.unpack_subelements %bitcast3A_1759, 1 {pack_format = #tpu.pack_format<interleaved>} : vector<32xbf16> -> vector<16xf32>
        %mul3A_1762 = arith.mulf %gather3A_1729, %unpack3A_1760 : vector<16xf32>
        %add3A_1763 = arith.addf %add3A_1661, %mul3A_1762 : vector<16xf32>
        %mul3A_1764 = arith.mulf %gather3A_1729, %unpack3A_1761 : vector<16xf32>
        %add3A_1765 = arith.addf %add3A_1663, %mul3A_1764 : vector<16xf32>
        %add3A_1766 = arith.constant 15 : i32
        %add3A_1767 = arith.addi %mul3A_166, %add3A_1766 : i32
        %get3A_1768 = arith.index_cast %add3A_1767 : i32 to index
        %get3A_1769 = arith.constant 48 : index
        %get3A_1770 = tpu.vector_load %arg8[%get3A_1768, %get3A_1769] {strides = array<i32>} : memref<112x128xi32, #tpu.memory_space<vmem>>, vector<16xi32>,
        %bitcast3A_1771 = vector.bitcast %get3A_1770 : vector<16xi32> to vector<32xbf16>
        %unpack3A_1772 = tpu.unpack_subelements %bitcast3A_1771, 0 {pack_format = #tpu.pack_format<interleaved>} : vector<32xbf16> -> vector<16xf32>
        %unpack3A_1773 = tpu.unpack_subelements %bitcast3A_1771, 1 {pack_format = #tpu.pack_format<interleaved>} : vector<32xbf16> -> vector<16xf32>
        %mul3A_1774 = arith.mulf %gather3A_1729, %unpack3A_1772 : vector<16xf32>
        %add3A_1775 = arith.addf %add3A_1673, %mul3A_1774 : vector<16xf32>
        %mul3A_1776 = arith.mulf %gather3A_1729, %unpack3A_1773 : vector<16xf32>
        %add3A_1777 = arith.addf %add3A_1675, %mul3A_1776 : vector<16xf32>
        %add3A_1778 = arith.constant 15 : i32
        %add3A_1779 = arith.addi %mul3A_166, %add3A_1778 : i32
        %get3A_1780 = arith.index_cast %add3A_1779 : i32 to index
        %get3A_1781 = arith.constant 64 : index
        %get3A_1782 = tpu.vector_load %arg8[%get3A_1780, %get3A_1781] {strides = array<i32>} : memref<112x128xi32, #tpu.memory_space<vmem>>, vector<16xi32>,
        %bitcast3A_1783 = vector.bitcast %get3A_1782 : vector<16xi32> to vector<32xbf16>
        %unpack3A_1784 = tpu.unpack_subelements %bitcast3A_1783, 0 {pack_format = #tpu.pack_format<interleaved>} : vector<32xbf16> -> vector<16xf32>
        %unpack3A_1785 = tpu.unpack_subelements %bitcast3A_1783, 1 {pack_format = #tpu.pack_format<interleaved>} : vector<32xbf16> -> vector<16xf32>
        %mul3A_1786 = arith.mulf %gather3A_1729, %unpack3A_1784 : vector<16xf32>
        %add3A_1787 = arith.addf %add3A_1685, %mul3A_1786 : vector<16xf32>
        %mul3A_1788 = arith.mulf %gather3A_1729, %unpack3A_1785 : vector<16xf32>
        %add3A_1789 = arith.addf %add3A_1687, %mul3A_1788 : vector<16xf32>
        %add3A_1790 = arith.constant 15 : i32
        %add3A_1791 = arith.addi %mul3A_166, %add3A_1790 : i32
        %get3A_1792 = arith.index_cast %add3A_1791 : i32 to index
        %get3A_1793 = arith.constant 80 : index
        %get3A_1794 = tpu.vector_load %arg8[%get3A_1792, %get3A_1793] {strides = array<i32>} : memref<112x128xi32, #tpu.memory_space<vmem>>, vector<16xi32>,
        %bitcast3A_1795 = vector.bitcast %get3A_1794 : vector<16xi32> to vector<32xbf16>
        %unpack3A_1796 = tpu.unpack_subelements %bitcast3A_1795, 0 {pack_format = #tpu.pack_format<interleaved>} : vector<32xbf16> -> vector<16xf32>
        %unpack3A_1797 = tpu.unpack_subelements %bitcast3A_1795, 1 {pack_format = #tpu.pack_format<interleaved>} : vector<32xbf16> -> vector<16xf32>
        %mul3A_1798 = arith.mulf %gather3A_1729, %unpack3A_1796 : vector<16xf32>
        %add3A_1799 = arith.addf %add3A_1697, %mul3A_1798 : vector<16xf32>
        %mul3A_1800 = arith.mulf %gather3A_1729, %unpack3A_1797 : vector<16xf32>
        %add3A_1801 = arith.addf %add3A_1699, %mul3A_1800 : vector<16xf32>
        %add3A_1802 = arith.constant 15 : i32
        %add3A_1803 = arith.addi %mul3A_166, %add3A_1802 : i32
        %get3A_1804 = arith.index_cast %add3A_1803 : i32 to index
        %get3A_1805 = arith.constant 96 : index
        %get3A_1806 = tpu.vector_load %arg8[%get3A_1804, %get3A_1805] {strides = array<i32>} : memref<112x128xi32, #tpu.memory_space<vmem>>, vector<16xi32>,
        %bitcast3A_1807 = vector.bitcast %get3A_1806 : vector<16xi32> to vector<32xbf16>
        %unpack3A_1808 = tpu.unpack_subelements %bitcast3A_1807, 0 {pack_format = #tpu.pack_format<interleaved>} : vector<32xbf16> -> vector<16xf32>
        %unpack3A_1809 = tpu.unpack_subelements %bitcast3A_1807, 1 {pack_format = #tpu.pack_format<interleaved>} : vector<32xbf16> -> vector<16xf32>
        %mul3A_1810 = arith.mulf %gather3A_1729, %unpack3A_1808 : vector<16xf32>
        %add3A_1811 = arith.addf %add3A_1709, %mul3A_1810 : vector<16xf32>
        %mul3A_1812 = arith.mulf %gather3A_1729, %unpack3A_1809 : vector<16xf32>
        %add3A_1813 = arith.addf %add3A_1711, %mul3A_1812 : vector<16xf32>
        %add3A_1814 = arith.constant 15 : i32
        %add3A_1815 = arith.addi %mul3A_166, %add3A_1814 : i32
        %get3A_1816 = arith.index_cast %add3A_1815 : i32 to index
        %get3A_1817 = arith.constant 112 : index
        %get3A_1818 = tpu.vector_load %arg8[%get3A_1816, %get3A_1817] {strides = array<i32>} : memref<112x128xi32, #tpu.memory_space<vmem>>, vector<16xi32>,
        %bitcast3A_1819 = vector.bitcast %get3A_1818 : vector<16xi32> to vector<32xbf16>
        %unpack3A_1820 = tpu.unpack_subelements %bitcast3A_1819, 0 {pack_format = #tpu.pack_format<interleaved>} : vector<32xbf16> -> vector<16xf32>
        %unpack3A_1821 = tpu.unpack_subelements %bitcast3A_1819, 1 {pack_format = #tpu.pack_format<interleaved>} : vector<32xbf16> -> vector<16xf32>
        %mul3A_1822 = arith.mulf %gather3A_1729, %unpack3A_1820 : vector<16xf32>
        %add3A_1823 = arith.addf %add3A_1721, %mul3A_1822 : vector<16xf32>
        %mul3A_1824 = arith.mulf %gather3A_1729, %unpack3A_1821 : vector<16xf32>
        %add3A_1825 = arith.addf %add3A_1723, %mul3A_1824 : vector<16xf32>
        %mul3A_1826 = arith.constant 256 : i32
        %mul3A_1827 = arith.muli %scan3A_164, %mul3A_1826 : i32
        %add3A_1828 = arith.constant 0 : i32
        %add3A_1829 = arith.addi %mul3A_1827, %add3A_1828 : i32
        %swap3A = arith.index_cast %add3A_1829 : i32 to index
        %swap3A_1830 = tpu.vector_load %arg10[%swap3A] {strides = array<i32>} : memref<1792xf32, #tpu.memory_space<vmem>>, vector<16xf32>,
        tpu.vector_store %arg10[%swap3A], %add3A_1739 {strides = array<i32>} : memref<1792xf32, #tpu.memory_space<vmem>>, vector<16xf32>,
        %add3A_1831 = arith.constant 128 : i32
        %add3A_1832 = arith.addi %mul3A_1827, %add3A_1831 : i32
        %add3A_1833 = arith.constant 0 : i32
        %add3A_1834 = arith.addi %add3A_1832, %add3A_1833 : i32
        %swap3A_1835 = arith.index_cast %add3A_1834 : i32 to index
        %swap3A_1836 = tpu.vector_load %arg10[%swap3A_1835] {strides = array<i32>} : memref<1792xf32, #tpu.memory_space<vmem>>, vector<16xf32>,
        tpu.vector_store %arg10[%swap3A_1835], %add3A_1741 {strides = array<i32>} : memref<1792xf32, #tpu.memory_space<vmem>>, vector<16xf32>,
        %add3A_1837 = arith.constant 16 : i32
        %add3A_1838 = arith.addi %mul3A_1827, %add3A_1837 : i32
        %swap3A_1839 = arith.index_cast %add3A_1838 : i32 to index
        %swap3A_1840 = tpu.vector_load %arg10[%swap3A_1839] {strides = array<i32>} : memref<1792xf32, #tpu.memory_space<vmem>>, vector<16xf32>,
        tpu.vector_store %arg10[%swap3A_1839], %add3A_1751 {strides = array<i32>} : memref<1792xf32, #tpu.memory_space<vmem>>, vector<16xf32>,
        %add3A_1841 = arith.constant 128 : i32
        %add3A_1842 = arith.addi %mul3A_1827, %add3A_1841 : i32
        %add3A_1843 = arith.constant 16 : i32
        %add3A_1844 = arith.addi %add3A_1842, %add3A_1843 : i32
        %swap3A_1845 = arith.index_cast %add3A_1844 : i32 to index
        %swap3A_1846 = tpu.vector_load %arg10[%swap3A_1845] {strides = array<i32>} : memref<1792xf32, #tpu.memory_space<vmem>>, vector<16xf32>,
        tpu.vector_store %arg10[%swap3A_1845], %add3A_1753 {strides = array<i32>} : memref<1792xf32, #tpu.memory_space<vmem>>, vector<16xf32>,
        %add3A_1847 = arith.constant 32 : i32
        %add3A_1848 = arith.addi %mul3A_1827, %add3A_1847 : i32
        %swap3A_1849 = arith.index_cast %add3A_1848 : i32 to index
        %swap3A_1850 = tpu.vector_load %arg10[%swap3A_1849] {strides = array<i32>} : memref<1792xf32, #tpu.memory_space<vmem>>, vector<16xf32>,
        tpu.vector_store %arg10[%swap3A_1849], %add3A_1763 {strides = array<i32>} : memref<1792xf32, #tpu.memory_space<vmem>>, vector<16xf32>,
        %add3A_1851 = arith.constant 128 : i32
        %add3A_1852 = arith.addi %mul3A_1827, %add3A_1851 : i32
        %add3A_1853 = arith.constant 32 : i32
        %add3A_1854 = arith.addi %add3A_1852, %add3A_1853 : i32
        %swap3A_1855 = arith.index_cast %add3A_1854 : i32 to index
        %swap3A_1856 = tpu.vector_load %arg10[%swap3A_1855] {strides = array<i32>} : memref<1792xf32, #tpu.memory_space<vmem>>, vector<16xf32>,
        tpu.vector_store %arg10[%swap3A_1855], %add3A_1765 {strides = array<i32>} : memref<1792xf32, #tpu.memory_space<vmem>>, vector<16xf32>,
        %add3A_1857 = arith.constant 48 : i32
        %add3A_1858 = arith.addi %mul3A_1827, %add3A_1857 : i32
        %swap3A_1859 = arith.index_cast %add3A_1858 : i32 to index
        %swap3A_1860 = tpu.vector_load %arg10[%swap3A_1859] {strides = array<i32>} : memref<1792xf32, #tpu.memory_space<vmem>>, vector<16xf32>,
        tpu.vector_store %arg10[%swap3A_1859], %add3A_1775 {strides = array<i32>} : memref<1792xf32, #tpu.memory_space<vmem>>, vector<16xf32>,
        %add3A_1861 = arith.constant 128 : i32
        %add3A_1862 = arith.addi %mul3A_1827, %add3A_1861 : i32
        %add3A_1863 = arith.constant 48 : i32
        %add3A_1864 = arith.addi %add3A_1862, %add3A_1863 : i32
        %swap3A_1865 = arith.index_cast %add3A_1864 : i32 to index
        %swap3A_1866 = tpu.vector_load %arg10[%swap3A_1865] {strides = array<i32>} : memref<1792xf32, #tpu.memory_space<vmem>>, vector<16xf32>,
        tpu.vector_store %arg10[%swap3A_1865], %add3A_1777 {strides = array<i32>} : memref<1792xf32, #tpu.memory_space<vmem>>, vector<16xf32>,
        %add3A_1867 = arith.constant 64 : i32
        %add3A_1868 = arith.addi %mul3A_1827, %add3A_1867 : i32
        %swap3A_1869 = arith.index_cast %add3A_1868 : i32 to index
        %swap3A_1870 = tpu.vector_load %arg10[%swap3A_1869] {strides = array<i32>} : memref<1792xf32, #tpu.memory_space<vmem>>, vector<16xf32>,
        tpu.vector_store %arg10[%swap3A_1869], %add3A_1787 {strides = array<i32>} : memref<1792xf32, #tpu.memory_space<vmem>>, vector<16xf32>,
        %add3A_1871 = arith.constant 128 : i32
        %add3A_1872 = arith.addi %mul3A_1827, %add3A_1871 : i32
        %add3A_1873 = arith.constant 64 : i32
        %add3A_1874 = arith.addi %add3A_1872, %add3A_1873 : i32
        %swap3A_1875 = arith.index_cast %add3A_1874 : i32 to index
        %swap3A_1876 = tpu.vector_load %arg10[%swap3A_1875] {strides = array<i32>} : memref<1792xf32, #tpu.memory_space<vmem>>, vector<16xf32>,
        tpu.vector_store %arg10[%swap3A_1875], %add3A_1789 {strides = array<i32>} : memref<1792xf32, #tpu.memory_space<vmem>>, vector<16xf32>,
        %add3A_1877 = arith.constant 80 : i32
        %add3A_1878 = arith.addi %mul3A_1827, %add3A_1877 : i32
        %swap3A_1879 = arith.index_cast %add3A_1878 : i32 to index
        %swap3A_1880 = tpu.vector_load %arg10[%swap3A_1879] {strides = array<i32>} : memref<1792xf32, #tpu.memory_space<vmem>>, vector<16xf32>,
        tpu.vector_store %arg10[%swap3A_1879], %add3A_1799 {strides = array<i32>} : memref<1792xf32, #tpu.memory_space<vmem>>, vector<16xf32>,
        %add3A_1881 = arith.constant 128 : i32
        %add3A_1882 = arith.addi %mul3A_1827, %add3A_1881 : i32
        %add3A_1883 = arith.constant 80 : i32
        %add3A_1884 = arith.addi %add3A_1882, %add3A_1883 : i32
        %swap3A_1885 = arith.index_cast %add3A_1884 : i32 to index
        %swap3A_1886 = tpu.vector_load %arg10[%swap3A_1885] {strides = array<i32>} : memref<1792xf32, #tpu.memory_space<vmem>>, vector<16xf32>,
        tpu.vector_store %arg10[%swap3A_1885], %add3A_1801 {strides = array<i32>} : memref<1792xf32, #tpu.memory_space<vmem>>, vector<16xf32>,
        %add3A_1887 = arith.constant 96 : i32
        %add3A_1888 = arith.addi %mul3A_1827, %add3A_1887 : i32
        %swap3A_1889 = arith.index_cast %add3A_1888 : i32 to index
        %swap3A_1890 = tpu.vector_load %arg10[%swap3A_1889] {strides = array<i32>} : memref<1792xf32, #tpu.memory_space<vmem>>, vector<16xf32>,
        tpu.vector_store %arg10[%swap3A_1889], %add3A_1811 {strides = array<i32>} : memref<1792xf32, #tpu.memory_space<vmem>>, vector<16xf32>,
        %add3A_1891 = arith.constant 128 : i32
        %add3A_1892 = arith.addi %mul3A_1827, %add3A_1891 : i32
        %add3A_1893 = arith.constant 96 : i32
        %add3A_1894 = arith.addi %add3A_1892, %add3A_1893 : i32
        %swap3A_1895 = arith.index_cast %add3A_1894 : i32 to index
        %swap3A_1896 = tpu.vector_load %arg10[%swap3A_1895] {strides = array<i32>} : memref<1792xf32, #tpu.memory_space<vmem>>, vector<16xf32>,
        tpu.vector_store %arg10[%swap3A_1895], %add3A_1813 {strides = array<i32>} : memref<1792xf32, #tpu.memory_space<vmem>>, vector<16xf32>,
        %add3A_1897 = arith.constant 112 : i32
        %add3A_1898 = arith.addi %mul3A_1827, %add3A_1897 : i32
        %swap3A_1899 = arith.index_cast %add3A_1898 : i32 to index
        %swap3A_1900 = tpu.vector_load %arg10[%swap3A_1899] {strides = array<i32>} : memref<1792xf32, #tpu.memory_space<vmem>>, vector<16xf32>,
        tpu.vector_store %arg10[%swap3A_1899], %add3A_1823 {strides = array<i32>} : memref<1792xf32, #tpu.memory_space<vmem>>, vector<16xf32>,
        %add3A_1901 = arith.constant 128 : i32
        %add3A_1902 = arith.addi %mul3A_1827, %add3A_1901 : i32
        %add3A_1903 = arith.constant 112 : i32
        %add3A_1904 = arith.addi %add3A_1902, %add3A_1903 : i32
        %swap3A_1905 = arith.index_cast %add3A_1904 : i32 to index
        %swap3A_1906 = tpu.vector_load %arg10[%swap3A_1905] {strides = array<i32>} : memref<1792xf32, #tpu.memory_space<vmem>>, vector<16xf32>,
        tpu.vector_store %arg10[%swap3A_1905], %add3A_1825 {strides = array<i32>} : memref<1792xf32, #tpu.memory_space<vmem>>, vector<16xf32>,
      }
      %scan3A_84 = arith.constant 7 : i32
      %mul3A_85 = arith.constant 7 : i32
      %mul3A_86 = arith.muli %mul3A_31, %mul3A_85 : i32
      %add3A_87 = arith.addi %mul3A_4, %mul3A_86 : i32
      %mul3A_88 = arith.constant 256 : i32
      %mul3A_89 = arith.muli %add3A_87, %mul3A_88 : i32
      %dma_start3A_90 = tpu.memref_slice %arg5[%mul3A_89] : memref<12845056xf32, #tpu.memory_space<hbm>> -> memref<1792xf32, #tpu.memory_space<hbm>>
      %dma_start3A_91 = tpu.memref_slice %arg5[%mul3A_89] : memref<12845056xf32, #tpu.memory_space<hbm>> -> memref<1792xf32, #tpu.memory_space<hbm>>
      tpu.enqueue_dma source(%arg10 : memref<1792xf32, #tpu.memory_space<vmem>>) target(%dma_start3A_91 : memref<1792xf32, #tpu.memory_space<hbm>>) target_semaphore(%arg14 : memref<!tpu.dma_semaphore, #tpu.memory_space<semaphore_mem>>)
      %lt3A_92 = arith.constant 111 : i32
      %lt3A_93 = arith.cmpi slt, %scan3A_29, %lt3A_92 : i32
      %convert_element_type3A_94 = arith.extui %lt3A_93 : i1 to i32
      %cond3A_95 = arith.constant 0 : i32
      %cond3A_96 = arith.cmpi ne, %convert_element_type3A_94, %cond3A_95 : i32
      scf.if %cond3A_96 {
        %add3A_164 = arith.constant 2 : i32
        %add3A_165 = arith.addi %mul3A_31, %add3A_164 : i32
        %mul3A_166 = arith.constant 112 : i32
        %mul3A_167 = arith.muli %add3A_165, %mul3A_166 : i32
        %dma_start3A_168 = tpu.memref_slice %arg6[%mul3A_167] : memref<25088xi32, #tpu.memory_space<vmem>> -> memref<112xi32, #tpu.memory_space<vmem>>
        %dma_start3A_169 = arith.constant 0 : i32
        %dma_start3A_170 = arith.constant 0 : i32
        %dma_start3A_171 = tpu.memref_slice %arg2[%dma_start3A_169, %dma_start3A_170] : memref<20000x128xi32, #tpu.memory_space<hbm>> -> memref<20000x128xi32, #tpu.memory_space<hbm>>
        tpu.enqueue_indirect_dma source(%dma_start3A_171 : memref<20000x128xi32, #tpu.memory_space<hbm>>) target(%arg8 : memref<112x128xi32, #tpu.memory_space<vmem>>) offsets(%dma_start3A_168 : memref<112xi32, #tpu.memory_space<vmem>>) semaphore(%arg12 : memref<!tpu.dma_semaphore, #tpu.memory_space<semaphore_mem>>)
      } else {
      }
      %dma_wait3A_97 = arith.constant 0 : i32
      %dma_wait3A_98 = tpu.memref_slice %arg6[%dma_wait3A_97] : memref<25088xi32, #tpu.memory_space<vmem>> -> memref<112xi32, #tpu.memory_space<vmem>>
      %dma_wait3A_99 = arith.constant 0 : i32
      %dma_wait3A_100 = arith.constant 0 : i32
      %dma_wait3A_101 = tpu.memref_slice %arg2[%dma_wait3A_99, %dma_wait3A_100] : memref<20000x128xi32, #tpu.memory_space<hbm>> -> memref<20000x128xi32, #tpu.memory_space<hbm>>
      tpu.wait_indirect_dma semaphore(%arg13 : memref<!tpu.dma_semaphore, #tpu.memory_space<semaphore_mem>>) src(%dma_wait3A_101 : memref<20000x128xi32, #tpu.memory_space<hbm>>) dst(%arg9 : memref<112x128xi32, #tpu.memory_space<vmem>>)
      %gt3A_102 = arith.constant 0 : i32
      %gt3A_103 = arith.cmpi sgt, %scan3A_29, %gt3A_102 : i32
      %convert_element_type3A_104 = arith.extui %gt3A_103 : i1 to i32
      %cond3A_105 = arith.constant 0 : i32
      %cond3A_106 = arith.cmpi ne, %convert_element_type3A_104, %cond3A_105 : i32
      scf.if %cond3A_106 {
        %dma_wait3A_164 = arith.constant 0 : i32
        %dma_wait3A_165 = tpu.memref_slice %arg5[%dma_wait3A_164] : memref<12845056xf32, #tpu.memory_space<hbm>> -> memref<1792xf32, #tpu.memory_space<hbm>>
        %dma_wait3A_166 = arith.constant 0 : i32
        %dma_wait3A_167 = tpu.memref_slice %arg5[%dma_wait3A_166] : memref<12845056xf32, #tpu.memory_space<hbm>> -> memref<1792xf32, #tpu.memory_space<hbm>>
        tpu.wait_dma2 semaphore(%arg15 : memref<!tpu.dma_semaphore, #tpu.memory_space<semaphore_mem>>) src(%arg11 : memref<1792xf32, #tpu.memory_space<vmem>>) dst(%dma_wait3A_167 : memref<1792xf32, #tpu.memory_space<hbm>>)
      } else {
      }
      %add3A_107 = arith.constant 1 : i32
      %add3A_108 = arith.addi %mul3A_31, %add3A_107 : i32
      %jit3A_109 = arith.constant 7 : i32
      %div3A_110 = arith.divsi %add3A_108, %jit3A_109 : i32
      %sign3A_111 = arith.constant 0 : i32
      %sign3A_112 = arith.cmpi sgt, %add3A_108, %sign3A_111 : i32
      %sign3A_113 = arith.extui %sign3A_112 : i1 to i32
      %sign3A_114 = arith.constant 0 : i32
      %sign3A_115 = arith.cmpi slt, %add3A_108, %sign3A_114 : i32
      %sign3A_116 = arith.extui %sign3A_115 : i1 to i32
      %sign3A_117 = arith.subi %sign3A_113, %sign3A_116 : i32
      %sign3A_118 = arith.constant 0 : i32
      %sign3A_119 = arith.cmpi sgt, %jit3A_109, %sign3A_118 : i32
      %sign3A_120 = arith.extui %sign3A_119 : i1 to i32
      %sign3A_121 = arith.constant 0 : i32
      %sign3A_122 = arith.cmpi slt, %jit3A_109, %sign3A_121 : i32
      %sign3A_123 = arith.extui %sign3A_122 : i1 to i32
      %sign3A_124 = arith.subi %sign3A_120, %sign3A_123 : i32
      %ne3A_125 = arith.cmpi ne, %sign3A_117, %sign3A_124 : i32
      %rem3A_126 = arith.remsi %add3A_108, %jit3A_109 : i32
      %ne3A_127 = arith.constant 0 : i32
      %ne3A_128 = arith.cmpi ne, %rem3A_126, %ne3A_127 : i32
      %and3A_129 = arith.andi %ne3A_125, %ne3A_128 : i1
      %sub3A_130 = arith.constant 1 : i32
      %sub3A_131 = arith.subi %div3A_110, %sub3A_130 : i32
      %select_n3A_132 = arith.select %and3A_129, %sub3A_131, %div3A_110 : i32
      %jit3A_133 = arith.constant 7 : i32
      %eq3A_134 = arith.constant 0 : i32
      %eq3A_135 = arith.cmpi eq, %jit3A_133, %eq3A_134 : i32
      %jit3A_136 = arith.constant 1 : i32
      %select_n3A_137 = arith.select %eq3A_135, %jit3A_136, %jit3A_133 : i32
      %rem3A_138 = arith.remsi %add3A_108, %select_n3A_137 : i32
      %ne3A_139 = arith.constant 0 : i32
      %ne3A_140 = arith.cmpi ne, %rem3A_138, %ne3A_139 : i32
      %lt3A_141 = arith.constant 0 : i32
      %lt3A_142 = arith.cmpi slt, %rem3A_138, %lt3A_141 : i32
      %lt3A_143 = arith.constant 0 : i32
      %lt3A_144 = arith.cmpi slt, %select_n3A_137, %lt3A_143 : i32
      %ne3A_145 = arith.xori %lt3A_142, %lt3A_144 : i1
      %and3A_146 = arith.andi %ne3A_145, %ne3A_140 : i1
      %add3A_147 = arith.addi %rem3A_138, %select_n3A_137 : i32
      %select_n3A_148 = arith.select %and3A_146, %add3A_147, %rem3A_138 : i32
      %mul3A_149 = arith.constant 112 : i32
      %mul3A_150 = arith.muli %select_n3A_148, %mul3A_149 : i32
      %scan3A_151 = arith.constant 0 : i32
      %scan3A_152 = arith.constant 0 : i32
      %scan3A_153 = arith.constant 7 : i32
      %scan3A_154 = arith.addi %scan3A_152, %scan3A_153 : i32
      %scan3A_155 = arith.constant 1 : i32
      scf.for %scan3A_164 = %scan3A_152 to %scan3A_154 step %scan3A_155  : i32 {
        %mul3A_165 = arith.constant 16 : i32
        %mul3A_166 = arith.muli %scan3A_164, %mul3A_165 : i32
        %broadcast_in_dim3A = arith.constant 0.000000e+00 : f32
        %broadcast_in_dim3A_167 = vector.broadcast %broadcast_in_dim3A : f32 to vector<16xf32>
        %broadcast_in_dim3A_168 = arith.constant 0.000000e+00 : f32
        %broadcast_in_dim3A_169 = vector.broadcast %broadcast_in_dim3A_168 : f32 to vector<16xf32>
        %broadcast_in_dim3A_170 = arith.constant 0.000000e+00 : f32
        %broadcast_in_dim3A_171 = vector.broadcast %broadcast_in_dim3A_170 : f32 to vector<16xf32>
        %broadcast_in_dim3A_172 = arith.constant 0.000000e+00 : f32
        %broadcast_in_dim3A_173 = vector.broadcast %broadcast_in_dim3A_172 : f32 to vector<16xf32>
        %broadcast_in_dim3A_174 = arith.constant 0.000000e+00 : f32
        %broadcast_in_dim3A_175 = vector.broadcast %broadcast_in_dim3A_174 : f32 to vector<16xf32>
        %broadcast_in_dim3A_176 = arith.constant 0.000000e+00 : f32
        %broadcast_in_dim3A_177 = vector.broadcast %broadcast_in_dim3A_176 : f32 to vector<16xf32>
        %broadcast_in_dim3A_178 = arith.constant 0.000000e+00 : f32
        %broadcast_in_dim3A_179 = vector.broadcast %broadcast_in_dim3A_178 : f32 to vector<16xf32>
        %broadcast_in_dim3A_180 = arith.constant 0.000000e+00 : f32
        %broadcast_in_dim3A_181 = vector.broadcast %broadcast_in_dim3A_180 : f32 to vector<16xf32>
        %broadcast_in_dim3A_182 = arith.constant 0.000000e+00 : f32
        %broadcast_in_dim3A_183 = vector.broadcast %broadcast_in_dim3A_182 : f32 to vector<16xf32>
        %broadcast_in_dim3A_184 = arith.constant 0.000000e+00 : f32
        %broadcast_in_dim3A_185 = vector.broadcast %broadcast_in_dim3A_184 : f32 to vector<16xf32>
        %broadcast_in_dim3A_186 = arith.constant 0.000000e+00 : f32
        %broadcast_in_dim3A_187 = vector.broadcast %broadcast_in_dim3A_186 : f32 to vector<16xf32>
        %broadcast_in_dim3A_188 = arith.constant 0.000000e+00 : f32
        %broadcast_in_dim3A_189 = vector.broadcast %broadcast_in_dim3A_188 : f32 to vector<16xf32>
        %broadcast_in_dim3A_190 = arith.constant 0.000000e+00 : f32
        %broadcast_in_dim3A_191 = vector.broadcast %broadcast_in_dim3A_190 : f32 to vector<16xf32>
        %broadcast_in_dim3A_192 = arith.constant 0.000000e+00 : f32
        %broadcast_in_dim3A_193 = vector.broadcast %broadcast_in_dim3A_192 : f32 to vector<16xf32>
        %broadcast_in_dim3A_194 = arith.constant 0.000000e+00 : f32
        %broadcast_in_dim3A_195 = vector.broadcast %broadcast_in_dim3A_194 : f32 to vector<16xf32>
        %broadcast_in_dim3A_196 = arith.constant 0.000000e+00 : f32
        %broadcast_in_dim3A_197 = vector.broadcast %broadcast_in_dim3A_196 : f32 to vector<16xf32>
        %broadcast_in_dim3A_198 = vector.broadcast %select_n3A_132 : i32 to vector<16xi32>
        %add3A_199 = arith.addi %mul3A_150, %mul3A_166 : i32
        %add3A_200 = arith.constant 0 : i32
        %add3A_201 = arith.addi %add3A_199, %add3A_200 : i32
        %broadcast_in_dim3A_202 = vector.broadcast %add3A_201 : i32 to vector<16xi32>
        %gather3A = tpu.vector_load_idx %arg7[%broadcast_in_dim3A_198, %broadcast_in_dim3A_202] : memref<32x784xf32, #tpu.memory_space<vmem>>[vector<16xi32>, vector<16xi32>], vector<16xf32>,
        %add3A_203 = arith.constant 0 : i32
        %add3A_204 = arith.addi %mul3A_166, %add3A_203 : i32
        %get3A = arith.index_cast %add3A_204 : i32 to index
        %get3A_205 = arith.constant 0 : index
        %get3A_206 = tpu.vector_load %arg9[%get3A, %get3A_205] {strides = array<i32>} : memref<112x128xi32, #tpu.memory_space<vmem>>, vector<16xi32>,
        %bitcast3A = vector.bitcast %get3A_206 : vector<16xi32> to vector<32xbf16>
        %unpack3A = tpu.unpack_subelements %bitcast3A, 0 {pack_format = #tpu.pack_format<interleaved>} : vector<32xbf16> -> vector<16xf32>
        %unpack3A_207 = tpu.unpack_subelements %bitcast3A, 1 {pack_format = #tpu.pack_format<interleaved>} : vector<32xbf16> -> vector<16xf32>
        %mul3A_208 = arith.mulf %gather3A, %unpack3A : vector<16xf32>
        %add3A_209 = arith.addf %broadcast_in_dim3A_167, %mul3A_208 : vector<16xf32>
        %mul3A_210 = arith.mulf %gather3A, %unpack3A_207 : vector<16xf32>
        %add3A_211 = arith.addf %broadcast_in_dim3A_169, %mul3A_210 : vector<16xf32>
        %add3A_212 = arith.constant 0 : i32
        %add3A_213 = arith.addi %mul3A_166, %add3A_212 : i32
        %get3A_214 = arith.index_cast %add3A_213 : i32 to index
        %get3A_215 = arith.constant 16 : index
        %get3A_216 = tpu.vector_load %arg9[%get3A_214, %get3A_215] {strides = array<i32>} : memref<112x128xi32, #tpu.memory_space<vmem>>, vector<16xi32>,
        %bitcast3A_217 = vector.bitcast %get3A_216 : vector<16xi32> to vector<32xbf16>
        %unpack3A_218 = tpu.unpack_subelements %bitcast3A_217, 0 {pack_format = #tpu.pack_format<interleaved>} : vector<32xbf16> -> vector<16xf32>
        %unpack3A_219 = tpu.unpack_subelements %bitcast3A_217, 1 {pack_format = #tpu.pack_format<interleaved>} : vector<32xbf16> -> vector<16xf32>
        %mul3A_220 = arith.mulf %gather3A, %unpack3A_218 : vector<16xf32>
        %add3A_221 = arith.addf %broadcast_in_dim3A_171, %mul3A_220 : vector<16xf32>
        %mul3A_222 = arith.mulf %gather3A, %unpack3A_219 : vector<16xf32>
        %add3A_223 = arith.addf %broadcast_in_dim3A_173, %mul3A_222 : vector<16xf32>
        %add3A_224 = arith.constant 0 : i32
        %add3A_225 = arith.addi %mul3A_166, %add3A_224 : i32
        %get3A_226 = arith.index_cast %add3A_225 : i32 to index
        %get3A_227 = arith.constant 32 : index
        %get3A_228 = tpu.vector_load %arg9[%get3A_226, %get3A_227] {strides = array<i32>} : memref<112x128xi32, #tpu.memory_space<vmem>>, vector<16xi32>,
        %bitcast3A_229 = vector.bitcast %get3A_228 : vector<16xi32> to vector<32xbf16>
        %unpack3A_230 = tpu.unpack_subelements %bitcast3A_229, 0 {pack_format = #tpu.pack_format<interleaved>} : vector<32xbf16> -> vector<16xf32>
        %unpack3A_231 = tpu.unpack_subelements %bitcast3A_229, 1 {pack_format = #tpu.pack_format<interleaved>} : vector<32xbf16> -> vector<16xf32>
        %mul3A_232 = arith.mulf %gather3A, %unpack3A_230 : vector<16xf32>
        %add3A_233 = arith.addf %broadcast_in_dim3A_175, %mul3A_232 : vector<16xf32>
        %mul3A_234 = arith.mulf %gather3A, %unpack3A_231 : vector<16xf32>
        %add3A_235 = arith.addf %broadcast_in_dim3A_177, %mul3A_234 : vector<16xf32>
        %add3A_236 = arith.constant 0 : i32
        %add3A_237 = arith.addi %mul3A_166, %add3A_236 : i32
        %get3A_238 = arith.index_cast %add3A_237 : i32 to index
        %get3A_239 = arith.constant 48 : index
        %get3A_240 = tpu.vector_load %arg9[%get3A_238, %get3A_239] {strides = array<i32>} : memref<112x128xi32, #tpu.memory_space<vmem>>, vector<16xi32>,
        %bitcast3A_241 = vector.bitcast %get3A_240 : vector<16xi32> to vector<32xbf16>
        %unpack3A_242 = tpu.unpack_subelements %bitcast3A_241, 0 {pack_format = #tpu.pack_format<interleaved>} : vector<32xbf16> -> vector<16xf32>
        %unpack3A_243 = tpu.unpack_subelements %bitcast3A_241, 1 {pack_format = #tpu.pack_format<interleaved>} : vector<32xbf16> -> vector<16xf32>
        %mul3A_244 = arith.mulf %gather3A, %unpack3A_242 : vector<16xf32>
        %add3A_245 = arith.addf %broadcast_in_dim3A_179, %mul3A_244 : vector<16xf32>
        %mul3A_246 = arith.mulf %gather3A, %unpack3A_243 : vector<16xf32>
        %add3A_247 = arith.addf %broadcast_in_dim3A_181, %mul3A_246 : vector<16xf32>
        %add3A_248 = arith.constant 0 : i32
        %add3A_249 = arith.addi %mul3A_166, %add3A_248 : i32
        %get3A_250 = arith.index_cast %add3A_249 : i32 to index
        %get3A_251 = arith.constant 64 : index
        %get3A_252 = tpu.vector_load %arg9[%get3A_250, %get3A_251] {strides = array<i32>} : memref<112x128xi32, #tpu.memory_space<vmem>>, vector<16xi32>,
        %bitcast3A_253 = vector.bitcast %get3A_252 : vector<16xi32> to vector<32xbf16>
        %unpack3A_254 = tpu.unpack_subelements %bitcast3A_253, 0 {pack_format = #tpu.pack_format<interleaved>} : vector<32xbf16> -> vector<16xf32>
        %unpack3A_255 = tpu.unpack_subelements %bitcast3A_253, 1 {pack_format = #tpu.pack_format<interleaved>} : vector<32xbf16> -> vector<16xf32>
        %mul3A_256 = arith.mulf %gather3A, %unpack3A_254 : vector<16xf32>
        %add3A_257 = arith.addf %broadcast_in_dim3A_183, %mul3A_256 : vector<16xf32>
        %mul3A_258 = arith.mulf %gather3A, %unpack3A_255 : vector<16xf32>
        %add3A_259 = arith.addf %broadcast_in_dim3A_185, %mul3A_258 : vector<16xf32>
        %add3A_260 = arith.constant 0 : i32
        %add3A_261 = arith.addi %mul3A_166, %add3A_260 : i32
        %get3A_262 = arith.index_cast %add3A_261 : i32 to index
        %get3A_263 = arith.constant 80 : index
        %get3A_264 = tpu.vector_load %arg9[%get3A_262, %get3A_263] {strides = array<i32>} : memref<112x128xi32, #tpu.memory_space<vmem>>, vector<16xi32>,
        %bitcast3A_265 = vector.bitcast %get3A_264 : vector<16xi32> to vector<32xbf16>
        %unpack3A_266 = tpu.unpack_subelements %bitcast3A_265, 0 {pack_format = #tpu.pack_format<interleaved>} : vector<32xbf16> -> vector<16xf32>
        %unpack3A_267 = tpu.unpack_subelements %bitcast3A_265, 1 {pack_format = #tpu.pack_format<interleaved>} : vector<32xbf16> -> vector<16xf32>
        %mul3A_268 = arith.mulf %gather3A, %unpack3A_266 : vector<16xf32>
        %add3A_269 = arith.addf %broadcast_in_dim3A_187, %mul3A_268 : vector<16xf32>
        %mul3A_270 = arith.mulf %gather3A, %unpack3A_267 : vector<16xf32>
        %add3A_271 = arith.addf %broadcast_in_dim3A_189, %mul3A_270 : vector<16xf32>
        %add3A_272 = arith.constant 0 : i32
        %add3A_273 = arith.addi %mul3A_166, %add3A_272 : i32
        %get3A_274 = arith.index_cast %add3A_273 : i32 to index
        %get3A_275 = arith.constant 96 : index
        %get3A_276 = tpu.vector_load %arg9[%get3A_274, %get3A_275] {strides = array<i32>} : memref<112x128xi32, #tpu.memory_space<vmem>>, vector<16xi32>,
        %bitcast3A_277 = vector.bitcast %get3A_276 : vector<16xi32> to vector<32xbf16>
        %unpack3A_278 = tpu.unpack_subelements %bitcast3A_277, 0 {pack_format = #tpu.pack_format<interleaved>} : vector<32xbf16> -> vector<16xf32>
        %unpack3A_279 = tpu.unpack_subelements %bitcast3A_277, 1 {pack_format = #tpu.pack_format<interleaved>} : vector<32xbf16> -> vector<16xf32>
        %mul3A_280 = arith.mulf %gather3A, %unpack3A_278 : vector<16xf32>
        %add3A_281 = arith.addf %broadcast_in_dim3A_191, %mul3A_280 : vector<16xf32>
        %mul3A_282 = arith.mulf %gather3A, %unpack3A_279 : vector<16xf32>
        %add3A_283 = arith.addf %broadcast_in_dim3A_193, %mul3A_282 : vector<16xf32>
        %add3A_284 = arith.constant 0 : i32
        %add3A_285 = arith.addi %mul3A_166, %add3A_284 : i32
        %get3A_286 = arith.index_cast %add3A_285 : i32 to index
        %get3A_287 = arith.constant 112 : index
        %get3A_288 = tpu.vector_load %arg9[%get3A_286, %get3A_287] {strides = array<i32>} : memref<112x128xi32, #tpu.memory_space<vmem>>, vector<16xi32>,
        %bitcast3A_289 = vector.bitcast %get3A_288 : vector<16xi32> to vector<32xbf16>
        %unpack3A_290 = tpu.unpack_subelements %bitcast3A_289, 0 {pack_format = #tpu.pack_format<interleaved>} : vector<32xbf16> -> vector<16xf32>
        %unpack3A_291 = tpu.unpack_subelements %bitcast3A_289, 1 {pack_format = #tpu.pack_format<interleaved>} : vector<32xbf16> -> vector<16xf32>
        %mul3A_292 = arith.mulf %gather3A, %unpack3A_290 : vector<16xf32>
        %add3A_293 = arith.addf %broadcast_in_dim3A_195, %mul3A_292 : vector<16xf32>
        %mul3A_294 = arith.mulf %gather3A, %unpack3A_291 : vector<16xf32>
        %add3A_295 = arith.addf %broadcast_in_dim3A_197, %mul3A_294 : vector<16xf32>
        %broadcast_in_dim3A_296 = vector.broadcast %select_n3A_132 : i32 to vector<16xi32>
        %add3A_297 = arith.addi %mul3A_150, %mul3A_166 : i32
        %add3A_298 = arith.constant 1 : i32
        %add3A_299 = arith.addi %add3A_297, %add3A_298 : i32
        %broadcast_in_dim3A_300 = vector.broadcast %add3A_299 : i32 to vector<16xi32>
        %gather3A_301 = tpu.vector_load_idx %arg7[%broadcast_in_dim3A_296, %broadcast_in_dim3A_300] : memref<32x784xf32, #tpu.memory_space<vmem>>[vector<16xi32>, vector<16xi32>], vector<16xf32>,
        %add3A_302 = arith.constant 1 : i32
        %add3A_303 = arith.addi %mul3A_166, %add3A_302 : i32
        %get3A_304 = arith.index_cast %add3A_303 : i32 to index
        %get3A_305 = arith.constant 0 : index
        %get3A_306 = tpu.vector_load %arg9[%get3A_304, %get3A_305] {strides = array<i32>} : memref<112x128xi32, #tpu.memory_space<vmem>>, vector<16xi32>,
        %bitcast3A_307 = vector.bitcast %get3A_306 : vector<16xi32> to vector<32xbf16>
        %unpack3A_308 = tpu.unpack_subelements %bitcast3A_307, 0 {pack_format = #tpu.pack_format<interleaved>} : vector<32xbf16> -> vector<16xf32>
        %unpack3A_309 = tpu.unpack_subelements %bitcast3A_307, 1 {pack_format = #tpu.pack_format<interleaved>} : vector<32xbf16> -> vector<16xf32>
        %mul3A_310 = arith.mulf %gather3A_301, %unpack3A_308 : vector<16xf32>
        %add3A_311 = arith.addf %add3A_209, %mul3A_310 : vector<16xf32>
        %mul3A_312 = arith.mulf %gather3A_301, %unpack3A_309 : vector<16xf32>
        %add3A_313 = arith.addf %add3A_211, %mul3A_312 : vector<16xf32>
        %add3A_314 = arith.constant 1 : i32
        %add3A_315 = arith.addi %mul3A_166, %add3A_314 : i32
        %get3A_316 = arith.index_cast %add3A_315 : i32 to index
        %get3A_317 = arith.constant 16 : index
        %get3A_318 = tpu.vector_load %arg9[%get3A_316, %get3A_317] {strides = array<i32>} : memref<112x128xi32, #tpu.memory_space<vmem>>, vector<16xi32>,
        %bitcast3A_319 = vector.bitcast %get3A_318 : vector<16xi32> to vector<32xbf16>
        %unpack3A_320 = tpu.unpack_subelements %bitcast3A_319, 0 {pack_format = #tpu.pack_format<interleaved>} : vector<32xbf16> -> vector<16xf32>
        %unpack3A_321 = tpu.unpack_subelements %bitcast3A_319, 1 {pack_format = #tpu.pack_format<interleaved>} : vector<32xbf16> -> vector<16xf32>
        %mul3A_322 = arith.mulf %gather3A_301, %unpack3A_320 : vector<16xf32>
        %add3A_323 = arith.addf %add3A_221, %mul3A_322 : vector<16xf32>
        %mul3A_324 = arith.mulf %gather3A_301, %unpack3A_321 : vector<16xf32>
        %add3A_325 = arith.addf %add3A_223, %mul3A_324 : vector<16xf32>
        %add3A_326 = arith.constant 1 : i32
        %add3A_327 = arith.addi %mul3A_166, %add3A_326 : i32
        %get3A_328 = arith.index_cast %add3A_327 : i32 to index
        %get3A_329 = arith.constant 32 : index
        %get3A_330 = tpu.vector_load %arg9[%get3A_328, %get3A_329] {strides = array<i32>} : memref<112x128xi32, #tpu.memory_space<vmem>>, vector<16xi32>,
        %bitcast3A_331 = vector.bitcast %get3A_330 : vector<16xi32> to vector<32xbf16>
        %unpack3A_332 = tpu.unpack_subelements %bitcast3A_331, 0 {pack_format = #tpu.pack_format<interleaved>} : vector<32xbf16> -> vector<16xf32>
        %unpack3A_333 = tpu.unpack_subelements %bitcast3A_331, 1 {pack_format = #tpu.pack_format<interleaved>} : vector<32xbf16> -> vector<16xf32>
        %mul3A_334 = arith.mulf %gather3A_301, %unpack3A_332 : vector<16xf32>
        %add3A_335 = arith.addf %add3A_233, %mul3A_334 : vector<16xf32>
        %mul3A_336 = arith.mulf %gather3A_301, %unpack3A_333 : vector<16xf32>
        %add3A_337 = arith.addf %add3A_235, %mul3A_336 : vector<16xf32>
        %add3A_338 = arith.constant 1 : i32
        %add3A_339 = arith.addi %mul3A_166, %add3A_338 : i32
        %get3A_340 = arith.index_cast %add3A_339 : i32 to index
        %get3A_341 = arith.constant 48 : index
        %get3A_342 = tpu.vector_load %arg9[%get3A_340, %get3A_341] {strides = array<i32>} : memref<112x128xi32, #tpu.memory_space<vmem>>, vector<16xi32>,
        %bitcast3A_343 = vector.bitcast %get3A_342 : vector<16xi32> to vector<32xbf16>
        %unpack3A_344 = tpu.unpack_subelements %bitcast3A_343, 0 {pack_format = #tpu.pack_format<interleaved>} : vector<32xbf16> -> vector<16xf32>
        %unpack3A_345 = tpu.unpack_subelements %bitcast3A_343, 1 {pack_format = #tpu.pack_format<interleaved>} : vector<32xbf16> -> vector<16xf32>
        %mul3A_346 = arith.mulf %gather3A_301, %unpack3A_344 : vector<16xf32>
        %add3A_347 = arith.addf %add3A_245, %mul3A_346 : vector<16xf32>
        %mul3A_348 = arith.mulf %gather3A_301, %unpack3A_345 : vector<16xf32>
        %add3A_349 = arith.addf %add3A_247, %mul3A_348 : vector<16xf32>
        %add3A_350 = arith.constant 1 : i32
        %add3A_351 = arith.addi %mul3A_166, %add3A_350 : i32
        %get3A_352 = arith.index_cast %add3A_351 : i32 to index
        %get3A_353 = arith.constant 64 : index
        %get3A_354 = tpu.vector_load %arg9[%get3A_352, %get3A_353] {strides = array<i32>} : memref<112x128xi32, #tpu.memory_space<vmem>>, vector<16xi32>,
        %bitcast3A_355 = vector.bitcast %get3A_354 : vector<16xi32> to vector<32xbf16>
        %unpack3A_356 = tpu.unpack_subelements %bitcast3A_355, 0 {pack_format = #tpu.pack_format<interleaved>} : vector<32xbf16> -> vector<16xf32>
        %unpack3A_357 = tpu.unpack_subelements %bitcast3A_355, 1 {pack_format = #tpu.pack_format<interleaved>} : vector<32xbf16> -> vector<16xf32>
        %mul3A_358 = arith.mulf %gather3A_301, %unpack3A_356 : vector<16xf32>
        %add3A_359 = arith.addf %add3A_257, %mul3A_358 : vector<16xf32>
        %mul3A_360 = arith.mulf %gather3A_301, %unpack3A_357 : vector<16xf32>
        %add3A_361 = arith.addf %add3A_259, %mul3A_360 : vector<16xf32>
        %add3A_362 = arith.constant 1 : i32
        %add3A_363 = arith.addi %mul3A_166, %add3A_362 : i32
        %get3A_364 = arith.index_cast %add3A_363 : i32 to index
        %get3A_365 = arith.constant 80 : index
        %get3A_366 = tpu.vector_load %arg9[%get3A_364, %get3A_365] {strides = array<i32>} : memref<112x128xi32, #tpu.memory_space<vmem>>, vector<16xi32>,
        %bitcast3A_367 = vector.bitcast %get3A_366 : vector<16xi32> to vector<32xbf16>
        %unpack3A_368 = tpu.unpack_subelements %bitcast3A_367, 0 {pack_format = #tpu.pack_format<interleaved>} : vector<32xbf16> -> vector<16xf32>
        %unpack3A_369 = tpu.unpack_subelements %bitcast3A_367, 1 {pack_format = #tpu.pack_format<interleaved>} : vector<32xbf16> -> vector<16xf32>
        %mul3A_370 = arith.mulf %gather3A_301, %unpack3A_368 : vector<16xf32>
        %add3A_371 = arith.addf %add3A_269, %mul3A_370 : vector<16xf32>
        %mul3A_372 = arith.mulf %gather3A_301, %unpack3A_369 : vector<16xf32>
        %add3A_373 = arith.addf %add3A_271, %mul3A_372 : vector<16xf32>
        %add3A_374 = arith.constant 1 : i32
        %add3A_375 = arith.addi %mul3A_166, %add3A_374 : i32
        %get3A_376 = arith.index_cast %add3A_375 : i32 to index
        %get3A_377 = arith.constant 96 : index
        %get3A_378 = tpu.vector_load %arg9[%get3A_376, %get3A_377] {strides = array<i32>} : memref<112x128xi32, #tpu.memory_space<vmem>>, vector<16xi32>,
        %bitcast3A_379 = vector.bitcast %get3A_378 : vector<16xi32> to vector<32xbf16>
        %unpack3A_380 = tpu.unpack_subelements %bitcast3A_379, 0 {pack_format = #tpu.pack_format<interleaved>} : vector<32xbf16> -> vector<16xf32>
        %unpack3A_381 = tpu.unpack_subelements %bitcast3A_379, 1 {pack_format = #tpu.pack_format<interleaved>} : vector<32xbf16> -> vector<16xf32>
        %mul3A_382 = arith.mulf %gather3A_301, %unpack3A_380 : vector<16xf32>
        %add3A_383 = arith.addf %add3A_281, %mul3A_382 : vector<16xf32>
        %mul3A_384 = arith.mulf %gather3A_301, %unpack3A_381 : vector<16xf32>
        %add3A_385 = arith.addf %add3A_283, %mul3A_384 : vector<16xf32>
        %add3A_386 = arith.constant 1 : i32
        %add3A_387 = arith.addi %mul3A_166, %add3A_386 : i32
        %get3A_388 = arith.index_cast %add3A_387 : i32 to index
        %get3A_389 = arith.constant 112 : index
        %get3A_390 = tpu.vector_load %arg9[%get3A_388, %get3A_389] {strides = array<i32>} : memref<112x128xi32, #tpu.memory_space<vmem>>, vector<16xi32>,
        %bitcast3A_391 = vector.bitcast %get3A_390 : vector<16xi32> to vector<32xbf16>
        %unpack3A_392 = tpu.unpack_subelements %bitcast3A_391, 0 {pack_format = #tpu.pack_format<interleaved>} : vector<32xbf16> -> vector<16xf32>
        %unpack3A_393 = tpu.unpack_subelements %bitcast3A_391, 1 {pack_format = #tpu.pack_format<interleaved>} : vector<32xbf16> -> vector<16xf32>
        %mul3A_394 = arith.mulf %gather3A_301, %unpack3A_392 : vector<16xf32>
        %add3A_395 = arith.addf %add3A_293, %mul3A_394 : vector<16xf32>
        %mul3A_396 = arith.mulf %gather3A_301, %unpack3A_393 : vector<16xf32>
        %add3A_397 = arith.addf %add3A_295, %mul3A_396 : vector<16xf32>
        %broadcast_in_dim3A_398 = vector.broadcast %select_n3A_132 : i32 to vector<16xi32>
        %add3A_399 = arith.addi %mul3A_150, %mul3A_166 : i32
        %add3A_400 = arith.constant 2 : i32
        %add3A_401 = arith.addi %add3A_399, %add3A_400 : i32
        %broadcast_in_dim3A_402 = vector.broadcast %add3A_401 : i32 to vector<16xi32>
        %gather3A_403 = tpu.vector_load_idx %arg7[%broadcast_in_dim3A_398, %broadcast_in_dim3A_402] : memref<32x784xf32, #tpu.memory_space<vmem>>[vector<16xi32>, vector<16xi32>], vector<16xf32>,
        %add3A_404 = arith.constant 2 : i32
        %add3A_405 = arith.addi %mul3A_166, %add3A_404 : i32
        %get3A_406 = arith.index_cast %add3A_405 : i32 to index
        %get3A_407 = arith.constant 0 : index
        %get3A_408 = tpu.vector_load %arg9[%get3A_406, %get3A_407] {strides = array<i32>} : memref<112x128xi32, #tpu.memory_space<vmem>>, vector<16xi32>,
        %bitcast3A_409 = vector.bitcast %get3A_408 : vector<16xi32> to vector<32xbf16>
        %unpack3A_410 = tpu.unpack_subelements %bitcast3A_409, 0 {pack_format = #tpu.pack_format<interleaved>} : vector<32xbf16> -> vector<16xf32>
        %unpack3A_411 = tpu.unpack_subelements %bitcast3A_409, 1 {pack_format = #tpu.pack_format<interleaved>} : vector<32xbf16> -> vector<16xf32>
        %mul3A_412 = arith.mulf %gather3A_403, %unpack3A_410 : vector<16xf32>
        %add3A_413 = arith.addf %add3A_311, %mul3A_412 : vector<16xf32>
        %mul3A_414 = arith.mulf %gather3A_403, %unpack3A_411 : vector<16xf32>
        %add3A_415 = arith.addf %add3A_313, %mul3A_414 : vector<16xf32>
        %add3A_416 = arith.constant 2 : i32
        %add3A_417 = arith.addi %mul3A_166, %add3A_416 : i32
        %get3A_418 = arith.index_cast %add3A_417 : i32 to index
        %get3A_419 = arith.constant 16 : index
        %get3A_420 = tpu.vector_load %arg9[%get3A_418, %get3A_419] {strides = array<i32>} : memref<112x128xi32, #tpu.memory_space<vmem>>, vector<16xi32>,
        %bitcast3A_421 = vector.bitcast %get3A_420 : vector<16xi32> to vector<32xbf16>
        %unpack3A_422 = tpu.unpack_subelements %bitcast3A_421, 0 {pack_format = #tpu.pack_format<interleaved>} : vector<32xbf16> -> vector<16xf32>
        %unpack3A_423 = tpu.unpack_subelements %bitcast3A_421, 1 {pack_format = #tpu.pack_format<interleaved>} : vector<32xbf16> -> vector<16xf32>
        %mul3A_424 = arith.mulf %gather3A_403, %unpack3A_422 : vector<16xf32>
        %add3A_425 = arith.addf %add3A_323, %mul3A_424 : vector<16xf32>
        %mul3A_426 = arith.mulf %gather3A_403, %unpack3A_423 : vector<16xf32>
        %add3A_427 = arith.addf %add3A_325, %mul3A_426 : vector<16xf32>
        %add3A_428 = arith.constant 2 : i32
        %add3A_429 = arith.addi %mul3A_166, %add3A_428 : i32
        %get3A_430 = arith.index_cast %add3A_429 : i32 to index
        %get3A_431 = arith.constant 32 : index
        %get3A_432 = tpu.vector_load %arg9[%get3A_430, %get3A_431] {strides = array<i32>} : memref<112x128xi32, #tpu.memory_space<vmem>>, vector<16xi32>,
        %bitcast3A_433 = vector.bitcast %get3A_432 : vector<16xi32> to vector<32xbf16>
        %unpack3A_434 = tpu.unpack_subelements %bitcast3A_433, 0 {pack_format = #tpu.pack_format<interleaved>} : vector<32xbf16> -> vector<16xf32>
        %unpack3A_435 = tpu.unpack_subelements %bitcast3A_433, 1 {pack_format = #tpu.pack_format<interleaved>} : vector<32xbf16> -> vector<16xf32>
        %mul3A_436 = arith.mulf %gather3A_403, %unpack3A_434 : vector<16xf32>
        %add3A_437 = arith.addf %add3A_335, %mul3A_436 : vector<16xf32>
        %mul3A_438 = arith.mulf %gather3A_403, %unpack3A_435 : vector<16xf32>
        %add3A_439 = arith.addf %add3A_337, %mul3A_438 : vector<16xf32>
        %add3A_440 = arith.constant 2 : i32
        %add3A_441 = arith.addi %mul3A_166, %add3A_440 : i32
        %get3A_442 = arith.index_cast %add3A_441 : i32 to index
        %get3A_443 = arith.constant 48 : index
        %get3A_444 = tpu.vector_load %arg9[%get3A_442, %get3A_443] {strides = array<i32>} : memref<112x128xi32, #tpu.memory_space<vmem>>, vector<16xi32>,
        %bitcast3A_445 = vector.bitcast %get3A_444 : vector<16xi32> to vector<32xbf16>
        %unpack3A_446 = tpu.unpack_subelements %bitcast3A_445, 0 {pack_format = #tpu.pack_format<interleaved>} : vector<32xbf16> -> vector<16xf32>
        %unpack3A_447 = tpu.unpack_subelements %bitcast3A_445, 1 {pack_format = #tpu.pack_format<interleaved>} : vector<32xbf16> -> vector<16xf32>
        %mul3A_448 = arith.mulf %gather3A_403, %unpack3A_446 : vector<16xf32>
        %add3A_449 = arith.addf %add3A_347, %mul3A_448 : vector<16xf32>
        %mul3A_450 = arith.mulf %gather3A_403, %unpack3A_447 : vector<16xf32>
        %add3A_451 = arith.addf %add3A_349, %mul3A_450 : vector<16xf32>
        %add3A_452 = arith.constant 2 : i32
        %add3A_453 = arith.addi %mul3A_166, %add3A_452 : i32
        %get3A_454 = arith.index_cast %add3A_453 : i32 to index
        %get3A_455 = arith.constant 64 : index
        %get3A_456 = tpu.vector_load %arg9[%get3A_454, %get3A_455] {strides = array<i32>} : memref<112x128xi32, #tpu.memory_space<vmem>>, vector<16xi32>,
        %bitcast3A_457 = vector.bitcast %get3A_456 : vector<16xi32> to vector<32xbf16>
        %unpack3A_458 = tpu.unpack_subelements %bitcast3A_457, 0 {pack_format = #tpu.pack_format<interleaved>} : vector<32xbf16> -> vector<16xf32>
        %unpack3A_459 = tpu.unpack_subelements %bitcast3A_457, 1 {pack_format = #tpu.pack_format<interleaved>} : vector<32xbf16> -> vector<16xf32>
        %mul3A_460 = arith.mulf %gather3A_403, %unpack3A_458 : vector<16xf32>
        %add3A_461 = arith.addf %add3A_359, %mul3A_460 : vector<16xf32>
        %mul3A_462 = arith.mulf %gather3A_403, %unpack3A_459 : vector<16xf32>
        %add3A_463 = arith.addf %add3A_361, %mul3A_462 : vector<16xf32>
        %add3A_464 = arith.constant 2 : i32
        %add3A_465 = arith.addi %mul3A_166, %add3A_464 : i32
        %get3A_466 = arith.index_cast %add3A_465 : i32 to index
        %get3A_467 = arith.constant 80 : index
        %get3A_468 = tpu.vector_load %arg9[%get3A_466, %get3A_467] {strides = array<i32>} : memref<112x128xi32, #tpu.memory_space<vmem>>, vector<16xi32>,
        %bitcast3A_469 = vector.bitcast %get3A_468 : vector<16xi32> to vector<32xbf16>
        %unpack3A_470 = tpu.unpack_subelements %bitcast3A_469, 0 {pack_format = #tpu.pack_format<interleaved>} : vector<32xbf16> -> vector<16xf32>
        %unpack3A_471 = tpu.unpack_subelements %bitcast3A_469, 1 {pack_format = #tpu.pack_format<interleaved>} : vector<32xbf16> -> vector<16xf32>
        %mul3A_472 = arith.mulf %gather3A_403, %unpack3A_470 : vector<16xf32>
        %add3A_473 = arith.addf %add3A_371, %mul3A_472 : vector<16xf32>
        %mul3A_474 = arith.mulf %gather3A_403, %unpack3A_471 : vector<16xf32>
        %add3A_475 = arith.addf %add3A_373, %mul3A_474 : vector<16xf32>
        %add3A_476 = arith.constant 2 : i32
        %add3A_477 = arith.addi %mul3A_166, %add3A_476 : i32
        %get3A_478 = arith.index_cast %add3A_477 : i32 to index
        %get3A_479 = arith.constant 96 : index
        %get3A_480 = tpu.vector_load %arg9[%get3A_478, %get3A_479] {strides = array<i32>} : memref<112x128xi32, #tpu.memory_space<vmem>>, vector<16xi32>,
        %bitcast3A_481 = vector.bitcast %get3A_480 : vector<16xi32> to vector<32xbf16>
        %unpack3A_482 = tpu.unpack_subelements %bitcast3A_481, 0 {pack_format = #tpu.pack_format<interleaved>} : vector<32xbf16> -> vector<16xf32>
        %unpack3A_483 = tpu.unpack_subelements %bitcast3A_481, 1 {pack_format = #tpu.pack_format<interleaved>} : vector<32xbf16> -> vector<16xf32>
        %mul3A_484 = arith.mulf %gather3A_403, %unpack3A_482 : vector<16xf32>
        %add3A_485 = arith.addf %add3A_383, %mul3A_484 : vector<16xf32>
        %mul3A_486 = arith.mulf %gather3A_403, %unpack3A_483 : vector<16xf32>
        %add3A_487 = arith.addf %add3A_385, %mul3A_486 : vector<16xf32>
        %add3A_488 = arith.constant 2 : i32
        %add3A_489 = arith.addi %mul3A_166, %add3A_488 : i32
        %get3A_490 = arith.index_cast %add3A_489 : i32 to index
        %get3A_491 = arith.constant 112 : index
        %get3A_492 = tpu.vector_load %arg9[%get3A_490, %get3A_491] {strides = array<i32>} : memref<112x128xi32, #tpu.memory_space<vmem>>, vector<16xi32>,
        %bitcast3A_493 = vector.bitcast %get3A_492 : vector<16xi32> to vector<32xbf16>
        %unpack3A_494 = tpu.unpack_subelements %bitcast3A_493, 0 {pack_format = #tpu.pack_format<interleaved>} : vector<32xbf16> -> vector<16xf32>
        %unpack3A_495 = tpu.unpack_subelements %bitcast3A_493, 1 {pack_format = #tpu.pack_format<interleaved>} : vector<32xbf16> -> vector<16xf32>
        %mul3A_496 = arith.mulf %gather3A_403, %unpack3A_494 : vector<16xf32>
        %add3A_497 = arith.addf %add3A_395, %mul3A_496 : vector<16xf32>
        %mul3A_498 = arith.mulf %gather3A_403, %unpack3A_495 : vector<16xf32>
        %add3A_499 = arith.addf %add3A_397, %mul3A_498 : vector<16xf32>
        %broadcast_in_dim3A_500 = vector.broadcast %select_n3A_132 : i32 to vector<16xi32>
        %add3A_501 = arith.addi %mul3A_150, %mul3A_166 : i32
        %add3A_502 = arith.constant 3 : i32
        %add3A_503 = arith.addi %add3A_501, %add3A_502 : i32
        %broadcast_in_dim3A_504 = vector.broadcast %add3A_503 : i32 to vector<16xi32>
        %gather3A_505 = tpu.vector_load_idx %arg7[%broadcast_in_dim3A_500, %broadcast_in_dim3A_504] : memref<32x784xf32, #tpu.memory_space<vmem>>[vector<16xi32>, vector<16xi32>], vector<16xf32>,
        %add3A_506 = arith.constant 3 : i32
        %add3A_507 = arith.addi %mul3A_166, %add3A_506 : i32
        %get3A_508 = arith.index_cast %add3A_507 : i32 to index
        %get3A_509 = arith.constant 0 : index
        %get3A_510 = tpu.vector_load %arg9[%get3A_508, %get3A_509] {strides = array<i32>} : memref<112x128xi32, #tpu.memory_space<vmem>>, vector<16xi32>,
        %bitcast3A_511 = vector.bitcast %get3A_510 : vector<16xi32> to vector<32xbf16>
        %unpack3A_512 = tpu.unpack_subelements %bitcast3A_511, 0 {pack_format = #tpu.pack_format<interleaved>} : vector<32xbf16> -> vector<16xf32>
        %unpack3A_513 = tpu.unpack_subelements %bitcast3A_511, 1 {pack_format = #tpu.pack_format<interleaved>} : vector<32xbf16> -> vector<16xf32>
        %mul3A_514 = arith.mulf %gather3A_505, %unpack3A_512 : vector<16xf32>
        %add3A_515 = arith.addf %add3A_413, %mul3A_514 : vector<16xf32>
        %mul3A_516 = arith.mulf %gather3A_505, %unpack3A_513 : vector<16xf32>
        %add3A_517 = arith.addf %add3A_415, %mul3A_516 : vector<16xf32>
        %add3A_518 = arith.constant 3 : i32
        %add3A_519 = arith.addi %mul3A_166, %add3A_518 : i32
        %get3A_520 = arith.index_cast %add3A_519 : i32 to index
        %get3A_521 = arith.constant 16 : index
        %get3A_522 = tpu.vector_load %arg9[%get3A_520, %get3A_521] {strides = array<i32>} : memref<112x128xi32, #tpu.memory_space<vmem>>, vector<16xi32>,
        %bitcast3A_523 = vector.bitcast %get3A_522 : vector<16xi32> to vector<32xbf16>
        %unpack3A_524 = tpu.unpack_subelements %bitcast3A_523, 0 {pack_format = #tpu.pack_format<interleaved>} : vector<32xbf16> -> vector<16xf32>
        %unpack3A_525 = tpu.unpack_subelements %bitcast3A_523, 1 {pack_format = #tpu.pack_format<interleaved>} : vector<32xbf16> -> vector<16xf32>
        %mul3A_526 = arith.mulf %gather3A_505, %unpack3A_524 : vector<16xf32>
        %add3A_527 = arith.addf %add3A_425, %mul3A_526 : vector<16xf32>
        %mul3A_528 = arith.mulf %gather3A_505, %unpack3A_525 : vector<16xf32>
        %add3A_529 = arith.addf %add3A_427, %mul3A_528 : vector<16xf32>
        %add3A_530 = arith.constant 3 : i32
        %add3A_531 = arith.addi %mul3A_166, %add3A_530 : i32
        %get3A_532 = arith.index_cast %add3A_531 : i32 to index
        %get3A_533 = arith.constant 32 : index
        %get3A_534 = tpu.vector_load %arg9[%get3A_532, %get3A_533] {strides = array<i32>} : memref<112x128xi32, #tpu.memory_space<vmem>>, vector<16xi32>,
        %bitcast3A_535 = vector.bitcast %get3A_534 : vector<16xi32> to vector<32xbf16>
        %unpack3A_536 = tpu.unpack_subelements %bitcast3A_535, 0 {pack_format = #tpu.pack_format<interleaved>} : vector<32xbf16> -> vector<16xf32>
        %unpack3A_537 = tpu.unpack_subelements %bitcast3A_535, 1 {pack_format = #tpu.pack_format<interleaved>} : vector<32xbf16> -> vector<16xf32>
        %mul3A_538 = arith.mulf %gather3A_505, %unpack3A_536 : vector<16xf32>
        %add3A_539 = arith.addf %add3A_437, %mul3A_538 : vector<16xf32>
        %mul3A_540 = arith.mulf %gather3A_505, %unpack3A_537 : vector<16xf32>
        %add3A_541 = arith.addf %add3A_439, %mul3A_540 : vector<16xf32>
        %add3A_542 = arith.constant 3 : i32
        %add3A_543 = arith.addi %mul3A_166, %add3A_542 : i32
        %get3A_544 = arith.index_cast %add3A_543 : i32 to index
        %get3A_545 = arith.constant 48 : index
        %get3A_546 = tpu.vector_load %arg9[%get3A_544, %get3A_545] {strides = array<i32>} : memref<112x128xi32, #tpu.memory_space<vmem>>, vector<16xi32>,
        %bitcast3A_547 = vector.bitcast %get3A_546 : vector<16xi32> to vector<32xbf16>
        %unpack3A_548 = tpu.unpack_subelements %bitcast3A_547, 0 {pack_format = #tpu.pack_format<interleaved>} : vector<32xbf16> -> vector<16xf32>
        %unpack3A_549 = tpu.unpack_subelements %bitcast3A_547, 1 {pack_format = #tpu.pack_format<interleaved>} : vector<32xbf16> -> vector<16xf32>
        %mul3A_550 = arith.mulf %gather3A_505, %unpack3A_548 : vector<16xf32>
        %add3A_551 = arith.addf %add3A_449, %mul3A_550 : vector<16xf32>
        %mul3A_552 = arith.mulf %gather3A_505, %unpack3A_549 : vector<16xf32>
        %add3A_553 = arith.addf %add3A_451, %mul3A_552 : vector<16xf32>
        %add3A_554 = arith.constant 3 : i32
        %add3A_555 = arith.addi %mul3A_166, %add3A_554 : i32
        %get3A_556 = arith.index_cast %add3A_555 : i32 to index
        %get3A_557 = arith.constant 64 : index
        %get3A_558 = tpu.vector_load %arg9[%get3A_556, %get3A_557] {strides = array<i32>} : memref<112x128xi32, #tpu.memory_space<vmem>>, vector<16xi32>,
        %bitcast3A_559 = vector.bitcast %get3A_558 : vector<16xi32> to vector<32xbf16>
        %unpack3A_560 = tpu.unpack_subelements %bitcast3A_559, 0 {pack_format = #tpu.pack_format<interleaved>} : vector<32xbf16> -> vector<16xf32>
        %unpack3A_561 = tpu.unpack_subelements %bitcast3A_559, 1 {pack_format = #tpu.pack_format<interleaved>} : vector<32xbf16> -> vector<16xf32>
        %mul3A_562 = arith.mulf %gather3A_505, %unpack3A_560 : vector<16xf32>
        %add3A_563 = arith.addf %add3A_461, %mul3A_562 : vector<16xf32>
        %mul3A_564 = arith.mulf %gather3A_505, %unpack3A_561 : vector<16xf32>
        %add3A_565 = arith.addf %add3A_463, %mul3A_564 : vector<16xf32>
        %add3A_566 = arith.constant 3 : i32
        %add3A_567 = arith.addi %mul3A_166, %add3A_566 : i32
        %get3A_568 = arith.index_cast %add3A_567 : i32 to index
        %get3A_569 = arith.constant 80 : index
        %get3A_570 = tpu.vector_load %arg9[%get3A_568, %get3A_569] {strides = array<i32>} : memref<112x128xi32, #tpu.memory_space<vmem>>, vector<16xi32>,
        %bitcast3A_571 = vector.bitcast %get3A_570 : vector<16xi32> to vector<32xbf16>
        %unpack3A_572 = tpu.unpack_subelements %bitcast3A_571, 0 {pack_format = #tpu.pack_format<interleaved>} : vector<32xbf16> -> vector<16xf32>
        %unpack3A_573 = tpu.unpack_subelements %bitcast3A_571, 1 {pack_format = #tpu.pack_format<interleaved>} : vector<32xbf16> -> vector<16xf32>
        %mul3A_574 = arith.mulf %gather3A_505, %unpack3A_572 : vector<16xf32>
        %add3A_575 = arith.addf %add3A_473, %mul3A_574 : vector<16xf32>
        %mul3A_576 = arith.mulf %gather3A_505, %unpack3A_573 : vector<16xf32>
        %add3A_577 = arith.addf %add3A_475, %mul3A_576 : vector<16xf32>
        %add3A_578 = arith.constant 3 : i32
        %add3A_579 = arith.addi %mul3A_166, %add3A_578 : i32
        %get3A_580 = arith.index_cast %add3A_579 : i32 to index
        %get3A_581 = arith.constant 96 : index
        %get3A_582 = tpu.vector_load %arg9[%get3A_580, %get3A_581] {strides = array<i32>} : memref<112x128xi32, #tpu.memory_space<vmem>>, vector<16xi32>,
        %bitcast3A_583 = vector.bitcast %get3A_582 : vector<16xi32> to vector<32xbf16>
        %unpack3A_584 = tpu.unpack_subelements %bitcast3A_583, 0 {pack_format = #tpu.pack_format<interleaved>} : vector<32xbf16> -> vector<16xf32>
        %unpack3A_585 = tpu.unpack_subelements %bitcast3A_583, 1 {pack_format = #tpu.pack_format<interleaved>} : vector<32xbf16> -> vector<16xf32>
        %mul3A_586 = arith.mulf %gather3A_505, %unpack3A_584 : vector<16xf32>
        %add3A_587 = arith.addf %add3A_485, %mul3A_586 : vector<16xf32>
        %mul3A_588 = arith.mulf %gather3A_505, %unpack3A_585 : vector<16xf32>
        %add3A_589 = arith.addf %add3A_487, %mul3A_588 : vector<16xf32>
        %add3A_590 = arith.constant 3 : i32
        %add3A_591 = arith.addi %mul3A_166, %add3A_590 : i32
        %get3A_592 = arith.index_cast %add3A_591 : i32 to index
        %get3A_593 = arith.constant 112 : index
        %get3A_594 = tpu.vector_load %arg9[%get3A_592, %get3A_593] {strides = array<i32>} : memref<112x128xi32, #tpu.memory_space<vmem>>, vector<16xi32>,
        %bitcast3A_595 = vector.bitcast %get3A_594 : vector<16xi32> to vector<32xbf16>
        %unpack3A_596 = tpu.unpack_subelements %bitcast3A_595, 0 {pack_format = #tpu.pack_format<interleaved>} : vector<32xbf16> -> vector<16xf32>
        %unpack3A_597 = tpu.unpack_subelements %bitcast3A_595, 1 {pack_format = #tpu.pack_format<interleaved>} : vector<32xbf16> -> vector<16xf32>
        %mul3A_598 = arith.mulf %gather3A_505, %unpack3A_596 : vector<16xf32>
        %add3A_599 = arith.addf %add3A_497, %mul3A_598 : vector<16xf32>
        %mul3A_600 = arith.mulf %gather3A_505, %unpack3A_597 : vector<16xf32>
        %add3A_601 = arith.addf %add3A_499, %mul3A_600 : vector<16xf32>
        %broadcast_in_dim3A_602 = vector.broadcast %select_n3A_132 : i32 to vector<16xi32>
        %add3A_603 = arith.addi %mul3A_150, %mul3A_166 : i32
        %add3A_604 = arith.constant 4 : i32
        %add3A_605 = arith.addi %add3A_603, %add3A_604 : i32
        %broadcast_in_dim3A_606 = vector.broadcast %add3A_605 : i32 to vector<16xi32>
        %gather3A_607 = tpu.vector_load_idx %arg7[%broadcast_in_dim3A_602, %broadcast_in_dim3A_606] : memref<32x784xf32, #tpu.memory_space<vmem>>[vector<16xi32>, vector<16xi32>], vector<16xf32>,
        %add3A_608 = arith.constant 4 : i32
        %add3A_609 = arith.addi %mul3A_166, %add3A_608 : i32
        %get3A_610 = arith.index_cast %add3A_609 : i32 to index
        %get3A_611 = arith.constant 0 : index
        %get3A_612 = tpu.vector_load %arg9[%get3A_610, %get3A_611] {strides = array<i32>} : memref<112x128xi32, #tpu.memory_space<vmem>>, vector<16xi32>,
        %bitcast3A_613 = vector.bitcast %get3A_612 : vector<16xi32> to vector<32xbf16>
        %unpack3A_614 = tpu.unpack_subelements %bitcast3A_613, 0 {pack_format = #tpu.pack_format<interleaved>} : vector<32xbf16> -> vector<16xf32>
        %unpack3A_615 = tpu.unpack_subelements %bitcast3A_613, 1 {pack_format = #tpu.pack_format<interleaved>} : vector<32xbf16> -> vector<16xf32>
        %mul3A_616 = arith.mulf %gather3A_607, %unpack3A_614 : vector<16xf32>
        %add3A_617 = arith.addf %add3A_515, %mul3A_616 : vector<16xf32>
        %mul3A_618 = arith.mulf %gather3A_607, %unpack3A_615 : vector<16xf32>
        %add3A_619 = arith.addf %add3A_517, %mul3A_618 : vector<16xf32>
        %add3A_620 = arith.constant 4 : i32
        %add3A_621 = arith.addi %mul3A_166, %add3A_620 : i32
        %get3A_622 = arith.index_cast %add3A_621 : i32 to index
        %get3A_623 = arith.constant 16 : index
        %get3A_624 = tpu.vector_load %arg9[%get3A_622, %get3A_623] {strides = array<i32>} : memref<112x128xi32, #tpu.memory_space<vmem>>, vector<16xi32>,
        %bitcast3A_625 = vector.bitcast %get3A_624 : vector<16xi32> to vector<32xbf16>
        %unpack3A_626 = tpu.unpack_subelements %bitcast3A_625, 0 {pack_format = #tpu.pack_format<interleaved>} : vector<32xbf16> -> vector<16xf32>
        %unpack3A_627 = tpu.unpack_subelements %bitcast3A_625, 1 {pack_format = #tpu.pack_format<interleaved>} : vector<32xbf16> -> vector<16xf32>
        %mul3A_628 = arith.mulf %gather3A_607, %unpack3A_626 : vector<16xf32>
        %add3A_629 = arith.addf %add3A_527, %mul3A_628 : vector<16xf32>
        %mul3A_630 = arith.mulf %gather3A_607, %unpack3A_627 : vector<16xf32>
        %add3A_631 = arith.addf %add3A_529, %mul3A_630 : vector<16xf32>
        %add3A_632 = arith.constant 4 : i32
        %add3A_633 = arith.addi %mul3A_166, %add3A_632 : i32
        %get3A_634 = arith.index_cast %add3A_633 : i32 to index
        %get3A_635 = arith.constant 32 : index
        %get3A_636 = tpu.vector_load %arg9[%get3A_634, %get3A_635] {strides = array<i32>} : memref<112x128xi32, #tpu.memory_space<vmem>>, vector<16xi32>,
        %bitcast3A_637 = vector.bitcast %get3A_636 : vector<16xi32> to vector<32xbf16>
        %unpack3A_638 = tpu.unpack_subelements %bitcast3A_637, 0 {pack_format = #tpu.pack_format<interleaved>} : vector<32xbf16> -> vector<16xf32>
        %unpack3A_639 = tpu.unpack_subelements %bitcast3A_637, 1 {pack_format = #tpu.pack_format<interleaved>} : vector<32xbf16> -> vector<16xf32>
        %mul3A_640 = arith.mulf %gather3A_607, %unpack3A_638 : vector<16xf32>
        %add3A_641 = arith.addf %add3A_539, %mul3A_640 : vector<16xf32>
        %mul3A_642 = arith.mulf %gather3A_607, %unpack3A_639 : vector<16xf32>
        %add3A_643 = arith.addf %add3A_541, %mul3A_642 : vector<16xf32>
        %add3A_644 = arith.constant 4 : i32
        %add3A_645 = arith.addi %mul3A_166, %add3A_644 : i32
        %get3A_646 = arith.index_cast %add3A_645 : i32 to index
        %get3A_647 = arith.constant 48 : index
        %get3A_648 = tpu.vector_load %arg9[%get3A_646, %get3A_647] {strides = array<i32>} : memref<112x128xi32, #tpu.memory_space<vmem>>, vector<16xi32>,
        %bitcast3A_649 = vector.bitcast %get3A_648 : vector<16xi32> to vector<32xbf16>
        %unpack3A_650 = tpu.unpack_subelements %bitcast3A_649, 0 {pack_format = #tpu.pack_format<interleaved>} : vector<32xbf16> -> vector<16xf32>
        %unpack3A_651 = tpu.unpack_subelements %bitcast3A_649, 1 {pack_format = #tpu.pack_format<interleaved>} : vector<32xbf16> -> vector<16xf32>
        %mul3A_652 = arith.mulf %gather3A_607, %unpack3A_650 : vector<16xf32>
        %add3A_653 = arith.addf %add3A_551, %mul3A_652 : vector<16xf32>
        %mul3A_654 = arith.mulf %gather3A_607, %unpack3A_651 : vector<16xf32>
        %add3A_655 = arith.addf %add3A_553, %mul3A_654 : vector<16xf32>
        %add3A_656 = arith.constant 4 : i32
        %add3A_657 = arith.addi %mul3A_166, %add3A_656 : i32
        %get3A_658 = arith.index_cast %add3A_657 : i32 to index
        %get3A_659 = arith.constant 64 : index
        %get3A_660 = tpu.vector_load %arg9[%get3A_658, %get3A_659] {strides = array<i32>} : memref<112x128xi32, #tpu.memory_space<vmem>>, vector<16xi32>,
        %bitcast3A_661 = vector.bitcast %get3A_660 : vector<16xi32> to vector<32xbf16>
        %unpack3A_662 = tpu.unpack_subelements %bitcast3A_661, 0 {pack_format = #tpu.pack_format<interleaved>} : vector<32xbf16> -> vector<16xf32>
        %unpack3A_663 = tpu.unpack_subelements %bitcast3A_661, 1 {pack_format = #tpu.pack_format<interleaved>} : vector<32xbf16> -> vector<16xf32>
        %mul3A_664 = arith.mulf %gather3A_607, %unpack3A_662 : vector<16xf32>
        %add3A_665 = arith.addf %add3A_563, %mul3A_664 : vector<16xf32>
        %mul3A_666 = arith.mulf %gather3A_607, %unpack3A_663 : vector<16xf32>
        %add3A_667 = arith.addf %add3A_565, %mul3A_666 : vector<16xf32>
        %add3A_668 = arith.constant 4 : i32
        %add3A_669 = arith.addi %mul3A_166, %add3A_668 : i32
        %get3A_670 = arith.index_cast %add3A_669 : i32 to index
        %get3A_671 = arith.constant 80 : index
        %get3A_672 = tpu.vector_load %arg9[%get3A_670, %get3A_671] {strides = array<i32>} : memref<112x128xi32, #tpu.memory_space<vmem>>, vector<16xi32>,
        %bitcast3A_673 = vector.bitcast %get3A_672 : vector<16xi32> to vector<32xbf16>
        %unpack3A_674 = tpu.unpack_subelements %bitcast3A_673, 0 {pack_format = #tpu.pack_format<interleaved>} : vector<32xbf16> -> vector<16xf32>
        %unpack3A_675 = tpu.unpack_subelements %bitcast3A_673, 1 {pack_format = #tpu.pack_format<interleaved>} : vector<32xbf16> -> vector<16xf32>
        %mul3A_676 = arith.mulf %gather3A_607, %unpack3A_674 : vector<16xf32>
        %add3A_677 = arith.addf %add3A_575, %mul3A_676 : vector<16xf32>
        %mul3A_678 = arith.mulf %gather3A_607, %unpack3A_675 : vector<16xf32>
        %add3A_679 = arith.addf %add3A_577, %mul3A_678 : vector<16xf32>
        %add3A_680 = arith.constant 4 : i32
        %add3A_681 = arith.addi %mul3A_166, %add3A_680 : i32
        %get3A_682 = arith.index_cast %add3A_681 : i32 to index
        %get3A_683 = arith.constant 96 : index
        %get3A_684 = tpu.vector_load %arg9[%get3A_682, %get3A_683] {strides = array<i32>} : memref<112x128xi32, #tpu.memory_space<vmem>>, vector<16xi32>,
        %bitcast3A_685 = vector.bitcast %get3A_684 : vector<16xi32> to vector<32xbf16>
        %unpack3A_686 = tpu.unpack_subelements %bitcast3A_685, 0 {pack_format = #tpu.pack_format<interleaved>} : vector<32xbf16> -> vector<16xf32>
        %unpack3A_687 = tpu.unpack_subelements %bitcast3A_685, 1 {pack_format = #tpu.pack_format<interleaved>} : vector<32xbf16> -> vector<16xf32>
        %mul3A_688 = arith.mulf %gather3A_607, %unpack3A_686 : vector<16xf32>
        %add3A_689 = arith.addf %add3A_587, %mul3A_688 : vector<16xf32>
        %mul3A_690 = arith.mulf %gather3A_607, %unpack3A_687 : vector<16xf32>
        %add3A_691 = arith.addf %add3A_589, %mul3A_690 : vector<16xf32>
        %add3A_692 = arith.constant 4 : i32
        %add3A_693 = arith.addi %mul3A_166, %add3A_692 : i32
        %get3A_694 = arith.index_cast %add3A_693 : i32 to index
        %get3A_695 = arith.constant 112 : index
        %get3A_696 = tpu.vector_load %arg9[%get3A_694, %get3A_695] {strides = array<i32>} : memref<112x128xi32, #tpu.memory_space<vmem>>, vector<16xi32>,
        %bitcast3A_697 = vector.bitcast %get3A_696 : vector<16xi32> to vector<32xbf16>
        %unpack3A_698 = tpu.unpack_subelements %bitcast3A_697, 0 {pack_format = #tpu.pack_format<interleaved>} : vector<32xbf16> -> vector<16xf32>
        %unpack3A_699 = tpu.unpack_subelements %bitcast3A_697, 1 {pack_format = #tpu.pack_format<interleaved>} : vector<32xbf16> -> vector<16xf32>
        %mul3A_700 = arith.mulf %gather3A_607, %unpack3A_698 : vector<16xf32>
        %add3A_701 = arith.addf %add3A_599, %mul3A_700 : vector<16xf32>
        %mul3A_702 = arith.mulf %gather3A_607, %unpack3A_699 : vector<16xf32>
        %add3A_703 = arith.addf %add3A_601, %mul3A_702 : vector<16xf32>
        %broadcast_in_dim3A_704 = vector.broadcast %select_n3A_132 : i32 to vector<16xi32>
        %add3A_705 = arith.addi %mul3A_150, %mul3A_166 : i32
        %add3A_706 = arith.constant 5 : i32
        %add3A_707 = arith.addi %add3A_705, %add3A_706 : i32
        %broadcast_in_dim3A_708 = vector.broadcast %add3A_707 : i32 to vector<16xi32>
        %gather3A_709 = tpu.vector_load_idx %arg7[%broadcast_in_dim3A_704, %broadcast_in_dim3A_708] : memref<32x784xf32, #tpu.memory_space<vmem>>[vector<16xi32>, vector<16xi32>], vector<16xf32>,
        %add3A_710 = arith.constant 5 : i32
        %add3A_711 = arith.addi %mul3A_166, %add3A_710 : i32
        %get3A_712 = arith.index_cast %add3A_711 : i32 to index
        %get3A_713 = arith.constant 0 : index
        %get3A_714 = tpu.vector_load %arg9[%get3A_712, %get3A_713] {strides = array<i32>} : memref<112x128xi32, #tpu.memory_space<vmem>>, vector<16xi32>,
        %bitcast3A_715 = vector.bitcast %get3A_714 : vector<16xi32> to vector<32xbf16>
        %unpack3A_716 = tpu.unpack_subelements %bitcast3A_715, 0 {pack_format = #tpu.pack_format<interleaved>} : vector<32xbf16> -> vector<16xf32>
        %unpack3A_717 = tpu.unpack_subelements %bitcast3A_715, 1 {pack_format = #tpu.pack_format<interleaved>} : vector<32xbf16> -> vector<16xf32>
        %mul3A_718 = arith.mulf %gather3A_709, %unpack3A_716 : vector<16xf32>
        %add3A_719 = arith.addf %add3A_617, %mul3A_718 : vector<16xf32>
        %mul3A_720 = arith.mulf %gather3A_709, %unpack3A_717 : vector<16xf32>
        %add3A_721 = arith.addf %add3A_619, %mul3A_720 : vector<16xf32>
        %add3A_722 = arith.constant 5 : i32
        %add3A_723 = arith.addi %mul3A_166, %add3A_722 : i32
        %get3A_724 = arith.index_cast %add3A_723 : i32 to index
        %get3A_725 = arith.constant 16 : index
        %get3A_726 = tpu.vector_load %arg9[%get3A_724, %get3A_725] {strides = array<i32>} : memref<112x128xi32, #tpu.memory_space<vmem>>, vector<16xi32>,
        %bitcast3A_727 = vector.bitcast %get3A_726 : vector<16xi32> to vector<32xbf16>
        %unpack3A_728 = tpu.unpack_subelements %bitcast3A_727, 0 {pack_format = #tpu.pack_format<interleaved>} : vector<32xbf16> -> vector<16xf32>
        %unpack3A_729 = tpu.unpack_subelements %bitcast3A_727, 1 {pack_format = #tpu.pack_format<interleaved>} : vector<32xbf16> -> vector<16xf32>
        %mul3A_730 = arith.mulf %gather3A_709, %unpack3A_728 : vector<16xf32>
        %add3A_731 = arith.addf %add3A_629, %mul3A_730 : vector<16xf32>
        %mul3A_732 = arith.mulf %gather3A_709, %unpack3A_729 : vector<16xf32>
        %add3A_733 = arith.addf %add3A_631, %mul3A_732 : vector<16xf32>
        %add3A_734 = arith.constant 5 : i32
        %add3A_735 = arith.addi %mul3A_166, %add3A_734 : i32
        %get3A_736 = arith.index_cast %add3A_735 : i32 to index
        %get3A_737 = arith.constant 32 : index
        %get3A_738 = tpu.vector_load %arg9[%get3A_736, %get3A_737] {strides = array<i32>} : memref<112x128xi32, #tpu.memory_space<vmem>>, vector<16xi32>,
        %bitcast3A_739 = vector.bitcast %get3A_738 : vector<16xi32> to vector<32xbf16>
        %unpack3A_740 = tpu.unpack_subelements %bitcast3A_739, 0 {pack_format = #tpu.pack_format<interleaved>} : vector<32xbf16> -> vector<16xf32>
        %unpack3A_741 = tpu.unpack_subelements %bitcast3A_739, 1 {pack_format = #tpu.pack_format<interleaved>} : vector<32xbf16> -> vector<16xf32>
        %mul3A_742 = arith.mulf %gather3A_709, %unpack3A_740 : vector<16xf32>
        %add3A_743 = arith.addf %add3A_641, %mul3A_742 : vector<16xf32>
        %mul3A_744 = arith.mulf %gather3A_709, %unpack3A_741 : vector<16xf32>
        %add3A_745 = arith.addf %add3A_643, %mul3A_744 : vector<16xf32>
        %add3A_746 = arith.constant 5 : i32
        %add3A_747 = arith.addi %mul3A_166, %add3A_746 : i32
        %get3A_748 = arith.index_cast %add3A_747 : i32 to index
        %get3A_749 = arith.constant 48 : index
        %get3A_750 = tpu.vector_load %arg9[%get3A_748, %get3A_749] {strides = array<i32>} : memref<112x128xi32, #tpu.memory_space<vmem>>, vector<16xi32>,
        %bitcast3A_751 = vector.bitcast %get3A_750 : vector<16xi32> to vector<32xbf16>
        %unpack3A_752 = tpu.unpack_subelements %bitcast3A_751, 0 {pack_format = #tpu.pack_format<interleaved>} : vector<32xbf16> -> vector<16xf32>
        %unpack3A_753 = tpu.unpack_subelements %bitcast3A_751, 1 {pack_format = #tpu.pack_format<interleaved>} : vector<32xbf16> -> vector<16xf32>
        %mul3A_754 = arith.mulf %gather3A_709, %unpack3A_752 : vector<16xf32>
        %add3A_755 = arith.addf %add3A_653, %mul3A_754 : vector<16xf32>
        %mul3A_756 = arith.mulf %gather3A_709, %unpack3A_753 : vector<16xf32>
        %add3A_757 = arith.addf %add3A_655, %mul3A_756 : vector<16xf32>
        %add3A_758 = arith.constant 5 : i32
        %add3A_759 = arith.addi %mul3A_166, %add3A_758 : i32
        %get3A_760 = arith.index_cast %add3A_759 : i32 to index
        %get3A_761 = arith.constant 64 : index
        %get3A_762 = tpu.vector_load %arg9[%get3A_760, %get3A_761] {strides = array<i32>} : memref<112x128xi32, #tpu.memory_space<vmem>>, vector<16xi32>,
        %bitcast3A_763 = vector.bitcast %get3A_762 : vector<16xi32> to vector<32xbf16>
        %unpack3A_764 = tpu.unpack_subelements %bitcast3A_763, 0 {pack_format = #tpu.pack_format<interleaved>} : vector<32xbf16> -> vector<16xf32>
        %unpack3A_765 = tpu.unpack_subelements %bitcast3A_763, 1 {pack_format = #tpu.pack_format<interleaved>} : vector<32xbf16> -> vector<16xf32>
        %mul3A_766 = arith.mulf %gather3A_709, %unpack3A_764 : vector<16xf32>
        %add3A_767 = arith.addf %add3A_665, %mul3A_766 : vector<16xf32>
        %mul3A_768 = arith.mulf %gather3A_709, %unpack3A_765 : vector<16xf32>
        %add3A_769 = arith.addf %add3A_667, %mul3A_768 : vector<16xf32>
        %add3A_770 = arith.constant 5 : i32
        %add3A_771 = arith.addi %mul3A_166, %add3A_770 : i32
        %get3A_772 = arith.index_cast %add3A_771 : i32 to index
        %get3A_773 = arith.constant 80 : index
        %get3A_774 = tpu.vector_load %arg9[%get3A_772, %get3A_773] {strides = array<i32>} : memref<112x128xi32, #tpu.memory_space<vmem>>, vector<16xi32>,
        %bitcast3A_775 = vector.bitcast %get3A_774 : vector<16xi32> to vector<32xbf16>
        %unpack3A_776 = tpu.unpack_subelements %bitcast3A_775, 0 {pack_format = #tpu.pack_format<interleaved>} : vector<32xbf16> -> vector<16xf32>
        %unpack3A_777 = tpu.unpack_subelements %bitcast3A_775, 1 {pack_format = #tpu.pack_format<interleaved>} : vector<32xbf16> -> vector<16xf32>
        %mul3A_778 = arith.mulf %gather3A_709, %unpack3A_776 : vector<16xf32>
        %add3A_779 = arith.addf %add3A_677, %mul3A_778 : vector<16xf32>
        %mul3A_780 = arith.mulf %gather3A_709, %unpack3A_777 : vector<16xf32>
        %add3A_781 = arith.addf %add3A_679, %mul3A_780 : vector<16xf32>
        %add3A_782 = arith.constant 5 : i32
        %add3A_783 = arith.addi %mul3A_166, %add3A_782 : i32
        %get3A_784 = arith.index_cast %add3A_783 : i32 to index
        %get3A_785 = arith.constant 96 : index
        %get3A_786 = tpu.vector_load %arg9[%get3A_784, %get3A_785] {strides = array<i32>} : memref<112x128xi32, #tpu.memory_space<vmem>>, vector<16xi32>,
        %bitcast3A_787 = vector.bitcast %get3A_786 : vector<16xi32> to vector<32xbf16>
        %unpack3A_788 = tpu.unpack_subelements %bitcast3A_787, 0 {pack_format = #tpu.pack_format<interleaved>} : vector<32xbf16> -> vector<16xf32>
        %unpack3A_789 = tpu.unpack_subelements %bitcast3A_787, 1 {pack_format = #tpu.pack_format<interleaved>} : vector<32xbf16> -> vector<16xf32>
        %mul3A_790 = arith.mulf %gather3A_709, %unpack3A_788 : vector<16xf32>
        %add3A_791 = arith.addf %add3A_689, %mul3A_790 : vector<16xf32>
        %mul3A_792 = arith.mulf %gather3A_709, %unpack3A_789 : vector<16xf32>
        %add3A_793 = arith.addf %add3A_691, %mul3A_792 : vector<16xf32>
        %add3A_794 = arith.constant 5 : i32
        %add3A_795 = arith.addi %mul3A_166, %add3A_794 : i32
        %get3A_796 = arith.index_cast %add3A_795 : i32 to index
        %get3A_797 = arith.constant 112 : index
        %get3A_798 = tpu.vector_load %arg9[%get3A_796, %get3A_797] {strides = array<i32>} : memref<112x128xi32, #tpu.memory_space<vmem>>, vector<16xi32>,
        %bitcast3A_799 = vector.bitcast %get3A_798 : vector<16xi32> to vector<32xbf16>
        %unpack3A_800 = tpu.unpack_subelements %bitcast3A_799, 0 {pack_format = #tpu.pack_format<interleaved>} : vector<32xbf16> -> vector<16xf32>
        %unpack3A_801 = tpu.unpack_subelements %bitcast3A_799, 1 {pack_format = #tpu.pack_format<interleaved>} : vector<32xbf16> -> vector<16xf32>
        %mul3A_802 = arith.mulf %gather3A_709, %unpack3A_800 : vector<16xf32>
        %add3A_803 = arith.addf %add3A_701, %mul3A_802 : vector<16xf32>
        %mul3A_804 = arith.mulf %gather3A_709, %unpack3A_801 : vector<16xf32>
        %add3A_805 = arith.addf %add3A_703, %mul3A_804 : vector<16xf32>
        %broadcast_in_dim3A_806 = vector.broadcast %select_n3A_132 : i32 to vector<16xi32>
        %add3A_807 = arith.addi %mul3A_150, %mul3A_166 : i32
        %add3A_808 = arith.constant 6 : i32
        %add3A_809 = arith.addi %add3A_807, %add3A_808 : i32
        %broadcast_in_dim3A_810 = vector.broadcast %add3A_809 : i32 to vector<16xi32>
        %gather3A_811 = tpu.vector_load_idx %arg7[%broadcast_in_dim3A_806, %broadcast_in_dim3A_810] : memref<32x784xf32, #tpu.memory_space<vmem>>[vector<16xi32>, vector<16xi32>], vector<16xf32>,
        %add3A_812 = arith.constant 6 : i32
        %add3A_813 = arith.addi %mul3A_166, %add3A_812 : i32
        %get3A_814 = arith.index_cast %add3A_813 : i32 to index
        %get3A_815 = arith.constant 0 : index
        %get3A_816 = tpu.vector_load %arg9[%get3A_814, %get3A_815] {strides = array<i32>} : memref<112x128xi32, #tpu.memory_space<vmem>>, vector<16xi32>,
        %bitcast3A_817 = vector.bitcast %get3A_816 : vector<16xi32> to vector<32xbf16>
        %unpack3A_818 = tpu.unpack_subelements %bitcast3A_817, 0 {pack_format = #tpu.pack_format<interleaved>} : vector<32xbf16> -> vector<16xf32>
        %unpack3A_819 = tpu.unpack_subelements %bitcast3A_817, 1 {pack_format = #tpu.pack_format<interleaved>} : vector<32xbf16> -> vector<16xf32>
        %mul3A_820 = arith.mulf %gather3A_811, %unpack3A_818 : vector<16xf32>
        %add3A_821 = arith.addf %add3A_719, %mul3A_820 : vector<16xf32>
        %mul3A_822 = arith.mulf %gather3A_811, %unpack3A_819 : vector<16xf32>
        %add3A_823 = arith.addf %add3A_721, %mul3A_822 : vector<16xf32>
        %add3A_824 = arith.constant 6 : i32
        %add3A_825 = arith.addi %mul3A_166, %add3A_824 : i32
        %get3A_826 = arith.index_cast %add3A_825 : i32 to index
        %get3A_827 = arith.constant 16 : index
        %get3A_828 = tpu.vector_load %arg9[%get3A_826, %get3A_827] {strides = array<i32>} : memref<112x128xi32, #tpu.memory_space<vmem>>, vector<16xi32>,
        %bitcast3A_829 = vector.bitcast %get3A_828 : vector<16xi32> to vector<32xbf16>
        %unpack3A_830 = tpu.unpack_subelements %bitcast3A_829, 0 {pack_format = #tpu.pack_format<interleaved>} : vector<32xbf16> -> vector<16xf32>
        %unpack3A_831 = tpu.unpack_subelements %bitcast3A_829, 1 {pack_format = #tpu.pack_format<interleaved>} : vector<32xbf16> -> vector<16xf32>
        %mul3A_832 = arith.mulf %gather3A_811, %unpack3A_830 : vector<16xf32>
        %add3A_833 = arith.addf %add3A_731, %mul3A_832 : vector<16xf32>
        %mul3A_834 = arith.mulf %gather3A_811, %unpack3A_831 : vector<16xf32>
        %add3A_835 = arith.addf %add3A_733, %mul3A_834 : vector<16xf32>
        %add3A_836 = arith.constant 6 : i32
        %add3A_837 = arith.addi %mul3A_166, %add3A_836 : i32
        %get3A_838 = arith.index_cast %add3A_837 : i32 to index
        %get3A_839 = arith.constant 32 : index
        %get3A_840 = tpu.vector_load %arg9[%get3A_838, %get3A_839] {strides = array<i32>} : memref<112x128xi32, #tpu.memory_space<vmem>>, vector<16xi32>,
        %bitcast3A_841 = vector.bitcast %get3A_840 : vector<16xi32> to vector<32xbf16>
        %unpack3A_842 = tpu.unpack_subelements %bitcast3A_841, 0 {pack_format = #tpu.pack_format<interleaved>} : vector<32xbf16> -> vector<16xf32>
        %unpack3A_843 = tpu.unpack_subelements %bitcast3A_841, 1 {pack_format = #tpu.pack_format<interleaved>} : vector<32xbf16> -> vector<16xf32>
        %mul3A_844 = arith.mulf %gather3A_811, %unpack3A_842 : vector<16xf32>
        %add3A_845 = arith.addf %add3A_743, %mul3A_844 : vector<16xf32>
        %mul3A_846 = arith.mulf %gather3A_811, %unpack3A_843 : vector<16xf32>
        %add3A_847 = arith.addf %add3A_745, %mul3A_846 : vector<16xf32>
        %add3A_848 = arith.constant 6 : i32
        %add3A_849 = arith.addi %mul3A_166, %add3A_848 : i32
        %get3A_850 = arith.index_cast %add3A_849 : i32 to index
        %get3A_851 = arith.constant 48 : index
        %get3A_852 = tpu.vector_load %arg9[%get3A_850, %get3A_851] {strides = array<i32>} : memref<112x128xi32, #tpu.memory_space<vmem>>, vector<16xi32>,
        %bitcast3A_853 = vector.bitcast %get3A_852 : vector<16xi32> to vector<32xbf16>
        %unpack3A_854 = tpu.unpack_subelements %bitcast3A_853, 0 {pack_format = #tpu.pack_format<interleaved>} : vector<32xbf16> -> vector<16xf32>
        %unpack3A_855 = tpu.unpack_subelements %bitcast3A_853, 1 {pack_format = #tpu.pack_format<interleaved>} : vector<32xbf16> -> vector<16xf32>
        %mul3A_856 = arith.mulf %gather3A_811, %unpack3A_854 : vector<16xf32>
        %add3A_857 = arith.addf %add3A_755, %mul3A_856 : vector<16xf32>
        %mul3A_858 = arith.mulf %gather3A_811, %unpack3A_855 : vector<16xf32>
        %add3A_859 = arith.addf %add3A_757, %mul3A_858 : vector<16xf32>
        %add3A_860 = arith.constant 6 : i32
        %add3A_861 = arith.addi %mul3A_166, %add3A_860 : i32
        %get3A_862 = arith.index_cast %add3A_861 : i32 to index
        %get3A_863 = arith.constant 64 : index
        %get3A_864 = tpu.vector_load %arg9[%get3A_862, %get3A_863] {strides = array<i32>} : memref<112x128xi32, #tpu.memory_space<vmem>>, vector<16xi32>,
        %bitcast3A_865 = vector.bitcast %get3A_864 : vector<16xi32> to vector<32xbf16>
        %unpack3A_866 = tpu.unpack_subelements %bitcast3A_865, 0 {pack_format = #tpu.pack_format<interleaved>} : vector<32xbf16> -> vector<16xf32>
        %unpack3A_867 = tpu.unpack_subelements %bitcast3A_865, 1 {pack_format = #tpu.pack_format<interleaved>} : vector<32xbf16> -> vector<16xf32>
        %mul3A_868 = arith.mulf %gather3A_811, %unpack3A_866 : vector<16xf32>
        %add3A_869 = arith.addf %add3A_767, %mul3A_868 : vector<16xf32>
        %mul3A_870 = arith.mulf %gather3A_811, %unpack3A_867 : vector<16xf32>
        %add3A_871 = arith.addf %add3A_769, %mul3A_870 : vector<16xf32>
        %add3A_872 = arith.constant 6 : i32
        %add3A_873 = arith.addi %mul3A_166, %add3A_872 : i32
        %get3A_874 = arith.index_cast %add3A_873 : i32 to index
        %get3A_875 = arith.constant 80 : index
        %get3A_876 = tpu.vector_load %arg9[%get3A_874, %get3A_875] {strides = array<i32>} : memref<112x128xi32, #tpu.memory_space<vmem>>, vector<16xi32>,
        %bitcast3A_877 = vector.bitcast %get3A_876 : vector<16xi32> to vector<32xbf16>
        %unpack3A_878 = tpu.unpack_subelements %bitcast3A_877, 0 {pack_format = #tpu.pack_format<interleaved>} : vector<32xbf16> -> vector<16xf32>
        %unpack3A_879 = tpu.unpack_subelements %bitcast3A_877, 1 {pack_format = #tpu.pack_format<interleaved>} : vector<32xbf16> -> vector<16xf32>
        %mul3A_880 = arith.mulf %gather3A_811, %unpack3A_878 : vector<16xf32>
        %add3A_881 = arith.addf %add3A_779, %mul3A_880 : vector<16xf32>
        %mul3A_882 = arith.mulf %gather3A_811, %unpack3A_879 : vector<16xf32>
        %add3A_883 = arith.addf %add3A_781, %mul3A_882 : vector<16xf32>
        %add3A_884 = arith.constant 6 : i32
        %add3A_885 = arith.addi %mul3A_166, %add3A_884 : i32
        %get3A_886 = arith.index_cast %add3A_885 : i32 to index
        %get3A_887 = arith.constant 96 : index
        %get3A_888 = tpu.vector_load %arg9[%get3A_886, %get3A_887] {strides = array<i32>} : memref<112x128xi32, #tpu.memory_space<vmem>>, vector<16xi32>,
        %bitcast3A_889 = vector.bitcast %get3A_888 : vector<16xi32> to vector<32xbf16>
        %unpack3A_890 = tpu.unpack_subelements %bitcast3A_889, 0 {pack_format = #tpu.pack_format<interleaved>} : vector<32xbf16> -> vector<16xf32>
        %unpack3A_891 = tpu.unpack_subelements %bitcast3A_889, 1 {pack_format = #tpu.pack_format<interleaved>} : vector<32xbf16> -> vector<16xf32>
        %mul3A_892 = arith.mulf %gather3A_811, %unpack3A_890 : vector<16xf32>
        %add3A_893 = arith.addf %add3A_791, %mul3A_892 : vector<16xf32>
        %mul3A_894 = arith.mulf %gather3A_811, %unpack3A_891 : vector<16xf32>
        %add3A_895 = arith.addf %add3A_793, %mul3A_894 : vector<16xf32>
        %add3A_896 = arith.constant 6 : i32
        %add3A_897 = arith.addi %mul3A_166, %add3A_896 : i32
        %get3A_898 = arith.index_cast %add3A_897 : i32 to index
        %get3A_899 = arith.constant 112 : index
        %get3A_900 = tpu.vector_load %arg9[%get3A_898, %get3A_899] {strides = array<i32>} : memref<112x128xi32, #tpu.memory_space<vmem>>, vector<16xi32>,
        %bitcast3A_901 = vector.bitcast %get3A_900 : vector<16xi32> to vector<32xbf16>
        %unpack3A_902 = tpu.unpack_subelements %bitcast3A_901, 0 {pack_format = #tpu.pack_format<interleaved>} : vector<32xbf16> -> vector<16xf32>
        %unpack3A_903 = tpu.unpack_subelements %bitcast3A_901, 1 {pack_format = #tpu.pack_format<interleaved>} : vector<32xbf16> -> vector<16xf32>
        %mul3A_904 = arith.mulf %gather3A_811, %unpack3A_902 : vector<16xf32>
        %add3A_905 = arith.addf %add3A_803, %mul3A_904 : vector<16xf32>
        %mul3A_906 = arith.mulf %gather3A_811, %unpack3A_903 : vector<16xf32>
        %add3A_907 = arith.addf %add3A_805, %mul3A_906 : vector<16xf32>
        %broadcast_in_dim3A_908 = vector.broadcast %select_n3A_132 : i32 to vector<16xi32>
        %add3A_909 = arith.addi %mul3A_150, %mul3A_166 : i32
        %add3A_910 = arith.constant 7 : i32
        %add3A_911 = arith.addi %add3A_909, %add3A_910 : i32
        %broadcast_in_dim3A_912 = vector.broadcast %add3A_911 : i32 to vector<16xi32>
        %gather3A_913 = tpu.vector_load_idx %arg7[%broadcast_in_dim3A_908, %broadcast_in_dim3A_912] : memref<32x784xf32, #tpu.memory_space<vmem>>[vector<16xi32>, vector<16xi32>], vector<16xf32>,
        %add3A_914 = arith.constant 7 : i32
        %add3A_915 = arith.addi %mul3A_166, %add3A_914 : i32
        %get3A_916 = arith.index_cast %add3A_915 : i32 to index
        %get3A_917 = arith.constant 0 : index
        %get3A_918 = tpu.vector_load %arg9[%get3A_916, %get3A_917] {strides = array<i32>} : memref<112x128xi32, #tpu.memory_space<vmem>>, vector<16xi32>,
        %bitcast3A_919 = vector.bitcast %get3A_918 : vector<16xi32> to vector<32xbf16>
        %unpack3A_920 = tpu.unpack_subelements %bitcast3A_919, 0 {pack_format = #tpu.pack_format<interleaved>} : vector<32xbf16> -> vector<16xf32>
        %unpack3A_921 = tpu.unpack_subelements %bitcast3A_919, 1 {pack_format = #tpu.pack_format<interleaved>} : vector<32xbf16> -> vector<16xf32>
        %mul3A_922 = arith.mulf %gather3A_913, %unpack3A_920 : vector<16xf32>
        %add3A_923 = arith.addf %add3A_821, %mul3A_922 : vector<16xf32>
        %mul3A_924 = arith.mulf %gather3A_913, %unpack3A_921 : vector<16xf32>
        %add3A_925 = arith.addf %add3A_823, %mul3A_924 : vector<16xf32>
        %add3A_926 = arith.constant 7 : i32
        %add3A_927 = arith.addi %mul3A_166, %add3A_926 : i32
        %get3A_928 = arith.index_cast %add3A_927 : i32 to index
        %get3A_929 = arith.constant 16 : index
        %get3A_930 = tpu.vector_load %arg9[%get3A_928, %get3A_929] {strides = array<i32>} : memref<112x128xi32, #tpu.memory_space<vmem>>, vector<16xi32>,
        %bitcast3A_931 = vector.bitcast %get3A_930 : vector<16xi32> to vector<32xbf16>
        %unpack3A_932 = tpu.unpack_subelements %bitcast3A_931, 0 {pack_format = #tpu.pack_format<interleaved>} : vector<32xbf16> -> vector<16xf32>
        %unpack3A_933 = tpu.unpack_subelements %bitcast3A_931, 1 {pack_format = #tpu.pack_format<interleaved>} : vector<32xbf16> -> vector<16xf32>
        %mul3A_934 = arith.mulf %gather3A_913, %unpack3A_932 : vector<16xf32>
        %add3A_935 = arith.addf %add3A_833, %mul3A_934 : vector<16xf32>
        %mul3A_936 = arith.mulf %gather3A_913, %unpack3A_933 : vector<16xf32>
        %add3A_937 = arith.addf %add3A_835, %mul3A_936 : vector<16xf32>
        %add3A_938 = arith.constant 7 : i32
        %add3A_939 = arith.addi %mul3A_166, %add3A_938 : i32
        %get3A_940 = arith.index_cast %add3A_939 : i32 to index
        %get3A_941 = arith.constant 32 : index
        %get3A_942 = tpu.vector_load %arg9[%get3A_940, %get3A_941] {strides = array<i32>} : memref<112x128xi32, #tpu.memory_space<vmem>>, vector<16xi32>,
        %bitcast3A_943 = vector.bitcast %get3A_942 : vector<16xi32> to vector<32xbf16>
        %unpack3A_944 = tpu.unpack_subelements %bitcast3A_943, 0 {pack_format = #tpu.pack_format<interleaved>} : vector<32xbf16> -> vector<16xf32>
        %unpack3A_945 = tpu.unpack_subelements %bitcast3A_943, 1 {pack_format = #tpu.pack_format<interleaved>} : vector<32xbf16> -> vector<16xf32>
        %mul3A_946 = arith.mulf %gather3A_913, %unpack3A_944 : vector<16xf32>
        %add3A_947 = arith.addf %add3A_845, %mul3A_946 : vector<16xf32>
        %mul3A_948 = arith.mulf %gather3A_913, %unpack3A_945 : vector<16xf32>
        %add3A_949 = arith.addf %add3A_847, %mul3A_948 : vector<16xf32>
        %add3A_950 = arith.constant 7 : i32
        %add3A_951 = arith.addi %mul3A_166, %add3A_950 : i32
        %get3A_952 = arith.index_cast %add3A_951 : i32 to index
        %get3A_953 = arith.constant 48 : index
        %get3A_954 = tpu.vector_load %arg9[%get3A_952, %get3A_953] {strides = array<i32>} : memref<112x128xi32, #tpu.memory_space<vmem>>, vector<16xi32>,
        %bitcast3A_955 = vector.bitcast %get3A_954 : vector<16xi32> to vector<32xbf16>
        %unpack3A_956 = tpu.unpack_subelements %bitcast3A_955, 0 {pack_format = #tpu.pack_format<interleaved>} : vector<32xbf16> -> vector<16xf32>
        %unpack3A_957 = tpu.unpack_subelements %bitcast3A_955, 1 {pack_format = #tpu.pack_format<interleaved>} : vector<32xbf16> -> vector<16xf32>
        %mul3A_958 = arith.mulf %gather3A_913, %unpack3A_956 : vector<16xf32>
        %add3A_959 = arith.addf %add3A_857, %mul3A_958 : vector<16xf32>
        %mul3A_960 = arith.mulf %gather3A_913, %unpack3A_957 : vector<16xf32>
        %add3A_961 = arith.addf %add3A_859, %mul3A_960 : vector<16xf32>
        %add3A_962 = arith.constant 7 : i32
        %add3A_963 = arith.addi %mul3A_166, %add3A_962 : i32
        %get3A_964 = arith.index_cast %add3A_963 : i32 to index
        %get3A_965 = arith.constant 64 : index
        %get3A_966 = tpu.vector_load %arg9[%get3A_964, %get3A_965] {strides = array<i32>} : memref<112x128xi32, #tpu.memory_space<vmem>>, vector<16xi32>,
        %bitcast3A_967 = vector.bitcast %get3A_966 : vector<16xi32> to vector<32xbf16>
        %unpack3A_968 = tpu.unpack_subelements %bitcast3A_967, 0 {pack_format = #tpu.pack_format<interleaved>} : vector<32xbf16> -> vector<16xf32>
        %unpack3A_969 = tpu.unpack_subelements %bitcast3A_967, 1 {pack_format = #tpu.pack_format<interleaved>} : vector<32xbf16> -> vector<16xf32>
        %mul3A_970 = arith.mulf %gather3A_913, %unpack3A_968 : vector<16xf32>
        %add3A_971 = arith.addf %add3A_869, %mul3A_970 : vector<16xf32>
        %mul3A_972 = arith.mulf %gather3A_913, %unpack3A_969 : vector<16xf32>
        %add3A_973 = arith.addf %add3A_871, %mul3A_972 : vector<16xf32>
        %add3A_974 = arith.constant 7 : i32
        %add3A_975 = arith.addi %mul3A_166, %add3A_974 : i32
        %get3A_976 = arith.index_cast %add3A_975 : i32 to index
        %get3A_977 = arith.constant 80 : index
        %get3A_978 = tpu.vector_load %arg9[%get3A_976, %get3A_977] {strides = array<i32>} : memref<112x128xi32, #tpu.memory_space<vmem>>, vector<16xi32>,
        %bitcast3A_979 = vector.bitcast %get3A_978 : vector<16xi32> to vector<32xbf16>
        %unpack3A_980 = tpu.unpack_subelements %bitcast3A_979, 0 {pack_format = #tpu.pack_format<interleaved>} : vector<32xbf16> -> vector<16xf32>
        %unpack3A_981 = tpu.unpack_subelements %bitcast3A_979, 1 {pack_format = #tpu.pack_format<interleaved>} : vector<32xbf16> -> vector<16xf32>
        %mul3A_982 = arith.mulf %gather3A_913, %unpack3A_980 : vector<16xf32>
        %add3A_983 = arith.addf %add3A_881, %mul3A_982 : vector<16xf32>
        %mul3A_984 = arith.mulf %gather3A_913, %unpack3A_981 : vector<16xf32>
        %add3A_985 = arith.addf %add3A_883, %mul3A_984 : vector<16xf32>
        %add3A_986 = arith.constant 7 : i32
        %add3A_987 = arith.addi %mul3A_166, %add3A_986 : i32
        %get3A_988 = arith.index_cast %add3A_987 : i32 to index
        %get3A_989 = arith.constant 96 : index
        %get3A_990 = tpu.vector_load %arg9[%get3A_988, %get3A_989] {strides = array<i32>} : memref<112x128xi32, #tpu.memory_space<vmem>>, vector<16xi32>,
        %bitcast3A_991 = vector.bitcast %get3A_990 : vector<16xi32> to vector<32xbf16>
        %unpack3A_992 = tpu.unpack_subelements %bitcast3A_991, 0 {pack_format = #tpu.pack_format<interleaved>} : vector<32xbf16> -> vector<16xf32>
        %unpack3A_993 = tpu.unpack_subelements %bitcast3A_991, 1 {pack_format = #tpu.pack_format<interleaved>} : vector<32xbf16> -> vector<16xf32>
        %mul3A_994 = arith.mulf %gather3A_913, %unpack3A_992 : vector<16xf32>
        %add3A_995 = arith.addf %add3A_893, %mul3A_994 : vector<16xf32>
        %mul3A_996 = arith.mulf %gather3A_913, %unpack3A_993 : vector<16xf32>
        %add3A_997 = arith.addf %add3A_895, %mul3A_996 : vector<16xf32>
        %add3A_998 = arith.constant 7 : i32
        %add3A_999 = arith.addi %mul3A_166, %add3A_998 : i32
        %get3A_1000 = arith.index_cast %add3A_999 : i32 to index
        %get3A_1001 = arith.constant 112 : index
        %get3A_1002 = tpu.vector_load %arg9[%get3A_1000, %get3A_1001] {strides = array<i32>} : memref<112x128xi32, #tpu.memory_space<vmem>>, vector<16xi32>,
        %bitcast3A_1003 = vector.bitcast %get3A_1002 : vector<16xi32> to vector<32xbf16>
        %unpack3A_1004 = tpu.unpack_subelements %bitcast3A_1003, 0 {pack_format = #tpu.pack_format<interleaved>} : vector<32xbf16> -> vector<16xf32>
        %unpack3A_1005 = tpu.unpack_subelements %bitcast3A_1003, 1 {pack_format = #tpu.pack_format<interleaved>} : vector<32xbf16> -> vector<16xf32>
        %mul3A_1006 = arith.mulf %gather3A_913, %unpack3A_1004 : vector<16xf32>
        %add3A_1007 = arith.addf %add3A_905, %mul3A_1006 : vector<16xf32>
        %mul3A_1008 = arith.mulf %gather3A_913, %unpack3A_1005 : vector<16xf32>
        %add3A_1009 = arith.addf %add3A_907, %mul3A_1008 : vector<16xf32>
        %broadcast_in_dim3A_1010 = vector.broadcast %select_n3A_132 : i32 to vector<16xi32>
        %add3A_1011 = arith.addi %mul3A_150, %mul3A_166 : i32
        %add3A_1012 = arith.constant 8 : i32
        %add3A_1013 = arith.addi %add3A_1011, %add3A_1012 : i32
        %broadcast_in_dim3A_1014 = vector.broadcast %add3A_1013 : i32 to vector<16xi32>
        %gather3A_1015 = tpu.vector_load_idx %arg7[%broadcast_in_dim3A_1010, %broadcast_in_dim3A_1014] : memref<32x784xf32, #tpu.memory_space<vmem>>[vector<16xi32>, vector<16xi32>], vector<16xf32>,
        %add3A_1016 = arith.constant 8 : i32
        %add3A_1017 = arith.addi %mul3A_166, %add3A_1016 : i32
        %get3A_1018 = arith.index_cast %add3A_1017 : i32 to index
        %get3A_1019 = arith.constant 0 : index
        %get3A_1020 = tpu.vector_load %arg9[%get3A_1018, %get3A_1019] {strides = array<i32>} : memref<112x128xi32, #tpu.memory_space<vmem>>, vector<16xi32>,
        %bitcast3A_1021 = vector.bitcast %get3A_1020 : vector<16xi32> to vector<32xbf16>
        %unpack3A_1022 = tpu.unpack_subelements %bitcast3A_1021, 0 {pack_format = #tpu.pack_format<interleaved>} : vector<32xbf16> -> vector<16xf32>
        %unpack3A_1023 = tpu.unpack_subelements %bitcast3A_1021, 1 {pack_format = #tpu.pack_format<interleaved>} : vector<32xbf16> -> vector<16xf32>
        %mul3A_1024 = arith.mulf %gather3A_1015, %unpack3A_1022 : vector<16xf32>
        %add3A_1025 = arith.addf %add3A_923, %mul3A_1024 : vector<16xf32>
        %mul3A_1026 = arith.mulf %gather3A_1015, %unpack3A_1023 : vector<16xf32>
        %add3A_1027 = arith.addf %add3A_925, %mul3A_1026 : vector<16xf32>
        %add3A_1028 = arith.constant 8 : i32
        %add3A_1029 = arith.addi %mul3A_166, %add3A_1028 : i32
        %get3A_1030 = arith.index_cast %add3A_1029 : i32 to index
        %get3A_1031 = arith.constant 16 : index
        %get3A_1032 = tpu.vector_load %arg9[%get3A_1030, %get3A_1031] {strides = array<i32>} : memref<112x128xi32, #tpu.memory_space<vmem>>, vector<16xi32>,
        %bitcast3A_1033 = vector.bitcast %get3A_1032 : vector<16xi32> to vector<32xbf16>
        %unpack3A_1034 = tpu.unpack_subelements %bitcast3A_1033, 0 {pack_format = #tpu.pack_format<interleaved>} : vector<32xbf16> -> vector<16xf32>
        %unpack3A_1035 = tpu.unpack_subelements %bitcast3A_1033, 1 {pack_format = #tpu.pack_format<interleaved>} : vector<32xbf16> -> vector<16xf32>
        %mul3A_1036 = arith.mulf %gather3A_1015, %unpack3A_1034 : vector<16xf32>
        %add3A_1037 = arith.addf %add3A_935, %mul3A_1036 : vector<16xf32>
        %mul3A_1038 = arith.mulf %gather3A_1015, %unpack3A_1035 : vector<16xf32>
        %add3A_1039 = arith.addf %add3A_937, %mul3A_1038 : vector<16xf32>
        %add3A_1040 = arith.constant 8 : i32
        %add3A_1041 = arith.addi %mul3A_166, %add3A_1040 : i32
        %get3A_1042 = arith.index_cast %add3A_1041 : i32 to index
        %get3A_1043 = arith.constant 32 : index
        %get3A_1044 = tpu.vector_load %arg9[%get3A_1042, %get3A_1043] {strides = array<i32>} : memref<112x128xi32, #tpu.memory_space<vmem>>, vector<16xi32>,
        %bitcast3A_1045 = vector.bitcast %get3A_1044 : vector<16xi32> to vector<32xbf16>
        %unpack3A_1046 = tpu.unpack_subelements %bitcast3A_1045, 0 {pack_format = #tpu.pack_format<interleaved>} : vector<32xbf16> -> vector<16xf32>
        %unpack3A_1047 = tpu.unpack_subelements %bitcast3A_1045, 1 {pack_format = #tpu.pack_format<interleaved>} : vector<32xbf16> -> vector<16xf32>
        %mul3A_1048 = arith.mulf %gather3A_1015, %unpack3A_1046 : vector<16xf32>
        %add3A_1049 = arith.addf %add3A_947, %mul3A_1048 : vector<16xf32>
        %mul3A_1050 = arith.mulf %gather3A_1015, %unpack3A_1047 : vector<16xf32>
        %add3A_1051 = arith.addf %add3A_949, %mul3A_1050 : vector<16xf32>
        %add3A_1052 = arith.constant 8 : i32
        %add3A_1053 = arith.addi %mul3A_166, %add3A_1052 : i32
        %get3A_1054 = arith.index_cast %add3A_1053 : i32 to index
        %get3A_1055 = arith.constant 48 : index
        %get3A_1056 = tpu.vector_load %arg9[%get3A_1054, %get3A_1055] {strides = array<i32>} : memref<112x128xi32, #tpu.memory_space<vmem>>, vector<16xi32>,
        %bitcast3A_1057 = vector.bitcast %get3A_1056 : vector<16xi32> to vector<32xbf16>
        %unpack3A_1058 = tpu.unpack_subelements %bitcast3A_1057, 0 {pack_format = #tpu.pack_format<interleaved>} : vector<32xbf16> -> vector<16xf32>
        %unpack3A_1059 = tpu.unpack_subelements %bitcast3A_1057, 1 {pack_format = #tpu.pack_format<interleaved>} : vector<32xbf16> -> vector<16xf32>
        %mul3A_1060 = arith.mulf %gather3A_1015, %unpack3A_1058 : vector<16xf32>
        %add3A_1061 = arith.addf %add3A_959, %mul3A_1060 : vector<16xf32>
        %mul3A_1062 = arith.mulf %gather3A_1015, %unpack3A_1059 : vector<16xf32>
        %add3A_1063 = arith.addf %add3A_961, %mul3A_1062 : vector<16xf32>
        %add3A_1064 = arith.constant 8 : i32
        %add3A_1065 = arith.addi %mul3A_166, %add3A_1064 : i32
        %get3A_1066 = arith.index_cast %add3A_1065 : i32 to index
        %get3A_1067 = arith.constant 64 : index
        %get3A_1068 = tpu.vector_load %arg9[%get3A_1066, %get3A_1067] {strides = array<i32>} : memref<112x128xi32, #tpu.memory_space<vmem>>, vector<16xi32>,
        %bitcast3A_1069 = vector.bitcast %get3A_1068 : vector<16xi32> to vector<32xbf16>
        %unpack3A_1070 = tpu.unpack_subelements %bitcast3A_1069, 0 {pack_format = #tpu.pack_format<interleaved>} : vector<32xbf16> -> vector<16xf32>
        %unpack3A_1071 = tpu.unpack_subelements %bitcast3A_1069, 1 {pack_format = #tpu.pack_format<interleaved>} : vector<32xbf16> -> vector<16xf32>
        %mul3A_1072 = arith.mulf %gather3A_1015, %unpack3A_1070 : vector<16xf32>
        %add3A_1073 = arith.addf %add3A_971, %mul3A_1072 : vector<16xf32>
        %mul3A_1074 = arith.mulf %gather3A_1015, %unpack3A_1071 : vector<16xf32>
        %add3A_1075 = arith.addf %add3A_973, %mul3A_1074 : vector<16xf32>
        %add3A_1076 = arith.constant 8 : i32
        %add3A_1077 = arith.addi %mul3A_166, %add3A_1076 : i32
        %get3A_1078 = arith.index_cast %add3A_1077 : i32 to index
        %get3A_1079 = arith.constant 80 : index
        %get3A_1080 = tpu.vector_load %arg9[%get3A_1078, %get3A_1079] {strides = array<i32>} : memref<112x128xi32, #tpu.memory_space<vmem>>, vector<16xi32>,
        %bitcast3A_1081 = vector.bitcast %get3A_1080 : vector<16xi32> to vector<32xbf16>
        %unpack3A_1082 = tpu.unpack_subelements %bitcast3A_1081, 0 {pack_format = #tpu.pack_format<interleaved>} : vector<32xbf16> -> vector<16xf32>
        %unpack3A_1083 = tpu.unpack_subelements %bitcast3A_1081, 1 {pack_format = #tpu.pack_format<interleaved>} : vector<32xbf16> -> vector<16xf32>
        %mul3A_1084 = arith.mulf %gather3A_1015, %unpack3A_1082 : vector<16xf32>
        %add3A_1085 = arith.addf %add3A_983, %mul3A_1084 : vector<16xf32>
        %mul3A_1086 = arith.mulf %gather3A_1015, %unpack3A_1083 : vector<16xf32>
        %add3A_1087 = arith.addf %add3A_985, %mul3A_1086 : vector<16xf32>
        %add3A_1088 = arith.constant 8 : i32
        %add3A_1089 = arith.addi %mul3A_166, %add3A_1088 : i32
        %get3A_1090 = arith.index_cast %add3A_1089 : i32 to index
        %get3A_1091 = arith.constant 96 : index
        %get3A_1092 = tpu.vector_load %arg9[%get3A_1090, %get3A_1091] {strides = array<i32>} : memref<112x128xi32, #tpu.memory_space<vmem>>, vector<16xi32>,
        %bitcast3A_1093 = vector.bitcast %get3A_1092 : vector<16xi32> to vector<32xbf16>
        %unpack3A_1094 = tpu.unpack_subelements %bitcast3A_1093, 0 {pack_format = #tpu.pack_format<interleaved>} : vector<32xbf16> -> vector<16xf32>
        %unpack3A_1095 = tpu.unpack_subelements %bitcast3A_1093, 1 {pack_format = #tpu.pack_format<interleaved>} : vector<32xbf16> -> vector<16xf32>
        %mul3A_1096 = arith.mulf %gather3A_1015, %unpack3A_1094 : vector<16xf32>
        %add3A_1097 = arith.addf %add3A_995, %mul3A_1096 : vector<16xf32>
        %mul3A_1098 = arith.mulf %gather3A_1015, %unpack3A_1095 : vector<16xf32>
        %add3A_1099 = arith.addf %add3A_997, %mul3A_1098 : vector<16xf32>
        %add3A_1100 = arith.constant 8 : i32
        %add3A_1101 = arith.addi %mul3A_166, %add3A_1100 : i32
        %get3A_1102 = arith.index_cast %add3A_1101 : i32 to index
        %get3A_1103 = arith.constant 112 : index
        %get3A_1104 = tpu.vector_load %arg9[%get3A_1102, %get3A_1103] {strides = array<i32>} : memref<112x128xi32, #tpu.memory_space<vmem>>, vector<16xi32>,
        %bitcast3A_1105 = vector.bitcast %get3A_1104 : vector<16xi32> to vector<32xbf16>
        %unpack3A_1106 = tpu.unpack_subelements %bitcast3A_1105, 0 {pack_format = #tpu.pack_format<interleaved>} : vector<32xbf16> -> vector<16xf32>
        %unpack3A_1107 = tpu.unpack_subelements %bitcast3A_1105, 1 {pack_format = #tpu.pack_format<interleaved>} : vector<32xbf16> -> vector<16xf32>
        %mul3A_1108 = arith.mulf %gather3A_1015, %unpack3A_1106 : vector<16xf32>
        %add3A_1109 = arith.addf %add3A_1007, %mul3A_1108 : vector<16xf32>
        %mul3A_1110 = arith.mulf %gather3A_1015, %unpack3A_1107 : vector<16xf32>
        %add3A_1111 = arith.addf %add3A_1009, %mul3A_1110 : vector<16xf32>
        %broadcast_in_dim3A_1112 = vector.broadcast %select_n3A_132 : i32 to vector<16xi32>
        %add3A_1113 = arith.addi %mul3A_150, %mul3A_166 : i32
        %add3A_1114 = arith.constant 9 : i32
        %add3A_1115 = arith.addi %add3A_1113, %add3A_1114 : i32
        %broadcast_in_dim3A_1116 = vector.broadcast %add3A_1115 : i32 to vector<16xi32>
        %gather3A_1117 = tpu.vector_load_idx %arg7[%broadcast_in_dim3A_1112, %broadcast_in_dim3A_1116] : memref<32x784xf32, #tpu.memory_space<vmem>>[vector<16xi32>, vector<16xi32>], vector<16xf32>,
        %add3A_1118 = arith.constant 9 : i32
        %add3A_1119 = arith.addi %mul3A_166, %add3A_1118 : i32
        %get3A_1120 = arith.index_cast %add3A_1119 : i32 to index
        %get3A_1121 = arith.constant 0 : index
        %get3A_1122 = tpu.vector_load %arg9[%get3A_1120, %get3A_1121] {strides = array<i32>} : memref<112x128xi32, #tpu.memory_space<vmem>>, vector<16xi32>,
        %bitcast3A_1123 = vector.bitcast %get3A_1122 : vector<16xi32> to vector<32xbf16>
        %unpack3A_1124 = tpu.unpack_subelements %bitcast3A_1123, 0 {pack_format = #tpu.pack_format<interleaved>} : vector<32xbf16> -> vector<16xf32>
        %unpack3A_1125 = tpu.unpack_subelements %bitcast3A_1123, 1 {pack_format = #tpu.pack_format<interleaved>} : vector<32xbf16> -> vector<16xf32>
        %mul3A_1126 = arith.mulf %gather3A_1117, %unpack3A_1124 : vector<16xf32>
        %add3A_1127 = arith.addf %add3A_1025, %mul3A_1126 : vector<16xf32>
        %mul3A_1128 = arith.mulf %gather3A_1117, %unpack3A_1125 : vector<16xf32>
        %add3A_1129 = arith.addf %add3A_1027, %mul3A_1128 : vector<16xf32>
        %add3A_1130 = arith.constant 9 : i32
        %add3A_1131 = arith.addi %mul3A_166, %add3A_1130 : i32
        %get3A_1132 = arith.index_cast %add3A_1131 : i32 to index
        %get3A_1133 = arith.constant 16 : index
        %get3A_1134 = tpu.vector_load %arg9[%get3A_1132, %get3A_1133] {strides = array<i32>} : memref<112x128xi32, #tpu.memory_space<vmem>>, vector<16xi32>,
        %bitcast3A_1135 = vector.bitcast %get3A_1134 : vector<16xi32> to vector<32xbf16>
        %unpack3A_1136 = tpu.unpack_subelements %bitcast3A_1135, 0 {pack_format = #tpu.pack_format<interleaved>} : vector<32xbf16> -> vector<16xf32>
        %unpack3A_1137 = tpu.unpack_subelements %bitcast3A_1135, 1 {pack_format = #tpu.pack_format<interleaved>} : vector<32xbf16> -> vector<16xf32>
        %mul3A_1138 = arith.mulf %gather3A_1117, %unpack3A_1136 : vector<16xf32>
        %add3A_1139 = arith.addf %add3A_1037, %mul3A_1138 : vector<16xf32>
        %mul3A_1140 = arith.mulf %gather3A_1117, %unpack3A_1137 : vector<16xf32>
        %add3A_1141 = arith.addf %add3A_1039, %mul3A_1140 : vector<16xf32>
        %add3A_1142 = arith.constant 9 : i32
        %add3A_1143 = arith.addi %mul3A_166, %add3A_1142 : i32
        %get3A_1144 = arith.index_cast %add3A_1143 : i32 to index
        %get3A_1145 = arith.constant 32 : index
        %get3A_1146 = tpu.vector_load %arg9[%get3A_1144, %get3A_1145] {strides = array<i32>} : memref<112x128xi32, #tpu.memory_space<vmem>>, vector<16xi32>,
        %bitcast3A_1147 = vector.bitcast %get3A_1146 : vector<16xi32> to vector<32xbf16>
        %unpack3A_1148 = tpu.unpack_subelements %bitcast3A_1147, 0 {pack_format = #tpu.pack_format<interleaved>} : vector<32xbf16> -> vector<16xf32>
        %unpack3A_1149 = tpu.unpack_subelements %bitcast3A_1147, 1 {pack_format = #tpu.pack_format<interleaved>} : vector<32xbf16> -> vector<16xf32>
        %mul3A_1150 = arith.mulf %gather3A_1117, %unpack3A_1148 : vector<16xf32>
        %add3A_1151 = arith.addf %add3A_1049, %mul3A_1150 : vector<16xf32>
        %mul3A_1152 = arith.mulf %gather3A_1117, %unpack3A_1149 : vector<16xf32>
        %add3A_1153 = arith.addf %add3A_1051, %mul3A_1152 : vector<16xf32>
        %add3A_1154 = arith.constant 9 : i32
        %add3A_1155 = arith.addi %mul3A_166, %add3A_1154 : i32
        %get3A_1156 = arith.index_cast %add3A_1155 : i32 to index
        %get3A_1157 = arith.constant 48 : index
        %get3A_1158 = tpu.vector_load %arg9[%get3A_1156, %get3A_1157] {strides = array<i32>} : memref<112x128xi32, #tpu.memory_space<vmem>>, vector<16xi32>,
        %bitcast3A_1159 = vector.bitcast %get3A_1158 : vector<16xi32> to vector<32xbf16>
        %unpack3A_1160 = tpu.unpack_subelements %bitcast3A_1159, 0 {pack_format = #tpu.pack_format<interleaved>} : vector<32xbf16> -> vector<16xf32>
        %unpack3A_1161 = tpu.unpack_subelements %bitcast3A_1159, 1 {pack_format = #tpu.pack_format<interleaved>} : vector<32xbf16> -> vector<16xf32>
        %mul3A_1162 = arith.mulf %gather3A_1117, %unpack3A_1160 : vector<16xf32>
        %add3A_1163 = arith.addf %add3A_1061, %mul3A_1162 : vector<16xf32>
        %mul3A_1164 = arith.mulf %gather3A_1117, %unpack3A_1161 : vector<16xf32>
        %add3A_1165 = arith.addf %add3A_1063, %mul3A_1164 : vector<16xf32>
        %add3A_1166 = arith.constant 9 : i32
        %add3A_1167 = arith.addi %mul3A_166, %add3A_1166 : i32
        %get3A_1168 = arith.index_cast %add3A_1167 : i32 to index
        %get3A_1169 = arith.constant 64 : index
        %get3A_1170 = tpu.vector_load %arg9[%get3A_1168, %get3A_1169] {strides = array<i32>} : memref<112x128xi32, #tpu.memory_space<vmem>>, vector<16xi32>,
        %bitcast3A_1171 = vector.bitcast %get3A_1170 : vector<16xi32> to vector<32xbf16>
        %unpack3A_1172 = tpu.unpack_subelements %bitcast3A_1171, 0 {pack_format = #tpu.pack_format<interleaved>} : vector<32xbf16> -> vector<16xf32>
        %unpack3A_1173 = tpu.unpack_subelements %bitcast3A_1171, 1 {pack_format = #tpu.pack_format<interleaved>} : vector<32xbf16> -> vector<16xf32>
        %mul3A_1174 = arith.mulf %gather3A_1117, %unpack3A_1172 : vector<16xf32>
        %add3A_1175 = arith.addf %add3A_1073, %mul3A_1174 : vector<16xf32>
        %mul3A_1176 = arith.mulf %gather3A_1117, %unpack3A_1173 : vector<16xf32>
        %add3A_1177 = arith.addf %add3A_1075, %mul3A_1176 : vector<16xf32>
        %add3A_1178 = arith.constant 9 : i32
        %add3A_1179 = arith.addi %mul3A_166, %add3A_1178 : i32
        %get3A_1180 = arith.index_cast %add3A_1179 : i32 to index
        %get3A_1181 = arith.constant 80 : index
        %get3A_1182 = tpu.vector_load %arg9[%get3A_1180, %get3A_1181] {strides = array<i32>} : memref<112x128xi32, #tpu.memory_space<vmem>>, vector<16xi32>,
        %bitcast3A_1183 = vector.bitcast %get3A_1182 : vector<16xi32> to vector<32xbf16>
        %unpack3A_1184 = tpu.unpack_subelements %bitcast3A_1183, 0 {pack_format = #tpu.pack_format<interleaved>} : vector<32xbf16> -> vector<16xf32>
        %unpack3A_1185 = tpu.unpack_subelements %bitcast3A_1183, 1 {pack_format = #tpu.pack_format<interleaved>} : vector<32xbf16> -> vector<16xf32>
        %mul3A_1186 = arith.mulf %gather3A_1117, %unpack3A_1184 : vector<16xf32>
        %add3A_1187 = arith.addf %add3A_1085, %mul3A_1186 : vector<16xf32>
        %mul3A_1188 = arith.mulf %gather3A_1117, %unpack3A_1185 : vector<16xf32>
        %add3A_1189 = arith.addf %add3A_1087, %mul3A_1188 : vector<16xf32>
        %add3A_1190 = arith.constant 9 : i32
        %add3A_1191 = arith.addi %mul3A_166, %add3A_1190 : i32
        %get3A_1192 = arith.index_cast %add3A_1191 : i32 to index
        %get3A_1193 = arith.constant 96 : index
        %get3A_1194 = tpu.vector_load %arg9[%get3A_1192, %get3A_1193] {strides = array<i32>} : memref<112x128xi32, #tpu.memory_space<vmem>>, vector<16xi32>,
        %bitcast3A_1195 = vector.bitcast %get3A_1194 : vector<16xi32> to vector<32xbf16>
        %unpack3A_1196 = tpu.unpack_subelements %bitcast3A_1195, 0 {pack_format = #tpu.pack_format<interleaved>} : vector<32xbf16> -> vector<16xf32>
        %unpack3A_1197 = tpu.unpack_subelements %bitcast3A_1195, 1 {pack_format = #tpu.pack_format<interleaved>} : vector<32xbf16> -> vector<16xf32>
        %mul3A_1198 = arith.mulf %gather3A_1117, %unpack3A_1196 : vector<16xf32>
        %add3A_1199 = arith.addf %add3A_1097, %mul3A_1198 : vector<16xf32>
        %mul3A_1200 = arith.mulf %gather3A_1117, %unpack3A_1197 : vector<16xf32>
        %add3A_1201 = arith.addf %add3A_1099, %mul3A_1200 : vector<16xf32>
        %add3A_1202 = arith.constant 9 : i32
        %add3A_1203 = arith.addi %mul3A_166, %add3A_1202 : i32
        %get3A_1204 = arith.index_cast %add3A_1203 : i32 to index
        %get3A_1205 = arith.constant 112 : index
        %get3A_1206 = tpu.vector_load %arg9[%get3A_1204, %get3A_1205] {strides = array<i32>} : memref<112x128xi32, #tpu.memory_space<vmem>>, vector<16xi32>,
        %bitcast3A_1207 = vector.bitcast %get3A_1206 : vector<16xi32> to vector<32xbf16>
        %unpack3A_1208 = tpu.unpack_subelements %bitcast3A_1207, 0 {pack_format = #tpu.pack_format<interleaved>} : vector<32xbf16> -> vector<16xf32>
        %unpack3A_1209 = tpu.unpack_subelements %bitcast3A_1207, 1 {pack_format = #tpu.pack_format<interleaved>} : vector<32xbf16> -> vector<16xf32>
        %mul3A_1210 = arith.mulf %gather3A_1117, %unpack3A_1208 : vector<16xf32>
        %add3A_1211 = arith.addf %add3A_1109, %mul3A_1210 : vector<16xf32>
        %mul3A_1212 = arith.mulf %gather3A_1117, %unpack3A_1209 : vector<16xf32>
        %add3A_1213 = arith.addf %add3A_1111, %mul3A_1212 : vector<16xf32>
        %broadcast_in_dim3A_1214 = vector.broadcast %select_n3A_132 : i32 to vector<16xi32>
        %add3A_1215 = arith.addi %mul3A_150, %mul3A_166 : i32
        %add3A_1216 = arith.constant 10 : i32
        %add3A_1217 = arith.addi %add3A_1215, %add3A_1216 : i32
        %broadcast_in_dim3A_1218 = vector.broadcast %add3A_1217 : i32 to vector<16xi32>
        %gather3A_1219 = tpu.vector_load_idx %arg7[%broadcast_in_dim3A_1214, %broadcast_in_dim3A_1218] : memref<32x784xf32, #tpu.memory_space<vmem>>[vector<16xi32>, vector<16xi32>], vector<16xf32>,
        %add3A_1220 = arith.constant 10 : i32
        %add3A_1221 = arith.addi %mul3A_166, %add3A_1220 : i32
        %get3A_1222 = arith.index_cast %add3A_1221 : i32 to index
        %get3A_1223 = arith.constant 0 : index
        %get3A_1224 = tpu.vector_load %arg9[%get3A_1222, %get3A_1223] {strides = array<i32>} : memref<112x128xi32, #tpu.memory_space<vmem>>, vector<16xi32>,
        %bitcast3A_1225 = vector.bitcast %get3A_1224 : vector<16xi32> to vector<32xbf16>
        %unpack3A_1226 = tpu.unpack_subelements %bitcast3A_1225, 0 {pack_format = #tpu.pack_format<interleaved>} : vector<32xbf16> -> vector<16xf32>
        %unpack3A_1227 = tpu.unpack_subelements %bitcast3A_1225, 1 {pack_format = #tpu.pack_format<interleaved>} : vector<32xbf16> -> vector<16xf32>
        %mul3A_1228 = arith.mulf %gather3A_1219, %unpack3A_1226 : vector<16xf32>
        %add3A_1229 = arith.addf %add3A_1127, %mul3A_1228 : vector<16xf32>
        %mul3A_1230 = arith.mulf %gather3A_1219, %unpack3A_1227 : vector<16xf32>
        %add3A_1231 = arith.addf %add3A_1129, %mul3A_1230 : vector<16xf32>
        %add3A_1232 = arith.constant 10 : i32
        %add3A_1233 = arith.addi %mul3A_166, %add3A_1232 : i32
        %get3A_1234 = arith.index_cast %add3A_1233 : i32 to index
        %get3A_1235 = arith.constant 16 : index
        %get3A_1236 = tpu.vector_load %arg9[%get3A_1234, %get3A_1235] {strides = array<i32>} : memref<112x128xi32, #tpu.memory_space<vmem>>, vector<16xi32>,
        %bitcast3A_1237 = vector.bitcast %get3A_1236 : vector<16xi32> to vector<32xbf16>
        %unpack3A_1238 = tpu.unpack_subelements %bitcast3A_1237, 0 {pack_format = #tpu.pack_format<interleaved>} : vector<32xbf16> -> vector<16xf32>
        %unpack3A_1239 = tpu.unpack_subelements %bitcast3A_1237, 1 {pack_format = #tpu.pack_format<interleaved>} : vector<32xbf16> -> vector<16xf32>
        %mul3A_1240 = arith.mulf %gather3A_1219, %unpack3A_1238 : vector<16xf32>
        %add3A_1241 = arith.addf %add3A_1139, %mul3A_1240 : vector<16xf32>
        %mul3A_1242 = arith.mulf %gather3A_1219, %unpack3A_1239 : vector<16xf32>
        %add3A_1243 = arith.addf %add3A_1141, %mul3A_1242 : vector<16xf32>
        %add3A_1244 = arith.constant 10 : i32
        %add3A_1245 = arith.addi %mul3A_166, %add3A_1244 : i32
        %get3A_1246 = arith.index_cast %add3A_1245 : i32 to index
        %get3A_1247 = arith.constant 32 : index
        %get3A_1248 = tpu.vector_load %arg9[%get3A_1246, %get3A_1247] {strides = array<i32>} : memref<112x128xi32, #tpu.memory_space<vmem>>, vector<16xi32>,
        %bitcast3A_1249 = vector.bitcast %get3A_1248 : vector<16xi32> to vector<32xbf16>
        %unpack3A_1250 = tpu.unpack_subelements %bitcast3A_1249, 0 {pack_format = #tpu.pack_format<interleaved>} : vector<32xbf16> -> vector<16xf32>
        %unpack3A_1251 = tpu.unpack_subelements %bitcast3A_1249, 1 {pack_format = #tpu.pack_format<interleaved>} : vector<32xbf16> -> vector<16xf32>
        %mul3A_1252 = arith.mulf %gather3A_1219, %unpack3A_1250 : vector<16xf32>
        %add3A_1253 = arith.addf %add3A_1151, %mul3A_1252 : vector<16xf32>
        %mul3A_1254 = arith.mulf %gather3A_1219, %unpack3A_1251 : vector<16xf32>
        %add3A_1255 = arith.addf %add3A_1153, %mul3A_1254 : vector<16xf32>
        %add3A_1256 = arith.constant 10 : i32
        %add3A_1257 = arith.addi %mul3A_166, %add3A_1256 : i32
        %get3A_1258 = arith.index_cast %add3A_1257 : i32 to index
        %get3A_1259 = arith.constant 48 : index
        %get3A_1260 = tpu.vector_load %arg9[%get3A_1258, %get3A_1259] {strides = array<i32>} : memref<112x128xi32, #tpu.memory_space<vmem>>, vector<16xi32>,
        %bitcast3A_1261 = vector.bitcast %get3A_1260 : vector<16xi32> to vector<32xbf16>
        %unpack3A_1262 = tpu.unpack_subelements %bitcast3A_1261, 0 {pack_format = #tpu.pack_format<interleaved>} : vector<32xbf16> -> vector<16xf32>
        %unpack3A_1263 = tpu.unpack_subelements %bitcast3A_1261, 1 {pack_format = #tpu.pack_format<interleaved>} : vector<32xbf16> -> vector<16xf32>
        %mul3A_1264 = arith.mulf %gather3A_1219, %unpack3A_1262 : vector<16xf32>
        %add3A_1265 = arith.addf %add3A_1163, %mul3A_1264 : vector<16xf32>
        %mul3A_1266 = arith.mulf %gather3A_1219, %unpack3A_1263 : vector<16xf32>
        %add3A_1267 = arith.addf %add3A_1165, %mul3A_1266 : vector<16xf32>
        %add3A_1268 = arith.constant 10 : i32
        %add3A_1269 = arith.addi %mul3A_166, %add3A_1268 : i32
        %get3A_1270 = arith.index_cast %add3A_1269 : i32 to index
        %get3A_1271 = arith.constant 64 : index
        %get3A_1272 = tpu.vector_load %arg9[%get3A_1270, %get3A_1271] {strides = array<i32>} : memref<112x128xi32, #tpu.memory_space<vmem>>, vector<16xi32>,
        %bitcast3A_1273 = vector.bitcast %get3A_1272 : vector<16xi32> to vector<32xbf16>
        %unpack3A_1274 = tpu.unpack_subelements %bitcast3A_1273, 0 {pack_format = #tpu.pack_format<interleaved>} : vector<32xbf16> -> vector<16xf32>
        %unpack3A_1275 = tpu.unpack_subelements %bitcast3A_1273, 1 {pack_format = #tpu.pack_format<interleaved>} : vector<32xbf16> -> vector<16xf32>
        %mul3A_1276 = arith.mulf %gather3A_1219, %unpack3A_1274 : vector<16xf32>
        %add3A_1277 = arith.addf %add3A_1175, %mul3A_1276 : vector<16xf32>
        %mul3A_1278 = arith.mulf %gather3A_1219, %unpack3A_1275 : vector<16xf32>
        %add3A_1279 = arith.addf %add3A_1177, %mul3A_1278 : vector<16xf32>
        %add3A_1280 = arith.constant 10 : i32
        %add3A_1281 = arith.addi %mul3A_166, %add3A_1280 : i32
        %get3A_1282 = arith.index_cast %add3A_1281 : i32 to index
        %get3A_1283 = arith.constant 80 : index
        %get3A_1284 = tpu.vector_load %arg9[%get3A_1282, %get3A_1283] {strides = array<i32>} : memref<112x128xi32, #tpu.memory_space<vmem>>, vector<16xi32>,
        %bitcast3A_1285 = vector.bitcast %get3A_1284 : vector<16xi32> to vector<32xbf16>
        %unpack3A_1286 = tpu.unpack_subelements %bitcast3A_1285, 0 {pack_format = #tpu.pack_format<interleaved>} : vector<32xbf16> -> vector<16xf32>
        %unpack3A_1287 = tpu.unpack_subelements %bitcast3A_1285, 1 {pack_format = #tpu.pack_format<interleaved>} : vector<32xbf16> -> vector<16xf32>
        %mul3A_1288 = arith.mulf %gather3A_1219, %unpack3A_1286 : vector<16xf32>
        %add3A_1289 = arith.addf %add3A_1187, %mul3A_1288 : vector<16xf32>
        %mul3A_1290 = arith.mulf %gather3A_1219, %unpack3A_1287 : vector<16xf32>
        %add3A_1291 = arith.addf %add3A_1189, %mul3A_1290 : vector<16xf32>
        %add3A_1292 = arith.constant 10 : i32
        %add3A_1293 = arith.addi %mul3A_166, %add3A_1292 : i32
        %get3A_1294 = arith.index_cast %add3A_1293 : i32 to index
        %get3A_1295 = arith.constant 96 : index
        %get3A_1296 = tpu.vector_load %arg9[%get3A_1294, %get3A_1295] {strides = array<i32>} : memref<112x128xi32, #tpu.memory_space<vmem>>, vector<16xi32>,
        %bitcast3A_1297 = vector.bitcast %get3A_1296 : vector<16xi32> to vector<32xbf16>
        %unpack3A_1298 = tpu.unpack_subelements %bitcast3A_1297, 0 {pack_format = #tpu.pack_format<interleaved>} : vector<32xbf16> -> vector<16xf32>
        %unpack3A_1299 = tpu.unpack_subelements %bitcast3A_1297, 1 {pack_format = #tpu.pack_format<interleaved>} : vector<32xbf16> -> vector<16xf32>
        %mul3A_1300 = arith.mulf %gather3A_1219, %unpack3A_1298 : vector<16xf32>
        %add3A_1301 = arith.addf %add3A_1199, %mul3A_1300 : vector<16xf32>
        %mul3A_1302 = arith.mulf %gather3A_1219, %unpack3A_1299 : vector<16xf32>
        %add3A_1303 = arith.addf %add3A_1201, %mul3A_1302 : vector<16xf32>
        %add3A_1304 = arith.constant 10 : i32
        %add3A_1305 = arith.addi %mul3A_166, %add3A_1304 : i32
        %get3A_1306 = arith.index_cast %add3A_1305 : i32 to index
        %get3A_1307 = arith.constant 112 : index
        %get3A_1308 = tpu.vector_load %arg9[%get3A_1306, %get3A_1307] {strides = array<i32>} : memref<112x128xi32, #tpu.memory_space<vmem>>, vector<16xi32>,
        %bitcast3A_1309 = vector.bitcast %get3A_1308 : vector<16xi32> to vector<32xbf16>
        %unpack3A_1310 = tpu.unpack_subelements %bitcast3A_1309, 0 {pack_format = #tpu.pack_format<interleaved>} : vector<32xbf16> -> vector<16xf32>
        %unpack3A_1311 = tpu.unpack_subelements %bitcast3A_1309, 1 {pack_format = #tpu.pack_format<interleaved>} : vector<32xbf16> -> vector<16xf32>
        %mul3A_1312 = arith.mulf %gather3A_1219, %unpack3A_1310 : vector<16xf32>
        %add3A_1313 = arith.addf %add3A_1211, %mul3A_1312 : vector<16xf32>
        %mul3A_1314 = arith.mulf %gather3A_1219, %unpack3A_1311 : vector<16xf32>
        %add3A_1315 = arith.addf %add3A_1213, %mul3A_1314 : vector<16xf32>
        %broadcast_in_dim3A_1316 = vector.broadcast %select_n3A_132 : i32 to vector<16xi32>
        %add3A_1317 = arith.addi %mul3A_150, %mul3A_166 : i32
        %add3A_1318 = arith.constant 11 : i32
        %add3A_1319 = arith.addi %add3A_1317, %add3A_1318 : i32
        %broadcast_in_dim3A_1320 = vector.broadcast %add3A_1319 : i32 to vector<16xi32>
        %gather3A_1321 = tpu.vector_load_idx %arg7[%broadcast_in_dim3A_1316, %broadcast_in_dim3A_1320] : memref<32x784xf32, #tpu.memory_space<vmem>>[vector<16xi32>, vector<16xi32>], vector<16xf32>,
        %add3A_1322 = arith.constant 11 : i32
        %add3A_1323 = arith.addi %mul3A_166, %add3A_1322 : i32
        %get3A_1324 = arith.index_cast %add3A_1323 : i32 to index
        %get3A_1325 = arith.constant 0 : index
        %get3A_1326 = tpu.vector_load %arg9[%get3A_1324, %get3A_1325] {strides = array<i32>} : memref<112x128xi32, #tpu.memory_space<vmem>>, vector<16xi32>,
        %bitcast3A_1327 = vector.bitcast %get3A_1326 : vector<16xi32> to vector<32xbf16>
        %unpack3A_1328 = tpu.unpack_subelements %bitcast3A_1327, 0 {pack_format = #tpu.pack_format<interleaved>} : vector<32xbf16> -> vector<16xf32>
        %unpack3A_1329 = tpu.unpack_subelements %bitcast3A_1327, 1 {pack_format = #tpu.pack_format<interleaved>} : vector<32xbf16> -> vector<16xf32>
        %mul3A_1330 = arith.mulf %gather3A_1321, %unpack3A_1328 : vector<16xf32>
        %add3A_1331 = arith.addf %add3A_1229, %mul3A_1330 : vector<16xf32>
        %mul3A_1332 = arith.mulf %gather3A_1321, %unpack3A_1329 : vector<16xf32>
        %add3A_1333 = arith.addf %add3A_1231, %mul3A_1332 : vector<16xf32>
        %add3A_1334 = arith.constant 11 : i32
        %add3A_1335 = arith.addi %mul3A_166, %add3A_1334 : i32
        %get3A_1336 = arith.index_cast %add3A_1335 : i32 to index
        %get3A_1337 = arith.constant 16 : index
        %get3A_1338 = tpu.vector_load %arg9[%get3A_1336, %get3A_1337] {strides = array<i32>} : memref<112x128xi32, #tpu.memory_space<vmem>>, vector<16xi32>,
        %bitcast3A_1339 = vector.bitcast %get3A_1338 : vector<16xi32> to vector<32xbf16>
        %unpack3A_1340 = tpu.unpack_subelements %bitcast3A_1339, 0 {pack_format = #tpu.pack_format<interleaved>} : vector<32xbf16> -> vector<16xf32>
        %unpack3A_1341 = tpu.unpack_subelements %bitcast3A_1339, 1 {pack_format = #tpu.pack_format<interleaved>} : vector<32xbf16> -> vector<16xf32>
        %mul3A_1342 = arith.mulf %gather3A_1321, %unpack3A_1340 : vector<16xf32>
        %add3A_1343 = arith.addf %add3A_1241, %mul3A_1342 : vector<16xf32>
        %mul3A_1344 = arith.mulf %gather3A_1321, %unpack3A_1341 : vector<16xf32>
        %add3A_1345 = arith.addf %add3A_1243, %mul3A_1344 : vector<16xf32>
        %add3A_1346 = arith.constant 11 : i32
        %add3A_1347 = arith.addi %mul3A_166, %add3A_1346 : i32
        %get3A_1348 = arith.index_cast %add3A_1347 : i32 to index
        %get3A_1349 = arith.constant 32 : index
        %get3A_1350 = tpu.vector_load %arg9[%get3A_1348, %get3A_1349] {strides = array<i32>} : memref<112x128xi32, #tpu.memory_space<vmem>>, vector<16xi32>,
        %bitcast3A_1351 = vector.bitcast %get3A_1350 : vector<16xi32> to vector<32xbf16>
        %unpack3A_1352 = tpu.unpack_subelements %bitcast3A_1351, 0 {pack_format = #tpu.pack_format<interleaved>} : vector<32xbf16> -> vector<16xf32>
        %unpack3A_1353 = tpu.unpack_subelements %bitcast3A_1351, 1 {pack_format = #tpu.pack_format<interleaved>} : vector<32xbf16> -> vector<16xf32>
        %mul3A_1354 = arith.mulf %gather3A_1321, %unpack3A_1352 : vector<16xf32>
        %add3A_1355 = arith.addf %add3A_1253, %mul3A_1354 : vector<16xf32>
        %mul3A_1356 = arith.mulf %gather3A_1321, %unpack3A_1353 : vector<16xf32>
        %add3A_1357 = arith.addf %add3A_1255, %mul3A_1356 : vector<16xf32>
        %add3A_1358 = arith.constant 11 : i32
        %add3A_1359 = arith.addi %mul3A_166, %add3A_1358 : i32
        %get3A_1360 = arith.index_cast %add3A_1359 : i32 to index
        %get3A_1361 = arith.constant 48 : index
        %get3A_1362 = tpu.vector_load %arg9[%get3A_1360, %get3A_1361] {strides = array<i32>} : memref<112x128xi32, #tpu.memory_space<vmem>>, vector<16xi32>,
        %bitcast3A_1363 = vector.bitcast %get3A_1362 : vector<16xi32> to vector<32xbf16>
        %unpack3A_1364 = tpu.unpack_subelements %bitcast3A_1363, 0 {pack_format = #tpu.pack_format<interleaved>} : vector<32xbf16> -> vector<16xf32>
        %unpack3A_1365 = tpu.unpack_subelements %bitcast3A_1363, 1 {pack_format = #tpu.pack_format<interleaved>} : vector<32xbf16> -> vector<16xf32>
        %mul3A_1366 = arith.mulf %gather3A_1321, %unpack3A_1364 : vector<16xf32>
        %add3A_1367 = arith.addf %add3A_1265, %mul3A_1366 : vector<16xf32>
        %mul3A_1368 = arith.mulf %gather3A_1321, %unpack3A_1365 : vector<16xf32>
        %add3A_1369 = arith.addf %add3A_1267, %mul3A_1368 : vector<16xf32>
        %add3A_1370 = arith.constant 11 : i32
        %add3A_1371 = arith.addi %mul3A_166, %add3A_1370 : i32
        %get3A_1372 = arith.index_cast %add3A_1371 : i32 to index
        %get3A_1373 = arith.constant 64 : index
        %get3A_1374 = tpu.vector_load %arg9[%get3A_1372, %get3A_1373] {strides = array<i32>} : memref<112x128xi32, #tpu.memory_space<vmem>>, vector<16xi32>,
        %bitcast3A_1375 = vector.bitcast %get3A_1374 : vector<16xi32> to vector<32xbf16>
        %unpack3A_1376 = tpu.unpack_subelements %bitcast3A_1375, 0 {pack_format = #tpu.pack_format<interleaved>} : vector<32xbf16> -> vector<16xf32>
        %unpack3A_1377 = tpu.unpack_subelements %bitcast3A_1375, 1 {pack_format = #tpu.pack_format<interleaved>} : vector<32xbf16> -> vector<16xf32>
        %mul3A_1378 = arith.mulf %gather3A_1321, %unpack3A_1376 : vector<16xf32>
        %add3A_1379 = arith.addf %add3A_1277, %mul3A_1378 : vector<16xf32>
        %mul3A_1380 = arith.mulf %gather3A_1321, %unpack3A_1377 : vector<16xf32>
        %add3A_1381 = arith.addf %add3A_1279, %mul3A_1380 : vector<16xf32>
        %add3A_1382 = arith.constant 11 : i32
        %add3A_1383 = arith.addi %mul3A_166, %add3A_1382 : i32
        %get3A_1384 = arith.index_cast %add3A_1383 : i32 to index
        %get3A_1385 = arith.constant 80 : index
        %get3A_1386 = tpu.vector_load %arg9[%get3A_1384, %get3A_1385] {strides = array<i32>} : memref<112x128xi32, #tpu.memory_space<vmem>>, vector<16xi32>,
        %bitcast3A_1387 = vector.bitcast %get3A_1386 : vector<16xi32> to vector<32xbf16>
        %unpack3A_1388 = tpu.unpack_subelements %bitcast3A_1387, 0 {pack_format = #tpu.pack_format<interleaved>} : vector<32xbf16> -> vector<16xf32>
        %unpack3A_1389 = tpu.unpack_subelements %bitcast3A_1387, 1 {pack_format = #tpu.pack_format<interleaved>} : vector<32xbf16> -> vector<16xf32>
        %mul3A_1390 = arith.mulf %gather3A_1321, %unpack3A_1388 : vector<16xf32>
        %add3A_1391 = arith.addf %add3A_1289, %mul3A_1390 : vector<16xf32>
        %mul3A_1392 = arith.mulf %gather3A_1321, %unpack3A_1389 : vector<16xf32>
        %add3A_1393 = arith.addf %add3A_1291, %mul3A_1392 : vector<16xf32>
        %add3A_1394 = arith.constant 11 : i32
        %add3A_1395 = arith.addi %mul3A_166, %add3A_1394 : i32
        %get3A_1396 = arith.index_cast %add3A_1395 : i32 to index
        %get3A_1397 = arith.constant 96 : index
        %get3A_1398 = tpu.vector_load %arg9[%get3A_1396, %get3A_1397] {strides = array<i32>} : memref<112x128xi32, #tpu.memory_space<vmem>>, vector<16xi32>,
        %bitcast3A_1399 = vector.bitcast %get3A_1398 : vector<16xi32> to vector<32xbf16>
        %unpack3A_1400 = tpu.unpack_subelements %bitcast3A_1399, 0 {pack_format = #tpu.pack_format<interleaved>} : vector<32xbf16> -> vector<16xf32>
        %unpack3A_1401 = tpu.unpack_subelements %bitcast3A_1399, 1 {pack_format = #tpu.pack_format<interleaved>} : vector<32xbf16> -> vector<16xf32>
        %mul3A_1402 = arith.mulf %gather3A_1321, %unpack3A_1400 : vector<16xf32>
        %add3A_1403 = arith.addf %add3A_1301, %mul3A_1402 : vector<16xf32>
        %mul3A_1404 = arith.mulf %gather3A_1321, %unpack3A_1401 : vector<16xf32>
        %add3A_1405 = arith.addf %add3A_1303, %mul3A_1404 : vector<16xf32>
        %add3A_1406 = arith.constant 11 : i32
        %add3A_1407 = arith.addi %mul3A_166, %add3A_1406 : i32
        %get3A_1408 = arith.index_cast %add3A_1407 : i32 to index
        %get3A_1409 = arith.constant 112 : index
        %get3A_1410 = tpu.vector_load %arg9[%get3A_1408, %get3A_1409] {strides = array<i32>} : memref<112x128xi32, #tpu.memory_space<vmem>>, vector<16xi32>,
        %bitcast3A_1411 = vector.bitcast %get3A_1410 : vector<16xi32> to vector<32xbf16>
        %unpack3A_1412 = tpu.unpack_subelements %bitcast3A_1411, 0 {pack_format = #tpu.pack_format<interleaved>} : vector<32xbf16> -> vector<16xf32>
        %unpack3A_1413 = tpu.unpack_subelements %bitcast3A_1411, 1 {pack_format = #tpu.pack_format<interleaved>} : vector<32xbf16> -> vector<16xf32>
        %mul3A_1414 = arith.mulf %gather3A_1321, %unpack3A_1412 : vector<16xf32>
        %add3A_1415 = arith.addf %add3A_1313, %mul3A_1414 : vector<16xf32>
        %mul3A_1416 = arith.mulf %gather3A_1321, %unpack3A_1413 : vector<16xf32>
        %add3A_1417 = arith.addf %add3A_1315, %mul3A_1416 : vector<16xf32>
        %broadcast_in_dim3A_1418 = vector.broadcast %select_n3A_132 : i32 to vector<16xi32>
        %add3A_1419 = arith.addi %mul3A_150, %mul3A_166 : i32
        %add3A_1420 = arith.constant 12 : i32
        %add3A_1421 = arith.addi %add3A_1419, %add3A_1420 : i32
        %broadcast_in_dim3A_1422 = vector.broadcast %add3A_1421 : i32 to vector<16xi32>
        %gather3A_1423 = tpu.vector_load_idx %arg7[%broadcast_in_dim3A_1418, %broadcast_in_dim3A_1422] : memref<32x784xf32, #tpu.memory_space<vmem>>[vector<16xi32>, vector<16xi32>], vector<16xf32>,
        %add3A_1424 = arith.constant 12 : i32
        %add3A_1425 = arith.addi %mul3A_166, %add3A_1424 : i32
        %get3A_1426 = arith.index_cast %add3A_1425 : i32 to index
        %get3A_1427 = arith.constant 0 : index
        %get3A_1428 = tpu.vector_load %arg9[%get3A_1426, %get3A_1427] {strides = array<i32>} : memref<112x128xi32, #tpu.memory_space<vmem>>, vector<16xi32>,
        %bitcast3A_1429 = vector.bitcast %get3A_1428 : vector<16xi32> to vector<32xbf16>
        %unpack3A_1430 = tpu.unpack_subelements %bitcast3A_1429, 0 {pack_format = #tpu.pack_format<interleaved>} : vector<32xbf16> -> vector<16xf32>
        %unpack3A_1431 = tpu.unpack_subelements %bitcast3A_1429, 1 {pack_format = #tpu.pack_format<interleaved>} : vector<32xbf16> -> vector<16xf32>
        %mul3A_1432 = arith.mulf %gather3A_1423, %unpack3A_1430 : vector<16xf32>
        %add3A_1433 = arith.addf %add3A_1331, %mul3A_1432 : vector<16xf32>
        %mul3A_1434 = arith.mulf %gather3A_1423, %unpack3A_1431 : vector<16xf32>
        %add3A_1435 = arith.addf %add3A_1333, %mul3A_1434 : vector<16xf32>
        %add3A_1436 = arith.constant 12 : i32
        %add3A_1437 = arith.addi %mul3A_166, %add3A_1436 : i32
        %get3A_1438 = arith.index_cast %add3A_1437 : i32 to index
        %get3A_1439 = arith.constant 16 : index
        %get3A_1440 = tpu.vector_load %arg9[%get3A_1438, %get3A_1439] {strides = array<i32>} : memref<112x128xi32, #tpu.memory_space<vmem>>, vector<16xi32>,
        %bitcast3A_1441 = vector.bitcast %get3A_1440 : vector<16xi32> to vector<32xbf16>
        %unpack3A_1442 = tpu.unpack_subelements %bitcast3A_1441, 0 {pack_format = #tpu.pack_format<interleaved>} : vector<32xbf16> -> vector<16xf32>
        %unpack3A_1443 = tpu.unpack_subelements %bitcast3A_1441, 1 {pack_format = #tpu.pack_format<interleaved>} : vector<32xbf16> -> vector<16xf32>
        %mul3A_1444 = arith.mulf %gather3A_1423, %unpack3A_1442 : vector<16xf32>
        %add3A_1445 = arith.addf %add3A_1343, %mul3A_1444 : vector<16xf32>
        %mul3A_1446 = arith.mulf %gather3A_1423, %unpack3A_1443 : vector<16xf32>
        %add3A_1447 = arith.addf %add3A_1345, %mul3A_1446 : vector<16xf32>
        %add3A_1448 = arith.constant 12 : i32
        %add3A_1449 = arith.addi %mul3A_166, %add3A_1448 : i32
        %get3A_1450 = arith.index_cast %add3A_1449 : i32 to index
        %get3A_1451 = arith.constant 32 : index
        %get3A_1452 = tpu.vector_load %arg9[%get3A_1450, %get3A_1451] {strides = array<i32>} : memref<112x128xi32, #tpu.memory_space<vmem>>, vector<16xi32>,
        %bitcast3A_1453 = vector.bitcast %get3A_1452 : vector<16xi32> to vector<32xbf16>
        %unpack3A_1454 = tpu.unpack_subelements %bitcast3A_1453, 0 {pack_format = #tpu.pack_format<interleaved>} : vector<32xbf16> -> vector<16xf32>
        %unpack3A_1455 = tpu.unpack_subelements %bitcast3A_1453, 1 {pack_format = #tpu.pack_format<interleaved>} : vector<32xbf16> -> vector<16xf32>
        %mul3A_1456 = arith.mulf %gather3A_1423, %unpack3A_1454 : vector<16xf32>
        %add3A_1457 = arith.addf %add3A_1355, %mul3A_1456 : vector<16xf32>
        %mul3A_1458 = arith.mulf %gather3A_1423, %unpack3A_1455 : vector<16xf32>
        %add3A_1459 = arith.addf %add3A_1357, %mul3A_1458 : vector<16xf32>
        %add3A_1460 = arith.constant 12 : i32
        %add3A_1461 = arith.addi %mul3A_166, %add3A_1460 : i32
        %get3A_1462 = arith.index_cast %add3A_1461 : i32 to index
        %get3A_1463 = arith.constant 48 : index
        %get3A_1464 = tpu.vector_load %arg9[%get3A_1462, %get3A_1463] {strides = array<i32>} : memref<112x128xi32, #tpu.memory_space<vmem>>, vector<16xi32>,
        %bitcast3A_1465 = vector.bitcast %get3A_1464 : vector<16xi32> to vector<32xbf16>
        %unpack3A_1466 = tpu.unpack_subelements %bitcast3A_1465, 0 {pack_format = #tpu.pack_format<interleaved>} : vector<32xbf16> -> vector<16xf32>
        %unpack3A_1467 = tpu.unpack_subelements %bitcast3A_1465, 1 {pack_format = #tpu.pack_format<interleaved>} : vector<32xbf16> -> vector<16xf32>
        %mul3A_1468 = arith.mulf %gather3A_1423, %unpack3A_1466 : vector<16xf32>
        %add3A_1469 = arith.addf %add3A_1367, %mul3A_1468 : vector<16xf32>
        %mul3A_1470 = arith.mulf %gather3A_1423, %unpack3A_1467 : vector<16xf32>
        %add3A_1471 = arith.addf %add3A_1369, %mul3A_1470 : vector<16xf32>
        %add3A_1472 = arith.constant 12 : i32
        %add3A_1473 = arith.addi %mul3A_166, %add3A_1472 : i32
        %get3A_1474 = arith.index_cast %add3A_1473 : i32 to index
        %get3A_1475 = arith.constant 64 : index
        %get3A_1476 = tpu.vector_load %arg9[%get3A_1474, %get3A_1475] {strides = array<i32>} : memref<112x128xi32, #tpu.memory_space<vmem>>, vector<16xi32>,
        %bitcast3A_1477 = vector.bitcast %get3A_1476 : vector<16xi32> to vector<32xbf16>
        %unpack3A_1478 = tpu.unpack_subelements %bitcast3A_1477, 0 {pack_format = #tpu.pack_format<interleaved>} : vector<32xbf16> -> vector<16xf32>
        %unpack3A_1479 = tpu.unpack_subelements %bitcast3A_1477, 1 {pack_format = #tpu.pack_format<interleaved>} : vector<32xbf16> -> vector<16xf32>
        %mul3A_1480 = arith.mulf %gather3A_1423, %unpack3A_1478 : vector<16xf32>
        %add3A_1481 = arith.addf %add3A_1379, %mul3A_1480 : vector<16xf32>
        %mul3A_1482 = arith.mulf %gather3A_1423, %unpack3A_1479 : vector<16xf32>
        %add3A_1483 = arith.addf %add3A_1381, %mul3A_1482 : vector<16xf32>
        %add3A_1484 = arith.constant 12 : i32
        %add3A_1485 = arith.addi %mul3A_166, %add3A_1484 : i32
        %get3A_1486 = arith.index_cast %add3A_1485 : i32 to index
        %get3A_1487 = arith.constant 80 : index
        %get3A_1488 = tpu.vector_load %arg9[%get3A_1486, %get3A_1487] {strides = array<i32>} : memref<112x128xi32, #tpu.memory_space<vmem>>, vector<16xi32>,
        %bitcast3A_1489 = vector.bitcast %get3A_1488 : vector<16xi32> to vector<32xbf16>
        %unpack3A_1490 = tpu.unpack_subelements %bitcast3A_1489, 0 {pack_format = #tpu.pack_format<interleaved>} : vector<32xbf16> -> vector<16xf32>
        %unpack3A_1491 = tpu.unpack_subelements %bitcast3A_1489, 1 {pack_format = #tpu.pack_format<interleaved>} : vector<32xbf16> -> vector<16xf32>
        %mul3A_1492 = arith.mulf %gather3A_1423, %unpack3A_1490 : vector<16xf32>
        %add3A_1493 = arith.addf %add3A_1391, %mul3A_1492 : vector<16xf32>
        %mul3A_1494 = arith.mulf %gather3A_1423, %unpack3A_1491 : vector<16xf32>
        %add3A_1495 = arith.addf %add3A_1393, %mul3A_1494 : vector<16xf32>
        %add3A_1496 = arith.constant 12 : i32
        %add3A_1497 = arith.addi %mul3A_166, %add3A_1496 : i32
        %get3A_1498 = arith.index_cast %add3A_1497 : i32 to index
        %get3A_1499 = arith.constant 96 : index
        %get3A_1500 = tpu.vector_load %arg9[%get3A_1498, %get3A_1499] {strides = array<i32>} : memref<112x128xi32, #tpu.memory_space<vmem>>, vector<16xi32>,
        %bitcast3A_1501 = vector.bitcast %get3A_1500 : vector<16xi32> to vector<32xbf16>
        %unpack3A_1502 = tpu.unpack_subelements %bitcast3A_1501, 0 {pack_format = #tpu.pack_format<interleaved>} : vector<32xbf16> -> vector<16xf32>
        %unpack3A_1503 = tpu.unpack_subelements %bitcast3A_1501, 1 {pack_format = #tpu.pack_format<interleaved>} : vector<32xbf16> -> vector<16xf32>
        %mul3A_1504 = arith.mulf %gather3A_1423, %unpack3A_1502 : vector<16xf32>
        %add3A_1505 = arith.addf %add3A_1403, %mul3A_1504 : vector<16xf32>
        %mul3A_1506 = arith.mulf %gather3A_1423, %unpack3A_1503 : vector<16xf32>
        %add3A_1507 = arith.addf %add3A_1405, %mul3A_1506 : vector<16xf32>
        %add3A_1508 = arith.constant 12 : i32
        %add3A_1509 = arith.addi %mul3A_166, %add3A_1508 : i32
        %get3A_1510 = arith.index_cast %add3A_1509 : i32 to index
        %get3A_1511 = arith.constant 112 : index
        %get3A_1512 = tpu.vector_load %arg9[%get3A_1510, %get3A_1511] {strides = array<i32>} : memref<112x128xi32, #tpu.memory_space<vmem>>, vector<16xi32>,
        %bitcast3A_1513 = vector.bitcast %get3A_1512 : vector<16xi32> to vector<32xbf16>
        %unpack3A_1514 = tpu.unpack_subelements %bitcast3A_1513, 0 {pack_format = #tpu.pack_format<interleaved>} : vector<32xbf16> -> vector<16xf32>
        %unpack3A_1515 = tpu.unpack_subelements %bitcast3A_1513, 1 {pack_format = #tpu.pack_format<interleaved>} : vector<32xbf16> -> vector<16xf32>
        %mul3A_1516 = arith.mulf %gather3A_1423, %unpack3A_1514 : vector<16xf32>
        %add3A_1517 = arith.addf %add3A_1415, %mul3A_1516 : vector<16xf32>
        %mul3A_1518 = arith.mulf %gather3A_1423, %unpack3A_1515 : vector<16xf32>
        %add3A_1519 = arith.addf %add3A_1417, %mul3A_1518 : vector<16xf32>
        %broadcast_in_dim3A_1520 = vector.broadcast %select_n3A_132 : i32 to vector<16xi32>
        %add3A_1521 = arith.addi %mul3A_150, %mul3A_166 : i32
        %add3A_1522 = arith.constant 13 : i32
        %add3A_1523 = arith.addi %add3A_1521, %add3A_1522 : i32
        %broadcast_in_dim3A_1524 = vector.broadcast %add3A_1523 : i32 to vector<16xi32>
        %gather3A_1525 = tpu.vector_load_idx %arg7[%broadcast_in_dim3A_1520, %broadcast_in_dim3A_1524] : memref<32x784xf32, #tpu.memory_space<vmem>>[vector<16xi32>, vector<16xi32>], vector<16xf32>,
        %add3A_1526 = arith.constant 13 : i32
        %add3A_1527 = arith.addi %mul3A_166, %add3A_1526 : i32
        %get3A_1528 = arith.index_cast %add3A_1527 : i32 to index
        %get3A_1529 = arith.constant 0 : index
        %get3A_1530 = tpu.vector_load %arg9[%get3A_1528, %get3A_1529] {strides = array<i32>} : memref<112x128xi32, #tpu.memory_space<vmem>>, vector<16xi32>,
        %bitcast3A_1531 = vector.bitcast %get3A_1530 : vector<16xi32> to vector<32xbf16>
        %unpack3A_1532 = tpu.unpack_subelements %bitcast3A_1531, 0 {pack_format = #tpu.pack_format<interleaved>} : vector<32xbf16> -> vector<16xf32>
        %unpack3A_1533 = tpu.unpack_subelements %bitcast3A_1531, 1 {pack_format = #tpu.pack_format<interleaved>} : vector<32xbf16> -> vector<16xf32>
        %mul3A_1534 = arith.mulf %gather3A_1525, %unpack3A_1532 : vector<16xf32>
        %add3A_1535 = arith.addf %add3A_1433, %mul3A_1534 : vector<16xf32>
        %mul3A_1536 = arith.mulf %gather3A_1525, %unpack3A_1533 : vector<16xf32>
        %add3A_1537 = arith.addf %add3A_1435, %mul3A_1536 : vector<16xf32>
        %add3A_1538 = arith.constant 13 : i32
        %add3A_1539 = arith.addi %mul3A_166, %add3A_1538 : i32
        %get3A_1540 = arith.index_cast %add3A_1539 : i32 to index
        %get3A_1541 = arith.constant 16 : index
        %get3A_1542 = tpu.vector_load %arg9[%get3A_1540, %get3A_1541] {strides = array<i32>} : memref<112x128xi32, #tpu.memory_space<vmem>>, vector<16xi32>,
        %bitcast3A_1543 = vector.bitcast %get3A_1542 : vector<16xi32> to vector<32xbf16>
        %unpack3A_1544 = tpu.unpack_subelements %bitcast3A_1543, 0 {pack_format = #tpu.pack_format<interleaved>} : vector<32xbf16> -> vector<16xf32>
        %unpack3A_1545 = tpu.unpack_subelements %bitcast3A_1543, 1 {pack_format = #tpu.pack_format<interleaved>} : vector<32xbf16> -> vector<16xf32>
        %mul3A_1546 = arith.mulf %gather3A_1525, %unpack3A_1544 : vector<16xf32>
        %add3A_1547 = arith.addf %add3A_1445, %mul3A_1546 : vector<16xf32>
        %mul3A_1548 = arith.mulf %gather3A_1525, %unpack3A_1545 : vector<16xf32>
        %add3A_1549 = arith.addf %add3A_1447, %mul3A_1548 : vector<16xf32>
        %add3A_1550 = arith.constant 13 : i32
        %add3A_1551 = arith.addi %mul3A_166, %add3A_1550 : i32
        %get3A_1552 = arith.index_cast %add3A_1551 : i32 to index
        %get3A_1553 = arith.constant 32 : index
        %get3A_1554 = tpu.vector_load %arg9[%get3A_1552, %get3A_1553] {strides = array<i32>} : memref<112x128xi32, #tpu.memory_space<vmem>>, vector<16xi32>,
        %bitcast3A_1555 = vector.bitcast %get3A_1554 : vector<16xi32> to vector<32xbf16>
        %unpack3A_1556 = tpu.unpack_subelements %bitcast3A_1555, 0 {pack_format = #tpu.pack_format<interleaved>} : vector<32xbf16> -> vector<16xf32>
        %unpack3A_1557 = tpu.unpack_subelements %bitcast3A_1555, 1 {pack_format = #tpu.pack_format<interleaved>} : vector<32xbf16> -> vector<16xf32>
        %mul3A_1558 = arith.mulf %gather3A_1525, %unpack3A_1556 : vector<16xf32>
        %add3A_1559 = arith.addf %add3A_1457, %mul3A_1558 : vector<16xf32>
        %mul3A_1560 = arith.mulf %gather3A_1525, %unpack3A_1557 : vector<16xf32>
        %add3A_1561 = arith.addf %add3A_1459, %mul3A_1560 : vector<16xf32>
        %add3A_1562 = arith.constant 13 : i32
        %add3A_1563 = arith.addi %mul3A_166, %add3A_1562 : i32
        %get3A_1564 = arith.index_cast %add3A_1563 : i32 to index
        %get3A_1565 = arith.constant 48 : index
        %get3A_1566 = tpu.vector_load %arg9[%get3A_1564, %get3A_1565] {strides = array<i32>} : memref<112x128xi32, #tpu.memory_space<vmem>>, vector<16xi32>,
        %bitcast3A_1567 = vector.bitcast %get3A_1566 : vector<16xi32> to vector<32xbf16>
        %unpack3A_1568 = tpu.unpack_subelements %bitcast3A_1567, 0 {pack_format = #tpu.pack_format<interleaved>} : vector<32xbf16> -> vector<16xf32>
        %unpack3A_1569 = tpu.unpack_subelements %bitcast3A_1567, 1 {pack_format = #tpu.pack_format<interleaved>} : vector<32xbf16> -> vector<16xf32>
        %mul3A_1570 = arith.mulf %gather3A_1525, %unpack3A_1568 : vector<16xf32>
        %add3A_1571 = arith.addf %add3A_1469, %mul3A_1570 : vector<16xf32>
        %mul3A_1572 = arith.mulf %gather3A_1525, %unpack3A_1569 : vector<16xf32>
        %add3A_1573 = arith.addf %add3A_1471, %mul3A_1572 : vector<16xf32>
        %add3A_1574 = arith.constant 13 : i32
        %add3A_1575 = arith.addi %mul3A_166, %add3A_1574 : i32
        %get3A_1576 = arith.index_cast %add3A_1575 : i32 to index
        %get3A_1577 = arith.constant 64 : index
        %get3A_1578 = tpu.vector_load %arg9[%get3A_1576, %get3A_1577] {strides = array<i32>} : memref<112x128xi32, #tpu.memory_space<vmem>>, vector<16xi32>,
        %bitcast3A_1579 = vector.bitcast %get3A_1578 : vector<16xi32> to vector<32xbf16>
        %unpack3A_1580 = tpu.unpack_subelements %bitcast3A_1579, 0 {pack_format = #tpu.pack_format<interleaved>} : vector<32xbf16> -> vector<16xf32>
        %unpack3A_1581 = tpu.unpack_subelements %bitcast3A_1579, 1 {pack_format = #tpu.pack_format<interleaved>} : vector<32xbf16> -> vector<16xf32>
        %mul3A_1582 = arith.mulf %gather3A_1525, %unpack3A_1580 : vector<16xf32>
        %add3A_1583 = arith.addf %add3A_1481, %mul3A_1582 : vector<16xf32>
        %mul3A_1584 = arith.mulf %gather3A_1525, %unpack3A_1581 : vector<16xf32>
        %add3A_1585 = arith.addf %add3A_1483, %mul3A_1584 : vector<16xf32>
        %add3A_1586 = arith.constant 13 : i32
        %add3A_1587 = arith.addi %mul3A_166, %add3A_1586 : i32
        %get3A_1588 = arith.index_cast %add3A_1587 : i32 to index
        %get3A_1589 = arith.constant 80 : index
        %get3A_1590 = tpu.vector_load %arg9[%get3A_1588, %get3A_1589] {strides = array<i32>} : memref<112x128xi32, #tpu.memory_space<vmem>>, vector<16xi32>,
        %bitcast3A_1591 = vector.bitcast %get3A_1590 : vector<16xi32> to vector<32xbf16>
        %unpack3A_1592 = tpu.unpack_subelements %bitcast3A_1591, 0 {pack_format = #tpu.pack_format<interleaved>} : vector<32xbf16> -> vector<16xf32>
        %unpack3A_1593 = tpu.unpack_subelements %bitcast3A_1591, 1 {pack_format = #tpu.pack_format<interleaved>} : vector<32xbf16> -> vector<16xf32>
        %mul3A_1594 = arith.mulf %gather3A_1525, %unpack3A_1592 : vector<16xf32>
        %add3A_1595 = arith.addf %add3A_1493, %mul3A_1594 : vector<16xf32>
        %mul3A_1596 = arith.mulf %gather3A_1525, %unpack3A_1593 : vector<16xf32>
        %add3A_1597 = arith.addf %add3A_1495, %mul3A_1596 : vector<16xf32>
        %add3A_1598 = arith.constant 13 : i32
        %add3A_1599 = arith.addi %mul3A_166, %add3A_1598 : i32
        %get3A_1600 = arith.index_cast %add3A_1599 : i32 to index
        %get3A_1601 = arith.constant 96 : index
        %get3A_1602 = tpu.vector_load %arg9[%get3A_1600, %get3A_1601] {strides = array<i32>} : memref<112x128xi32, #tpu.memory_space<vmem>>, vector<16xi32>,
        %bitcast3A_1603 = vector.bitcast %get3A_1602 : vector<16xi32> to vector<32xbf16>
        %unpack3A_1604 = tpu.unpack_subelements %bitcast3A_1603, 0 {pack_format = #tpu.pack_format<interleaved>} : vector<32xbf16> -> vector<16xf32>
        %unpack3A_1605 = tpu.unpack_subelements %bitcast3A_1603, 1 {pack_format = #tpu.pack_format<interleaved>} : vector<32xbf16> -> vector<16xf32>
        %mul3A_1606 = arith.mulf %gather3A_1525, %unpack3A_1604 : vector<16xf32>
        %add3A_1607 = arith.addf %add3A_1505, %mul3A_1606 : vector<16xf32>
        %mul3A_1608 = arith.mulf %gather3A_1525, %unpack3A_1605 : vector<16xf32>
        %add3A_1609 = arith.addf %add3A_1507, %mul3A_1608 : vector<16xf32>
        %add3A_1610 = arith.constant 13 : i32
        %add3A_1611 = arith.addi %mul3A_166, %add3A_1610 : i32
        %get3A_1612 = arith.index_cast %add3A_1611 : i32 to index
        %get3A_1613 = arith.constant 112 : index
        %get3A_1614 = tpu.vector_load %arg9[%get3A_1612, %get3A_1613] {strides = array<i32>} : memref<112x128xi32, #tpu.memory_space<vmem>>, vector<16xi32>,
        %bitcast3A_1615 = vector.bitcast %get3A_1614 : vector<16xi32> to vector<32xbf16>
        %unpack3A_1616 = tpu.unpack_subelements %bitcast3A_1615, 0 {pack_format = #tpu.pack_format<interleaved>} : vector<32xbf16> -> vector<16xf32>
        %unpack3A_1617 = tpu.unpack_subelements %bitcast3A_1615, 1 {pack_format = #tpu.pack_format<interleaved>} : vector<32xbf16> -> vector<16xf32>
        %mul3A_1618 = arith.mulf %gather3A_1525, %unpack3A_1616 : vector<16xf32>
        %add3A_1619 = arith.addf %add3A_1517, %mul3A_1618 : vector<16xf32>
        %mul3A_1620 = arith.mulf %gather3A_1525, %unpack3A_1617 : vector<16xf32>
        %add3A_1621 = arith.addf %add3A_1519, %mul3A_1620 : vector<16xf32>
        %broadcast_in_dim3A_1622 = vector.broadcast %select_n3A_132 : i32 to vector<16xi32>
        %add3A_1623 = arith.addi %mul3A_150, %mul3A_166 : i32
        %add3A_1624 = arith.constant 14 : i32
        %add3A_1625 = arith.addi %add3A_1623, %add3A_1624 : i32
        %broadcast_in_dim3A_1626 = vector.broadcast %add3A_1625 : i32 to vector<16xi32>
        %gather3A_1627 = tpu.vector_load_idx %arg7[%broadcast_in_dim3A_1622, %broadcast_in_dim3A_1626] : memref<32x784xf32, #tpu.memory_space<vmem>>[vector<16xi32>, vector<16xi32>], vector<16xf32>,
        %add3A_1628 = arith.constant 14 : i32
        %add3A_1629 = arith.addi %mul3A_166, %add3A_1628 : i32
        %get3A_1630 = arith.index_cast %add3A_1629 : i32 to index
        %get3A_1631 = arith.constant 0 : index
        %get3A_1632 = tpu.vector_load %arg9[%get3A_1630, %get3A_1631] {strides = array<i32>} : memref<112x128xi32, #tpu.memory_space<vmem>>, vector<16xi32>,
        %bitcast3A_1633 = vector.bitcast %get3A_1632 : vector<16xi32> to vector<32xbf16>
        %unpack3A_1634 = tpu.unpack_subelements %bitcast3A_1633, 0 {pack_format = #tpu.pack_format<interleaved>} : vector<32xbf16> -> vector<16xf32>
        %unpack3A_1635 = tpu.unpack_subelements %bitcast3A_1633, 1 {pack_format = #tpu.pack_format<interleaved>} : vector<32xbf16> -> vector<16xf32>
        %mul3A_1636 = arith.mulf %gather3A_1627, %unpack3A_1634 : vector<16xf32>
        %add3A_1637 = arith.addf %add3A_1535, %mul3A_1636 : vector<16xf32>
        %mul3A_1638 = arith.mulf %gather3A_1627, %unpack3A_1635 : vector<16xf32>
        %add3A_1639 = arith.addf %add3A_1537, %mul3A_1638 : vector<16xf32>
        %add3A_1640 = arith.constant 14 : i32
        %add3A_1641 = arith.addi %mul3A_166, %add3A_1640 : i32
        %get3A_1642 = arith.index_cast %add3A_1641 : i32 to index
        %get3A_1643 = arith.constant 16 : index
        %get3A_1644 = tpu.vector_load %arg9[%get3A_1642, %get3A_1643] {strides = array<i32>} : memref<112x128xi32, #tpu.memory_space<vmem>>, vector<16xi32>,
        %bitcast3A_1645 = vector.bitcast %get3A_1644 : vector<16xi32> to vector<32xbf16>
        %unpack3A_1646 = tpu.unpack_subelements %bitcast3A_1645, 0 {pack_format = #tpu.pack_format<interleaved>} : vector<32xbf16> -> vector<16xf32>
        %unpack3A_1647 = tpu.unpack_subelements %bitcast3A_1645, 1 {pack_format = #tpu.pack_format<interleaved>} : vector<32xbf16> -> vector<16xf32>
        %mul3A_1648 = arith.mulf %gather3A_1627, %unpack3A_1646 : vector<16xf32>
        %add3A_1649 = arith.addf %add3A_1547, %mul3A_1648 : vector<16xf32>
        %mul3A_1650 = arith.mulf %gather3A_1627, %unpack3A_1647 : vector<16xf32>
        %add3A_1651 = arith.addf %add3A_1549, %mul3A_1650 : vector<16xf32>
        %add3A_1652 = arith.constant 14 : i32
        %add3A_1653 = arith.addi %mul3A_166, %add3A_1652 : i32
        %get3A_1654 = arith.index_cast %add3A_1653 : i32 to index
        %get3A_1655 = arith.constant 32 : index
        %get3A_1656 = tpu.vector_load %arg9[%get3A_1654, %get3A_1655] {strides = array<i32>} : memref<112x128xi32, #tpu.memory_space<vmem>>, vector<16xi32>,
        %bitcast3A_1657 = vector.bitcast %get3A_1656 : vector<16xi32> to vector<32xbf16>
        %unpack3A_1658 = tpu.unpack_subelements %bitcast3A_1657, 0 {pack_format = #tpu.pack_format<interleaved>} : vector<32xbf16> -> vector<16xf32>
        %unpack3A_1659 = tpu.unpack_subelements %bitcast3A_1657, 1 {pack_format = #tpu.pack_format<interleaved>} : vector<32xbf16> -> vector<16xf32>
        %mul3A_1660 = arith.mulf %gather3A_1627, %unpack3A_1658 : vector<16xf32>
        %add3A_1661 = arith.addf %add3A_1559, %mul3A_1660 : vector<16xf32>
        %mul3A_1662 = arith.mulf %gather3A_1627, %unpack3A_1659 : vector<16xf32>
        %add3A_1663 = arith.addf %add3A_1561, %mul3A_1662 : vector<16xf32>
        %add3A_1664 = arith.constant 14 : i32
        %add3A_1665 = arith.addi %mul3A_166, %add3A_1664 : i32
        %get3A_1666 = arith.index_cast %add3A_1665 : i32 to index
        %get3A_1667 = arith.constant 48 : index
        %get3A_1668 = tpu.vector_load %arg9[%get3A_1666, %get3A_1667] {strides = array<i32>} : memref<112x128xi32, #tpu.memory_space<vmem>>, vector<16xi32>,
        %bitcast3A_1669 = vector.bitcast %get3A_1668 : vector<16xi32> to vector<32xbf16>
        %unpack3A_1670 = tpu.unpack_subelements %bitcast3A_1669, 0 {pack_format = #tpu.pack_format<interleaved>} : vector<32xbf16> -> vector<16xf32>
        %unpack3A_1671 = tpu.unpack_subelements %bitcast3A_1669, 1 {pack_format = #tpu.pack_format<interleaved>} : vector<32xbf16> -> vector<16xf32>
        %mul3A_1672 = arith.mulf %gather3A_1627, %unpack3A_1670 : vector<16xf32>
        %add3A_1673 = arith.addf %add3A_1571, %mul3A_1672 : vector<16xf32>
        %mul3A_1674 = arith.mulf %gather3A_1627, %unpack3A_1671 : vector<16xf32>
        %add3A_1675 = arith.addf %add3A_1573, %mul3A_1674 : vector<16xf32>
        %add3A_1676 = arith.constant 14 : i32
        %add3A_1677 = arith.addi %mul3A_166, %add3A_1676 : i32
        %get3A_1678 = arith.index_cast %add3A_1677 : i32 to index
        %get3A_1679 = arith.constant 64 : index
        %get3A_1680 = tpu.vector_load %arg9[%get3A_1678, %get3A_1679] {strides = array<i32>} : memref<112x128xi32, #tpu.memory_space<vmem>>, vector<16xi32>,
        %bitcast3A_1681 = vector.bitcast %get3A_1680 : vector<16xi32> to vector<32xbf16>
        %unpack3A_1682 = tpu.unpack_subelements %bitcast3A_1681, 0 {pack_format = #tpu.pack_format<interleaved>} : vector<32xbf16> -> vector<16xf32>
        %unpack3A_1683 = tpu.unpack_subelements %bitcast3A_1681, 1 {pack_format = #tpu.pack_format<interleaved>} : vector<32xbf16> -> vector<16xf32>
        %mul3A_1684 = arith.mulf %gather3A_1627, %unpack3A_1682 : vector<16xf32>
        %add3A_1685 = arith.addf %add3A_1583, %mul3A_1684 : vector<16xf32>
        %mul3A_1686 = arith.mulf %gather3A_1627, %unpack3A_1683 : vector<16xf32>
        %add3A_1687 = arith.addf %add3A_1585, %mul3A_1686 : vector<16xf32>
        %add3A_1688 = arith.constant 14 : i32
        %add3A_1689 = arith.addi %mul3A_166, %add3A_1688 : i32
        %get3A_1690 = arith.index_cast %add3A_1689 : i32 to index
        %get3A_1691 = arith.constant 80 : index
        %get3A_1692 = tpu.vector_load %arg9[%get3A_1690, %get3A_1691] {strides = array<i32>} : memref<112x128xi32, #tpu.memory_space<vmem>>, vector<16xi32>,
        %bitcast3A_1693 = vector.bitcast %get3A_1692 : vector<16xi32> to vector<32xbf16>
        %unpack3A_1694 = tpu.unpack_subelements %bitcast3A_1693, 0 {pack_format = #tpu.pack_format<interleaved>} : vector<32xbf16> -> vector<16xf32>
        %unpack3A_1695 = tpu.unpack_subelements %bitcast3A_1693, 1 {pack_format = #tpu.pack_format<interleaved>} : vector<32xbf16> -> vector<16xf32>
        %mul3A_1696 = arith.mulf %gather3A_1627, %unpack3A_1694 : vector<16xf32>
        %add3A_1697 = arith.addf %add3A_1595, %mul3A_1696 : vector<16xf32>
        %mul3A_1698 = arith.mulf %gather3A_1627, %unpack3A_1695 : vector<16xf32>
        %add3A_1699 = arith.addf %add3A_1597, %mul3A_1698 : vector<16xf32>
        %add3A_1700 = arith.constant 14 : i32
        %add3A_1701 = arith.addi %mul3A_166, %add3A_1700 : i32
        %get3A_1702 = arith.index_cast %add3A_1701 : i32 to index
        %get3A_1703 = arith.constant 96 : index
        %get3A_1704 = tpu.vector_load %arg9[%get3A_1702, %get3A_1703] {strides = array<i32>} : memref<112x128xi32, #tpu.memory_space<vmem>>, vector<16xi32>,
        %bitcast3A_1705 = vector.bitcast %get3A_1704 : vector<16xi32> to vector<32xbf16>
        %unpack3A_1706 = tpu.unpack_subelements %bitcast3A_1705, 0 {pack_format = #tpu.pack_format<interleaved>} : vector<32xbf16> -> vector<16xf32>
        %unpack3A_1707 = tpu.unpack_subelements %bitcast3A_1705, 1 {pack_format = #tpu.pack_format<interleaved>} : vector<32xbf16> -> vector<16xf32>
        %mul3A_1708 = arith.mulf %gather3A_1627, %unpack3A_1706 : vector<16xf32>
        %add3A_1709 = arith.addf %add3A_1607, %mul3A_1708 : vector<16xf32>
        %mul3A_1710 = arith.mulf %gather3A_1627, %unpack3A_1707 : vector<16xf32>
        %add3A_1711 = arith.addf %add3A_1609, %mul3A_1710 : vector<16xf32>
        %add3A_1712 = arith.constant 14 : i32
        %add3A_1713 = arith.addi %mul3A_166, %add3A_1712 : i32
        %get3A_1714 = arith.index_cast %add3A_1713 : i32 to index
        %get3A_1715 = arith.constant 112 : index
        %get3A_1716 = tpu.vector_load %arg9[%get3A_1714, %get3A_1715] {strides = array<i32>} : memref<112x128xi32, #tpu.memory_space<vmem>>, vector<16xi32>,
        %bitcast3A_1717 = vector.bitcast %get3A_1716 : vector<16xi32> to vector<32xbf16>
        %unpack3A_1718 = tpu.unpack_subelements %bitcast3A_1717, 0 {pack_format = #tpu.pack_format<interleaved>} : vector<32xbf16> -> vector<16xf32>
        %unpack3A_1719 = tpu.unpack_subelements %bitcast3A_1717, 1 {pack_format = #tpu.pack_format<interleaved>} : vector<32xbf16> -> vector<16xf32>
        %mul3A_1720 = arith.mulf %gather3A_1627, %unpack3A_1718 : vector<16xf32>
        %add3A_1721 = arith.addf %add3A_1619, %mul3A_1720 : vector<16xf32>
        %mul3A_1722 = arith.mulf %gather3A_1627, %unpack3A_1719 : vector<16xf32>
        %add3A_1723 = arith.addf %add3A_1621, %mul3A_1722 : vector<16xf32>
        %broadcast_in_dim3A_1724 = vector.broadcast %select_n3A_132 : i32 to vector<16xi32>
        %add3A_1725 = arith.addi %mul3A_150, %mul3A_166 : i32
        %add3A_1726 = arith.constant 15 : i32
        %add3A_1727 = arith.addi %add3A_1725, %add3A_1726 : i32
        %broadcast_in_dim3A_1728 = vector.broadcast %add3A_1727 : i32 to vector<16xi32>
        %gather3A_1729 = tpu.vector_load_idx %arg7[%broadcast_in_dim3A_1724, %broadcast_in_dim3A_1728] : memref<32x784xf32, #tpu.memory_space<vmem>>[vector<16xi32>, vector<16xi32>], vector<16xf32>,
        %add3A_1730 = arith.constant 15 : i32
        %add3A_1731 = arith.addi %mul3A_166, %add3A_1730 : i32
        %get3A_1732 = arith.index_cast %add3A_1731 : i32 to index
        %get3A_1733 = arith.constant 0 : index
        %get3A_1734 = tpu.vector_load %arg9[%get3A_1732, %get3A_1733] {strides = array<i32>} : memref<112x128xi32, #tpu.memory_space<vmem>>, vector<16xi32>,
        %bitcast3A_1735 = vector.bitcast %get3A_1734 : vector<16xi32> to vector<32xbf16>
        %unpack3A_1736 = tpu.unpack_subelements %bitcast3A_1735, 0 {pack_format = #tpu.pack_format<interleaved>} : vector<32xbf16> -> vector<16xf32>
        %unpack3A_1737 = tpu.unpack_subelements %bitcast3A_1735, 1 {pack_format = #tpu.pack_format<interleaved>} : vector<32xbf16> -> vector<16xf32>
        %mul3A_1738 = arith.mulf %gather3A_1729, %unpack3A_1736 : vector<16xf32>
        %add3A_1739 = arith.addf %add3A_1637, %mul3A_1738 : vector<16xf32>
        %mul3A_1740 = arith.mulf %gather3A_1729, %unpack3A_1737 : vector<16xf32>
        %add3A_1741 = arith.addf %add3A_1639, %mul3A_1740 : vector<16xf32>
        %add3A_1742 = arith.constant 15 : i32
        %add3A_1743 = arith.addi %mul3A_166, %add3A_1742 : i32
        %get3A_1744 = arith.index_cast %add3A_1743 : i32 to index
        %get3A_1745 = arith.constant 16 : index
        %get3A_1746 = tpu.vector_load %arg9[%get3A_1744, %get3A_1745] {strides = array<i32>} : memref<112x128xi32, #tpu.memory_space<vmem>>, vector<16xi32>,
        %bitcast3A_1747 = vector.bitcast %get3A_1746 : vector<16xi32> to vector<32xbf16>
        %unpack3A_1748 = tpu.unpack_subelements %bitcast3A_1747, 0 {pack_format = #tpu.pack_format<interleaved>} : vector<32xbf16> -> vector<16xf32>
        %unpack3A_1749 = tpu.unpack_subelements %bitcast3A_1747, 1 {pack_format = #tpu.pack_format<interleaved>} : vector<32xbf16> -> vector<16xf32>
        %mul3A_1750 = arith.mulf %gather3A_1729, %unpack3A_1748 : vector<16xf32>
        %add3A_1751 = arith.addf %add3A_1649, %mul3A_1750 : vector<16xf32>
        %mul3A_1752 = arith.mulf %gather3A_1729, %unpack3A_1749 : vector<16xf32>
        %add3A_1753 = arith.addf %add3A_1651, %mul3A_1752 : vector<16xf32>
        %add3A_1754 = arith.constant 15 : i32
        %add3A_1755 = arith.addi %mul3A_166, %add3A_1754 : i32
        %get3A_1756 = arith.index_cast %add3A_1755 : i32 to index
        %get3A_1757 = arith.constant 32 : index
        %get3A_1758 = tpu.vector_load %arg9[%get3A_1756, %get3A_1757] {strides = array<i32>} : memref<112x128xi32, #tpu.memory_space<vmem>>, vector<16xi32>,
        %bitcast3A_1759 = vector.bitcast %get3A_1758 : vector<16xi32> to vector<32xbf16>
        %unpack3A_1760 = tpu.unpack_subelements %bitcast3A_1759, 0 {pack_format = #tpu.pack_format<interleaved>} : vector<32xbf16> -> vector<16xf32>
        %unpack3A_1761 = tpu.unpack_subelements %bitcast3A_1759, 1 {pack_format = #tpu.pack_format<interleaved>} : vector<32xbf16> -> vector<16xf32>
        %mul3A_1762 = arith.mulf %gather3A_1729, %unpack3A_1760 : vector<16xf32>
        %add3A_1763 = arith.addf %add3A_1661, %mul3A_1762 : vector<16xf32>
        %mul3A_1764 = arith.mulf %gather3A_1729, %unpack3A_1761 : vector<16xf32>
        %add3A_1765 = arith.addf %add3A_1663, %mul3A_1764 : vector<16xf32>
        %add3A_1766 = arith.constant 15 : i32
        %add3A_1767 = arith.addi %mul3A_166, %add3A_1766 : i32
        %get3A_1768 = arith.index_cast %add3A_1767 : i32 to index
        %get3A_1769 = arith.constant 48 : index
        %get3A_1770 = tpu.vector_load %arg9[%get3A_1768, %get3A_1769] {strides = array<i32>} : memref<112x128xi32, #tpu.memory_space<vmem>>, vector<16xi32>,
        %bitcast3A_1771 = vector.bitcast %get3A_1770 : vector<16xi32> to vector<32xbf16>
        %unpack3A_1772 = tpu.unpack_subelements %bitcast3A_1771, 0 {pack_format = #tpu.pack_format<interleaved>} : vector<32xbf16> -> vector<16xf32>
        %unpack3A_1773 = tpu.unpack_subelements %bitcast3A_1771, 1 {pack_format = #tpu.pack_format<interleaved>} : vector<32xbf16> -> vector<16xf32>
        %mul3A_1774 = arith.mulf %gather3A_1729, %unpack3A_1772 : vector<16xf32>
        %add3A_1775 = arith.addf %add3A_1673, %mul3A_1774 : vector<16xf32>
        %mul3A_1776 = arith.mulf %gather3A_1729, %unpack3A_1773 : vector<16xf32>
        %add3A_1777 = arith.addf %add3A_1675, %mul3A_1776 : vector<16xf32>
        %add3A_1778 = arith.constant 15 : i32
        %add3A_1779 = arith.addi %mul3A_166, %add3A_1778 : i32
        %get3A_1780 = arith.index_cast %add3A_1779 : i32 to index
        %get3A_1781 = arith.constant 64 : index
        %get3A_1782 = tpu.vector_load %arg9[%get3A_1780, %get3A_1781] {strides = array<i32>} : memref<112x128xi32, #tpu.memory_space<vmem>>, vector<16xi32>,
        %bitcast3A_1783 = vector.bitcast %get3A_1782 : vector<16xi32> to vector<32xbf16>
        %unpack3A_1784 = tpu.unpack_subelements %bitcast3A_1783, 0 {pack_format = #tpu.pack_format<interleaved>} : vector<32xbf16> -> vector<16xf32>
        %unpack3A_1785 = tpu.unpack_subelements %bitcast3A_1783, 1 {pack_format = #tpu.pack_format<interleaved>} : vector<32xbf16> -> vector<16xf32>
        %mul3A_1786 = arith.mulf %gather3A_1729, %unpack3A_1784 : vector<16xf32>
        %add3A_1787 = arith.addf %add3A_1685, %mul3A_1786 : vector<16xf32>
        %mul3A_1788 = arith.mulf %gather3A_1729, %unpack3A_1785 : vector<16xf32>
        %add3A_1789 = arith.addf %add3A_1687, %mul3A_1788 : vector<16xf32>
        %add3A_1790 = arith.constant 15 : i32
        %add3A_1791 = arith.addi %mul3A_166, %add3A_1790 : i32
        %get3A_1792 = arith.index_cast %add3A_1791 : i32 to index
        %get3A_1793 = arith.constant 80 : index
        %get3A_1794 = tpu.vector_load %arg9[%get3A_1792, %get3A_1793] {strides = array<i32>} : memref<112x128xi32, #tpu.memory_space<vmem>>, vector<16xi32>,
        %bitcast3A_1795 = vector.bitcast %get3A_1794 : vector<16xi32> to vector<32xbf16>
        %unpack3A_1796 = tpu.unpack_subelements %bitcast3A_1795, 0 {pack_format = #tpu.pack_format<interleaved>} : vector<32xbf16> -> vector<16xf32>
        %unpack3A_1797 = tpu.unpack_subelements %bitcast3A_1795, 1 {pack_format = #tpu.pack_format<interleaved>} : vector<32xbf16> -> vector<16xf32>
        %mul3A_1798 = arith.mulf %gather3A_1729, %unpack3A_1796 : vector<16xf32>
        %add3A_1799 = arith.addf %add3A_1697, %mul3A_1798 : vector<16xf32>
        %mul3A_1800 = arith.mulf %gather3A_1729, %unpack3A_1797 : vector<16xf32>
        %add3A_1801 = arith.addf %add3A_1699, %mul3A_1800 : vector<16xf32>
        %add3A_1802 = arith.constant 15 : i32
        %add3A_1803 = arith.addi %mul3A_166, %add3A_1802 : i32
        %get3A_1804 = arith.index_cast %add3A_1803 : i32 to index
        %get3A_1805 = arith.constant 96 : index
        %get3A_1806 = tpu.vector_load %arg9[%get3A_1804, %get3A_1805] {strides = array<i32>} : memref<112x128xi32, #tpu.memory_space<vmem>>, vector<16xi32>,
        %bitcast3A_1807 = vector.bitcast %get3A_1806 : vector<16xi32> to vector<32xbf16>
        %unpack3A_1808 = tpu.unpack_subelements %bitcast3A_1807, 0 {pack_format = #tpu.pack_format<interleaved>} : vector<32xbf16> -> vector<16xf32>
        %unpack3A_1809 = tpu.unpack_subelements %bitcast3A_1807, 1 {pack_format = #tpu.pack_format<interleaved>} : vector<32xbf16> -> vector<16xf32>
        %mul3A_1810 = arith.mulf %gather3A_1729, %unpack3A_1808 : vector<16xf32>
        %add3A_1811 = arith.addf %add3A_1709, %mul3A_1810 : vector<16xf32>
        %mul3A_1812 = arith.mulf %gather3A_1729, %unpack3A_1809 : vector<16xf32>
        %add3A_1813 = arith.addf %add3A_1711, %mul3A_1812 : vector<16xf32>
        %add3A_1814 = arith.constant 15 : i32
        %add3A_1815 = arith.addi %mul3A_166, %add3A_1814 : i32
        %get3A_1816 = arith.index_cast %add3A_1815 : i32 to index
        %get3A_1817 = arith.constant 112 : index
        %get3A_1818 = tpu.vector_load %arg9[%get3A_1816, %get3A_1817] {strides = array<i32>} : memref<112x128xi32, #tpu.memory_space<vmem>>, vector<16xi32>,
        %bitcast3A_1819 = vector.bitcast %get3A_1818 : vector<16xi32> to vector<32xbf16>
        %unpack3A_1820 = tpu.unpack_subelements %bitcast3A_1819, 0 {pack_format = #tpu.pack_format<interleaved>} : vector<32xbf16> -> vector<16xf32>
        %unpack3A_1821 = tpu.unpack_subelements %bitcast3A_1819, 1 {pack_format = #tpu.pack_format<interleaved>} : vector<32xbf16> -> vector<16xf32>
        %mul3A_1822 = arith.mulf %gather3A_1729, %unpack3A_1820 : vector<16xf32>
        %add3A_1823 = arith.addf %add3A_1721, %mul3A_1822 : vector<16xf32>
        %mul3A_1824 = arith.mulf %gather3A_1729, %unpack3A_1821 : vector<16xf32>
        %add3A_1825 = arith.addf %add3A_1723, %mul3A_1824 : vector<16xf32>
        %mul3A_1826 = arith.constant 256 : i32
        %mul3A_1827 = arith.muli %scan3A_164, %mul3A_1826 : i32
        %add3A_1828 = arith.constant 0 : i32
        %add3A_1829 = arith.addi %mul3A_1827, %add3A_1828 : i32
        %swap3A = arith.index_cast %add3A_1829 : i32 to index
        %swap3A_1830 = tpu.vector_load %arg11[%swap3A] {strides = array<i32>} : memref<1792xf32, #tpu.memory_space<vmem>>, vector<16xf32>,
        tpu.vector_store %arg11[%swap3A], %add3A_1739 {strides = array<i32>} : memref<1792xf32, #tpu.memory_space<vmem>>, vector<16xf32>,
        %add3A_1831 = arith.constant 128 : i32
        %add3A_1832 = arith.addi %mul3A_1827, %add3A_1831 : i32
        %add3A_1833 = arith.constant 0 : i32
        %add3A_1834 = arith.addi %add3A_1832, %add3A_1833 : i32
        %swap3A_1835 = arith.index_cast %add3A_1834 : i32 to index
        %swap3A_1836 = tpu.vector_load %arg11[%swap3A_1835] {strides = array<i32>} : memref<1792xf32, #tpu.memory_space<vmem>>, vector<16xf32>,
        tpu.vector_store %arg11[%swap3A_1835], %add3A_1741 {strides = array<i32>} : memref<1792xf32, #tpu.memory_space<vmem>>, vector<16xf32>,
        %add3A_1837 = arith.constant 16 : i32
        %add3A_1838 = arith.addi %mul3A_1827, %add3A_1837 : i32
        %swap3A_1839 = arith.index_cast %add3A_1838 : i32 to index
        %swap3A_1840 = tpu.vector_load %arg11[%swap3A_1839] {strides = array<i32>} : memref<1792xf32, #tpu.memory_space<vmem>>, vector<16xf32>,
        tpu.vector_store %arg11[%swap3A_1839], %add3A_1751 {strides = array<i32>} : memref<1792xf32, #tpu.memory_space<vmem>>, vector<16xf32>,
        %add3A_1841 = arith.constant 128 : i32
        %add3A_1842 = arith.addi %mul3A_1827, %add3A_1841 : i32
        %add3A_1843 = arith.constant 16 : i32
        %add3A_1844 = arith.addi %add3A_1842, %add3A_1843 : i32
        %swap3A_1845 = arith.index_cast %add3A_1844 : i32 to index
        %swap3A_1846 = tpu.vector_load %arg11[%swap3A_1845] {strides = array<i32>} : memref<1792xf32, #tpu.memory_space<vmem>>, vector<16xf32>,
        tpu.vector_store %arg11[%swap3A_1845], %add3A_1753 {strides = array<i32>} : memref<1792xf32, #tpu.memory_space<vmem>>, vector<16xf32>,
        %add3A_1847 = arith.constant 32 : i32
        %add3A_1848 = arith.addi %mul3A_1827, %add3A_1847 : i32
        %swap3A_1849 = arith.index_cast %add3A_1848 : i32 to index
        %swap3A_1850 = tpu.vector_load %arg11[%swap3A_1849] {strides = array<i32>} : memref<1792xf32, #tpu.memory_space<vmem>>, vector<16xf32>,
        tpu.vector_store %arg11[%swap3A_1849], %add3A_1763 {strides = array<i32>} : memref<1792xf32, #tpu.memory_space<vmem>>, vector<16xf32>,
        %add3A_1851 = arith.constant 128 : i32
        %add3A_1852 = arith.addi %mul3A_1827, %add3A_1851 : i32
        %add3A_1853 = arith.constant 32 : i32
        %add3A_1854 = arith.addi %add3A_1852, %add3A_1853 : i32
        %swap3A_1855 = arith.index_cast %add3A_1854 : i32 to index
        %swap3A_1856 = tpu.vector_load %arg11[%swap3A_1855] {strides = array<i32>} : memref<1792xf32, #tpu.memory_space<vmem>>, vector<16xf32>,
        tpu.vector_store %arg11[%swap3A_1855], %add3A_1765 {strides = array<i32>} : memref<1792xf32, #tpu.memory_space<vmem>>, vector<16xf32>,
        %add3A_1857 = arith.constant 48 : i32
        %add3A_1858 = arith.addi %mul3A_1827, %add3A_1857 : i32
        %swap3A_1859 = arith.index_cast %add3A_1858 : i32 to index
        %swap3A_1860 = tpu.vector_load %arg11[%swap3A_1859] {strides = array<i32>} : memref<1792xf32, #tpu.memory_space<vmem>>, vector<16xf32>,
        tpu.vector_store %arg11[%swap3A_1859], %add3A_1775 {strides = array<i32>} : memref<1792xf32, #tpu.memory_space<vmem>>, vector<16xf32>,
        %add3A_1861 = arith.constant 128 : i32
        %add3A_1862 = arith.addi %mul3A_1827, %add3A_1861 : i32
        %add3A_1863 = arith.constant 48 : i32
        %add3A_1864 = arith.addi %add3A_1862, %add3A_1863 : i32
        %swap3A_1865 = arith.index_cast %add3A_1864 : i32 to index
        %swap3A_1866 = tpu.vector_load %arg11[%swap3A_1865] {strides = array<i32>} : memref<1792xf32, #tpu.memory_space<vmem>>, vector<16xf32>,
        tpu.vector_store %arg11[%swap3A_1865], %add3A_1777 {strides = array<i32>} : memref<1792xf32, #tpu.memory_space<vmem>>, vector<16xf32>,
        %add3A_1867 = arith.constant 64 : i32
        %add3A_1868 = arith.addi %mul3A_1827, %add3A_1867 : i32
        %swap3A_1869 = arith.index_cast %add3A_1868 : i32 to index
        %swap3A_1870 = tpu.vector_load %arg11[%swap3A_1869] {strides = array<i32>} : memref<1792xf32, #tpu.memory_space<vmem>>, vector<16xf32>,
        tpu.vector_store %arg11[%swap3A_1869], %add3A_1787 {strides = array<i32>} : memref<1792xf32, #tpu.memory_space<vmem>>, vector<16xf32>,
        %add3A_1871 = arith.constant 128 : i32
        %add3A_1872 = arith.addi %mul3A_1827, %add3A_1871 : i32
        %add3A_1873 = arith.constant 64 : i32
        %add3A_1874 = arith.addi %add3A_1872, %add3A_1873 : i32
        %swap3A_1875 = arith.index_cast %add3A_1874 : i32 to index
        %swap3A_1876 = tpu.vector_load %arg11[%swap3A_1875] {strides = array<i32>} : memref<1792xf32, #tpu.memory_space<vmem>>, vector<16xf32>,
        tpu.vector_store %arg11[%swap3A_1875], %add3A_1789 {strides = array<i32>} : memref<1792xf32, #tpu.memory_space<vmem>>, vector<16xf32>,
        %add3A_1877 = arith.constant 80 : i32
        %add3A_1878 = arith.addi %mul3A_1827, %add3A_1877 : i32
        %swap3A_1879 = arith.index_cast %add3A_1878 : i32 to index
        %swap3A_1880 = tpu.vector_load %arg11[%swap3A_1879] {strides = array<i32>} : memref<1792xf32, #tpu.memory_space<vmem>>, vector<16xf32>,
        tpu.vector_store %arg11[%swap3A_1879], %add3A_1799 {strides = array<i32>} : memref<1792xf32, #tpu.memory_space<vmem>>, vector<16xf32>,
        %add3A_1881 = arith.constant 128 : i32
        %add3A_1882 = arith.addi %mul3A_1827, %add3A_1881 : i32
        %add3A_1883 = arith.constant 80 : i32
        %add3A_1884 = arith.addi %add3A_1882, %add3A_1883 : i32
        %swap3A_1885 = arith.index_cast %add3A_1884 : i32 to index
        %swap3A_1886 = tpu.vector_load %arg11[%swap3A_1885] {strides = array<i32>} : memref<1792xf32, #tpu.memory_space<vmem>>, vector<16xf32>,
        tpu.vector_store %arg11[%swap3A_1885], %add3A_1801 {strides = array<i32>} : memref<1792xf32, #tpu.memory_space<vmem>>, vector<16xf32>,
        %add3A_1887 = arith.constant 96 : i32
        %add3A_1888 = arith.addi %mul3A_1827, %add3A_1887 : i32
        %swap3A_1889 = arith.index_cast %add3A_1888 : i32 to index
        %swap3A_1890 = tpu.vector_load %arg11[%swap3A_1889] {strides = array<i32>} : memref<1792xf32, #tpu.memory_space<vmem>>, vector<16xf32>,
        tpu.vector_store %arg11[%swap3A_1889], %add3A_1811 {strides = array<i32>} : memref<1792xf32, #tpu.memory_space<vmem>>, vector<16xf32>,
        %add3A_1891 = arith.constant 128 : i32
        %add3A_1892 = arith.addi %mul3A_1827, %add3A_1891 : i32
        %add3A_1893 = arith.constant 96 : i32
        %add3A_1894 = arith.addi %add3A_1892, %add3A_1893 : i32
        %swap3A_1895 = arith.index_cast %add3A_1894 : i32 to index
        %swap3A_1896 = tpu.vector_load %arg11[%swap3A_1895] {strides = array<i32>} : memref<1792xf32, #tpu.memory_space<vmem>>, vector<16xf32>,
        tpu.vector_store %arg11[%swap3A_1895], %add3A_1813 {strides = array<i32>} : memref<1792xf32, #tpu.memory_space<vmem>>, vector<16xf32>,
        %add3A_1897 = arith.constant 112 : i32
        %add3A_1898 = arith.addi %mul3A_1827, %add3A_1897 : i32
        %swap3A_1899 = arith.index_cast %add3A_1898 : i32 to index
        %swap3A_1900 = tpu.vector_load %arg11[%swap3A_1899] {strides = array<i32>} : memref<1792xf32, #tpu.memory_space<vmem>>, vector<16xf32>,
        tpu.vector_store %arg11[%swap3A_1899], %add3A_1823 {strides = array<i32>} : memref<1792xf32, #tpu.memory_space<vmem>>, vector<16xf32>,
        %add3A_1901 = arith.constant 128 : i32
        %add3A_1902 = arith.addi %mul3A_1827, %add3A_1901 : i32
        %add3A_1903 = arith.constant 112 : i32
        %add3A_1904 = arith.addi %add3A_1902, %add3A_1903 : i32
        %swap3A_1905 = arith.index_cast %add3A_1904 : i32 to index
        %swap3A_1906 = tpu.vector_load %arg11[%swap3A_1905] {strides = array<i32>} : memref<1792xf32, #tpu.memory_space<vmem>>, vector<16xf32>,
        tpu.vector_store %arg11[%swap3A_1905], %add3A_1825 {strides = array<i32>} : memref<1792xf32, #tpu.memory_space<vmem>>, vector<16xf32>,
      }
      %scan3A_156 = arith.constant 7 : i32
      %mul3A_157 = arith.constant 7 : i32
      %mul3A_158 = arith.muli %add3A_108, %mul3A_157 : i32
      %add3A_159 = arith.addi %mul3A_4, %mul3A_158 : i32
      %mul3A_160 = arith.constant 256 : i32
      %mul3A_161 = arith.muli %add3A_159, %mul3A_160 : i32
      %dma_start3A_162 = tpu.memref_slice %arg5[%mul3A_161] : memref<12845056xf32, #tpu.memory_space<hbm>> -> memref<1792xf32, #tpu.memory_space<hbm>>
      %dma_start3A_163 = tpu.memref_slice %arg5[%mul3A_161] : memref<12845056xf32, #tpu.memory_space<hbm>> -> memref<1792xf32, #tpu.memory_space<hbm>>
      tpu.enqueue_dma source(%arg11 : memref<1792xf32, #tpu.memory_space<vmem>>) target(%dma_start3A_163 : memref<1792xf32, #tpu.memory_space<hbm>>) target_semaphore(%arg15 : memref<!tpu.dma_semaphore, #tpu.memory_space<semaphore_mem>>)
    }
    %scan3A_21 = arith.constant 112 : i32
    %dma_wait3A = arith.constant 0 : i32
    %dma_wait3A_22 = tpu.memref_slice %arg5[%dma_wait3A] : memref<12845056xf32, #tpu.memory_space<hbm>> -> memref<1792xf32, #tpu.memory_space<hbm>>
    %dma_wait3A_23 = arith.constant 0 : i32
    %dma_wait3A_24 = tpu.memref_slice %arg5[%dma_wait3A_23] : memref<12845056xf32, #tpu.memory_space<hbm>> -> memref<1792xf32, #tpu.memory_space<hbm>>
    tpu.wait_dma2 semaphore(%arg14 : memref<!tpu.dma_semaphore, #tpu.memory_space<semaphore_mem>>) src(%arg10 : memref<1792xf32, #tpu.memory_space<vmem>>) dst(%dma_wait3A_24 : memref<1792xf32, #tpu.memory_space<hbm>>)
    %dma_wait3A_25 = arith.constant 0 : i32
    %dma_wait3A_26 = tpu.memref_slice %arg5[%dma_wait3A_25] : memref<12845056xf32, #tpu.memory_space<hbm>> -> memref<1792xf32, #tpu.memory_space<hbm>>
    %dma_wait3A_27 = arith.constant 0 : i32
    %dma_wait3A_28 = tpu.memref_slice %arg5[%dma_wait3A_27] : memref<12845056xf32, #tpu.memory_space<hbm>> -> memref<1792xf32, #tpu.memory_space<hbm>>
    tpu.wait_dma2 semaphore(%arg15 : memref<!tpu.dma_semaphore, #tpu.memory_space<semaphore_mem>>) src(%arg11 : memref<1792xf32, #tpu.memory_space<vmem>>) dst(%dma_wait3A_28 : memref<1792xf32, #tpu.memory_space<hbm>>)
    return
  }
}

module attributes {stable_mosaic.version = 14 : i64} {
  func.func @_coef_body(%arg0: memref<1024x5xf32, #tpu.memory_space<vmem>>, %arg1: memref<28x784xf32, #tpu.memory_space<vmem>>, %arg2: memref<28x784xf32, #tpu.memory_space<vmem>>, %arg3: memref<1024x784xf32, #tpu.memory_space<vmem>>, %arg4: memref<1024x784xi32, #tpu.memory_space<vmem>>) attributes {dimension_semantics = [], scalar_prefetch = 0 : i64, scratch_operands = 0 : i64, tpu.core_type = #tpu.core_type<tc>} {
    %get3A = arith.constant 0 : index
    %get3A_0 = arith.constant 0 : index
    %get3A_1 = vector.load %arg0[%get3A, %get3A_0] : memref<1024x5xf32, #tpu.memory_space<vmem>>, vector<1024x5xf32>
    %slice3A = vector.extract_strided_slice %get3A_1 {offsets = [0, 0], sizes = [1024, 1], strides = [1, 1]} : vector<1024x5xf32> to vector<1024x1xf32>
    %slice3A_2 = vector.extract_strided_slice %get3A_1 {offsets = [0, 1], sizes = [1024, 1], strides = [1, 1]} : vector<1024x5xf32> to vector<1024x1xf32>
    %mul3A = arith.constant 2.500000e-01 : f32
    %mul3A_3 = vector.broadcast %mul3A : f32 to vector<1024x1xf32>
    %mul3A_4 = arith.mulf %slice3A_2, %mul3A_3 : vector<1024x1xf32>
    %slice3A_5 = vector.extract_strided_slice %get3A_1 {offsets = [0, 2], sizes = [1024, 1], strides = [1, 1]} : vector<1024x5xf32> to vector<1024x1xf32>
    %mul3A_6 = arith.constant 2.500000e-01 : f32
    %mul3A_7 = vector.broadcast %mul3A_6 : f32 to vector<1024x1xf32>
    %mul3A_8 = arith.mulf %slice3A_5, %mul3A_7 : vector<1024x1xf32>
    %slice3A_9 = vector.extract_strided_slice %get3A_1 {offsets = [0, 3], sizes = [1024, 1], strides = [1, 1]} : vector<1024x5xf32> to vector<1024x1xf32>
    %mul3A_10 = arith.constant 2.500000e-01 : f32
    %mul3A_11 = vector.broadcast %mul3A_10 : f32 to vector<1024x1xf32>
    %mul3A_12 = arith.mulf %slice3A_9, %mul3A_11 : vector<1024x1xf32>
    %slice3A_13 = vector.extract_strided_slice %get3A_1 {offsets = [0, 4], sizes = [1024, 1], strides = [1, 1]} : vector<1024x5xf32> to vector<1024x1xf32>
    %mul3A_14 = arith.constant 2.500000e-01 : f32
    %mul3A_15 = vector.broadcast %mul3A_14 : f32 to vector<1024x1xf32>
    %mul3A_16 = arith.mulf %slice3A_13, %mul3A_15 : vector<1024x1xf32>
    %sub3A = arith.subf %mul3A_12, %mul3A_4 : vector<1024x1xf32>
    %max3A = arith.constant 1.000000e+00 : f32
    %max3A_17 = vector.broadcast %max3A : f32 to vector<1024x1xf32>
    %max3A_18 = arith.maximumf %sub3A, %max3A_17 : vector<1024x1xf32>
    %div3A = arith.constant 7.000000e+00 : f32
    %div3A_19 = vector.broadcast %div3A : f32 to vector<1024x1xf32>
    %div3A_20 = arith.divf %max3A_18, %div3A_19 : vector<1024x1xf32>
    %sub3A_21 = arith.subf %mul3A_16, %mul3A_8 : vector<1024x1xf32>
    %max3A_22 = arith.constant 1.000000e+00 : f32
    %max3A_23 = vector.broadcast %max3A_22 : f32 to vector<1024x1xf32>
    %max3A_24 = arith.maximumf %sub3A_21, %max3A_23 : vector<1024x1xf32>
    %div3A_25 = arith.constant 7.000000e+00 : f32
    %div3A_26 = vector.broadcast %div3A_25 : f32 to vector<1024x1xf32>
    %div3A_27 = arith.divf %max3A_24, %div3A_26 : vector<1024x1xf32>
    %iota3A = tpu.iota {dimensions = array<i32: 1>} : vector<1x14xi32>
    %convert_element_type3A = arith.sitofp %iota3A : vector<1x14xi32> to vector<1x14xf32>
    %mul3A_28 = arith.constant 5.000000e-01 : f32
    %mul3A_29 = vector.broadcast %mul3A_28 : f32 to vector<1x14xf32>
    %mul3A_30 = arith.mulf %convert_element_type3A, %mul3A_29 : vector<1x14xf32>
    %floor3A = math.floor %mul3A_30 : vector<1x14xf32>
    %mul3A_31 = arith.constant 2.000000e+00 : f32
    %mul3A_32 = vector.broadcast %mul3A_31 : f32 to vector<1x14xf32>
    %mul3A_33 = arith.mulf %mul3A_32, %floor3A : vector<1x14xf32>
    %sub3A_34 = arith.subf %convert_element_type3A, %mul3A_33 : vector<1x14xf32>
    %add3A = arith.constant 5.000000e-01 : f32
    %add3A_35 = vector.broadcast %add3A : f32 to vector<1x14xf32>
    %add3A_36 = arith.addf %sub3A_34, %add3A_35 : vector<1x14xf32>
    %mul3A_37 = arith.constant 5.000000e-01 : f32
    %mul3A_38 = vector.broadcast %mul3A_37 : f32 to vector<1x14xf32>
    %mul3A_39 = arith.mulf %add3A_36, %mul3A_38 : vector<1x14xf32>
    %add3A_40 = arith.addf %floor3A, %mul3A_39 : vector<1x14xf32>
    %mul3A_41 = vector.broadcast %add3A_40 : vector<1x14xf32> to vector<1024x14xf32>
    %mul3A_42 = vector.broadcast %div3A_20 : vector<1024x1xf32> to vector<1024x14xf32>
    %mul3A_43 = arith.mulf %mul3A_41, %mul3A_42 : vector<1024x14xf32>
    %add3A_44 = vector.broadcast %mul3A_4 : vector<1024x1xf32> to vector<1024x14xf32>
    %add3A_45 = arith.addf %add3A_44, %mul3A_43 : vector<1024x14xf32>
    %mul3A_46 = vector.broadcast %add3A_40 : vector<1x14xf32> to vector<1024x14xf32>
    %mul3A_47 = vector.broadcast %div3A_27 : vector<1024x1xf32> to vector<1024x14xf32>
    %mul3A_48 = arith.mulf %mul3A_46, %mul3A_47 : vector<1024x14xf32>
    %add3A_49 = vector.broadcast %mul3A_8 : vector<1024x1xf32> to vector<1024x14xf32>
    %add3A_50 = arith.addf %add3A_49, %mul3A_48 : vector<1024x14xf32>
    %ge3A = arith.constant -1.000000e+00 : f32
    %ge3A_51 = vector.broadcast %ge3A : f32 to vector<1024x14xf32>
    %ge3A_52 = arith.cmpf oge, %add3A_50, %ge3A_51 : vector<1024x14xf32>
    %le3A = arith.constant 1.000000e+02 : f32
    %le3A_53 = vector.broadcast %le3A : f32 to vector<1024x14xf32>
    %le3A_54 = arith.cmpf ole, %add3A_50, %le3A_53 : vector<1024x14xf32>
    %and3A = arith.andi %ge3A_52, %le3A_54 : vector<1024x14xi1>
    %convert_element_type3A_55 = arith.extui %and3A : vector<1024x14xi1> to vector<1024x14xi32>
    %convert_element_type3A_56 = arith.sitofp %convert_element_type3A_55 : vector<1024x14xi32> to vector<1024x14xf32>
    %jit3A = arith.constant 0.000000e+00 : f32
    %jit3A_57 = arith.constant 9.900000e+01 : f32
    %max3A_58 = vector.broadcast %jit3A : f32 to vector<1024x14xf32>
    %max3A_59 = arith.maximumf %max3A_58, %add3A_50 : vector<1024x14xf32>
    %min3A = vector.broadcast %jit3A_57 : f32 to vector<1024x14xf32>
    %min3A_60 = arith.minimumf %min3A, %max3A_59 : vector<1024x14xf32>
    %floor3A_61 = math.floor %min3A_60 : vector<1024x14xf32>
    %min3A_62 = arith.constant 9.800000e+01 : f32
    %min3A_63 = vector.broadcast %min3A_62 : f32 to vector<1024x14xf32>
    %min3A_64 = arith.minimumf %floor3A_61, %min3A_63 : vector<1024x14xf32>
    %sub3A_65 = arith.subf %min3A_60, %min3A_64 : vector<1024x14xf32>
    %sub3A_66 = arith.constant 1.000000e+00 : f32
    %sub3A_67 = vector.broadcast %sub3A_66 : f32 to vector<1024x14xf32>
    %sub3A_68 = arith.subf %sub3A_67, %sub3A_65 : vector<1024x14xf32>
    %mul3A_69 = arith.mulf %sub3A_68, %convert_element_type3A_56 : vector<1024x14xf32>
    %mul3A_70 = arith.mulf %sub3A_65, %convert_element_type3A_56 : vector<1024x14xf32>
    %concatenate3A = tpu.concatenate %mul3A_69, %mul3A_70 in 1 : vector<1024x14xf32>, vector<1024x14xf32> -> vector<1024x28xf32>
    %add3A_71 = arith.constant 1.000000e+00 : f32
    %add3A_72 = vector.broadcast %add3A_71 : f32 to vector<1024x14xf32>
    %add3A_73 = arith.addf %min3A_64, %add3A_72 : vector<1024x14xf32>
    %concatenate3A_74 = tpu.concatenate %min3A_64, %add3A_73 in 1 : vector<1024x14xf32>, vector<1024x14xf32> -> vector<1024x28xf32>
    %ge3A_75 = arith.constant -1.000000e+00 : f32
    %ge3A_76 = vector.broadcast %ge3A_75 : f32 to vector<1024x14xf32>
    %ge3A_77 = arith.cmpf oge, %add3A_45, %ge3A_76 : vector<1024x14xf32>
    %le3A_78 = arith.constant 1.000000e+02 : f32
    %le3A_79 = vector.broadcast %le3A_78 : f32 to vector<1024x14xf32>
    %le3A_80 = arith.cmpf ole, %add3A_45, %le3A_79 : vector<1024x14xf32>
    %and3A_81 = arith.andi %ge3A_77, %le3A_80 : vector<1024x14xi1>
    %convert_element_type3A_82 = arith.extui %and3A_81 : vector<1024x14xi1> to vector<1024x14xi32>
    %convert_element_type3A_83 = arith.sitofp %convert_element_type3A_82 : vector<1024x14xi32> to vector<1024x14xf32>
    %jit3A_84 = arith.constant 0.000000e+00 : f32
    %jit3A_85 = arith.constant 9.900000e+01 : f32
    %max3A_86 = vector.broadcast %jit3A_84 : f32 to vector<1024x14xf32>
    %max3A_87 = arith.maximumf %max3A_86, %add3A_45 : vector<1024x14xf32>
    %min3A_88 = vector.broadcast %jit3A_85 : f32 to vector<1024x14xf32>
    %min3A_89 = arith.minimumf %min3A_88, %max3A_87 : vector<1024x14xf32>
    %floor3A_90 = math.floor %min3A_89 : vector<1024x14xf32>
    %min3A_91 = arith.constant 9.800000e+01 : f32
    %min3A_92 = vector.broadcast %min3A_91 : f32 to vector<1024x14xf32>
    %min3A_93 = arith.minimumf %floor3A_90, %min3A_92 : vector<1024x14xf32>
    %sub3A_94 = arith.subf %min3A_89, %min3A_93 : vector<1024x14xf32>
    %sub3A_95 = arith.constant 1.000000e+00 : f32
    %sub3A_96 = vector.broadcast %sub3A_95 : f32 to vector<1024x14xf32>
    %sub3A_97 = arith.subf %sub3A_96, %sub3A_94 : vector<1024x14xf32>
    %mul3A_98 = arith.mulf %sub3A_97, %convert_element_type3A_83 : vector<1024x14xf32>
    %mul3A_99 = arith.mulf %sub3A_94, %convert_element_type3A_83 : vector<1024x14xf32>
    %concatenate3A_100 = tpu.concatenate %mul3A_98, %mul3A_99 in 1 : vector<1024x14xf32>, vector<1024x14xf32> -> vector<1024x28xf32>
    %add3A_101 = arith.constant 1.000000e+00 : f32
    %add3A_102 = vector.broadcast %add3A_101 : f32 to vector<1024x14xf32>
    %add3A_103 = arith.addf %min3A_93, %add3A_102 : vector<1024x14xf32>
    %concatenate3A_104 = tpu.concatenate %min3A_93, %add3A_103 in 1 : vector<1024x14xf32>, vector<1024x14xf32> -> vector<1024x28xf32>
    %get3A_105 = arith.constant 0 : index
    %get3A_106 = arith.constant 0 : index
    %get3A_107 = vector.load %arg1[%get3A_105, %get3A_106] : memref<28x784xf32, #tpu.memory_space<vmem>>, vector<28x784xf32>
    %get3A_108 = arith.constant 0 : index
    %get3A_109 = arith.constant 0 : index
    %get3A_110 = vector.load %arg2[%get3A_108, %get3A_109] : memref<28x784xf32, #tpu.memory_space<vmem>>, vector<28x784xf32>
    %dot_general3A = arith.constant dense<0.000000e+00> : vector<1024x784xf32>
    %dot_general3A_111 = tpu.matmul %concatenate3A, %get3A_107, %dot_general3A {dimension_numbers = #tpu.dot_dimension_numbers<[1], [0], [0], [1], [0, 0, 1, 1], [], []>, transpose_lhs_hint = false} : vector<1024x28xf32>, vector<28x784xf32>, vector<1024x784xf32> -> vector<1024x784xf32>
    %dot_general3A_112 = arith.constant dense<0.000000e+00> : vector<1024x784xf32>
    %dot_general3A_113 = tpu.matmul %concatenate3A_100, %get3A_110, %dot_general3A_112 {dimension_numbers = #tpu.dot_dimension_numbers<[1], [0], [0], [1], [0, 0, 1, 1], [], []>, transpose_lhs_hint = false} : vector<1024x28xf32>, vector<28x784xf32>, vector<1024x784xf32> -> vector<1024x784xf32>
    %dot_general3A_114 = arith.constant dense<0.000000e+00> : vector<1024x784xf32>
    %dot_general3A_115 = tpu.matmul %concatenate3A_74, %get3A_107, %dot_general3A_114 {dimension_numbers = #tpu.dot_dimension_numbers<[1], [0], [0], [1], [0, 0, 1, 1], [], []>, transpose_lhs_hint = false} : vector<1024x28xf32>, vector<28x784xf32>, vector<1024x784xf32> -> vector<1024x784xf32>
    %dot_general3A_116 = arith.constant dense<0.000000e+00> : vector<1024x784xf32>
    %dot_general3A_117 = tpu.matmul %concatenate3A_104, %get3A_110, %dot_general3A_116 {dimension_numbers = #tpu.dot_dimension_numbers<[1], [0], [0], [1], [0, 0, 1, 1], [], []>, transpose_lhs_hint = false} : vector<1024x28xf32>, vector<28x784xf32>, vector<1024x784xf32> -> vector<1024x784xf32>
    %mul3A_118 = arith.constant 2.500000e-01 : f32
    %mul3A_119 = vector.broadcast %mul3A_118 : f32 to vector<1024x784xf32>
    %mul3A_120 = arith.mulf %mul3A_119, %dot_general3A_111 : vector<1024x784xf32>
    %mul3A_121 = arith.mulf %mul3A_120, %dot_general3A_113 : vector<1024x784xf32>
    %swap3A = arith.constant 0 : index
    %swap3A_122 = arith.constant 0 : index
    %swap3A_123 = vector.load %arg3[%swap3A, %swap3A_122] : memref<1024x784xf32, #tpu.memory_space<vmem>>, vector<1024x784xf32>
    tpu.vector_store %arg3[%swap3A, %swap3A_122], %mul3A_121 {strides = array<i32>} : memref<1024x784xf32, #tpu.memory_space<vmem>>, vector<1024x784xf32>,
    %mul3A_124 = arith.constant 1.000000e+04 : f32
    %mul3A_125 = vector.broadcast %mul3A_124 : f32 to vector<1024x1xf32>
    %mul3A_126 = arith.mulf %slice3A, %mul3A_125 : vector<1024x1xf32>
    %mul3A_127 = arith.constant 1.000000e+02 : f32
    %mul3A_128 = vector.broadcast %mul3A_127 : f32 to vector<1024x784xf32>
    %mul3A_129 = arith.mulf %dot_general3A_115, %mul3A_128 : vector<1024x784xf32>
    %add3A_130 = vector.broadcast %mul3A_126 : vector<1024x1xf32> to vector<1024x784xf32>
    %add3A_131 = arith.addf %add3A_130, %mul3A_129 : vector<1024x784xf32>
    %add3A_132 = arith.addf %add3A_131, %dot_general3A_117 : vector<1024x784xf32>
    %convert_element_type3A_133 = arith.fptosi %add3A_132 : vector<1024x784xf32> to vector<1024x784xi32>
    %swap3A_134 = arith.constant 0 : index
    %swap3A_135 = arith.constant 0 : index
    %swap3A_136 = vector.load %arg4[%swap3A_134, %swap3A_135] : memref<1024x784xi32, #tpu.memory_space<vmem>>, vector<1024x784xi32>
    tpu.vector_store %arg4[%swap3A_134, %swap3A_135], %convert_element_type3A_133 {strides = array<i32>} : memref<1024x784xi32, #tpu.memory_space<vmem>>, vector<1024x784xi32>,
    return
  }
}

module attributes {stable_mosaic.version = 14 : i64} {
  func.func @_xpose_body(%arg0: i32, %arg1: memref<392x256xf32, #tpu.memory_space<vmem>>, %arg2: memref<8x256x49xf32, #tpu.memory_space<vmem>>) attributes {dimension_semantics = [#tpu.dimension_semantics<arbitrary>], iteration_bounds = array<i64: 125>, scalar_prefetch = 0 : i64, scratch_operands = 0 : i64, tpu.core_type = #tpu.core_type<tc>, window_params = [{transform_indices = @transform_0, window_bounds = array<i64: 392, 256>}, {transform_indices = @transform_1, window_bounds = array<i64: 8, 256, 49>}]} {
    %get3A = arith.constant 0 : index
    %get3A_0 = arith.constant 0 : index
    %get3A_1 = vector.load %arg1[%get3A, %get3A_0] : memref<392x256xf32, #tpu.memory_space<vmem>>, vector<392x256xf32>
    %reshape3A = vector.shape_cast %get3A_1 : vector<392x256xf32> to vector<8x49x256xf32>
    %transpose3A = tpu.transpose %reshape3A, [0, 2, 1] : vector<8x49x256xf32> -> vector<8x256x49xf32>
    %swap3A = arith.constant 0 : index
    %swap3A_2 = arith.constant 0 : index
    %swap3A_3 = arith.constant 0 : index
    %swap3A_4 = vector.load %arg2[%swap3A, %swap3A_2, %swap3A_3] : memref<8x256x49xf32, #tpu.memory_space<vmem>>, vector<8x256x49xf32>
    tpu.vector_store %arg2[%swap3A, %swap3A_2, %swap3A_3], %transpose3A {strides = array<i32>} : memref<8x256x49xf32, #tpu.memory_space<vmem>>, vector<8x256x49xf32>,
    return
  }
  func.func @transform_0(%arg0: i32) -> (i32, i32) {
    %c0_i32 = arith.constant 0 : i32
    %c0_i32_0 = arith.constant 0 : i32
    return %arg0, %c0_i32 : i32, i32
  }
  func.func @transform_1(%arg0: i32) -> (i32, i32, i32) {
    %c0_i32 = arith.constant 0 : i32
    %c0_i32_0 = arith.constant 0 : i32
    %c0_i32_1 = arith.constant 0 : i32
    return %arg0, %c0_i32, %c0_i32_0 : i32, i32, i32
  }
}

</mosaic_0001>

<sc_bundles>
// kernel: kernel.5.cloned.1.call-start
scs
__scs_entry_jumppad:
0x0: {  	(pc) =	sbr.rel $0x88, $3  }
0x1: {  	(tag) =	ssettag $0x0;
	lr =	simm.s32 $0x1  }
0x2: {  	[smem:$0x3F9F] =	sst lr;
	_ =	strace $0xD0000000  }
0x3: {  	_ = 	snop  }
0x4: {  	_ = 	snop  }
0x5: {  	_ = 	snop  }
0x6: {  	_ = 	snop  }
0x7: {  	_ = 	snop  }
__scs_overlays_trampoline_lowered:
0x8: {  	[smem:$0x3FAE] =	sst s0  }
0x9: {  	[smem:$0x3FAF] =	sst s1  }
0xa: {  	[smem:$0x3FB0] =	sst s2  }
0xb: {  	[smem:$0x3FB1] =	sst s3  }
0xc: {  	[smem:$0x3FB2] =	sst s4  }
0xd: {  	[smem:$0x3FB3] =	sst s5  }
0xe: {  	[smem:$0x3FB4] =	sst s6  }
0xf: {  	[smem:$0x3FB5] =	sst s7  }
0x10: {  	[smem:$0x3FB6] =	sst s8  }
0x11: {  	[smem:$0x3FB7] =	sst s9;
	s0 =	simm.s32 @!p0 $0x0  }
0x12: {  	s1 =	sld [smem:$0x3F9D];
	s0 =	simm.s32 @p0 $0x1  }
0x13: {  	[smem:$0x3FB8] =	sst s0;
	s0 =	simm.s32 @!p1 $0x0  }
0x14: {  	s2 =	sld [smem:$0x3F9C];
	s0 =	simm.s32 @p1 $0x1  }
0x15: {  	[smem:$0x3FB9] =	sst s0;
	s0 =	simm.s32 @!p2 $0x0  }
0x16: {  	s3 =	sld [smem:$0x3FDB];
	s0 =	simm.s32 @p2 $0x1  }
0x17: {  	s4 =	simm.s32 $0x1BF5;
	[smem:$0x3FBB] =	sst s0  }
0x18: {  	s0 =	sld [smem:$0x3F9E];
	_ =	swait.ge [sflag:s4], $0x0  }
0x19: {  	s7 =	sld [smem:$0x3F9F]  }
0x1a: {  	s8 =	sadd.s32 $0xFFFFE003, lr  }
0x1b: {  	s9 =	sadd.s32 $0xFFFFFEF7, lr;
	s5 =	simm.s32 $0xFFFFFFFF;
	p2 =	slt.u32 s8, $0xFFFFF086  }
0x1c: {  	p1 =	slt.u32 s9, $0xF7A;
	s5 =	simm.s32 @!p2 $0x0  }
0x1d: {  	s5 =	simm.s32 @p1 $0x1;
	p0 =	seq.s32 s7, s2  }
0x1e: {  	s7 =	smul.u32 @!p0 $0xF7A, s2;
	p2 =	seq.s32 @!p0 s5, $0x0  }
0x1f: {  	s9 =	smul.u32 $0xF7A, s1;
	s8 =	simm.s32 @!p0 $0x1BF5;
	p2 =	por !p2, p0  }
0x20: {  	[sflag:s8] =	ssyncset.s32 @!p0 $0xFFFFF086;
	s6 =	sadd.s32 @!p0 s3, s7;
	s7 =	simm.s32 @!p0 $0x108  }
0x21: {  	s3 =	sadd.s32 s3, s9;
	s6 =	sadd.s32 @!p0 $0x88, s6;
	s7 =	simm.s32 @p2 $0x1082  }
0x22: {  	[simem:s7], [sflag:s8] =	dma.local @!p0 [hbm:s6], $0xF7A  }
0x23: {  	s9 =	sor.u32 $0xD0000000, s2;
	s6 =	simm.s32 $0x108;
	_ =	swait.ge @!p0 [sflag:s8], $0x0  }
0x24: {  	s3 =	sadd.s32 $0x88, s3;
	s6 =	simm.s32 @!p1 $0x1082;
	[sflag:s4] =	ssyncset.s32 $0xFFFFF086  }
0x25: {  	[simem:s6], [sflag:s4] =	dma.local [hbm:s3], $0xF7A  }
0x26: {  	[smem:$0x3F9F] =	sst s1;
	(tag) =	ssettag s2;
	_ =	strace s9  }
0x27: {  	s1 =	sld [smem:$0x3FAF]  }
0x28: {  	s2 =	sld [smem:$0x3FB0]  }
0x29: {  	s4 =	sld [smem:$0x3FB2]  }
0x2a: {  	p0 =	seq.s32 s5, $0x0;
	s5 =	sld [smem:$0x3FB3]  }
0x2b: {  	s6 =	sld [smem:$0x3FB4]  }
0x2c: {  	s7 =	sld [smem:$0x3FB5]  }
0x2d: {  	s3 =	simm.s32 $0x108;
	s8 =	sld [smem:$0x3FB6]  }
0x2e: {  	s3 =	simm.s32 @!p0 $0x1082;
	s9 =	sld [smem:$0x3FB7]  }
0x2f: {  	lr =	sadd.s32 s0, s3;
	s0 =	sld [smem:$0x3FAE]  }
0x30: {  	s3 =	sld [smem:$0x3FB1]  }
0x31: {  	[smem:$0x3FBA] =	sst s10  }
0x32: {  	s10 =	sld [smem:$0x3FB8];
	_ =	sdelay $0x3  }
0x33: {  	p0 =	seq.s32 s10, $0x1;
	s10 =	sld [smem:$0x3FBA];
	_ =	sdelay $0x3  }
0x34: {  	[smem:$0x3FBA] =	sst s10  }
0x35: {  	s10 =	sld [smem:$0x3FB9];
	_ =	sdelay $0x3  }
0x36: {  	p1 =	seq.s32 s10, $0x1;
	s10 =	sld [smem:$0x3FBA];
	_ =	sdelay $0x3  }
0x37: {  	[smem:$0x3FBA] =	sst s10  }
0x38: {  	s10 =	sld [smem:$0x3FBB]  }
0x39: {  	_ = 	snop;
	(pc) =	sbr.ind lr, $3  }
0x3a: {  	_ = 	snop  }
0x3b: {  	_ = 	snop  }
0x3c: {  	p2 =	seq.s32 s10, $0x1;
	s10 =	sld [smem:$0x3FBA]  }
0x3d: {  	_ =	shalt  }
0x3e: {  	_ =	shalt  }
0x3f: {  	_ =	shalt  }
0x40: {  	_ =	shalt  }
0x41: {  	_ =	shalt  }
0x42: {  	_ =	shalt  }
0x43: {  	_ =	shalt  }
0x44: {  	_ =	shalt  }
0x45: {  	_ =	shalt  }
0x46: {  	_ =	shalt  }
0x47: {  	_ =	shalt  }
0x48: {  	_ =	shalt  }
0x49: {  	_ =	shalt  }
0x4a: {  	_ =	shalt  }
0x4b: {  	_ =	shalt  }
0x4c: {  	_ =	shalt  }
0x4d: {  	_ =	shalt  }
0x4e: {  	_ =	shalt  }
0x4f: {  	_ =	shalt  }
0x50: {  	_ =	shalt  }
0x51: {  	_ =	shalt  }
0x52: {  	_ =	shalt  }
0x53: {  	_ =	shalt  }
0x54: {  	_ =	shalt  }
0x55: {  	_ =	shalt  }
0x56: {  	_ =	shalt  }
0x57: {  	_ =	shalt  }
0x58: {  	_ =	shalt  }
0x59: {  	_ =	shalt  }
0x5a: {  	_ =	shalt  }
0x5b: {  	_ =	shalt  }
0x5c: {  	_ =	shalt  }
0x5d: {  	_ =	shalt  }
0x5e: {  	_ =	shalt  }
0x5f: {  	_ =	shalt  }
0x60: {  	_ =	shalt  }
0x61: {  	_ =	shalt  }
0x62: {  	_ =	shalt  }
0x63: {  	_ =	shalt  }
0x64: {  	_ =	shalt  }
0x65: {  	_ =	shalt  }
0x66: {  	_ =	shalt  }
0x67: {  	_ =	shalt  }
0x68: {  	_ =	shalt  }
0x69: {  	_ =	shalt  }
0x6a: {  	_ =	shalt  }
0x6b: {  	_ =	shalt  }
0x6c: {  	_ =	shalt  }
0x6d: {  	_ =	shalt  }
0x6e: {  	_ =	shalt  }
0x6f: {  	_ =	shalt  }
0x70: {  	_ =	shalt  }
0x71: {  	_ =	shalt  }
0x72: {  	_ =	shalt  }
0x73: {  	_ =	shalt  }
0x74: {  	_ =	shalt  }
0x75: {  	_ =	shalt  }
0x76: {  	_ =	shalt  }
0x77: {  	_ =	shalt  }
0x78: {  	_ =	shalt  }
0x79: {  	_ =	shalt  }
0x7a: {  	_ =	shalt  }
0x7b: {  	_ =	shalt  }
0x7c: {  	_ =	shalt  }
0x7d: {  	_ =	shalt  }
0x7e: {  	_ =	shalt  }
0x7f: {  	_ =	shalt  }
0x80: {  	_ =	shalt  }
0x81: {  	_ =	shalt  }
0x82: {  	_ =	shalt  }
0x83: {  	_ =	shalt  }
0x84: {  	_ =	shalt  }
0x85: {  	_ =	shalt  }
0x86: {  	_ =	shalt  }
0x87: {  	_ =	shalt  }
.Lfunc_end0:
.L_simem_size_0:
called_computation_lowered:
.L_overlay_start_0:
0x88: {  	s2 =	sld [smem:$0x3FD9]  }
0x89: {  	s3 =	sld [smem:$0x3FFE];
	_ =	sdelay $0x1  }
0x8a: {  	s1 =	srdreg.scid  }
0x8b: {  	s0 =	sand.u32 $0x1, s1  }
0x8c: {  	s17 =	sshll.u32 s0, $0xA;
	s2 =	sadd.s32 s3, s2  }
0x8d: {  	s2 =	sadd.s32 s2, s17  }
0x8e: {  	[smem:$0x3FC6] =	sst s2  }
0x8f: {  	_ = 	snop  }
0x90: {  	s2 =	sld [smem:$0x3FD0];
	(tm) =	ssettm $0x1  }
0x91: {  	s18 =	sld [smem:$0x3FFB];
	_ =	sdelay $0x3  }
0x92: {  	_ =	strace s18  }
0x93: {  	s3 =	sld [smem:$0x3FFC];
	_ =	sdelay $0x3  }
0x94: {  	_ =	strace s3  }
0x95: {  	s3 =	sld [smem:$0x3FFD];
	_ =	sdelay $0x3  }
0x96: {  	_ =	strace s3  }
0x97: {  	_ =	strace $0x8FFFFFFF  }
0x98: {  	s19 =	sld [smem:$0x3FDB];
	_ =	sdelay $0x1  }
0x99: {  	s4 =	simm.s32 $_scs_section_size  }
0x9a: {  	s5 =	simm.s32 $_size__tile_overlayer_lowered;
	s6 =	simm.s32 $_tile_overlayer_lowered  }
0x9b: {  	s22 =	simm.s32 $0x1BFF;
	s21 =	sshll.u32 s6, $0x1;
	s3 =	sadd.s32 s4, s19  }
0x9c: {  	s7 =	simm.s32 $0x0;
	s20 =	sshll.u32 s5, $0x1;
	s5 =	sadd.s32 s21, s3  }
0x9d: {  	[timem:s7], [sflag:s22] =	dma.local [hbm:s5], s20  }
0x9e: {  	_ =	swait.ge [sflag:s22], s20  }
0x9f: {  	s4 =	ssub.s32 $0x0, s20;
	[sflag:s22] =	ssyncset.done $0x0  }
0xa0: {  	[sflag:s22] =	ssyncadd.s32 s4;
	_ =	sdelay $0x1  }
0xa1: {  	s23 =	simm.s32 $0x1B8B  }
0xa2: {  	_ =	swait.ge [sflag:s23], $0x1  }
0xa3: {  	[sflag:s23] =	ssyncset.done $0x0  }
0xa4: {  	s25 =	simm.s32 $0x1B8E;
	s24 =	sld [smem:$0x3FFE];
	[sflag:s23] =	ssyncadd.s32 $0xFFFFFFFF  }
0xa5: {  	s26 =	simm.s32 $execute0_lowered;
	[smem:$0x3FD2] =	sst s25  }
0xa6: {  	s5 =	sshll.u32 s26, $0x1;
	_ =	strace $0x80000046;
	[dreg:$0x1] =	wrdreg $0xFFFFFFFF  }
0xa7: {  	s28 =	simm.s32 $_size_execute0_lowered;
	s3 =	sadd.s32 s3, s5;
	[dreg:$0x0] =	wrdreg $0x0  }
0xa8: {  	s5 =	sshll.u32 s28, $0x1;
	[dreg:$0x2] =	wrdreg s3  }
0xa9: {  	[dreg:$0x3] =	wrdreg s5  }
0xaa: {  	[dreg:$0x4] =	wrdreg $0xC0  }
0xab: {  	_ =	task [dreg:s7], $0x5FFFF  }
0xac: {  	[dreg:$0x1] =	wrdreg $0xFFFFFFFF  }
0xad: {  	[dreg:$0x0] =	wrdreg $0x60  }
0xae: {  	[dreg:$0x2] =	wrdreg s2  }
0xaf: {  	[dreg:$0x3] =	wrdreg s24  }
0xb0: {  	[dreg:$0x4] =	wrdreg $0x9  }
0xb1: {  	_ =	task.clear_ibuf [dreg:s7], $0x5FFFF;
	_ =	strace $0x90000046  }
0xb2: {  	s29 =	simm.s32 $0x9;
	_ =	strace $0x80000048  }
0xb3: {  	_ =	swait.ge [sflag:s29], $0x1  }
0xb4: {  	[sflag:s29] =	ssyncadd.s32 $0xFFFFFFFF  }
0xb5: {  	_ =	strace $0x90000048  }
0xb6: {  	_ =	sfence  }
0xb7: {  	s30 =	sld [smem:$0x0];
	_ =	sdelay $0x2  }
0xb8: {  	s31 =	sshll.u32 s1, $0xD;
	s1 =	sshrl.u32 s1, $0x2  }
0xb9: {  	s3 =	sand.u32 $0x4000, s31;
	s1 =	sadd.s32 s1, s30  }
0xba: {  	s0 =	sor.u32 s3, s0;
	s1 =	sshll.u32 s1, $0x11  }
0xbb: {  	s0 =	sor.u32 s1, s0  }
0xbc: {  	s0 =	sadd.s32 $0x8F2B, s0  }
0xbd: {  	[sflag:s0] =	ssyncadd.remote.s32 $0x1  }
0xbe: {  	_ =	sfence.sel $0xFFFF  }
0xbf: {  	[dreg:$0x0] =	wrdreg $0xFFFFFFFF;
	(pc) =	sbr.abs _section_cstart, $3  }
0xc0: {  	[dreg:$0x1] =	wrdreg $0xFFFFFFFF  }
0xc1: {  	_ =	task.clear_ibuf [dreg:s7], $0x2FFFF;
	_ =	strace $0x9FFFFFFF  }
0xc2: {  	(tm) =	ssettm $0x7FFFFFFF  }
0xc3: {  	_ =	shalt  }
tec
execute0_lowered:
.L_overlay_start_1:
0x0: {  	(tag) =	ssettag $0x1  }
0x1: {  	s1 =	srdreg.scid;
	s2 =	rddreg [dreg:$0x0]  }
0x2: {  	s0 =	stileid.u32;
	s4 =	rddreg [dreg:$0x1]  }
0x3: {  	s9 =	simm.s32 $0x5;
	s10 =	simm.s32 $0x6200;
	s11 =	simm.s32 $0x70  }
0x4: {  	s12 =	simm.s32 $0xD200;
	s13 =	simm.s32 $0x10A00;
	s14 =	simm.s32 $0x1  }
0x5: {  	s15 =	simm.s32 $0x14200;
	s16 =	simm.s32 $0x2;
	s17 =	simm.s32 $0x4  }
0x6: {  	s18 =	simm.s32 $0x14900;
	s1 =	sand.u32 $0x1, s1;
	s3 =	sshll.u32 s0, $0x1  }
0x7: {  	s19 =	simm.s32 $0x3;
	s20 =	simm.s32 $0x0;
	s5 =	sor.u32 s1, s3  }
0x8: {  	s3 =	simm.s32 $0x0;
	s1 =	ssub.s32 $0x2, s1;
	s6 =	smul.u32 $0xC40, s5  }
0x9: {  	[smem:$0x7FF] =	sst s3;
	s7 =	smul.u32 $0xE00, s5;
	s8 =	sshrl.u32 s1, $0x1  }
0xa: {  	s5 =	smul.u32 $0x620, s5;
	_ =	strace $0x80000047;
	s1 =	ssub.s32 s1, s8  }
0xb: {  	s6 =	sadd.s32 s6, s4;
	s7 =	sadd.s32 s7, s4;
	s4 =	sadd.s32 $0x35400, s4  }
0xc: {  	s8 =	smax.u32 s1, $0x1;
	s6 =	sadd.s32 $0x1CC00, s6;
	s7 =	sadd.s32 $0xC00, s7  }
.LBB2_1:
0xd: {  	[tilespmem:s3], [sflag:$0x5] =	stream.linear.gather [hbm4b:s6+s3], $0x6200, $0x38;
	[tilespmem:$0x15000] =	vst v63  }
0xe: {  	_ =	swait.ge [sflag:s9], $0x6200  }
0xf: {  	[sflag:s9] =	ssyncset.done $0x0  }
0x10: {  	[sflag:s9] =	ssyncadd.s32 $0xFFFF9E00  }
0x11: {  	[tilespmem:s10], [sflag:$0x5] =	stream.linear.gather [hbm4b:s7+s3], $0x7000, $0x38;
	[tilespmem:$0x15000] =	vst v63  }
0x12: {  	_ =	swait.ge [sflag:s9], $0x7000  }
0x13: {  	s21 =	simm.s32 $0x1;
	s22 =	simm.s32 $0x0;
	[sflag:s9] =	ssyncset.done $0x0  }
0x14: {  	s23 =	simm.s32 $0x0;
	s24 =	simm.s32 $0x0;
	[sflag:s9] =	ssyncadd.s32 $0xFFFF9000  }
0x15: {  	[tilespmem:s12], [sflag:$0x1] =	stream.indirect.gather [hbm4b:s2+s11], $0x80, s3, s11, $0xb8;
	[tilespmem:$0x15000] =	vst v63  }
.LBB2_2:
0x16: {  	s25 =	sshllo.u32 s24, $0x1;
	s26 =	smulhi.u32 $0x24924925, s21  }
0x17: {  	s1 =	smul.u32 $0x1C0, s25  }
0x18: {  	s28 =	smulhi.u32 $0x24924925, s22;
	s29 =	sshll.u32 s24, $0x1  }
0x19: {  	s30 =	smul.u32 $0x25, s29;
	s0 =	ssub.s32 s21, s26;
	s1 =	sshra.s32 s1, $0x2  }
0x1a: {  	[tilespmem:s13], [sflag:$0x2] =	stream.indirect.gather [hbm4b:s2+s11], $0x80, s1, s11, $0xb8;
	[tilespmem:$0x15000] =	vst v63  }
0x1b: {  	s30 =	sshrl.u32 s30, $0x8;
	s1 =	sshrl.u32 s0, $0x1;
	s0 =	ssub.s32 s22, s28  }
0x1c: {  	s29 =	ssub.s32 s29, s30;
	s1 =	sadd.s32 s26, s1;
	s26 =	sshrl.u32 s0, $0x1  }
0x1d: {  	p0 =	seq.s32 s24, $0x0;
	s26 =	sadd.s32 s28, s26;
	s28 =	sand.u32 $0xFE, s29  }
0x1e: {  	_ =	swait.ge [sflag:s14], $0x3800;
	s1 =	sshrl.u32 s1, $0x2;
	s28 =	sshrl.u32 s28, $0x1  }
0x1f: {  	[sflag:s14] =	ssyncset.done $0x0;
	s29 =	simm.s32 @!p0 $0x3;
	s28 =	sadd.s32 s30, s28  }
0x20: {  	s1 =	smul.u32 $0x310, s1;
	s26 =	sshrl.u32 s26, $0x2;
	s28 =	sand.u32 $0xFC, s28  }
0x21: {  	[sflag:s14] =	ssyncadd.s32 $0xFFFFC800;
	s30 =	smul.u32 $0x310, s26;
	s0 =	sshrl.u32 s28, $0x2  }
0x22: {  	s31 =	simm.s32 $0xD600;
	_ =	swait.ge @!p0 [sflag:s29], $0x700;
	v0 =	vmov s0  }
0x23: {  	[sflag:s29] =	ssyncset.done @!p0 $0x0;
	s26 =	ssub.s32 s23, s1;
	s28 =	ssub.s32 s23, s30;
	v1 =	vshrl.u32 v0, $0x3;
	v2 =	vshll.u32 v0, $0x7  }
0x24: {  	[sflag:s29] =	ssyncadd.s32 @!p0 $0xFFFFF900;
	s29 =	simm.s32 $0x0;
	s30 =	simm.s32 $0x14280;
	v0 =	vmul.u32 $0x1C00, v1;
	v1 =	vand.u32 $0x380, v2  }
.LBB2_3:
0x25: {  	v4 =	vld [tilespmem:s31+$0xFFFFFC10]  }
0x26: {  	v6 =	vld [tilespmem:s31+$0xFFFFFC20]  }
0x27: {  	v8 =	vld [tilespmem:s31+$0xFFFFFC30]  }
0x28: {  	s1 =	sadd.s32 s29, s28;
	v9 =	vld [tilespmem:s31+$0xFFFFFC40]  }
0x29: {  	v14 =	vld [tilespmem:s31+$0xFFFFFC50];
	v2 =	vmov s1  }
0x2a: {  	v15 =	vld [tilespmem:s31+$0xFFFFFC60];
	s0 =	sadd.s32 $0x1, s1;
	v3 =	vshll.u32 v2, $0x3  }
0x2b: {  	v17 =	vld [tilespmem:s31+$0xFFFFFC70];
	v2 =	vand.u32 $0x70, v2;
	v10 =	vmov s0;
	s0 =	sadd.s32 $0x2, s1;
	v3 =	vand.u32 $0x3C00, v3  }
0x2c: {  	v18 =	vld [tilespmem:s31+$0xFFFFFC80];
	v12 =	vshll.u32 v10, $0x3;
	v10 =	vand.u32 $0x71, v10;
	v62 =	vmov s0  }
0x2d: {  	v20 =	vld [tilespmem:s31+$0xFFFFFC90];
	s0 =	sadd.s32 $0x3, s1;
	v3 =	vadd.s32 v0, v3;
	v12 =	vand.u32 $0x7FFFFC00, v12;
	v63 =	vshll.u32 v62, $0x3  }
0x2e: {  	v58 =	vld [tilespmem:s31+$0xFFFFFCA0];
	v54 =	vmov s0;
	v2 =	vor.u32 v2, v3;
	v7 =	vunpack.i.u.bf16.f32 v4  }
0x2f: {  	v60 =	vld [tilespmem:s31+$0xFFFFFCB0];
	v4 =	vunpack.i.l.bf16.f32 v4;
	v11 =	vunpack.i.u.bf16.f32 v6;
	v6 =	vunpack.i.l.bf16.f32 v6  }
0x30: {  	v25 =	vld [tilespmem:s31+$0xFFFFFCC0];
	v13 =	vunpack.i.l.bf16.f32 v8;
	v12 =	vadd.s32 v0, v12;
	v8 =	vunpack.i.u.bf16.f32 v8  }
0x31: {  	v26 =	vld [tilespmem:s31+$0xFFFFFCD0];
	v55 =	vunpack.i.l.bf16.f32 v9;
	v9 =	vunpack.i.u.bf16.f32 v9;
	v16 =	vunpack.i.l.bf16.f32 v14  }
0x32: {  	v32 =	vld [tilespmem:s31+$0xFFFFFCE0];
	v14 =	vunpack.i.u.bf16.f32 v14;
	v19 =	vunpack.i.u.bf16.f32 v15;
	v2 =	vor.u32 v1, v2  }
0x33: {  	v35 =	vld [tilespmem:s31+$0xFFFFFCF0];
	v15 =	vunpack.i.l.bf16.f32 v15;
	v21 =	vunpack.i.l.bf16.f32 v17;
	v17 =	vunpack.i.u.bf16.f32 v17  }
0x34: {  	v36 =	vld [tilespmem:s31+$0xFFFFFD00];
	v22 =	vunpack.i.l.bf16.f32 v18;
	v56 =	vunpack.i.u.bf16.f32 v18;
	v23 =	vunpack.i.l.bf16.f32 v20  }
0x35: {  	v41 =	vld [tilespmem:s31+$0xFFFFFD10];
	v61 =	vunpack.i.u.bf16.f32 v20;
	v24 =	vunpack.i.u.bf16.f32 v58;
	v18 =	vand.u32 $0x7FFFFC00, v63  }
0x36: {  	v3 =	vld [tilespmem:s31+$0xFFFFFC00];
	v20 =	vand.u32 $0x72, v62;
	v27 =	vunpack.i.l.bf16.f32 v60;
	v29 =	vunpack.i.u.bf16.f32 v60  }
0x37: {  	v31 =	vunpack.i.l.bf16.f32 v25;
	v33 =	vunpack.i.u.bf16.f32 v25;
	v34 =	vunpack.i.l.bf16.f32 v26;
	v2 =	vld.idx.msk [tilespmem:v2+s10+$0x0], $0xffff  }
0x38: {  	v44 =	vld [tilespmem:s31+$0xFFFFFD20];
	v26 =	vunpack.i.u.bf16.f32 v26;
	v38 =	vunpack.i.u.bf16.f32 v32;
	v39 =	vunpack.i.l.bf16.f32 v32  }
0x39: {  	v51 =	vld [tilespmem:s31+$0xFFFFFD30];
	v40 =	vunpack.i.l.bf16.f32 v35;
	v42 =	vunpack.i.u.bf16.f32 v35;
	v10 =	vor.u32 v10, v12  }
0x3a: {  	v43 =	vunpack.i.l.bf16.f32 v36;
	v47 =	vunpack.i.u.bf16.f32 v36;
	v10 =	vor.u32 v1, v10  }
0x3b: {  	v48 =	vunpack.i.u.bf16.f32 v41;
	v5 =	vunpack.i.l.bf16.f32 v3;
	v3 =	vunpack.i.u.bf16.f32 v3  }
0x3c: {  	v49 =	vunpack.i.l.bf16.f32 v41;
	v5 =	vmul.f32 v5, v2;
	v3 =	vmul.f32 v3, v2  }
0x3d: {  	v50 =	vunpack.i.l.bf16.f32 v44;
	v62 =	vld [tilespmem:s31+$0xFFFFFD60];
	v4 =	vmul.f32 v4, v2;
	v7 =	vmul.f32 v7, v2  }
0x3e: {  	v60 =	vunpack.i.u.bf16.f32 v51;
	v63 =	vld [tilespmem:s31+$0xFFFFFD70];
	v6 =	vmul.f32 v6, v2;
	v11 =	vmul.f32 v11, v2  }
0x3f: {  	v18 =	vadd.s32 v0, v18;
	v10 =	vld.idx.msk [tilespmem:v10+s10+$0x0], $0xffff;
	v13 =	vmul.f32 v13, v2;
	v8 =	vmul.f32 v8, v2  }
0x40: {  	v18 =	vor.u32 v20, v18;
	v12 =	vmul.f32 v55, v2;
	v9 =	vmul.f32 v9, v2  }
0x41: {  	v18 =	vor.u32 v1, v18;
	v16 =	vmul.f32 v16, v2;
	v14 =	vmul.f32 v14, v2  }
0x42: {  	v35 =	vunpack.i.l.bf16.f32 v62;
	v15 =	vmul.f32 v15, v2;
	v19 =	vmul.f32 v19, v2  }
0x43: {  	v36 =	vunpack.i.l.bf16.f32 v63;
	v21 =	vmul.f32 v21, v2;
	v2 =	vmul.f32 v17, v2  }
0x44: {  	v55 =	vshll.u32 v54, $0x3;
	v57 =	vmul.f32 v22, v10;
	v17 =	vmul.f32 v56, v10  }
0x45: {  	v59 =	vmul.f32 v23, v10;
	v22 =	vunpack.i.l.bf16.f32 v58;
	v5 =	vadd.f32 $0.0e+00, v5  }
0x46: {  	v24 =	vmul.f32 v24, v10;
	v3 =	vadd.f32 $0.0e+00, v3;
	v4 =	vadd.f32 $0.0e+00, v4  }
0x47: {  	v28 =	vmul.f32 v27, v10;
	v7 =	vadd.f32 $0.0e+00, v7;
	v6 =	vadd.f32 $0.0e+00, v6  }
0x48: {  	v18 =	vld.idx.msk [tilespmem:v18+s10+$0x0], $0xffff;
	v30 =	vmul.f32 v29, v10;
	v11 =	vadd.f32 $0.0e+00, v11;
	v13 =	vadd.f32 $0.0e+00, v13  }
0x49: {  	v20 =	vmul.f32 v31, v10;
	v8 =	vadd.f32 $0.0e+00, v8;
	v12 =	vadd.f32 $0.0e+00, v12  }
0x4a: {  	v23 =	vmul.f32 v33, v10;
	v9 =	vadd.f32 $0.0e+00, v9;
	v16 =	vadd.f32 $0.0e+00, v16  }
0x4b: {  	v37 =	vmul.f32 v26, v10;
	v14 =	vadd.f32 $0.0e+00, v14;
	v15 =	vadd.f32 $0.0e+00, v15  }
0x4c: {  	v56 =	vunpack.i.u.bf16.f32 v44;
	v19 =	vadd.f32 $0.0e+00, v19;
	v21 =	vadd.f32 $0.0e+00, v21  }
0x4d: {  	v2 =	vadd.f32 $0.0e+00, v2;
	v22 =	vmul.f32 v22, v10;
	v45 =	vmul.f32 v43, v18  }
0x4e: {  	v52 =	vmul.f32 v50, v18;
	v5 =	vadd.f32 v57, v5;
	v3 =	vadd.f32 v17, v3  }
0x4f: {  	v53 =	vld [tilespmem:s31+$0xFFFFFD40];
	v58 =	vmul.f32 v56, v18;
	v4 =	vadd.f32 v59, v4;
	v6 =	vadd.f32 v22, v6  }
0x50: {  	v25 =	vmul.f32 v60, v18;
	v11 =	vadd.f32 v24, v11;
	v13 =	vadd.f32 v28, v13  }
0x51: {  	v17 =	vmul.f32 v61, v10;
	v8 =	vadd.f32 v30, v8;
	v12 =	vadd.f32 v20, v12  }
0x52: {  	v24 =	vmul.f32 v34, v10;
	v9 =	vadd.f32 v23, v9;
	v14 =	vadd.f32 v37, v14  }
0x53: {  	v20 =	vmul.f32 v39, v10;
	v22 =	vmul.f32 v40, v10;
	v57 =	vand.u32 $0x7FFFFC00, v55  }
0x54: {  	v23 =	vunpack.i.l.bf16.f32 v51;
	v61 =	vunpack.i.l.bf16.f32 v53;
	v34 =	vunpack.i.u.bf16.f32 v62  }
0x55: {  	v33 =	vld [tilespmem:s31+$0xFFFFFD80];
	v39 =	vunpack.i.u.bf16.f32 v63;
	v23 =	vmul.f32 v23, v18;
	v7 =	vadd.f32 v17, v7  }
0x56: {  	v16 =	vadd.f32 v24, v16;
	v17 =	vmul.f32 v38, v10;
	v15 =	vadd.f32 v20, v15  }
0x57: {  	v10 =	vmul.f32 v42, v10;
	v46 =	vadd.f32 v22, v21;
	v5 =	vadd.f32 v45, v5  }
0x58: {  	v21 =	vmul.f32 v49, v18;
	v20 =	vmul.f32 v48, v18;
	v6 =	vadd.f32 v52, v6  }
0x59: {  	v60 =	vld [tilespmem:s31+$0xFFFFFE00];
	v24 =	vand.u32 $0x73, v54;
	v22 =	vunpack.i.u.bf16.f32 v53;
	v11 =	vadd.f32 v58, v11  }
0x5a: {  	s0 =	sadd.s32 $0x4, s1;
	v59 =	vld [tilespmem:s31+$0xFFFFFD50];
	v8 =	vadd.f32 v25, v8;
	v38 =	vmul.f32 v36, v18;
	v40 =	vunpack.i.l.bf16.f32 v33  }
0x5b: {  	v37 =	vld [tilespmem:s31+$0xFFFFFD90];
	v41 =	vunpack.i.u.bf16.f32 v33;
	v48 =	vmov s0;
	v13 =	vadd.f32 v23, v13  }
0x5c: {  	v55 =	vld [tilespmem:s31+$0xFFFFFDE0];
	v29 =	vmul.f32 v22, v18;
	v2 =	vadd.f32 v10, v2;
	v10 =	vmul.f32 v47, v18  }
0x5d: {  	v28 =	vld [tilespmem:s31+$0xFFFFFE10];
	v23 =	vmul.f32 v34, v18;
	v50 =	vshll.u32 v48, $0x3;
	v17 =	vadd.f32 v17, v19  }
0x5e: {  	v42 =	vld [tilespmem:s31+$0xFFFFFDA0];
	v4 =	vadd.f32 v21, v4;
	v3 =	vadd.f32 v10, v3;
	v10 =	vadd.s32 v0, v57  }
0x5f: {  	v52 =	vld [tilespmem:s31+$0xFFFFFDD0];
	v7 =	vadd.f32 v20, v7;
	v19 =	vadd.f32 v38, v46;
	v10 =	vor.u32 v24, v10  }
0x60: {  	v58 =	vld [tilespmem:s31+$0xFFFFFDF0];
	v30 =	vunpack.i.l.bf16.f32 v59;
	v9 =	vadd.f32 v29, v9;
	v10 =	vor.u32 v1, v10  }
0x61: {  	v33 =	vld [tilespmem:s31+$0xFFFFFE20];
	v31 =	vunpack.i.u.bf16.f32 v59;
	v43 =	vunpack.i.u.bf16.f32 v37;
	v44 =	vunpack.i.l.bf16.f32 v37  }
0x62: {  	v62 =	vunpack.i.l.bf16.f32 v55;
	v38 =	vunpack.i.u.bf16.f32 v28;
	v32 =	vmul.f32 v30, v18  }
0x63: {  	v46 =	vld [tilespmem:s31+$0xFFFFFDB0];
	v20 =	vmul.f32 v31, v18;
	v17 =	vadd.f32 v23, v17;
	v31 =	vunpack.i.l.bf16.f32 v60  }
0x64: {  	v47 =	vld [tilespmem:s31+$0xFFFFFDC0];
	v24 =	vmul.f32 v61, v18;
	v49 =	vunpack.i.u.bf16.f32 v42;
	v22 =	vunpack.i.l.bf16.f32 v42  }
0x65: {  	v57 =	vunpack.i.l.bf16.f32 v52;
	v59 =	vunpack.i.u.bf16.f32 v52;
	v61 =	vunpack.i.u.bf16.f32 v55;
	v10 =	vld.idx.msk [tilespmem:v10+s10+$0x0], $0xffff  }
0x66: {  	v29 =	vunpack.i.l.bf16.f32 v58;
	v30 =	vunpack.i.u.bf16.f32 v58;
	v42 =	vunpack.i.u.bf16.f32 v33  }
0x67: {  	v16 =	vadd.f32 v32, v16;
	v14 =	vadd.f32 v20, v14;
	v32 =	vunpack.i.u.bf16.f32 v60  }
0x68: {  	v12 =	vadd.f32 v24, v12;
	v24 =	vmul.f32 v35, v18;
	v18 =	vmul.f32 v39, v18  }
0x69: {  	s0 =	sadd.s32 $0x5, s1;
	v58 =	vld [tilespmem:s31+$0xFFFFFE90];
	v51 =	vunpack.i.l.bf16.f32 v46;
	v54 =	vunpack.i.l.bf16.f32 v47;
	v35 =	vunpack.i.l.bf16.f32 v28  }
0x6a: {  	v39 =	vmov s0;
	v15 =	vadd.f32 v24, v15;
	v20 =	vmul.f32 v40, v10  }
0x6b: {  	v2 =	vadd.f32 v18, v2;
	v21 =	vmul.f32 v41, v10;
	v45 =	vmul.f32 v44, v10  }
0x6c: {  	v24 =	vunpack.i.u.bf16.f32 v46;
	v23 =	vmul.f32 v43, v10;
	v22 =	vmul.f32 v22, v10  }
0x6d: {  	v18 =	vunpack.i.u.bf16.f32 v47;
	v25 =	vmul.f32 v51, v10;
	v53 =	vmul.f32 v24, v10  }
0x6e: {  	v28 =	vunpack.i.u.bf16.f32 v58;
	v56 =	vmul.f32 v54, v10;
	v18 =	vmul.f32 v18, v10  }
0x6f: {  	v63 =	vmul.f32 v62, v10;
	v41 =	vshll.u32 v39, $0x3;
	v5 =	vadd.f32 v20, v5  }
0x70: {  	v37 =	vld [tilespmem:s31+$0xFFFFFE30];
	v3 =	vadd.f32 v21, v3;
	v7 =	vadd.f32 v23, v7;
	v23 =	vand.u32 $0x7FFFFC00, v50  }
0x71: {  	v4 =	vadd.f32 v45, v4;
	v20 =	vand.u32 $0x74, v48;
	v23 =	vadd.s32 v0, v23  }
0x72: {  	v21 =	vmul.f32 v49, v10;
	v6 =	vadd.f32 v22, v6;
	v20 =	vor.u32 v20, v23  }
0x73: {  	v52 =	vld [tilespmem:s31+$0xFFFFFE70];
	v13 =	vadd.f32 v25, v13;
	v8 =	vadd.f32 v53, v8;
	v20 =	vor.u32 v1, v20  }
0x74: {  	v43 =	vld [tilespmem:s31+$0xFFFFFE40];
	v12 =	vadd.f32 v56, v12;
	v9 =	vadd.f32 v18, v9;
	v25 =	vmul.f32 v61, v10  }
0x75: {  	v44 =	vld [tilespmem:s31+$0xFFFFFE50];
	v15 =	vadd.f32 v63, v15;
	v18 =	vmul.f32 v29, v10;
	v45 =	vunpack.i.l.bf16.f32 v37  }
0x76: {  	v49 =	vld [tilespmem:s31+$0xFFFFFE60];
	v29 =	vunpack.i.l.bf16.f32 v58;
	v11 =	vadd.f32 v21, v11;
	v21 =	vmul.f32 v57, v10  }
0x77: {  	v53 =	vld [tilespmem:s31+$0xFFFFFE80];
	v23 =	vmul.f32 v59, v10;
	v17 =	vadd.f32 v25, v17;
	v10 =	vmul.f32 v30, v10  }
0x78: {  	v18 =	vadd.f32 v18, v19;
	v19 =	vand.u32 $0x7FFFFC00, v41;
	v57 =	vunpack.i.l.bf16.f32 v52;
	v20 =	vld.idx.msk [tilespmem:v20+s10+$0x0], $0xffff  }
0x79: {  	v59 =	vunpack.i.u.bf16.f32 v52;
	v19 =	vadd.s32 v0, v19;
	v48 =	vunpack.i.l.bf16.f32 v43  }
0x7a: {  	v61 =	vld [tilespmem:s31+$0xFFFFFEA0];
	v50 =	vunpack.i.u.bf16.f32 v43;
	v51 =	vunpack.i.l.bf16.f32 v44;
	v16 =	vadd.f32 v21, v16  }
0x7b: {  	v52 =	vld [tilespmem:s31+$0xFFFFFF10];
	v26 =	vunpack.i.u.bf16.f32 v44;
	v14 =	vadd.f32 v23, v14;
	v2 =	vadd.f32 v10, v2  }
0x7c: {  	v23 =	vunpack.i.l.bf16.f32 v33;
	v21 =	vunpack.i.u.bf16.f32 v37;
	v33 =	vld [tilespmem:s31+$0xFFFFFEC0];
	v55 =	vunpack.i.u.bf16.f32 v49  }
0x7d: {  	v56 =	vunpack.i.l.bf16.f32 v49;
	v60 =	vunpack.i.l.bf16.f32 v53;
	v22 =	vmul.f32 v31, v20  }
0x7e: {  	v27 =	vunpack.i.u.bf16.f32 v53;
	v34 =	vmul.f32 v32, v20;
	v36 =	vmul.f32 v35, v20  }
0x7f: {  	v30 =	vunpack.i.l.bf16.f32 v61;
	v40 =	vmul.f32 v38, v20;
	v23 =	vmul.f32 v23, v20  }
0x80: {  	v58 =	vunpack.i.u.bf16.f32 v52;
	v24 =	vmul.f32 v42, v20;
	v46 =	vmul.f32 v45, v20  }
0x81: {  	v41 =	vunpack.i.l.bf16.f32 v33;
	v47 =	vmul.f32 v21, v20;
	v21 =	vmul.f32 v48, v20  }
0x82: {  	v54 =	vmul.f32 v26, v20;
	v5 =	vadd.f32 v22, v5;
	v3 =	vadd.f32 v34, v3  }
0x83: {  	v43 =	vld [tilespmem:s31+$0xFFFFFEF0];
	v4 =	vadd.f32 v36, v4;
	v22 =	vand.u32 $0x75, v39;
	v7 =	vadd.f32 v40, v7  }
0x84: {  	v6 =	vadd.f32 v23, v6;
	v11 =	vadd.f32 v24, v11;
	v19 =	vor.u32 v22, v19  }
0x85: {  	v10 =	vadd.f32 v46, v13;
	v23 =	vmul.f32 v50, v20;
	v19 =	vor.u32 v1, v19  }
0x86: {  	v24 =	vmul.f32 v51, v20;
	v8 =	vadd.f32 v47, v8;
	v12 =	vadd.f32 v21, v12  }
0x87: {  	s0 =	sadd.s32 $0x6, s1;
	v31 =	vld [tilespmem:s31+$0xFFFFFEB0];
	v13 =	vadd.f32 v54, v14;
	v21 =	vmul.f32 v56, v20;
	v14 =	vmul.f32 v55, v20  }
0x88: {  	v42 =	vld [tilespmem:s31+$0xFFFFFEE0];
	v34 =	vmov s0;
	v36 =	vunpack.i.u.bf16.f32 v61;
	v51 =	vunpack.i.l.bf16.f32 v43  }
0x89: {  	v48 =	vld [tilespmem:s31+$0xFFFFFF00];
	v54 =	vunpack.i.u.bf16.f32 v43;
	v22 =	vmul.f32 v57, v20;
	v20 =	vmul.f32 v59, v20  }
0x8a: {  	v35 =	vshll.u32 v34, $0x3;
	v9 =	vadd.f32 v23, v9;
	v16 =	vadd.f32 v24, v16;
	v19 =	vld.idx.msk [tilespmem:v19+s10+$0x0], $0xffff  }
0x8b: {  	v39 =	vld [tilespmem:s31+$0xFFFFFED0];
	v59 =	vunpack.i.l.bf16.f32 v52;
	v15 =	vadd.f32 v21, v15;
	v14 =	vadd.f32 v14, v17  }
0x8c: {  	v37 =	vand.u32 $0x7FFFFC00, v35;
	v24 =	vand.u32 $0x76, v34;
	v63 =	vadd.f32 v22, v18  }
0x8d: {  	v2 =	vadd.f32 v20, v2;
	v40 =	vunpack.i.u.bf16.f32 v31;
	v22 =	vunpack.i.u.bf16.f32 v33;
	v33 =	vld [tilespmem:s31+$0xFFFFFF60]  }
0x8e: {  	v23 =	vunpack.i.l.bf16.f32 v31;
	v49 =	vunpack.i.u.bf16.f32 v42;
	v50 =	vunpack.i.l.bf16.f32 v42;
	v42 =	vld [tilespmem:s31+$0xFFFFFF90]  }
0x8f: {  	v57 =	vld [tilespmem:s31+$0xFFFFFF20];
	v55 =	vunpack.i.l.bf16.f32 v48;
	v56 =	vunpack.i.u.bf16.f32 v48;
	v62 =	vmul.f32 v60, v19  }
0x90: {  	v45 =	vunpack.i.l.bf16.f32 v39;
	v18 =	vmul.f32 v27, v19;
	v21 =	vmul.f32 v29, v19  }
0x91: {  	v46 =	vunpack.i.u.bf16.f32 v39;
	v20 =	vmul.f32 v28, v19;
	v32 =	vmul.f32 v30, v19  }
0x92: {  	v39 =	vunpack.i.u.bf16.f32 v33;
	v38 =	vmul.f32 v36, v19;
	v23 =	vmul.f32 v23, v19  }
0x93: {  	v61 =	vld [tilespmem:s31+$0xFFFFFF30];
	v52 =	vunpack.i.u.bf16.f32 v42;
	v25 =	vmul.f32 v40, v19;
	v44 =	vmul.f32 v22, v19  }
0x94: {  	v47 =	vmul.f32 v45, v19;
	v53 =	vmul.f32 v51, v19;
	v27 =	vunpack.i.u.bf16.f32 v57  }
0x95: {  	v22 =	vunpack.i.l.bf16.f32 v57;
	v3 =	vadd.f32 v18, v3;
	v18 =	vadd.s32 v0, v37  }
0x96: {  	v5 =	vadd.f32 v62, v5;
	v4 =	vadd.f32 v21, v4;
	v18 =	vor.u32 v24, v18  }
0x97: {  	v7 =	vadd.f32 v20, v7;
	v6 =	vadd.f32 v32, v6;
	v18 =	vor.u32 v1, v18  }
0x98: {  	v29 =	vunpack.i.l.bf16.f32 v61;
	v11 =	vadd.f32 v38, v11;
	v10 =	vadd.f32 v23, v10  }
0x99: {  	v30 =	vld [tilespmem:s31+$0xFFFFFF50];
	v40 =	vunpack.i.l.bf16.f32 v33;
	v8 =	vadd.f32 v25, v8;
	v9 =	vadd.f32 v44, v9  }
0x9a: {  	s0 =	sadd.s32 $0x7, s1;
	v36 =	vld [tilespmem:s31+$0xFFFFFF70];
	v20 =	vmul.f32 v46, v19;
	v23 =	vmul.f32 v49, v19;
	v16 =	vadd.f32 v47, v16  }
0x9b: {  	v17 =	vadd.f32 v53, v63;
	v62 =	vld [tilespmem:s31+$0xFFFFFF40];
	v63 =	vmov s0;
	v24 =	vmul.f32 v41, v19  }
0x9c: {  	v49 =	vunpack.i.l.bf16.f32 v42;
	s0 =	sadd.s32 $0x8, s1;
	v28 =	vshll.u32 v63, $0x3;
	v13 =	vadd.f32 v20, v13;
	v18 =	vld.idx.msk [tilespmem:v18+s10+$0x0], $0xffff  }
0x9d: {  	v53 =	vmov s0;
	v14 =	vadd.f32 v23, v14;
	v12 =	vadd.f32 v24, v12  }
0x9e: {  	v38 =	vld [tilespmem:s31+$0xFFFFFF80];
	v24 =	vmul.f32 v50, v19;
	v19 =	vmul.f32 v54, v19;
	v35 =	vunpack.i.l.bf16.f32 v30  }
0x9f: {  	v51 =	vld [tilespmem:s31+$0xFFFFFFB0];
	v37 =	vunpack.i.u.bf16.f32 v30;
	v43 =	vunpack.i.l.bf16.f32 v36;
	v44 =	vunpack.i.u.bf16.f32 v36  }
0xa0: {  	v57 =	vld [tilespmem:s31+$0xFFFFFFC0];
	v15 =	vadd.f32 v24, v15;
	v2 =	vadd.f32 v19, v2;
	v24 =	vunpack.i.u.bf16.f32 v61  }
0xa1: {  	v47 =	vld [tilespmem:s31+$0xFFFFFFA0];
	v32 =	vunpack.i.l.bf16.f32 v62;
	v20 =	vmul.f32 v55, v18;
	v21 =	vmul.f32 v56, v18  }
0xa2: {  	v19 =	vunpack.i.u.bf16.f32 v62;
	v60 =	vmul.f32 v59, v18;
	v23 =	vmul.f32 v58, v18  }
0xa3: {  	v45 =	vunpack.i.l.bf16.f32 v38;
	v22 =	vmul.f32 v22, v18;
	v25 =	vmul.f32 v29, v18  }
0xa4: {  	v46 =	vunpack.i.u.bf16.f32 v38;
	v31 =	vmul.f32 v24, v18;
	v34 =	vmul.f32 v32, v18  }
0xa5: {  	v62 =	vunpack.i.l.bf16.f32 v57;
	v19 =	vmul.f32 v19, v18;
	v41 =	vmul.f32 v40, v18  }
0xa6: {  	v55 =	vshll.u32 v53, $0x3;
	v56 =	vunpack.i.u.bf16.f32 v47;
	v59 =	vunpack.i.l.bf16.f32 v51  }
0xa7: {  	v29 =	vunpack.i.u.bf16.f32 v57;
	v7 =	vadd.f32 v23, v7;
	v23 =	vand.u32 $0x7FFFFC00, v28  }
0xa8: {  	v5 =	vadd.f32 v20, v5;
	v20 =	vand.u32 $0x77, v63;
	v23 =	vadd.s32 v0, v23  }
0xa9: {  	v58 =	vld [tilespmem:s31+$0xFFFFFFD0];
	v3 =	vadd.f32 v21, v3;
	v4 =	vadd.f32 v60, v4;
	v20 =	vor.u32 v20, v23  }
0xaa: {  	v32 =	vld [tilespmem:s31+$0x0];
	v6 =	vadd.f32 v22, v6;
	v10 =	vadd.f32 v25, v10;
	v20 =	vor.u32 v1, v20  }
0xab: {  	v40 =	vld [tilespmem:s31+$0x20];
	v21 =	vmul.f32 v27, v18;
	v8 =	vadd.f32 v31, v8;
	v12 =	vadd.f32 v34, v12  }
0xac: {  	v57 =	vld [tilespmem:s31+$0x60];
	v9 =	vadd.f32 v19, v9;
	v25 =	vmul.f32 v39, v18;
	v19 =	vmul.f32 v43, v18  }
0xad: {  	v15 =	vadd.f32 v41, v15;
	v63 =	vld [tilespmem:s31+$0xFFFFFFE0];
	v11 =	vadd.f32 v21, v11;
	v21 =	vmul.f32 v35, v18  }
0xae: {  	v31 =	vld [tilespmem:s31+$0xFFFFFFF0];
	v23 =	vmul.f32 v37, v18;
	v17 =	vadd.f32 v19, v17;
	v19 =	vand.u32 $0x7FFFFC00, v55  }
0xaf: {  	v14 =	vadd.f32 v25, v14;
	v18 =	vmul.f32 v44, v18;
	v19 =	vadd.s32 v0, v19;
	v20 =	vld.idx.msk [tilespmem:v20+s10+$0x0], $0xffff  }
0xb0: {  	v30 =	vunpack.i.l.bf16.f32 v58;
	v26 =	vunpack.i.u.bf16.f32 v58;
	v39 =	vunpack.i.l.bf16.f32 v32  }
0xb1: {  	v37 =	vld [tilespmem:s31+$0x10];
	v42 =	vunpack.i.u.bf16.f32 v32;
	v28 =	vunpack.i.u.bf16.f32 v57;
	v16 =	vadd.f32 v21, v16  }
0xb2: {  	v13 =	vadd.f32 v23, v13;
	v2 =	vadd.f32 v18, v2;
	v23 =	vunpack.i.l.bf16.f32 v47  }
0xb3: {  	v21 =	vunpack.i.u.bf16.f32 v51;
	v36 =	vunpack.i.l.bf16.f32 v31;
	v38 =	vunpack.i.u.bf16.f32 v31;
	v31 =	vld [tilespmem:s31+$0x90]  }
0xb4: {  	v51 =	vunpack.i.u.bf16.f32 v40;
	v34 =	vunpack.i.u.bf16.f32 v63;
	v22 =	vmul.f32 v45, v20  }
0xb5: {  	v35 =	vunpack.i.l.bf16.f32 v63;
	v48 =	vmul.f32 v46, v20;
	v50 =	vmul.f32 v49, v20  }
0xb6: {  	v43 =	vunpack.i.u.bf16.f32 v37;
	v54 =	vmul.f32 v52, v20;
	v23 =	vmul.f32 v23, v20  }
0xb7: {  	v44 =	vunpack.i.l.bf16.f32 v37;
	v24 =	vmul.f32 v56, v20;
	v60 =	vmul.f32 v59, v20  }
0xb8: {  	v63 =	vld [tilespmem:s31+$0x80];
	v37 =	vunpack.i.u.bf16.f32 v31;
	v61 =	vmul.f32 v21, v20;
	v21 =	vmul.f32 v62, v20  }
0xb9: {  	s0 =	sadd.s32 $0x9, s1;
	v33 =	vmul.f32 v26, v20;
	v18 =	vmul.f32 v34, v20;
	v45 =	vunpack.i.l.bf16.f32 v40  }
0xba: {  	v49 =	vmov s0;
	v5 =	vadd.f32 v22, v5;
	v22 =	vand.u32 $0x78, v53  }
0xbb: {  	v3 =	vadd.f32 v48, v3;
	v4 =	vadd.f32 v50, v4;
	v19 =	vor.u32 v22, v19  }
0xbc: {  	v58 =	vld [tilespmem:s31+$0x70];
	v7 =	vadd.f32 v54, v7;
	v6 =	vadd.f32 v23, v6;
	v19 =	vor.u32 v1, v19  }
0xbd: {  	v34 =	vunpack.i.l.bf16.f32 v63;
	v11 =	vadd.f32 v24, v11;
	v10 =	vadd.f32 v60, v10  }
0xbe: {  	v23 =	vmul.f32 v29, v20;
	v24 =	vmul.f32 v30, v20;
	v8 =	vadd.f32 v61, v8  }
0xbf: {  	v46 =	vld [tilespmem:s31+$0x30];
	v12 =	vadd.f32 v21, v12;
	v13 =	vadd.f32 v33, v13;
	v21 =	vmul.f32 v35, v20  }
0xc0: {  	v14 =	vadd.f32 v18, v14;
	v48 =	vld [tilespmem:s31+$0x40];
	v50 =	vshll.u32 v49, $0x3;
	v29 =	vunpack.i.l.bf16.f32 v57  }
0xc1: {  	v30 =	vunpack.i.l.bf16.f32 v58;
	v33 =	vunpack.i.u.bf16.f32 v58;
	v35 =	vunpack.i.u.bf16.f32 v63;
	v19 =	vld.idx.msk [tilespmem:v19+s10+$0x0], $0xffff  }
0xc2: {  	v22 =	vmul.f32 v36, v20;
	v20 =	vmul.f32 v38, v20;
	v52 =	vand.u32 $0x7FFFFC00, v50  }
0xc3: {  	v54 =	vld [tilespmem:s31+$0x50];
	v38 =	vunpack.i.l.bf16.f32 v31;
	v9 =	vadd.f32 v23, v9;
	v16 =	vadd.f32 v24, v16  }
0xc4: {  	v15 =	vadd.f32 v21, v15;
	v24 =	vand.u32 $0x79, v49;
	v17 =	vadd.f32 v22, v17  }
0xc5: {  	v58 =	vld [tilespmem:s31+$0x110];
	v2 =	vadd.f32 v20, v2;
	v55 =	vunpack.i.u.bf16.f32 v46;
	v23 =	vunpack.i.l.bf16.f32 v46  }
0xc6: {  	v36 =	vld [tilespmem:s31+$0xA0];
	v56 =	vunpack.i.l.bf16.f32 v48;
	v41 =	vmul.f32 v39, v19;
	v18 =	vmul.f32 v42, v19  }
0xc7: {  	v40 =	vld [tilespmem:s31+$0xB0];
	v22 =	vunpack.i.u.bf16.f32 v48;
	v21 =	vmul.f32 v44, v19;
	v20 =	vmul.f32 v43, v19  }
0xc8: {  	v46 =	vld [tilespmem:s31+$0xD0];
	v60 =	vunpack.i.l.bf16.f32 v54;
	v47 =	vmul.f32 v45, v19;
	v53 =	vmul.f32 v51, v19  }
0xc9: {  	v61 =	vunpack.i.u.bf16.f32 v54;
	v23 =	vmul.f32 v23, v19;
	v25 =	vmul.f32 v55, v19  }
0xca: {  	s0 =	sadd.s32 $0xA, s1;
	v49 =	vld [tilespmem:s31+$0xE0];
	v31 =	vunpack.i.u.bf16.f32 v58;
	v59 =	vmul.f32 v22, v19;
	v62 =	vmul.f32 v60, v19  }
0xcb: {  	v32 =	vmul.f32 v30, v19;
	v42 =	vmov s0;
	v43 =	vunpack.i.u.bf16.f32 v36  }
0xcc: {  	v22 =	vunpack.i.l.bf16.f32 v36;
	v3 =	vadd.f32 v18, v3;
	v18 =	vadd.s32 v0, v52  }
0xcd: {  	v45 =	vunpack.i.l.bf16.f32 v40;
	v51 =	vunpack.i.l.bf16.f32 v46;
	v18 =	vor.u32 v24, v18  }
0xce: {  	v54 =	vld [tilespmem:s31+$0x100];
	v5 =	vadd.f32 v41, v5;
	v4 =	vadd.f32 v21, v4;
	v18 =	vor.u32 v1, v18  }
0xcf: {  	v55 =	vunpack.i.u.bf16.f32 v49;
	v7 =	vadd.f32 v20, v7;
	v6 =	vadd.f32 v47, v6  }
0xd0: {  	v44 =	vshll.u32 v42, $0x3;
	v11 =	vadd.f32 v53, v11;
	v10 =	vadd.f32 v23, v10  }
0xd1: {  	v8 =	vadd.f32 v25, v8;
	v9 =	vadd.f32 v59, v9;
	v20 =	vmul.f32 v61, v19  }
0xd2: {  	v23 =	vmul.f32 v28, v19;
	v16 =	vadd.f32 v62, v16;
	v17 =	vadd.f32 v32, v17;
	v41 =	vld [tilespmem:s31+$0xC0]  }
0xd3: {  	s0 =	sadd.s32 $0xB, s1;
	v53 =	vunpack.i.u.bf16.f32 v46;
	v61 =	vunpack.i.l.bf16.f32 v54;
	v24 =	vmul.f32 v56, v19;
	v18 =	vld.idx.msk [tilespmem:v18+s10+$0x0], $0xffff  }
0xd4: {  	v62 =	vunpack.i.u.bf16.f32 v54;
	v28 =	vunpack.i.l.bf16.f32 v58;
	v32 =	vmov s0  }
0xd5: {  	v52 =	vld [tilespmem:s31+$0xF0];
	v12 =	vadd.f32 v24, v12;
	v24 =	vmul.f32 v29, v19;
	v19 =	vmul.f32 v33, v19  }
0xd6: {  	v63 =	vld [tilespmem:s31+$0x120];
	v56 =	vunpack.i.l.bf16.f32 v49;
	v13 =	vadd.f32 v20, v13;
	v14 =	vadd.f32 v23, v14  }
0xd7: {  	v36 =	vld [tilespmem:s31+$0x140];
	v15 =	vadd.f32 v24, v15;
	v2 =	vadd.f32 v19, v2;
	v24 =	vunpack.i.u.bf16.f32 v40  }
0xd8: {  	v30 =	vld [tilespmem:s31+$0x130];
	v48 =	vunpack.i.l.bf16.f32 v41;
	v20 =	vmul.f32 v34, v18;
	v21 =	vmul.f32 v35, v18  }
0xd9: {  	v46 =	vld [tilespmem:s31+$0x180];
	v19 =	vunpack.i.u.bf16.f32 v41;
	v39 =	vmul.f32 v38, v18;
	v23 =	vmul.f32 v37, v18  }
0xda: {  	v59 =	vunpack.i.l.bf16.f32 v52;
	v22 =	vmul.f32 v22, v18;
	v25 =	vmul.f32 v45, v18  }
0xdb: {  	v60 =	vunpack.i.u.bf16.f32 v52;
	v47 =	vmul.f32 v24, v18;
	v50 =	vmul.f32 v48, v18  }
0xdc: {  	v41 =	vunpack.i.l.bf16.f32 v36;
	v19 =	vmul.f32 v19, v18;
	v57 =	vmul.f32 v56, v18  }
0xdd: {  	v34 =	vshll.u32 v32, $0x3;
	v35 =	vunpack.i.u.bf16.f32 v63;
	v38 =	vunpack.i.l.bf16.f32 v30  }
0xde: {  	v56 =	vunpack.i.u.bf16.f32 v46;
	v7 =	vadd.f32 v23, v7;
	v23 =	vand.u32 $0x7FFFFC00, v44  }
0xdf: {  	v54 =	vld [tilespmem:s31+$0x1A0];
	v5 =	vadd.f32 v20, v5;
	v20 =	vand.u32 $0x7A, v42;
	v23 =	vadd.s32 v0, v23  }
0xe0: {  	v3 =	vadd.f32 v21, v3;
	v4 =	vadd.f32 v39, v4;
	v20 =	vor.u32 v20, v23  }
0xe1: {  	v6 =	vadd.f32 v22, v6;
	v10 =	vadd.f32 v25, v10;
	v20 =	vor.u32 v1, v20  }
0xe2: {  	v37 =	vld [tilespmem:s31+$0x150];
	v21 =	vmul.f32 v43, v18;
	v8 =	vadd.f32 v47, v8;
	v12 =	vadd.f32 v50, v12  }
0xe3: {  	v45 =	vld [tilespmem:s31+$0x170];
	v9 =	vadd.f32 v19, v9;
	v25 =	vmul.f32 v55, v18;
	v15 =	vadd.f32 v57, v15  }
0xe4: {  	v19 =	vmul.f32 v59, v18;
	v43 =	vunpack.i.u.bf16.f32 v36;
	v59 =	vunpack.i.l.bf16.f32 v54  }
0xe5: {  	v42 =	vld [tilespmem:s31+$0x160];
	v11 =	vadd.f32 v21, v11;
	v21 =	vmul.f32 v51, v18;
	v23 =	vmul.f32 v53, v18  }
0xe6: {  	v14 =	vadd.f32 v25, v14;
	v17 =	vadd.f32 v19, v17;
	v19 =	vand.u32 $0x7FFFFC00, v34;
	v20 =	vld.idx.msk [tilespmem:v20+s10+$0x0], $0xffff  }
0xe7: {  	v18 =	vmul.f32 v60, v18;
	v53 =	vunpack.i.l.bf16.f32 v46;
	v19 =	vadd.s32 v0, v19  }
0xe8: {  	v51 =	vld [tilespmem:s31+$0x190];
	v44 =	vunpack.i.l.bf16.f32 v37;
	v26 =	vunpack.i.u.bf16.f32 v37;
	v50 =	vunpack.i.l.bf16.f32 v45  }
0xe9: {  	v52 =	vunpack.i.u.bf16.f32 v45;
	v16 =	vadd.f32 v21, v16;
	v13 =	vadd.f32 v23, v13  }
0xea: {  	s0 =	sadd.s32 $0xC, s1;
	v45 =	vld [tilespmem:s31+$0x210];
	v2 =	vadd.f32 v18, v2;
	v23 =	vunpack.i.l.bf16.f32 v63;
	v21 =	vunpack.i.u.bf16.f32 v30  }
0xeb: {  	v63 =	vmov s0;
	v48 =	vunpack.i.u.bf16.f32 v42;
	v22 =	vmul.f32 v61, v20  }
0xec: {  	v49 =	vunpack.i.l.bf16.f32 v42;
	v27 =	vmul.f32 v62, v20;
	v29 =	vmul.f32 v28, v20  }
0xed: {  	v57 =	vunpack.i.u.bf16.f32 v51;
	v33 =	vmul.f32 v31, v20;
	v23 =	vmul.f32 v23, v20  }
0xee: {  	v58 =	vunpack.i.l.bf16.f32 v51;
	v24 =	vmul.f32 v35, v20;
	v39 =	vmul.f32 v38, v20  }
0xef: {  	v51 =	vunpack.i.u.bf16.f32 v45;
	v40 =	vmul.f32 v21, v20;
	v21 =	vmul.f32 v41, v20  }
0xf0: {  	v47 =	vmul.f32 v26, v20;
	v18 =	vmul.f32 v48, v20;
	v28 =	vshll.u32 v63, $0x3  }
0xf1: {  	v36 =	vld [tilespmem:s31+$0x1F0];
	v30 =	vand.u32 $0x7FFFFC00, v28;
	v5 =	vadd.f32 v22, v5;
	v22 =	vand.u32 $0x7B, v32  }
0xf2: {  	v60 =	vld [tilespmem:s31+$0x1B0];
	v3 =	vadd.f32 v27, v3;
	v4 =	vadd.f32 v29, v4;
	v19 =	vor.u32 v22, v19  }
0xf3: {  	v7 =	vadd.f32 v33, v7;
	v6 =	vadd.f32 v23, v6;
	v19 =	vor.u32 v1, v19  }
0xf4: {  	v11 =	vadd.f32 v24, v11;
	v10 =	vadd.f32 v39, v10;
	v23 =	vmul.f32 v43, v20  }
0xf5: {  	v62 =	vld [tilespmem:s31+$0x1C0];
	v24 =	vmul.f32 v44, v20;
	v8 =	vadd.f32 v40, v8;
	v12 =	vadd.f32 v21, v12  }
0xf6: {  	v35 =	vld [tilespmem:s31+$0x1E0];
	v13 =	vadd.f32 v47, v13;
	v21 =	vmul.f32 v49, v20;
	v14 =	vadd.f32 v18, v14  }
0xf7: {  	v41 =	vld [tilespmem:s31+$0x200];
	v29 =	vunpack.i.u.bf16.f32 v54;
	v33 =	vunpack.i.u.bf16.f32 v60;
	v44 =	vunpack.i.l.bf16.f32 v36  }
0xf8: {  	v47 =	vunpack.i.u.bf16.f32 v36;
	v22 =	vmul.f32 v50, v20;
	v20 =	vmul.f32 v52, v20;
	v19 =	vld.idx.msk [tilespmem:v19+s10+$0x0], $0xffff  }
0xf9: {  	v32 =	vld [tilespmem:s31+$0x1D0];
	v52 =	vunpack.i.l.bf16.f32 v45;
	v9 =	vadd.f32 v23, v9;
	v16 =	vadd.f32 v24, v16  }
0xfa: {  	v15 =	vadd.f32 v21, v15;
	v24 =	vand.u32 $0x7C, v63;
	v23 =	vunpack.i.l.bf16.f32 v60  }
0xfb: {  	v60 =	vld [tilespmem:s31+$0x250];
	v17 =	vadd.f32 v22, v17;
	v2 =	vadd.f32 v20, v2;
	v34 =	vunpack.i.l.bf16.f32 v62  }
0xfc: {  	v63 =	vld [tilespmem:s31+$0x260];
	v22 =	vunpack.i.u.bf16.f32 v62;
	v42 =	vunpack.i.u.bf16.f32 v35;
	v43 =	vunpack.i.l.bf16.f32 v35  }
0xfd: {  	v48 =	vunpack.i.l.bf16.f32 v41;
	v49 =	vunpack.i.u.bf16.f32 v41;
	v55 =	vmul.f32 v53, v19  }
0xfe: {  	v38 =	vunpack.i.l.bf16.f32 v32;
	v18 =	vmul.f32 v56, v19;
	v21 =	vmul.f32 v58, v19  }
0xff: {  	v50 =	vld [tilespmem:s31+$0x220];
	v39 =	vunpack.i.u.bf16.f32 v32;
	v20 =	vmul.f32 v57, v19;
	v61 =	vmul.f32 v59, v19  }
0x100: {  	v32 =	vunpack.i.u.bf16.f32 v60;
	v31 =	vmul.f32 v29, v19;
	v23 =	vmul.f32 v23, v19  }
0x101: {  	v54 =	vld [tilespmem:s31+$0x230];
	v35 =	vunpack.i.l.bf16.f32 v63;
	v25 =	vmul.f32 v33, v19;
	v37 =	vmul.f32 v22, v19  }
0x102: {  	s0 =	sadd.s32 $0xD, s1;
	v40 =	vmul.f32 v38, v19;
	v3 =	vadd.f32 v18, v3;
	v18 =	vadd.s32 v0, v30  }
0x103: {  	v46 =	vmul.f32 v44, v19;
	v56 =	vmov s0;
	v18 =	vor.u32 v24, v18  }
0x104: {  	v57 =	vunpack.i.u.bf16.f32 v50;
	v5 =	vadd.f32 v55, v5;
	v18 =	vor.u32 v1, v18  }
0x105: {  	v22 =	vunpack.i.l.bf16.f32 v50;
	v4 =	vadd.f32 v21, v4;
	v7 =	vadd.f32 v20, v7  }
0x106: {  	v59 =	vunpack.i.l.bf16.f32 v54;
	v6 =	vadd.f32 v61, v6;
	v11 =	vadd.f32 v31, v11  }
0x107: {  	v33 =	vld [tilespmem:s31+$0x280];
	v58 =	vshll.u32 v56, $0x3;
	v10 =	vadd.f32 v23, v10;
	v8 =	vadd.f32 v25, v8  }
0x108: {  	v9 =	vadd.f32 v37, v9;
	v20 =	vmul.f32 v39, v19;
	v23 =	vmul.f32 v42, v19;
	v55 =	vld [tilespmem:s31+$0x240]  }
0x109: {  	v16 =	vadd.f32 v40, v16;
	v17 =	vadd.f32 v46, v17;
	v24 =	vmul.f32 v34, v19;
	v18 =	vld.idx.msk [tilespmem:v18+s10+$0x0], $0xffff  }
0x10a: {  	v30 =	vunpack.i.l.bf16.f32 v60;
	v31 =	vld [tilespmem:s31+$0x270];
	v34 =	vunpack.i.u.bf16.f32 v63;
	v13 =	vadd.f32 v20, v13  }
0x10b: {  	v12 =	vadd.f32 v24, v12;
	v24 =	vmul.f32 v43, v19;
	v19 =	vmul.f32 v47, v19  }
0x10c: {  	v37 =	vld [tilespmem:s31+$0x290];
	v14 =	vadd.f32 v23, v14;
	v40 =	vunpack.i.l.bf16.f32 v33;
	v41 =	vunpack.i.u.bf16.f32 v33  }
0x10d: {  	v15 =	vadd.f32 v24, v15;
	v2 =	vadd.f32 v19, v2;
	v24 =	vunpack.i.u.bf16.f32 v54  }
0x10e: {  	v42 =	vld [tilespmem:s31+$0x2A0];
	v62 =	vunpack.i.l.bf16.f32 v55;
	v19 =	vunpack.i.u.bf16.f32 v55;
	v20 =	vmul.f32 v48, v18  }
0x10f: {  	v38 =	vunpack.i.l.bf16.f32 v31;
	v54 =	vld [tilespmem:s31+$0x2D0];
	v21 =	vmul.f32 v49, v18;
	v53 =	vmul.f32 v52, v18  }
0x110: {  	v39 =	vunpack.i.u.bf16.f32 v31;
	v23 =	vmul.f32 v51, v18;
	v22 =	vmul.f32 v22, v18  }
0x111: {  	v60 =	vld [tilespmem:s31+$0x2F0];
	v44 =	vunpack.i.l.bf16.f32 v37;
	v25 =	vmul.f32 v59, v18;
	v61 =	vmul.f32 v24, v18  }
0x112: {  	s0 =	sadd.s32 $0xE, s1;
	v47 =	vunpack.i.u.bf16.f32 v37;
	v29 =	vmul.f32 v62, v18;
	v19 =	vmul.f32 v19, v18  }
0x113: {  	v36 =	vmul.f32 v35, v18;
	v48 =	vmov s0;
	v51 =	vunpack.i.u.bf16.f32 v42  }
0x114: {  	v62 =	vunpack.i.l.bf16.f32 v54;
	v7 =	vadd.f32 v23, v7;
	v23 =	vand.u32 $0x7FFFFC00, v58  }
0x115: {  	v46 =	vld [tilespmem:s31+$0x2B0];
	v5 =	vadd.f32 v20, v5;
	v20 =	vand.u32 $0x7D, v56;
	v23 =	vadd.s32 v0, v23  }
0x116: {  	v63 =	vld [tilespmem:s31+$0x300];
	v35 =	vunpack.i.l.bf16.f32 v60;
	v3 =	vadd.f32 v21, v3;
	v20 =	vor.u32 v20, v23  }
0x117: {  	v4 =	vadd.f32 v53, v4;
	v6 =	vadd.f32 v22, v6;
	v20 =	vor.u32 v1, v20  }
0x118: {  	v50 =	vshll.u32 v48, $0x3;
	v10 =	vadd.f32 v25, v10;
	v8 =	vadd.f32 v61, v8  }
0x119: {  	v21 =	vmul.f32 v57, v18;
	v12 =	vadd.f32 v29, v12;
	v9 =	vadd.f32 v19, v9  }
0x11a: {  	v52 =	vld [tilespmem:s31+$0x2C0];
	v25 =	vmul.f32 v34, v18;
	v15 =	vadd.f32 v36, v15;
	v19 =	vmul.f32 v38, v18  }
0x11b: {  	v53 =	vunpack.i.l.bf16.f32 v46;
	v61 =	vunpack.i.u.bf16.f32 v54;
	v36 =	vunpack.i.l.bf16.f32 v63  }
0x11c: {  	v38 =	vunpack.i.u.bf16.f32 v63;
	v11 =	vadd.f32 v21, v11;
	v21 =	vmul.f32 v30, v18;
	v20 =	vld.idx.msk [tilespmem:v20+s10+$0x0], $0xffff  }
0x11d: {  	v56 =	vld [tilespmem:s31+$0x2E0];
	v23 =	vmul.f32 v32, v18;
	v17 =	vadd.f32 v19, v17;
	v19 =	vand.u32 $0x7FFFFC00, v50  }
0x11e: {  	v14 =	vadd.f32 v25, v14;
	v18 =	vmul.f32 v39, v18;
	v19 =	vadd.s32 v0, v19  }
0x11f: {  	v58 =	vunpack.i.l.bf16.f32 v52;
	v59 =	vunpack.i.u.bf16.f32 v52;
	v16 =	vadd.f32 v21, v16  }
0x120: {  	v13 =	vadd.f32 v23, v13;
	v2 =	vadd.f32 v18, v2;
	v23 =	vunpack.i.l.bf16.f32 v42  }
0x121: {  	v21 =	vunpack.i.u.bf16.f32 v46;
	v22 =	vmul.f32 v40, v20;
	v43 =	vmul.f32 v41, v20  }
0x122: {  	v33 =	vld [tilespmem:s31+$0x310];
	v30 =	vunpack.i.l.bf16.f32 v56;
	v45 =	vmul.f32 v44, v20;
	v49 =	vmul.f32 v47, v20  }
0x123: {  	v42 =	vld [tilespmem:s31+$0x330];
	v32 =	vunpack.i.u.bf16.f32 v56;
	v23 =	vmul.f32 v23, v20;
	v24 =	vmul.f32 v51, v20  }
0x124: {  	v52 =	vld [tilespmem:s31+$0x350];
	v55 =	vmul.f32 v53, v20;
	v5 =	vadd.f32 v22, v5;
	v22 =	vand.u32 $0x7E, v48  }
0x125: {  	v57 =	vmul.f32 v21, v20;
	v21 =	vmul.f32 v58, v20;
	v19 =	vor.u32 v22, v19  }
0x126: {  	v18 =	vmul.f32 v59, v20;
	v31 =	vmul.f32 v30, v20;
	v19 =	vor.u32 v1, v19  }
0x127: {  	s1 =	sadd.s32 $0xF, s1;
	v34 =	vmul.f32 v32, v20;
	v40 =	vunpack.i.l.bf16.f32 v33;
	v41 =	vunpack.i.u.bf16.f32 v33  }
0x128: {  	v44 =	vmov s1;
	v51 =	vunpack.i.l.bf16.f32 v42;
	v3 =	vadd.f32 v43, v3  }
0x129: {  	v37 =	vld [tilespmem:s31+$0x320];
	v59 =	vunpack.i.l.bf16.f32 v52;
	v4 =	vadd.f32 v45, v4;
	v7 =	vadd.f32 v49, v7  }
0x12a: {  	v46 =	vld [tilespmem:s31+$0x340];
	v47 =	vshll.u32 v44, $0x3;
	v6 =	vadd.f32 v23, v6;
	v11 =	vadd.f32 v24, v11  }
0x12b: {  	v10 =	vadd.f32 v55, v10;
	v8 =	vadd.f32 v57, v8;
	v24 =	vmul.f32 v62, v20;
	v19 =	vld.idx.msk [tilespmem:v19+s10+$0x0], $0xffff  }
0x12c: {  	v54 =	vld [tilespmem:s31+$0x360];
	v23 =	vmul.f32 v61, v20;
	v12 =	vadd.f32 v21, v12;
	v9 =	vadd.f32 v18, v9  }
0x12d: {  	v15 =	vadd.f32 v31, v15;
	v21 =	vmul.f32 v35, v20;
	v14 =	vadd.f32 v34, v14  }
0x12e: {  	v43 =	vunpack.i.l.bf16.f32 v37;
	v48 =	vunpack.i.u.bf16.f32 v37;
	v22 =	vunpack.i.u.bf16.f32 v60  }
0x12f: {  	v49 =	vand.u32 $0x7F, v44;
	v55 =	vunpack.i.u.bf16.f32 v46;
	v20 =	vmul.f32 v22, v20  }
0x130: {  	v58 =	vld [tilespmem:s31+$0x370];
	v61 =	vunpack.i.u.bf16.f32 v52;
	v16 =	vadd.f32 v24, v16;
	v24 =	vmul.f32 v36, v19  }
0x131: {  	v62 =	vunpack.i.l.bf16.f32 v54;
	v13 =	vadd.f32 v23, v13;
	v2 =	vadd.f32 v20, v2  }
0x132: {  	v32 =	vld [tilespmem:s31+$0x3A0];
	v20 =	vmul.f32 v40, v19;
	v5 =	vadd.f32 v24, v5;
	v24 =	vand.u32 $0x7FFFFC00, v47  }
0x133: {  	v60 =	vld [tilespmem:s31+$0x380];
	v17 =	vadd.f32 v21, v17;
	v21 =	vunpack.i.u.bf16.f32 v42;
	v50 =	vadd.s32 v0, v24  }
0x134: {  	v22 =	vunpack.i.l.bf16.f32 v46;
	v4 =	vadd.f32 v20, v4;
	v20 =	vor.u32 v49, v50  }
0x135: {  	v30 =	vunpack.i.l.bf16.f32 v58;
	v39 =	vmul.f32 v38, v19;
	v20 =	vor.u32 v1, v20  }
0x136: {  	v63 =	vld [tilespmem:s31+$0x390];
	v33 =	vunpack.i.u.bf16.f32 v58;
	v18 =	vmul.f32 v41, v19;
	v45 =	vmul.f32 v43, v19  }
0x137: {  	v44 =	vunpack.i.l.bf16.f32 v32;
	v53 =	vmul.f32 v51, v19;
	v21 =	vmul.f32 v21, v19  }
0x138: {  	v28 =	vld [tilespmem:s31+$0x3F0];
	v34 =	vunpack.i.l.bf16.f32 v60;
	v56 =	vmul.f32 v22, v19;
	v57 =	vmul.f32 v55, v19  }
0x139: {  	v42 =	vld [tilespmem:s31+$0x3E0];
	v22 =	vmul.f32 v61, v19;
	v23 =	vmul.f32 v62, v19;
	v3 =	vadd.f32 v39, v3  }
0x13a: {  	v31 =	vmul.f32 v30, v19;
	v7 =	vadd.f32 v18, v7;
	v6 =	vadd.f32 v45, v6;
	v20 =	vld.idx.msk [tilespmem:v20+s10+$0x0], $0xffff  }
0x13b: {  	v41 =	vunpack.i.u.bf16.f32 v63;
	v10 =	vadd.f32 v53, v10;
	v8 =	vadd.f32 v21, v8  }
0x13c: {  	v18 =	vmul.f32 v48, v19;
	v12 =	vadd.f32 v56, v12;
	v9 =	vadd.f32 v57, v9  }
0x13d: {  	v40 =	vld [tilespmem:s31+$0x3D0];
	v13 =	vadd.f32 v22, v13;
	v17 =	vadd.f32 v31, v17;
	v21 =	vunpack.i.u.bf16.f32 v60  }
0x13e: {  	v39 =	vunpack.i.l.bf16.f32 v63;
	v45 =	vunpack.i.u.bf16.f32 v32;
	v56 =	vunpack.i.u.bf16.f32 v42  }
0x13f: {  	v60 =	vunpack.i.u.bf16.f32 v28;
	v24 =	vunpack.i.u.bf16.f32 v54;
	v36 =	vmul.f32 v34, v20  }
0x140: {  	v11 =	vadd.f32 v18, v11;
	v18 =	vmul.f32 v59, v19;
	v38 =	vmul.f32 v21, v20  }
0x141: {  	v29 =	vmul.f32 v24, v19;
	v21 =	vmul.f32 v39, v20;
	v5 =	vadd.f32 v36, v5  }
0x142: {  	v35 =	vld [tilespmem:s31+$0x3B0];
	v52 =	vunpack.i.u.bf16.f32 v40;
	v43 =	vmul.f32 v41, v20;
	v3 =	vadd.f32 v38, v3  }
0x143: {  	v37 =	vld [tilespmem:s31+$0x3C0];
	v16 =	vadd.f32 v18, v16;
	v46 =	vmul.f32 v44, v20;
	v4 =	vadd.f32 v21, v4;
	[tilespmem:s30+$0xFFFFFF80] =	vst v5  }
0x144: {  	v18 =	vmul.f32 v33, v19;
	v53 =	vmul.f32 v52, v20;
	v7 =	vadd.f32 v43, v7;
	[tilespmem:s30+$0x0] =	vst v3  }
0x145: {  	v14 =	vadd.f32 v29, v14;
	v58 =	vmul.f32 v56, v20;
	v6 =	vadd.f32 v46, v6;
	[tilespmem:s30+$0xFFFFFF90] =	vst v4  }
0x146: {  	v2 =	vadd.f32 v18, v2;
	v62 =	vmul.f32 v60, v20;
	v57 =	vadd.f32 v53, v13;
	[tilespmem:s30+$0x10] =	vst v7  }
0x147: {  	v47 =	vunpack.i.u.bf16.f32 v35;
	v61 =	vadd.f32 v58, v14;
	v5 =	vmul.f32 v45, v20;
	[tilespmem:s30+$0xFFFFFFA0] =	vst v6  }
0x148: {  	v48 =	vunpack.i.l.bf16.f32 v37;
	v2 =	vadd.f32 v62, v2;
	v4 =	vmul.f32 v47, v20;
	[tilespmem:s30+$0x50] =	vst v57  }
0x149: {  	v3 =	vunpack.i.l.bf16.f32 v35;
	v7 =	vmul.f32 v48, v20;
	[tilespmem:s30+$0x60] =	vst v61;
	v5 =	vadd.f32 v5, v11  }
0x14a: {  	v50 =	vunpack.i.l.bf16.f32 v40;
	[tilespmem:s30+$0x70] =	vst v2;
	v3 =	vmul.f32 v3, v20;
	v4 =	vadd.f32 v4, v8  }
0x14b: {  	v49 =	vunpack.i.u.bf16.f32 v37;
	v51 =	vadd.f32 v7, v12;
	v8 =	vmul.f32 v50, v20;
	[tilespmem:s30+$0x20] =	vst v5  }
0x14c: {  	v59 =	vunpack.i.l.bf16.f32 v28;
	v6 =	vmul.f32 v49, v20;
	v3 =	vadd.f32 v3, v10;
	[tilespmem:s30+$0x30] =	vst v4  }
0x14d: {  	p1 =	sne.s32 s29, $0x60;
	v54 =	vunpack.i.l.bf16.f32 v42;
	v55 =	vadd.f32 v8, v16;
	[tilespmem:s30+$0xFFFFFFC0] =	vst v51;
	v8 =	vmul.f32 v59, v20  }
.Ltmp0:
0x14e: {  	v15 =	vadd.f32 v23, v15;
	v7 =	vmul.f32 v54, v20;
	[tilespmem:s30+$0xFFFFFFB0] =	vst v3;
	v3 =	vadd.f32 v6, v9;
	(pc) =	sbr.rel @p1 .LBB2_3-.Ltmp0, $4  }
0x14f: {  	[tilespmem:s30+$0xFFFFFFD0] =	vst v55;
	v63 =	vadd.f32 v8, v17  }
0x150: {  	[tilespmem:s30+$0x40] =	vst v3;
	v3 =	vadd.f32 v7, v15  }
0x151: {  	[tilespmem:s30+$0xFFFFFFF0] =	vst v63  }
0x152: {  	s29 =	sadd.s32 $0x10, s29;
	s31 =	sadd.s32 $0x800, s31;
	[tilespmem:s30+$0xFFFFFFE0] =	vst v3;
	s30 =	sadd.s32 $0x100, s30  }
0x153: {  	s0 =	smul.u32 $0xE, s24;
	p1 =	sne.s32 s24, $0x6F  }
.Ltmp1:
0x154: {  	_ = 	snop;
	(pc) =	sbr.rel @p1 .LBB2_6-.Ltmp1, $4  }
0x155: {  	s0 =	sadd.s32 s5, s0  }
0x156: {  	s0 =	sshll.u32 s0, $0x5  }
0x157: {  	s0 =	sadd.s32 s4, s0  }
0x158: {  	[hbm4b:s0+s3] =	stream.linear.scatter [tilespmem:s15], [sflag:$0x3], $0x700, $0x38;
	[tilespmem:$0x15000] =	vst v63  }
.Ltmp2:
0x159: {  	(pc) =	sbr.rel .LBB2_7-.Ltmp2, $4  }
0x15a: {  	_ = 	snop  }
0x15b: {  	_ =	swait.ge [sflag:s16], $0x3800  }
0x15c: {  	[sflag:s16] =	ssyncset.done $0x0  }
0x15d: {  	[sflag:s16] =	ssyncadd.s32 $0xFFFFC800  }
.LBB2_6:
0x15e: {  	s0 =	smul.u32 $0x380, s24;
	_ =	sdelay $0x1  }
0x15f: {  	s0 =	sshra.s32 s0, $0x2  }
.Ltmp3:
0x160: {  	s0 =	sadd.s32 $0xE0, s0;
	(pc) =	sbr.rel @p0 .LBB2_8-.Ltmp3, $4  }
0x161: {  	[tilespmem:s12], [sflag:$0x1] =	stream.indirect.gather [hbm4b:s2+s11], $0x80, s0, s11, $0xb8;
	[tilespmem:$0x15000] =	vst v63  }
0x162: {  	_ =	swait.ge [sflag:s16], $0x3800  }
0x163: {  	[sflag:s16] =	ssyncset.done $0x0  }
0x164: {  	[sflag:s16] =	ssyncadd.s32 $0xFFFFC800  }
.LBB2_7:
0x165: {  	_ =	swait.ge [sflag:s17], $0x700  }
0x166: {  	[sflag:s17] =	ssyncset.done $0x0  }
0x167: {  	[sflag:s17] =	ssyncadd.s32 $0xFFFFF900  }
.LBB2_8:
0x168: {  	s0 =	smulhi.u32 $0x92492493, s25;
	_ =	sdelay $0x1  }
0x169: {  	s0 =	sshrl.u32 s0, $0x2  }
0x16a: {  	v0 =	vmov s0  }
0x16b: {  	v1 =	vshrl.u32 v0, $0x3;
	v2 =	vshll.u32 v0, $0x7  }
0x16c: {  	s28 =	simm.s32 $0x0;
	s29 =	simm.s32 $0x14980;
	s30 =	simm.s32 $0x10E00;
	v0 =	vmul.u32 $0x1C00, v1;
	v1 =	vand.u32 $0x380, v2  }
.LBB2_9:
0x16d: {  	v4 =	vld [tilespmem:s30+$0xFFFFFC10]  }
0x16e: {  	v6 =	vld [tilespmem:s30+$0xFFFFFC20]  }
0x16f: {  	v8 =	vld [tilespmem:s30+$0xFFFFFC30]  }
0x170: {  	s31 =	sadd.s32 s28, s26;
	v9 =	vld [tilespmem:s30+$0xFFFFFC40]  }
0x171: {  	v14 =	vld [tilespmem:s30+$0xFFFFFC50];
	s0 =	sadd.s32 $0x70, s31;
	s1 =	sadd.s32 $0x71, s31  }
0x172: {  	v15 =	vld [tilespmem:s30+$0xFFFFFC60];
	v2 =	vmov s0;
	v10 =	vmov s1  }
0x173: {  	v17 =	vld [tilespmem:s30+$0xFFFFFC70];
	s1 =	sadd.s32 $0x72, s31;
	v3 =	vshll.u32 v2, $0x3;
	v2 =	vand.u32 $0x70, v2;
	v12 =	vshll.u32 v10, $0x3  }
0x174: {  	v18 =	vld [tilespmem:s30+$0xFFFFFC80];
	v10 =	vand.u32 $0x71, v10;
	v62 =	vmov s1;
	s1 =	sadd.s32 $0x73, s31;
	v3 =	vand.u32 $0x3C00, v3  }
0x175: {  	v20 =	vld [tilespmem:s30+$0xFFFFFC90];
	v12 =	vand.u32 $0x7FFFFC00, v12;
	v63 =	vshll.u32 v62, $0x3;
	v54 =	vmov s1  }
0x176: {  	v58 =	vld [tilespmem:s30+$0xFFFFFCA0];
	v3 =	vadd.s32 v0, v3;
	v7 =	vunpack.i.u.bf16.f32 v4;
	v4 =	vunpack.i.l.bf16.f32 v4  }
0x177: {  	v60 =	vld [tilespmem:s30+$0xFFFFFCB0];
	v11 =	vunpack.i.u.bf16.f32 v6;
	v6 =	vunpack.i.l.bf16.f32 v6;
	v13 =	vunpack.i.l.bf16.f32 v8  }
0x178: {  	v25 =	vld [tilespmem:s30+$0xFFFFFCC0];
	v12 =	vadd.s32 v0, v12;
	v8 =	vunpack.i.u.bf16.f32 v8;
	v2 =	vor.u32 v2, v3  }
0x179: {  	v26 =	vld [tilespmem:s30+$0xFFFFFCD0];
	v55 =	vunpack.i.l.bf16.f32 v9;
	v9 =	vunpack.i.u.bf16.f32 v9;
	v2 =	vor.u32 v1, v2  }
0x17a: {  	v32 =	vld [tilespmem:s30+$0xFFFFFCE0];
	v16 =	vunpack.i.l.bf16.f32 v14;
	v14 =	vunpack.i.u.bf16.f32 v14;
	v19 =	vunpack.i.u.bf16.f32 v15  }
0x17b: {  	v35 =	vld [tilespmem:s30+$0xFFFFFCF0];
	v15 =	vunpack.i.l.bf16.f32 v15;
	v21 =	vunpack.i.l.bf16.f32 v17;
	v17 =	vunpack.i.u.bf16.f32 v17  }
0x17c: {  	v36 =	vld [tilespmem:s30+$0xFFFFFD00];
	v22 =	vunpack.i.l.bf16.f32 v18;
	v56 =	vunpack.i.u.bf16.f32 v18;
	v23 =	vunpack.i.l.bf16.f32 v20  }
0x17d: {  	v61 =	vunpack.i.u.bf16.f32 v20;
	v24 =	vunpack.i.u.bf16.f32 v58;
	v18 =	vand.u32 $0x7FFFFC00, v63;
	v3 =	vld [tilespmem:s30+$0xFFFFFC00]  }
0x17e: {  	v20 =	vand.u32 $0x72, v62;
	v27 =	vunpack.i.l.bf16.f32 v60;
	v29 =	vunpack.i.u.bf16.f32 v60;
	v2 =	vld.idx.msk [tilespmem:v2+s10+$0x0], $0xffff  }
0x17f: {  	v41 =	vld [tilespmem:s30+$0xFFFFFD10];
	v31 =	vunpack.i.l.bf16.f32 v25;
	v33 =	vunpack.i.u.bf16.f32 v25;
	v34 =	vunpack.i.l.bf16.f32 v26  }
0x180: {  	v26 =	vunpack.i.u.bf16.f32 v26;
	v38 =	vunpack.i.u.bf16.f32 v32;
	v10 =	vor.u32 v10, v12  }
0x181: {  	v44 =	vld [tilespmem:s30+$0xFFFFFD20];
	v39 =	vunpack.i.l.bf16.f32 v32;
	v40 =	vunpack.i.l.bf16.f32 v35;
	v10 =	vor.u32 v1, v10  }
0x182: {  	v51 =	vld [tilespmem:s30+$0xFFFFFD30];
	v42 =	vunpack.i.u.bf16.f32 v35;
	v43 =	vunpack.i.l.bf16.f32 v36;
	v5 =	vunpack.i.l.bf16.f32 v3  }
0x183: {  	v47 =	vunpack.i.u.bf16.f32 v36;
	v3 =	vunpack.i.u.bf16.f32 v3;
	v5 =	vmul.f32 v5, v2  }
0x184: {  	v48 =	vunpack.i.u.bf16.f32 v41;
	v3 =	vmul.f32 v3, v2;
	v4 =	vmul.f32 v4, v2  }
0x185: {  	v49 =	vunpack.i.l.bf16.f32 v41;
	v62 =	vld [tilespmem:s30+$0xFFFFFD60];
	v7 =	vmul.f32 v7, v2;
	v6 =	vmul.f32 v6, v2  }
0x186: {  	v50 =	vunpack.i.l.bf16.f32 v44;
	v10 =	vld.idx.msk [tilespmem:v10+s10+$0x0], $0xffff;
	v11 =	vmul.f32 v11, v2;
	v13 =	vmul.f32 v13, v2  }
0x187: {  	v60 =	vunpack.i.u.bf16.f32 v51;
	v63 =	vld [tilespmem:s30+$0xFFFFFD70];
	v8 =	vmul.f32 v8, v2;
	v12 =	vmul.f32 v55, v2  }
0x188: {  	v18 =	vadd.s32 v0, v18;
	v9 =	vmul.f32 v9, v2;
	v16 =	vmul.f32 v16, v2  }
0x189: {  	v18 =	vor.u32 v20, v18;
	v14 =	vmul.f32 v14, v2;
	v15 =	vmul.f32 v15, v2  }
0x18a: {  	v18 =	vor.u32 v1, v18;
	v19 =	vmul.f32 v19, v2;
	v21 =	vmul.f32 v21, v2  }
0x18b: {  	v35 =	vunpack.i.l.bf16.f32 v62;
	v2 =	vmul.f32 v17, v2;
	v57 =	vmul.f32 v22, v10  }
0x18c: {  	v36 =	vunpack.i.l.bf16.f32 v63;
	v17 =	vmul.f32 v56, v10;
	v59 =	vmul.f32 v23, v10  }
0x18d: {  	v22 =	vunpack.i.l.bf16.f32 v58;
	v24 =	vmul.f32 v24, v10;
	v28 =	vmul.f32 v27, v10  }
0x18e: {  	v30 =	vmul.f32 v29, v10;
	v5 =	vadd.f32 $0.0e+00, v5;
	v3 =	vadd.f32 $0.0e+00, v3  }
0x18f: {  	v20 =	vmul.f32 v31, v10;
	v4 =	vadd.f32 $0.0e+00, v4;
	v7 =	vadd.f32 $0.0e+00, v7  }
0x190: {  	v18 =	vld.idx.msk [tilespmem:v18+s10+$0x0], $0xffff;
	v23 =	vmul.f32 v33, v10;
	v6 =	vadd.f32 $0.0e+00, v6;
	v11 =	vadd.f32 $0.0e+00, v11  }
0x191: {  	v37 =	vmul.f32 v26, v10;
	v13 =	vadd.f32 $0.0e+00, v13;
	v8 =	vadd.f32 $0.0e+00, v8  }
0x192: {  	v55 =	vshll.u32 v54, $0x3;
	v12 =	vadd.f32 $0.0e+00, v12;
	v9 =	vadd.f32 $0.0e+00, v9  }
0x193: {  	v56 =	vunpack.i.u.bf16.f32 v44;
	v16 =	vadd.f32 $0.0e+00, v16;
	v14 =	vadd.f32 $0.0e+00, v14  }
0x194: {  	v22 =	vmul.f32 v22, v10;
	v15 =	vadd.f32 $0.0e+00, v15;
	v19 =	vadd.f32 $0.0e+00, v19  }
0x195: {  	v45 =	vmul.f32 v43, v18;
	v21 =	vadd.f32 $0.0e+00, v21;
	v2 =	vadd.f32 $0.0e+00, v2  }
0x196: {  	v52 =	vmul.f32 v50, v18;
	v5 =	vadd.f32 v57, v5;
	v3 =	vadd.f32 v17, v3  }
0x197: {  	v53 =	vld [tilespmem:s30+$0xFFFFFD40];
	v58 =	vmul.f32 v56, v18;
	v4 =	vadd.f32 v59, v4;
	v6 =	vadd.f32 v22, v6  }
0x198: {  	v33 =	vld [tilespmem:s30+$0xFFFFFD80];
	v25 =	vmul.f32 v60, v18;
	v11 =	vadd.f32 v24, v11;
	v13 =	vadd.f32 v28, v13  }
0x199: {  	v17 =	vmul.f32 v61, v10;
	v8 =	vadd.f32 v30, v8;
	v12 =	vadd.f32 v20, v12  }
0x19a: {  	v24 =	vmul.f32 v34, v10;
	v9 =	vadd.f32 v23, v9;
	v14 =	vadd.f32 v37, v14  }
0x19b: {  	v20 =	vmul.f32 v39, v10;
	v22 =	vmul.f32 v40, v10;
	v57 =	vand.u32 $0x7FFFFC00, v55  }
0x19c: {  	v23 =	vunpack.i.l.bf16.f32 v51;
	v61 =	vunpack.i.l.bf16.f32 v53;
	v34 =	vunpack.i.u.bf16.f32 v62  }
0x19d: {  	v39 =	vunpack.i.u.bf16.f32 v63;
	v23 =	vmul.f32 v23, v18;
	v40 =	vunpack.i.l.bf16.f32 v33  }
0x19e: {  	v41 =	vunpack.i.u.bf16.f32 v33;
	v7 =	vadd.f32 v17, v7;
	v16 =	vadd.f32 v24, v16  }
0x19f: {  	v17 =	vmul.f32 v38, v10;
	v15 =	vadd.f32 v20, v15;
	v10 =	vmul.f32 v42, v10  }
0x1a0: {  	v46 =	vadd.f32 v22, v21;
	v5 =	vadd.f32 v45, v5;
	v21 =	vmul.f32 v49, v18  }
0x1a1: {  	v60 =	vld [tilespmem:s30+$0xFFFFFE00];
	v20 =	vmul.f32 v48, v18;
	v6 =	vadd.f32 v52, v6;
	v24 =	vand.u32 $0x73, v54  }
0x1a2: {  	s1 =	sadd.s32 $0x74, s31;
	v59 =	vld [tilespmem:s30+$0xFFFFFD50];
	v22 =	vunpack.i.u.bf16.f32 v53;
	v11 =	vadd.f32 v58, v11;
	v8 =	vadd.f32 v25, v8  }
0x1a3: {  	v37 =	vld [tilespmem:s30+$0xFFFFFD90];
	v38 =	vmul.f32 v36, v18;
	v48 =	vmov s1;
	v13 =	vadd.f32 v23, v13  }
0x1a4: {  	v55 =	vld [tilespmem:s30+$0xFFFFFDE0];
	v29 =	vmul.f32 v22, v18;
	v2 =	vadd.f32 v10, v2;
	v10 =	vmul.f32 v47, v18  }
0x1a5: {  	v28 =	vld [tilespmem:s30+$0xFFFFFE10];
	v23 =	vmul.f32 v34, v18;
	v50 =	vshll.u32 v48, $0x3;
	v17 =	vadd.f32 v17, v19  }
0x1a6: {  	v33 =	vld [tilespmem:s30+$0xFFFFFE20];
	v4 =	vadd.f32 v21, v4;
	v3 =	vadd.f32 v10, v3;
	v10 =	vadd.s32 v0, v57  }
0x1a7: {  	v42 =	vld [tilespmem:s30+$0xFFFFFDA0];
	v7 =	vadd.f32 v20, v7;
	v19 =	vadd.f32 v38, v46;
	v10 =	vor.u32 v24, v10  }
0x1a8: {  	v52 =	vld [tilespmem:s30+$0xFFFFFDD0];
	v30 =	vunpack.i.l.bf16.f32 v59;
	v9 =	vadd.f32 v29, v9;
	v10 =	vor.u32 v1, v10  }
0x1a9: {  	v58 =	vld [tilespmem:s30+$0xFFFFFDF0];
	v31 =	vunpack.i.u.bf16.f32 v59;
	v43 =	vunpack.i.u.bf16.f32 v37;
	v44 =	vunpack.i.l.bf16.f32 v37  }
0x1aa: {  	v62 =	vunpack.i.l.bf16.f32 v55;
	v38 =	vunpack.i.u.bf16.f32 v28;
	v32 =	vmul.f32 v30, v18  }
0x1ab: {  	v46 =	vld [tilespmem:s30+$0xFFFFFDB0];
	v20 =	vmul.f32 v31, v18;
	v17 =	vadd.f32 v23, v17;
	v31 =	vunpack.i.l.bf16.f32 v60  }
0x1ac: {  	v47 =	vld [tilespmem:s30+$0xFFFFFDC0];
	v24 =	vmul.f32 v61, v18;
	v49 =	vunpack.i.u.bf16.f32 v42;
	v22 =	vunpack.i.l.bf16.f32 v42  }
0x1ad: {  	v57 =	vunpack.i.l.bf16.f32 v52;
	v59 =	vunpack.i.u.bf16.f32 v52;
	v61 =	vunpack.i.u.bf16.f32 v55;
	v10 =	vld.idx.msk [tilespmem:v10+s10+$0x0], $0xffff  }
0x1ae: {  	v29 =	vunpack.i.l.bf16.f32 v58;
	v30 =	vunpack.i.u.bf16.f32 v58;
	v42 =	vunpack.i.u.bf16.f32 v33  }
0x1af: {  	v16 =	vadd.f32 v32, v16;
	v14 =	vadd.f32 v20, v14;
	v32 =	vunpack.i.u.bf16.f32 v60  }
0x1b0: {  	v12 =	vadd.f32 v24, v12;
	v24 =	vmul.f32 v35, v18;
	v18 =	vmul.f32 v39, v18  }
0x1b1: {  	s1 =	sadd.s32 $0x75, s31;
	v58 =	vld [tilespmem:s30+$0xFFFFFE90];
	v51 =	vunpack.i.l.bf16.f32 v46;
	v54 =	vunpack.i.l.bf16.f32 v47;
	v35 =	vunpack.i.l.bf16.f32 v28  }
0x1b2: {  	v39 =	vmov s1;
	v15 =	vadd.f32 v24, v15;
	v20 =	vmul.f32 v40, v10  }
0x1b3: {  	v2 =	vadd.f32 v18, v2;
	v21 =	vmul.f32 v41, v10;
	v45 =	vmul.f32 v44, v10  }
0x1b4: {  	v24 =	vunpack.i.u.bf16.f32 v46;
	v23 =	vmul.f32 v43, v10;
	v22 =	vmul.f32 v22, v10  }
0x1b5: {  	v18 =	vunpack.i.u.bf16.f32 v47;
	v25 =	vmul.f32 v51, v10;
	v53 =	vmul.f32 v24, v10  }
0x1b6: {  	v28 =	vunpack.i.u.bf16.f32 v58;
	v56 =	vmul.f32 v54, v10;
	v18 =	vmul.f32 v18, v10  }
0x1b7: {  	v63 =	vmul.f32 v62, v10;
	v41 =	vshll.u32 v39, $0x3;
	v5 =	vadd.f32 v20, v5  }
0x1b8: {  	v37 =	vld [tilespmem:s30+$0xFFFFFE30];
	v3 =	vadd.f32 v21, v3;
	v7 =	vadd.f32 v23, v7;
	v23 =	vand.u32 $0x7FFFFC00, v50  }
0x1b9: {  	v4 =	vadd.f32 v45, v4;
	v20 =	vand.u32 $0x74, v48;
	v23 =	vadd.s32 v0, v23  }
0x1ba: {  	v21 =	vmul.f32 v49, v10;
	v6 =	vadd.f32 v22, v6;
	v20 =	vor.u32 v20, v23  }
0x1bb: {  	v52 =	vld [tilespmem:s30+$0xFFFFFE70];
	v13 =	vadd.f32 v25, v13;
	v8 =	vadd.f32 v53, v8;
	v20 =	vor.u32 v1, v20  }
0x1bc: {  	v43 =	vld [tilespmem:s30+$0xFFFFFE40];
	v12 =	vadd.f32 v56, v12;
	v9 =	vadd.f32 v18, v9;
	v25 =	vmul.f32 v61, v10  }
0x1bd: {  	v44 =	vld [tilespmem:s30+$0xFFFFFE50];
	v15 =	vadd.f32 v63, v15;
	v18 =	vmul.f32 v29, v10;
	v45 =	vunpack.i.l.bf16.f32 v37  }
0x1be: {  	v49 =	vld [tilespmem:s30+$0xFFFFFE60];
	v29 =	vunpack.i.l.bf16.f32 v58;
	v11 =	vadd.f32 v21, v11;
	v21 =	vmul.f32 v57, v10  }
0x1bf: {  	v53 =	vld [tilespmem:s30+$0xFFFFFE80];
	v23 =	vmul.f32 v59, v10;
	v17 =	vadd.f32 v25, v17;
	v10 =	vmul.f32 v30, v10  }
0x1c0: {  	v18 =	vadd.f32 v18, v19;
	v19 =	vand.u32 $0x7FFFFC00, v41;
	v57 =	vunpack.i.l.bf16.f32 v52;
	v20 =	vld.idx.msk [tilespmem:v20+s10+$0x0], $0xffff  }
0x1c1: {  	v59 =	vunpack.i.u.bf16.f32 v52;
	v19 =	vadd.s32 v0, v19;
	v48 =	vunpack.i.l.bf16.f32 v43  }
0x1c2: {  	v61 =	vld [tilespmem:s30+$0xFFFFFEA0];
	v50 =	vunpack.i.u.bf16.f32 v43;
	v51 =	vunpack.i.l.bf16.f32 v44;
	v16 =	vadd.f32 v21, v16  }
0x1c3: {  	v52 =	vld [tilespmem:s30+$0xFFFFFF10];
	v26 =	vunpack.i.u.bf16.f32 v44;
	v14 =	vadd.f32 v23, v14;
	v2 =	vadd.f32 v10, v2  }
0x1c4: {  	v23 =	vunpack.i.l.bf16.f32 v33;
	v21 =	vunpack.i.u.bf16.f32 v37;
	v33 =	vld [tilespmem:s30+$0xFFFFFEC0];
	v55 =	vunpack.i.u.bf16.f32 v49  }
0x1c5: {  	v56 =	vunpack.i.l.bf16.f32 v49;
	v60 =	vunpack.i.l.bf16.f32 v53;
	v22 =	vmul.f32 v31, v20  }
0x1c6: {  	v27 =	vunpack.i.u.bf16.f32 v53;
	v34 =	vmul.f32 v32, v20;
	v36 =	vmul.f32 v35, v20  }
0x1c7: {  	v30 =	vunpack.i.l.bf16.f32 v61;
	v40 =	vmul.f32 v38, v20;
	v23 =	vmul.f32 v23, v20  }
0x1c8: {  	v58 =	vunpack.i.u.bf16.f32 v52;
	v24 =	vmul.f32 v42, v20;
	v46 =	vmul.f32 v45, v20  }
0x1c9: {  	v41 =	vunpack.i.l.bf16.f32 v33;
	v47 =	vmul.f32 v21, v20;
	v21 =	vmul.f32 v48, v20  }
0x1ca: {  	v54 =	vmul.f32 v26, v20;
	v5 =	vadd.f32 v22, v5;
	v3 =	vadd.f32 v34, v3  }
0x1cb: {  	v43 =	vld [tilespmem:s30+$0xFFFFFEF0];
	v4 =	vadd.f32 v36, v4;
	v22 =	vand.u32 $0x75, v39;
	v7 =	vadd.f32 v40, v7  }
0x1cc: {  	v6 =	vadd.f32 v23, v6;
	v11 =	vadd.f32 v24, v11;
	v19 =	vor.u32 v22, v19  }
0x1cd: {  	v10 =	vadd.f32 v46, v13;
	v23 =	vmul.f32 v50, v20;
	v19 =	vor.u32 v1, v19  }
0x1ce: {  	v24 =	vmul.f32 v51, v20;
	v8 =	vadd.f32 v47, v8;
	v12 =	vadd.f32 v21, v12  }
0x1cf: {  	s1 =	sadd.s32 $0x76, s31;
	v31 =	vld [tilespmem:s30+$0xFFFFFEB0];
	v13 =	vadd.f32 v54, v14;
	v21 =	vmul.f32 v56, v20;
	v14 =	vmul.f32 v55, v20  }
0x1d0: {  	v42 =	vld [tilespmem:s30+$0xFFFFFEE0];
	v34 =	vmov s1;
	v36 =	vunpack.i.u.bf16.f32 v61;
	v51 =	vunpack.i.l.bf16.f32 v43  }
0x1d1: {  	v48 =	vld [tilespmem:s30+$0xFFFFFF00];
	v54 =	vunpack.i.u.bf16.f32 v43;
	v22 =	vmul.f32 v57, v20;
	v20 =	vmul.f32 v59, v20  }
0x1d2: {  	v35 =	vshll.u32 v34, $0x3;
	v9 =	vadd.f32 v23, v9;
	v16 =	vadd.f32 v24, v16;
	v19 =	vld.idx.msk [tilespmem:v19+s10+$0x0], $0xffff  }
0x1d3: {  	v39 =	vld [tilespmem:s30+$0xFFFFFED0];
	v59 =	vunpack.i.l.bf16.f32 v52;
	v15 =	vadd.f32 v21, v15;
	v14 =	vadd.f32 v14, v17  }
0x1d4: {  	v37 =	vand.u32 $0x7FFFFC00, v35;
	v24 =	vand.u32 $0x76, v34;
	v63 =	vadd.f32 v22, v18  }
0x1d5: {  	v2 =	vadd.f32 v20, v2;
	v40 =	vunpack.i.u.bf16.f32 v31;
	v22 =	vunpack.i.u.bf16.f32 v33;
	v33 =	vld [tilespmem:s30+$0xFFFFFF60]  }
0x1d6: {  	v23 =	vunpack.i.l.bf16.f32 v31;
	v49 =	vunpack.i.u.bf16.f32 v42;
	v50 =	vunpack.i.l.bf16.f32 v42;
	v42 =	vld [tilespmem:s30+$0xFFFFFF90]  }
0x1d7: {  	v57 =	vld [tilespmem:s30+$0xFFFFFF20];
	v55 =	vunpack.i.l.bf16.f32 v48;
	v56 =	vunpack.i.u.bf16.f32 v48;
	v62 =	vmul.f32 v60, v19  }
0x1d8: {  	v45 =	vunpack.i.l.bf16.f32 v39;
	v18 =	vmul.f32 v27, v19;
	v21 =	vmul.f32 v29, v19  }
0x1d9: {  	v46 =	vunpack.i.u.bf16.f32 v39;
	v20 =	vmul.f32 v28, v19;
	v32 =	vmul.f32 v30, v19  }
0x1da: {  	v39 =	vunpack.i.u.bf16.f32 v33;
	v38 =	vmul.f32 v36, v19;
	v23 =	vmul.f32 v23, v19  }
0x1db: {  	v61 =	vld [tilespmem:s30+$0xFFFFFF30];
	v52 =	vunpack.i.u.bf16.f32 v42;
	v25 =	vmul.f32 v40, v19;
	v44 =	vmul.f32 v22, v19  }
0x1dc: {  	v47 =	vmul.f32 v45, v19;
	v53 =	vmul.f32 v51, v19;
	v27 =	vunpack.i.u.bf16.f32 v57  }
0x1dd: {  	v22 =	vunpack.i.l.bf16.f32 v57;
	v3 =	vadd.f32 v18, v3;
	v18 =	vadd.s32 v0, v37  }
0x1de: {  	v5 =	vadd.f32 v62, v5;
	v4 =	vadd.f32 v21, v4;
	v18 =	vor.u32 v24, v18  }
0x1df: {  	v7 =	vadd.f32 v20, v7;
	v6 =	vadd.f32 v32, v6;
	v18 =	vor.u32 v1, v18  }
0x1e0: {  	v29 =	vunpack.i.l.bf16.f32 v61;
	v11 =	vadd.f32 v38, v11;
	v10 =	vadd.f32 v23, v10  }
0x1e1: {  	v30 =	vld [tilespmem:s30+$0xFFFFFF50];
	v40 =	vunpack.i.l.bf16.f32 v33;
	v8 =	vadd.f32 v25, v8;
	v9 =	vadd.f32 v44, v9  }
0x1e2: {  	s1 =	sadd.s32 $0x77, s31;
	v36 =	vld [tilespmem:s30+$0xFFFFFF70];
	v20 =	vmul.f32 v46, v19;
	v23 =	vmul.f32 v49, v19;
	v16 =	vadd.f32 v47, v16  }
0x1e3: {  	v17 =	vadd.f32 v53, v63;
	v62 =	vld [tilespmem:s30+$0xFFFFFF40];
	v63 =	vmov s1;
	v24 =	vmul.f32 v41, v19  }
0x1e4: {  	v49 =	vunpack.i.l.bf16.f32 v42;
	s1 =	sadd.s32 $0x78, s31;
	v28 =	vshll.u32 v63, $0x3;
	v13 =	vadd.f32 v20, v13;
	v18 =	vld.idx.msk [tilespmem:v18+s10+$0x0], $0xffff  }
0x1e5: {  	v53 =	vmov s1;
	v14 =	vadd.f32 v23, v14;
	v12 =	vadd.f32 v24, v12  }
0x1e6: {  	v38 =	vld [tilespmem:s30+$0xFFFFFF80];
	v24 =	vmul.f32 v50, v19;
	v19 =	vmul.f32 v54, v19;
	v35 =	vunpack.i.l.bf16.f32 v30  }
0x1e7: {  	v51 =	vld [tilespmem:s30+$0xFFFFFFB0];
	v37 =	vunpack.i.u.bf16.f32 v30;
	v43 =	vunpack.i.l.bf16.f32 v36;
	v44 =	vunpack.i.u.bf16.f32 v36  }
0x1e8: {  	v57 =	vld [tilespmem:s30+$0xFFFFFFC0];
	v15 =	vadd.f32 v24, v15;
	v2 =	vadd.f32 v19, v2;
	v24 =	vunpack.i.u.bf16.f32 v61  }
0x1e9: {  	v47 =	vld [tilespmem:s30+$0xFFFFFFA0];
	v32 =	vunpack.i.l.bf16.f32 v62;
	v20 =	vmul.f32 v55, v18;
	v21 =	vmul.f32 v56, v18  }
0x1ea: {  	v19 =	vunpack.i.u.bf16.f32 v62;
	v60 =	vmul.f32 v59, v18;
	v23 =	vmul.f32 v58, v18  }
0x1eb: {  	v45 =	vunpack.i.l.bf16.f32 v38;
	v22 =	vmul.f32 v22, v18;
	v25 =	vmul.f32 v29, v18  }
0x1ec: {  	v46 =	vunpack.i.u.bf16.f32 v38;
	v31 =	vmul.f32 v24, v18;
	v34 =	vmul.f32 v32, v18  }
0x1ed: {  	v62 =	vunpack.i.l.bf16.f32 v57;
	v19 =	vmul.f32 v19, v18;
	v41 =	vmul.f32 v40, v18  }
0x1ee: {  	v55 =	vshll.u32 v53, $0x3;
	v56 =	vunpack.i.u.bf16.f32 v47;
	v59 =	vunpack.i.l.bf16.f32 v51  }
0x1ef: {  	v29 =	vunpack.i.u.bf16.f32 v57;
	v7 =	vadd.f32 v23, v7;
	v23 =	vand.u32 $0x7FFFFC00, v28  }
0x1f0: {  	v5 =	vadd.f32 v20, v5;
	v20 =	vand.u32 $0x77, v63;
	v23 =	vadd.s32 v0, v23  }
0x1f1: {  	v58 =	vld [tilespmem:s30+$0xFFFFFFD0];
	v3 =	vadd.f32 v21, v3;
	v4 =	vadd.f32 v60, v4;
	v20 =	vor.u32 v20, v23  }
0x1f2: {  	v32 =	vld [tilespmem:s30+$0x0];
	v6 =	vadd.f32 v22, v6;
	v10 =	vadd.f32 v25, v10;
	v20 =	vor.u32 v1, v20  }
0x1f3: {  	v40 =	vld [tilespmem:s30+$0x20];
	v21 =	vmul.f32 v27, v18;
	v8 =	vadd.f32 v31, v8;
	v12 =	vadd.f32 v34, v12  }
0x1f4: {  	v57 =	vld [tilespmem:s30+$0x60];
	v9 =	vadd.f32 v19, v9;
	v25 =	vmul.f32 v39, v18;
	v19 =	vmul.f32 v43, v18  }
0x1f5: {  	v15 =	vadd.f32 v41, v15;
	v63 =	vld [tilespmem:s30+$0xFFFFFFE0];
	v11 =	vadd.f32 v21, v11;
	v21 =	vmul.f32 v35, v18  }
0x1f6: {  	v31 =	vld [tilespmem:s30+$0xFFFFFFF0];
	v23 =	vmul.f32 v37, v18;
	v17 =	vadd.f32 v19, v17;
	v19 =	vand.u32 $0x7FFFFC00, v55  }
0x1f7: {  	v14 =	vadd.f32 v25, v14;
	v18 =	vmul.f32 v44, v18;
	v19 =	vadd.s32 v0, v19;
	v20 =	vld.idx.msk [tilespmem:v20+s10+$0x0], $0xffff  }
0x1f8: {  	v30 =	vunpack.i.l.bf16.f32 v58;
	v26 =	vunpack.i.u.bf16.f32 v58;
	v39 =	vunpack.i.l.bf16.f32 v32  }
0x1f9: {  	v37 =	vld [tilespmem:s30+$0x10];
	v42 =	vunpack.i.u.bf16.f32 v32;
	v28 =	vunpack.i.u.bf16.f32 v57;
	v16 =	vadd.f32 v21, v16  }
0x1fa: {  	v13 =	vadd.f32 v23, v13;
	v2 =	vadd.f32 v18, v2;
	v23 =	vunpack.i.l.bf16.f32 v47  }
0x1fb: {  	v21 =	vunpack.i.u.bf16.f32 v51;
	v36 =	vunpack.i.l.bf16.f32 v31;
	v38 =	vunpack.i.u.bf16.f32 v31;
	v31 =	vld [tilespmem:s30+$0x90]  }
0x1fc: {  	v51 =	vunpack.i.u.bf16.f32 v40;
	v34 =	vunpack.i.u.bf16.f32 v63;
	v22 =	vmul.f32 v45, v20  }
0x1fd: {  	v35 =	vunpack.i.l.bf16.f32 v63;
	v48 =	vmul.f32 v46, v20;
	v50 =	vmul.f32 v49, v20  }
0x1fe: {  	v43 =	vunpack.i.u.bf16.f32 v37;
	v54 =	vmul.f32 v52, v20;
	v23 =	vmul.f32 v23, v20  }
0x1ff: {  	v44 =	vunpack.i.l.bf16.f32 v37;
	v24 =	vmul.f32 v56, v20;
	v60 =	vmul.f32 v59, v20  }
0x200: {  	v63 =	vld [tilespmem:s30+$0x80];
	v37 =	vunpack.i.u.bf16.f32 v31;
	v61 =	vmul.f32 v21, v20;
	v21 =	vmul.f32 v62, v20  }
0x201: {  	s1 =	sadd.s32 $0x79, s31;
	v33 =	vmul.f32 v26, v20;
	v18 =	vmul.f32 v34, v20;
	v45 =	vunpack.i.l.bf16.f32 v40  }
0x202: {  	v49 =	vmov s1;
	v5 =	vadd.f32 v22, v5;
	v22 =	vand.u32 $0x78, v53  }
0x203: {  	v3 =	vadd.f32 v48, v3;
	v4 =	vadd.f32 v50, v4;
	v19 =	vor.u32 v22, v19  }
0x204: {  	v58 =	vld [tilespmem:s30+$0x70];
	v7 =	vadd.f32 v54, v7;
	v6 =	vadd.f32 v23, v6;
	v19 =	vor.u32 v1, v19  }
0x205: {  	v34 =	vunpack.i.l.bf16.f32 v63;
	v11 =	vadd.f32 v24, v11;
	v10 =	vadd.f32 v60, v10  }
0x206: {  	v23 =	vmul.f32 v29, v20;
	v24 =	vmul.f32 v30, v20;
	v8 =	vadd.f32 v61, v8  }
0x207: {  	v46 =	vld [tilespmem:s30+$0x30];
	v12 =	vadd.f32 v21, v12;
	v13 =	vadd.f32 v33, v13;
	v21 =	vmul.f32 v35, v20  }
0x208: {  	v14 =	vadd.f32 v18, v14;
	v48 =	vld [tilespmem:s30+$0x40];
	v50 =	vshll.u32 v49, $0x3;
	v29 =	vunpack.i.l.bf16.f32 v57  }
0x209: {  	v30 =	vunpack.i.l.bf16.f32 v58;
	v33 =	vunpack.i.u.bf16.f32 v58;
	v35 =	vunpack.i.u.bf16.f32 v63;
	v19 =	vld.idx.msk [tilespmem:v19+s10+$0x0], $0xffff  }
0x20a: {  	v22 =	vmul.f32 v36, v20;
	v20 =	vmul.f32 v38, v20;
	v52 =	vand.u32 $0x7FFFFC00, v50  }
0x20b: {  	v54 =	vld [tilespmem:s30+$0x50];
	v38 =	vunpack.i.l.bf16.f32 v31;
	v9 =	vadd.f32 v23, v9;
	v16 =	vadd.f32 v24, v16  }
0x20c: {  	v15 =	vadd.f32 v21, v15;
	v24 =	vand.u32 $0x79, v49;
	v17 =	vadd.f32 v22, v17  }
0x20d: {  	v58 =	vld [tilespmem:s30+$0x110];
	v2 =	vadd.f32 v20, v2;
	v55 =	vunpack.i.u.bf16.f32 v46;
	v23 =	vunpack.i.l.bf16.f32 v46  }
0x20e: {  	v36 =	vld [tilespmem:s30+$0xA0];
	v56 =	vunpack.i.l.bf16.f32 v48;
	v41 =	vmul.f32 v39, v19;
	v18 =	vmul.f32 v42, v19  }
0x20f: {  	v40 =	vld [tilespmem:s30+$0xB0];
	v22 =	vunpack.i.u.bf16.f32 v48;
	v21 =	vmul.f32 v44, v19;
	v20 =	vmul.f32 v43, v19  }
0x210: {  	v46 =	vld [tilespmem:s30+$0xD0];
	v60 =	vunpack.i.l.bf16.f32 v54;
	v47 =	vmul.f32 v45, v19;
	v53 =	vmul.f32 v51, v19  }
0x211: {  	v61 =	vunpack.i.u.bf16.f32 v54;
	v23 =	vmul.f32 v23, v19;
	v25 =	vmul.f32 v55, v19  }
0x212: {  	s1 =	sadd.s32 $0x7A, s31;
	v49 =	vld [tilespmem:s30+$0xE0];
	v31 =	vunpack.i.u.bf16.f32 v58;
	v59 =	vmul.f32 v22, v19;
	v62 =	vmul.f32 v60, v19  }
0x213: {  	v32 =	vmul.f32 v30, v19;
	v42 =	vmov s1;
	v43 =	vunpack.i.u.bf16.f32 v36  }
0x214: {  	v22 =	vunpack.i.l.bf16.f32 v36;
	v3 =	vadd.f32 v18, v3;
	v18 =	vadd.s32 v0, v52  }
0x215: {  	v45 =	vunpack.i.l.bf16.f32 v40;
	v51 =	vunpack.i.l.bf16.f32 v46;
	v18 =	vor.u32 v24, v18  }
0x216: {  	v54 =	vld [tilespmem:s30+$0x100];
	v5 =	vadd.f32 v41, v5;
	v4 =	vadd.f32 v21, v4;
	v18 =	vor.u32 v1, v18  }
0x217: {  	v55 =	vunpack.i.u.bf16.f32 v49;
	v7 =	vadd.f32 v20, v7;
	v6 =	vadd.f32 v47, v6  }
0x218: {  	v44 =	vshll.u32 v42, $0x3;
	v11 =	vadd.f32 v53, v11;
	v10 =	vadd.f32 v23, v10  }
0x219: {  	v8 =	vadd.f32 v25, v8;
	v9 =	vadd.f32 v59, v9;
	v20 =	vmul.f32 v61, v19  }
0x21a: {  	v23 =	vmul.f32 v28, v19;
	v16 =	vadd.f32 v62, v16;
	v17 =	vadd.f32 v32, v17;
	v41 =	vld [tilespmem:s30+$0xC0]  }
0x21b: {  	s1 =	sadd.s32 $0x7B, s31;
	v53 =	vunpack.i.u.bf16.f32 v46;
	v61 =	vunpack.i.l.bf16.f32 v54;
	v24 =	vmul.f32 v56, v19;
	v18 =	vld.idx.msk [tilespmem:v18+s10+$0x0], $0xffff  }
0x21c: {  	v62 =	vunpack.i.u.bf16.f32 v54;
	v28 =	vunpack.i.l.bf16.f32 v58;
	v32 =	vmov s1  }
0x21d: {  	v52 =	vld [tilespmem:s30+$0xF0];
	v12 =	vadd.f32 v24, v12;
	v24 =	vmul.f32 v29, v19;
	v19 =	vmul.f32 v33, v19  }
0x21e: {  	v63 =	vld [tilespmem:s30+$0x120];
	v56 =	vunpack.i.l.bf16.f32 v49;
	v13 =	vadd.f32 v20, v13;
	v14 =	vadd.f32 v23, v14  }
0x21f: {  	v36 =	vld [tilespmem:s30+$0x140];
	v15 =	vadd.f32 v24, v15;
	v2 =	vadd.f32 v19, v2;
	v24 =	vunpack.i.u.bf16.f32 v40  }
0x220: {  	v30 =	vld [tilespmem:s30+$0x130];
	v48 =	vunpack.i.l.bf16.f32 v41;
	v20 =	vmul.f32 v34, v18;
	v21 =	vmul.f32 v35, v18  }
0x221: {  	v46 =	vld [tilespmem:s30+$0x180];
	v19 =	vunpack.i.u.bf16.f32 v41;
	v39 =	vmul.f32 v38, v18;
	v23 =	vmul.f32 v37, v18  }
0x222: {  	v59 =	vunpack.i.l.bf16.f32 v52;
	v22 =	vmul.f32 v22, v18;
	v25 =	vmul.f32 v45, v18  }
0x223: {  	v60 =	vunpack.i.u.bf16.f32 v52;
	v47 =	vmul.f32 v24, v18;
	v50 =	vmul.f32 v48, v18  }
0x224: {  	v41 =	vunpack.i.l.bf16.f32 v36;
	v19 =	vmul.f32 v19, v18;
	v57 =	vmul.f32 v56, v18  }
0x225: {  	v34 =	vshll.u32 v32, $0x3;
	v35 =	vunpack.i.u.bf16.f32 v63;
	v38 =	vunpack.i.l.bf16.f32 v30  }
0x226: {  	v56 =	vunpack.i.u.bf16.f32 v46;
	v7 =	vadd.f32 v23, v7;
	v23 =	vand.u32 $0x7FFFFC00, v44  }
0x227: {  	v54 =	vld [tilespmem:s30+$0x1A0];
	v5 =	vadd.f32 v20, v5;
	v20 =	vand.u32 $0x7A, v42;
	v23 =	vadd.s32 v0, v23  }
0x228: {  	v3 =	vadd.f32 v21, v3;
	v4 =	vadd.f32 v39, v4;
	v20 =	vor.u32 v20, v23  }
0x229: {  	v6 =	vadd.f32 v22, v6;
	v10 =	vadd.f32 v25, v10;
	v20 =	vor.u32 v1, v20  }
0x22a: {  	v37 =	vld [tilespmem:s30+$0x150];
	v21 =	vmul.f32 v43, v18;
	v8 =	vadd.f32 v47, v8;
	v12 =	vadd.f32 v50, v12  }
0x22b: {  	v45 =	vld [tilespmem:s30+$0x170];
	v9 =	vadd.f32 v19, v9;
	v25 =	vmul.f32 v55, v18;
	v15 =	vadd.f32 v57, v15  }
0x22c: {  	v19 =	vmul.f32 v59, v18;
	v43 =	vunpack.i.u.bf16.f32 v36;
	v59 =	vunpack.i.l.bf16.f32 v54  }
0x22d: {  	v42 =	vld [tilespmem:s30+$0x160];
	v11 =	vadd.f32 v21, v11;
	v21 =	vmul.f32 v51, v18;
	v23 =	vmul.f32 v53, v18  }
0x22e: {  	v14 =	vadd.f32 v25, v14;
	v17 =	vadd.f32 v19, v17;
	v19 =	vand.u32 $0x7FFFFC00, v34;
	v20 =	vld.idx.msk [tilespmem:v20+s10+$0x0], $0xffff  }
0x22f: {  	v18 =	vmul.f32 v60, v18;
	v53 =	vunpack.i.l.bf16.f32 v46;
	v19 =	vadd.s32 v0, v19  }
0x230: {  	v51 =	vld [tilespmem:s30+$0x190];
	v44 =	vunpack.i.l.bf16.f32 v37;
	v26 =	vunpack.i.u.bf16.f32 v37;
	v50 =	vunpack.i.l.bf16.f32 v45  }
0x231: {  	v52 =	vunpack.i.u.bf16.f32 v45;
	v16 =	vadd.f32 v21, v16;
	v13 =	vadd.f32 v23, v13  }
0x232: {  	s1 =	sadd.s32 $0x7C, s31;
	v45 =	vld [tilespmem:s30+$0x210];
	v2 =	vadd.f32 v18, v2;
	v23 =	vunpack.i.l.bf16.f32 v63;
	v21 =	vunpack.i.u.bf16.f32 v30  }
0x233: {  	v63 =	vmov s1;
	v48 =	vunpack.i.u.bf16.f32 v42;
	v22 =	vmul.f32 v61, v20  }
0x234: {  	v49 =	vunpack.i.l.bf16.f32 v42;
	v27 =	vmul.f32 v62, v20;
	v29 =	vmul.f32 v28, v20  }
0x235: {  	v57 =	vunpack.i.u.bf16.f32 v51;
	v33 =	vmul.f32 v31, v20;
	v23 =	vmul.f32 v23, v20  }
0x236: {  	v58 =	vunpack.i.l.bf16.f32 v51;
	v24 =	vmul.f32 v35, v20;
	v39 =	vmul.f32 v38, v20  }
0x237: {  	v51 =	vunpack.i.u.bf16.f32 v45;
	v40 =	vmul.f32 v21, v20;
	v21 =	vmul.f32 v41, v20  }
0x238: {  	v47 =	vmul.f32 v26, v20;
	v18 =	vmul.f32 v48, v20;
	v28 =	vshll.u32 v63, $0x3  }
0x239: {  	v36 =	vld [tilespmem:s30+$0x1F0];
	v30 =	vand.u32 $0x7FFFFC00, v28;
	v5 =	vadd.f32 v22, v5;
	v22 =	vand.u32 $0x7B, v32  }
0x23a: {  	v60 =	vld [tilespmem:s30+$0x1B0];
	v3 =	vadd.f32 v27, v3;
	v4 =	vadd.f32 v29, v4;
	v19 =	vor.u32 v22, v19  }
0x23b: {  	v7 =	vadd.f32 v33, v7;
	v6 =	vadd.f32 v23, v6;
	v19 =	vor.u32 v1, v19  }
0x23c: {  	v11 =	vadd.f32 v24, v11;
	v10 =	vadd.f32 v39, v10;
	v23 =	vmul.f32 v43, v20  }
0x23d: {  	v62 =	vld [tilespmem:s30+$0x1C0];
	v24 =	vmul.f32 v44, v20;
	v8 =	vadd.f32 v40, v8;
	v12 =	vadd.f32 v21, v12  }
0x23e: {  	v35 =	vld [tilespmem:s30+$0x1E0];
	v13 =	vadd.f32 v47, v13;
	v21 =	vmul.f32 v49, v20;
	v14 =	vadd.f32 v18, v14  }
0x23f: {  	v41 =	vld [tilespmem:s30+$0x200];
	v29 =	vunpack.i.u.bf16.f32 v54;
	v33 =	vunpack.i.u.bf16.f32 v60;
	v44 =	vunpack.i.l.bf16.f32 v36  }
0x240: {  	v47 =	vunpack.i.u.bf16.f32 v36;
	v22 =	vmul.f32 v50, v20;
	v20 =	vmul.f32 v52, v20;
	v19 =	vld.idx.msk [tilespmem:v19+s10+$0x0], $0xffff  }
0x241: {  	v32 =	vld [tilespmem:s30+$0x1D0];
	v52 =	vunpack.i.l.bf16.f32 v45;
	v9 =	vadd.f32 v23, v9;
	v16 =	vadd.f32 v24, v16  }
0x242: {  	v15 =	vadd.f32 v21, v15;
	v24 =	vand.u32 $0x7C, v63;
	v23 =	vunpack.i.l.bf16.f32 v60  }
0x243: {  	v60 =	vld [tilespmem:s30+$0x250];
	v17 =	vadd.f32 v22, v17;
	v2 =	vadd.f32 v20, v2;
	v34 =	vunpack.i.l.bf16.f32 v62  }
0x244: {  	v63 =	vld [tilespmem:s30+$0x260];
	v22 =	vunpack.i.u.bf16.f32 v62;
	v42 =	vunpack.i.u.bf16.f32 v35;
	v43 =	vunpack.i.l.bf16.f32 v35  }
0x245: {  	v48 =	vunpack.i.l.bf16.f32 v41;
	v49 =	vunpack.i.u.bf16.f32 v41;
	v55 =	vmul.f32 v53, v19  }
0x246: {  	v38 =	vunpack.i.l.bf16.f32 v32;
	v18 =	vmul.f32 v56, v19;
	v21 =	vmul.f32 v58, v19  }
0x247: {  	v50 =	vld [tilespmem:s30+$0x220];
	v39 =	vunpack.i.u.bf16.f32 v32;
	v20 =	vmul.f32 v57, v19;
	v61 =	vmul.f32 v59, v19  }
0x248: {  	v32 =	vunpack.i.u.bf16.f32 v60;
	v31 =	vmul.f32 v29, v19;
	v23 =	vmul.f32 v23, v19  }
0x249: {  	v54 =	vld [tilespmem:s30+$0x230];
	v35 =	vunpack.i.l.bf16.f32 v63;
	v25 =	vmul.f32 v33, v19;
	v37 =	vmul.f32 v22, v19  }
0x24a: {  	s1 =	sadd.s32 $0x7D, s31;
	v40 =	vmul.f32 v38, v19;
	v3 =	vadd.f32 v18, v3;
	v18 =	vadd.s32 v0, v30  }
0x24b: {  	v46 =	vmul.f32 v44, v19;
	v56 =	vmov s1;
	v18 =	vor.u32 v24, v18  }
0x24c: {  	v57 =	vunpack.i.u.bf16.f32 v50;
	v5 =	vadd.f32 v55, v5;
	v18 =	vor.u32 v1, v18  }
0x24d: {  	v22 =	vunpack.i.l.bf16.f32 v50;
	v4 =	vadd.f32 v21, v4;
	v7 =	vadd.f32 v20, v7  }
0x24e: {  	v59 =	vunpack.i.l.bf16.f32 v54;
	v6 =	vadd.f32 v61, v6;
	v11 =	vadd.f32 v31, v11  }
0x24f: {  	v33 =	vld [tilespmem:s30+$0x280];
	v58 =	vshll.u32 v56, $0x3;
	v10 =	vadd.f32 v23, v10;
	v8 =	vadd.f32 v25, v8  }
0x250: {  	v9 =	vadd.f32 v37, v9;
	v20 =	vmul.f32 v39, v19;
	v23 =	vmul.f32 v42, v19;
	v55 =	vld [tilespmem:s30+$0x240]  }
0x251: {  	v16 =	vadd.f32 v40, v16;
	v17 =	vadd.f32 v46, v17;
	v24 =	vmul.f32 v34, v19;
	v18 =	vld.idx.msk [tilespmem:v18+s10+$0x0], $0xffff  }
0x252: {  	v30 =	vunpack.i.l.bf16.f32 v60;
	v31 =	vld [tilespmem:s30+$0x270];
	v34 =	vunpack.i.u.bf16.f32 v63;
	v13 =	vadd.f32 v20, v13  }
0x253: {  	v12 =	vadd.f32 v24, v12;
	v24 =	vmul.f32 v43, v19;
	v19 =	vmul.f32 v47, v19  }
0x254: {  	v37 =	vld [tilespmem:s30+$0x290];
	v14 =	vadd.f32 v23, v14;
	v40 =	vunpack.i.l.bf16.f32 v33;
	v41 =	vunpack.i.u.bf16.f32 v33  }
0x255: {  	v15 =	vadd.f32 v24, v15;
	v2 =	vadd.f32 v19, v2;
	v24 =	vunpack.i.u.bf16.f32 v54  }
0x256: {  	v42 =	vld [tilespmem:s30+$0x2A0];
	v62 =	vunpack.i.l.bf16.f32 v55;
	v19 =	vunpack.i.u.bf16.f32 v55;
	v20 =	vmul.f32 v48, v18  }
0x257: {  	v38 =	vunpack.i.l.bf16.f32 v31;
	v54 =	vld [tilespmem:s30+$0x2D0];
	v21 =	vmul.f32 v49, v18;
	v53 =	vmul.f32 v52, v18  }
0x258: {  	v39 =	vunpack.i.u.bf16.f32 v31;
	v23 =	vmul.f32 v51, v18;
	v22 =	vmul.f32 v22, v18  }
0x259: {  	v60 =	vld [tilespmem:s30+$0x2F0];
	v44 =	vunpack.i.l.bf16.f32 v37;
	v25 =	vmul.f32 v59, v18;
	v61 =	vmul.f32 v24, v18  }
0x25a: {  	s1 =	sadd.s32 $0x7E, s31;
	v47 =	vunpack.i.u.bf16.f32 v37;
	v29 =	vmul.f32 v62, v18;
	v19 =	vmul.f32 v19, v18  }
0x25b: {  	v36 =	vmul.f32 v35, v18;
	v48 =	vmov s1;
	v51 =	vunpack.i.u.bf16.f32 v42  }
0x25c: {  	v62 =	vunpack.i.l.bf16.f32 v54;
	v7 =	vadd.f32 v23, v7;
	v23 =	vand.u32 $0x7FFFFC00, v58  }
0x25d: {  	v46 =	vld [tilespmem:s30+$0x2B0];
	v5 =	vadd.f32 v20, v5;
	v20 =	vand.u32 $0x7D, v56;
	v23 =	vadd.s32 v0, v23  }
0x25e: {  	v63 =	vld [tilespmem:s30+$0x300];
	v35 =	vunpack.i.l.bf16.f32 v60;
	v3 =	vadd.f32 v21, v3;
	v20 =	vor.u32 v20, v23  }
0x25f: {  	v4 =	vadd.f32 v53, v4;
	v6 =	vadd.f32 v22, v6;
	v20 =	vor.u32 v1, v20  }
0x260: {  	v50 =	vshll.u32 v48, $0x3;
	v10 =	vadd.f32 v25, v10;
	v8 =	vadd.f32 v61, v8  }
0x261: {  	v21 =	vmul.f32 v57, v18;
	v12 =	vadd.f32 v29, v12;
	v9 =	vadd.f32 v19, v9  }
0x262: {  	v52 =	vld [tilespmem:s30+$0x2C0];
	v25 =	vmul.f32 v34, v18;
	v15 =	vadd.f32 v36, v15;
	v19 =	vmul.f32 v38, v18  }
0x263: {  	v53 =	vunpack.i.l.bf16.f32 v46;
	v61 =	vunpack.i.u.bf16.f32 v54;
	v36 =	vunpack.i.l.bf16.f32 v63  }
0x264: {  	v38 =	vunpack.i.u.bf16.f32 v63;
	v11 =	vadd.f32 v21, v11;
	v21 =	vmul.f32 v30, v18;
	v20 =	vld.idx.msk [tilespmem:v20+s10+$0x0], $0xffff  }
0x265: {  	v56 =	vld [tilespmem:s30+$0x2E0];
	v23 =	vmul.f32 v32, v18;
	v17 =	vadd.f32 v19, v17;
	v19 =	vand.u32 $0x7FFFFC00, v50  }
0x266: {  	v14 =	vadd.f32 v25, v14;
	v18 =	vmul.f32 v39, v18;
	v19 =	vadd.s32 v0, v19  }
0x267: {  	v58 =	vunpack.i.l.bf16.f32 v52;
	v59 =	vunpack.i.u.bf16.f32 v52;
	v16 =	vadd.f32 v21, v16  }
0x268: {  	v13 =	vadd.f32 v23, v13;
	v2 =	vadd.f32 v18, v2;
	v23 =	vunpack.i.l.bf16.f32 v42  }
0x269: {  	v21 =	vunpack.i.u.bf16.f32 v46;
	v22 =	vmul.f32 v40, v20;
	v43 =	vmul.f32 v41, v20  }
0x26a: {  	v33 =	vld [tilespmem:s30+$0x310];
	v30 =	vunpack.i.l.bf16.f32 v56;
	v45 =	vmul.f32 v44, v20;
	v49 =	vmul.f32 v47, v20  }
0x26b: {  	v42 =	vld [tilespmem:s30+$0x330];
	v32 =	vunpack.i.u.bf16.f32 v56;
	v23 =	vmul.f32 v23, v20;
	v24 =	vmul.f32 v51, v20  }
0x26c: {  	v52 =	vld [tilespmem:s30+$0x350];
	v55 =	vmul.f32 v53, v20;
	v5 =	vadd.f32 v22, v5;
	v22 =	vand.u32 $0x7E, v48  }
0x26d: {  	v57 =	vmul.f32 v21, v20;
	v21 =	vmul.f32 v58, v20;
	v19 =	vor.u32 v22, v19  }
0x26e: {  	v18 =	vmul.f32 v59, v20;
	v31 =	vmul.f32 v30, v20;
	v19 =	vor.u32 v1, v19  }
0x26f: {  	s31 =	sadd.s32 $0x7F, s31;
	v34 =	vmul.f32 v32, v20;
	v40 =	vunpack.i.l.bf16.f32 v33;
	v41 =	vunpack.i.u.bf16.f32 v33  }
0x270: {  	v44 =	vmov s31;
	v51 =	vunpack.i.l.bf16.f32 v42;
	v3 =	vadd.f32 v43, v3  }
0x271: {  	v37 =	vld [tilespmem:s30+$0x320];
	v59 =	vunpack.i.l.bf16.f32 v52;
	v4 =	vadd.f32 v45, v4;
	v7 =	vadd.f32 v49, v7  }
0x272: {  	v46 =	vld [tilespmem:s30+$0x340];
	v47 =	vshll.u32 v44, $0x3;
	v6 =	vadd.f32 v23, v6;
	v11 =	vadd.f32 v24, v11  }
0x273: {  	v10 =	vadd.f32 v55, v10;
	v8 =	vadd.f32 v57, v8;
	v24 =	vmul.f32 v62, v20;
	v19 =	vld.idx.msk [tilespmem:v19+s10+$0x0], $0xffff  }
0x274: {  	v54 =	vld [tilespmem:s30+$0x360];
	v23 =	vmul.f32 v61, v20;
	v12 =	vadd.f32 v21, v12;
	v9 =	vadd.f32 v18, v9  }
0x275: {  	v15 =	vadd.f32 v31, v15;
	v21 =	vmul.f32 v35, v20;
	v14 =	vadd.f32 v34, v14  }
0x276: {  	v43 =	vunpack.i.l.bf16.f32 v37;
	v48 =	vunpack.i.u.bf16.f32 v37;
	v22 =	vunpack.i.u.bf16.f32 v60  }
0x277: {  	v49 =	vand.u32 $0x7F, v44;
	v55 =	vunpack.i.u.bf16.f32 v46;
	v20 =	vmul.f32 v22, v20  }
0x278: {  	v58 =	vld [tilespmem:s30+$0x370];
	v61 =	vunpack.i.u.bf16.f32 v52;
	v16 =	vadd.f32 v24, v16;
	v24 =	vmul.f32 v36, v19  }
0x279: {  	v62 =	vunpack.i.l.bf16.f32 v54;
	v13 =	vadd.f32 v23, v13;
	v2 =	vadd.f32 v20, v2  }
0x27a: {  	v32 =	vld [tilespmem:s30+$0x3A0];
	v20 =	vmul.f32 v40, v19;
	v5 =	vadd.f32 v24, v5;
	v24 =	vand.u32 $0x7FFFFC00, v47  }
0x27b: {  	v60 =	vld [tilespmem:s30+$0x380];
	v17 =	vadd.f32 v21, v17;
	v21 =	vunpack.i.u.bf16.f32 v42;
	v50 =	vadd.s32 v0, v24  }
0x27c: {  	v22 =	vunpack.i.l.bf16.f32 v46;
	v4 =	vadd.f32 v20, v4;
	v20 =	vor.u32 v49, v50  }
0x27d: {  	v30 =	vunpack.i.l.bf16.f32 v58;
	v39 =	vmul.f32 v38, v19;
	v20 =	vor.u32 v1, v20  }
0x27e: {  	v63 =	vld [tilespmem:s30+$0x390];
	v33 =	vunpack.i.u.bf16.f32 v58;
	v18 =	vmul.f32 v41, v19;
	v45 =	vmul.f32 v43, v19  }
0x27f: {  	v44 =	vunpack.i.l.bf16.f32 v32;
	v53 =	vmul.f32 v51, v19;
	v21 =	vmul.f32 v21, v19  }
0x280: {  	v28 =	vld [tilespmem:s30+$0x3F0];
	v34 =	vunpack.i.l.bf16.f32 v60;
	v56 =	vmul.f32 v22, v19;
	v57 =	vmul.f32 v55, v19  }
0x281: {  	v42 =	vld [tilespmem:s30+$0x3E0];
	v22 =	vmul.f32 v61, v19;
	v23 =	vmul.f32 v62, v19;
	v3 =	vadd.f32 v39, v3  }
0x282: {  	v31 =	vmul.f32 v30, v19;
	v7 =	vadd.f32 v18, v7;
	v6 =	vadd.f32 v45, v6;
	v20 =	vld.idx.msk [tilespmem:v20+s10+$0x0], $0xffff  }
0x283: {  	v41 =	vunpack.i.u.bf16.f32 v63;
	v10 =	vadd.f32 v53, v10;
	v8 =	vadd.f32 v21, v8  }
0x284: {  	v18 =	vmul.f32 v48, v19;
	v12 =	vadd.f32 v56, v12;
	v9 =	vadd.f32 v57, v9  }
0x285: {  	v40 =	vld [tilespmem:s30+$0x3D0];
	v13 =	vadd.f32 v22, v13;
	v17 =	vadd.f32 v31, v17;
	v21 =	vunpack.i.u.bf16.f32 v60  }
0x286: {  	v39 =	vunpack.i.l.bf16.f32 v63;
	v45 =	vunpack.i.u.bf16.f32 v32;
	v56 =	vunpack.i.u.bf16.f32 v42  }
0x287: {  	v60 =	vunpack.i.u.bf16.f32 v28;
	v24 =	vunpack.i.u.bf16.f32 v54;
	v36 =	vmul.f32 v34, v20  }
0x288: {  	v11 =	vadd.f32 v18, v11;
	v18 =	vmul.f32 v59, v19;
	v38 =	vmul.f32 v21, v20  }
0x289: {  	v29 =	vmul.f32 v24, v19;
	v21 =	vmul.f32 v39, v20;
	v5 =	vadd.f32 v36, v5  }
0x28a: {  	v35 =	vld [tilespmem:s30+$0x3B0];
	v52 =	vunpack.i.u.bf16.f32 v40;
	v43 =	vmul.f32 v41, v20;
	v3 =	vadd.f32 v38, v3  }
0x28b: {  	v37 =	vld [tilespmem:s30+$0x3C0];
	v16 =	vadd.f32 v18, v16;
	v46 =	vmul.f32 v44, v20;
	v4 =	vadd.f32 v21, v4;
	[tilespmem:s29+$0xFFFFFF80] =	vst v5  }
0x28c: {  	v18 =	vmul.f32 v33, v19;
	v53 =	vmul.f32 v52, v20;
	v7 =	vadd.f32 v43, v7;
	[tilespmem:s29+$0x0] =	vst v3  }
0x28d: {  	v14 =	vadd.f32 v29, v14;
	v58 =	vmul.f32 v56, v20;
	v6 =	vadd.f32 v46, v6;
	[tilespmem:s29+$0xFFFFFF90] =	vst v4  }
0x28e: {  	v2 =	vadd.f32 v18, v2;
	v62 =	vmul.f32 v60, v20;
	v57 =	vadd.f32 v53, v13;
	[tilespmem:s29+$0x10] =	vst v7  }
0x28f: {  	v47 =	vunpack.i.u.bf16.f32 v35;
	v61 =	vadd.f32 v58, v14;
	v5 =	vmul.f32 v45, v20;
	[tilespmem:s29+$0xFFFFFFA0] =	vst v6  }
0x290: {  	v48 =	vunpack.i.l.bf16.f32 v37;
	v2 =	vadd.f32 v62, v2;
	v4 =	vmul.f32 v47, v20;
	[tilespmem:s29+$0x50] =	vst v57  }
0x291: {  	v3 =	vunpack.i.l.bf16.f32 v35;
	v7 =	vmul.f32 v48, v20;
	[tilespmem:s29+$0x60] =	vst v61;
	v5 =	vadd.f32 v5, v11  }
0x292: {  	v50 =	vunpack.i.l.bf16.f32 v40;
	[tilespmem:s29+$0x70] =	vst v2;
	v3 =	vmul.f32 v3, v20;
	v4 =	vadd.f32 v4, v8  }
0x293: {  	v49 =	vunpack.i.u.bf16.f32 v37;
	v51 =	vadd.f32 v7, v12;
	v8 =	vmul.f32 v50, v20;
	[tilespmem:s29+$0x20] =	vst v5  }
0x294: {  	v59 =	vunpack.i.l.bf16.f32 v28;
	v6 =	vmul.f32 v49, v20;
	v3 =	vadd.f32 v3, v10;
	[tilespmem:s29+$0x30] =	vst v4  }
0x295: {  	p0 =	sne.s32 s28, $0x60;
	v54 =	vunpack.i.l.bf16.f32 v42;
	v55 =	vadd.f32 v8, v16;
	[tilespmem:s29+$0xFFFFFFC0] =	vst v51;
	v8 =	vmul.f32 v59, v20  }
.Ltmp4:
0x296: {  	v15 =	vadd.f32 v23, v15;
	v7 =	vmul.f32 v54, v20;
	[tilespmem:s29+$0xFFFFFFB0] =	vst v3;
	v3 =	vadd.f32 v6, v9;
	(pc) =	sbr.rel @p0 .LBB2_9-.Ltmp4, $4  }
0x297: {  	[tilespmem:s29+$0xFFFFFFD0] =	vst v55;
	v63 =	vadd.f32 v8, v17  }
0x298: {  	[tilespmem:s29+$0x40] =	vst v3;
	v3 =	vadd.f32 v7, v15  }
0x299: {  	[tilespmem:s29+$0xFFFFFFF0] =	vst v63  }
0x29a: {  	s28 =	sadd.s32 $0x10, s28;
	s30 =	sadd.s32 $0x800, s30;
	[tilespmem:s29+$0xFFFFFFE0] =	vst v3;
	s29 =	sadd.s32 $0x100, s29  }
0x29b: {  	s0 =	smul.u32 $0x7, s25;
	s24 =	sadd.s32 $0x1, s24  }
0x29c: {  	p0 =	sne.s32 s24, $0x70  }
.Ltmp5:
0x29d: {  	s0 =	sadd.s32 s5, s0;
	(pc) =	sbr.rel @p0 .LBB2_2-.Ltmp5, $4  }
0x29e: {  	s0 =	sshll.u32 s0, $0x5  }
0x29f: {  	s23 =	sadd.s32 $0xE0, s23;
	s0 =	sand.u32 $0x1FFFFFE0, s0  }
0x2a0: {  	s22 =	sadd.s32 $0x2, s22;
	s21 =	sadd.s32 $0x2, s21;
	s0 =	sadd.s32 s4, s0  }
0x2a1: {  	[hbm4b:s0+s3] =	stream.linear.scatter [tilespmem:s18], [sflag:$0x4], $0x700, $0x38;
	[tilespmem:$0x15000] =	vst v63  }
0x2a2: {  	s20 =	sadd.s32 $0x1, s20  }
0x2a3: {  	_ =	swait.ge [sflag:s19], $0x700;
	p0 =	sne.s32 s20, s8  }
.Ltmp6:
0x2a4: {  	[sflag:s19] =	ssyncset.done $0x0;
	(pc) =	sbr.rel @p0 .LBB2_1-.Ltmp6, $4  }
0x2a5: {  	[sflag:s19] =	ssyncadd.s32 $0xFFFFF900  }
0x2a6: {  	_ =	swait.ge [sflag:s17], $0x700  }
0x2a7: {  	[sflag:s17] =	ssyncset.done $0x0  }
0x2a8: {  	[sflag:s17] =	ssyncadd.s32 $0xFFFFF900  }
0x2a9: {  	_ =	sfence.sel $0x180000  }
0x2aa: {  	[bflag:$0x0] =	sbarrier.arrive $0xFFFF  }
0x2ab: {  	_ =	strace $0x90000047  }
0x2ac: {  	s0 =	stileid.u32;
	[bflag:$0x2] =	sbarrier.arrive $0xFFFF  }
0x2ad: {  	p0 =	sne.s32 s0, $0x0;
	s0 =	rddreg [dreg:$0x2]  }
0x2ae: {  	s0 =	sadd.s32 @!p0 $0x100000, s0  }
0x2af: {  	[sflag:s0] =	ssyncadd.tile.s32 @!p0 $0x1;
	_ =	shalt  }
.Lfunc_end2:
_tile_overlayer_lowered:
.L_overlay_start_2:
0x2b0: {  	(tag) =	ssettag $0x2  }
0x2b1: {  	s0 =	rddreg [dreg:$0x0];
	s2 =	stileid.u32  }
0x2b2: {  	s1 =	rddreg [dreg:$0x1];
	p0 =	sne.s32 s2, $0x0  }
0x2b3: {  	s3 =	rddreg [dreg:$0x2];
	[bflag:$0x3] =	sbarrier.arrive $0xFFFF;
	s2 =	simm.s32 @!p0 $0x1C05  }
0x2b4: {  	[timem:s3], [sflag:s2] =	dma.local @!p0 [hbm:s0], s1  }
0x2b5: {  	s0 =	simm.s32 @!p0 $0x5  }
0x2b6: {  	_ =	swait.ge @!p0 [sflag:s0], s1  }
0x2b7: {  	s1 =	ssub.s32 @!p0 $0x0, s1;
	[sflag:s0] =	ssyncset.done @!p0 $0x0  }
0x2b8: {  	[sflag:s0] =	ssyncadd.s32 @!p0 s1  }
0x2b9: {  	[bflag:$0x3] =	sbarrier.arrive $0xFFFF  }
0x2ba: {  	_ =	shalt  }

</sc_bundles>
